<compile_context>
chip_gen: v7x
topology: tpu7x:2x2x1
jax: 0.10.2.dev20260603
libtpu: 0.0.44.dev20260713+nightly
codegen_flags: <defaults>
</compile_context>

<pallas_src>
import functools

import jax
import jax.numpy as jnp
from jax import lax
from jax.experimental import pallas as pl
from jax.experimental.pallas import tpu as pltpu
from jax.experimental.pallas import tpu_sc as plsc

DIM = 32
NROW = 16384
NCOL = 26
NUM_INDICES = NROW * NCOL
NUM_CORES = 2
NUM_SUBCORES = 16
NW = NUM_CORES * NUM_SUBCORES
B_PER_W = NUM_INDICES // NW
BLK = 128
GBLK = 4
SLOT = GBLK * BLK
NCH = B_PER_W // SLOT
BLOCKS_PER_W = B_PER_W // BLK
NBUF = 3

_mesh = plsc.VectorSubcoreMesh(core_axis_name="c", subcore_axis_name="s")


@functools.partial(
    pl.kernel,
    mesh=_mesh,
    out_type=jax.ShapeDtypeStruct((NCOL, DIM // 8, NROW // 128, 8, 128),
                                  jnp.float32),
    scratch_types=[
        pltpu.VMEM((NBUF, SLOT), jnp.int32),
        pltpu.VMEM((NBUF, SLOT, DIM), jnp.float32),
        pltpu.VMEM((NBUF, DIM // 8, GBLK, 8, BLK), jnp.float32),
        pltpu.SemaphoreType.DMA,
        pltpu.SemaphoreType.DMA,
        pltpu.SemaphoreType.DMA,
        pltpu.SemaphoreType.DMA,
        pltpu.SemaphoreType.DMA,
        pltpu.SemaphoreType.DMA,
    ],
    compiler_params=pltpu.CompilerParams(
        use_tc_tiling_on_sc=False, needs_layout_passes=False),
)
def _gather_kernel(idx_hbm, table_hbm, out_hbm, idx_v, gath, cbuf,
                   g0, g1, g2, w0, w1, w2):
    gsems = (g0, g1, g2)
    wsems = (w0, w1, w2)

    wid = lax.axis_index("s") * NUM_CORES + lax.axis_index("c")
    base = wid * B_PER_W
    iota = lax.iota(jnp.int32, 16)

    def stage(i, b):
        pltpu.sync_copy(idx_hbm.at[pl.ds(base + i * SLOT, SLOT)], idx_v.at[b])
        pltpu.async_copy(table_hbm.at[idx_v.at[b]], gath.at[b], gsems[b])

    def wb_descr(i, b):
        block0 = wid * BLOCKS_PER_W + i * GBLK
        j = block0 // 128
        b1 = block0 % 128
        return pltpu.make_async_copy(
            cbuf.at[b], out_hbm.at[j, :, pl.ds(b1, GBLK)], wsems[b])

    def visit(i, b):
        pltpu.make_async_copy(
            table_hbm.at[idx_v.at[b]], gath.at[b], gsems[b]).wait()
        gb = gath.at[b]
        cb = cbuf.at[b]

        @pl.when(i >= NBUF)
        def _():
            wb_descr(0, b).wait()

        for kk in range(GBLK):
            @plsc.parallel_loop(0, DIM * (BLK // 16), unroll=8)
            def _transpose(t):
                g16 = lax.shift_left(lax.shift_right_logical(t, 5), 4)
                c0 = lax.bitwise_and(t, 31)
                rows = kk * BLK + g16 + iota
                cvec = lax.bitwise_and(c0 + iota, 31)
                vals = plsc.load_gather(gb, [rows, cvec])
                plsc.store_scatter(
                    cb,
                    [lax.shift_right_logical(cvec, 3),
                     jnp.broadcast_to(kk, (16,)),
                     lax.bitwise_and(cvec, 7),
                     g16 + iota],
                    vals)

        block0 = wid * BLOCKS_PER_W + i * GBLK
        j = block0 // 128
        b1 = block0 % 128
        pltpu.async_copy(cb, out_hbm.at[j, :, pl.ds(b1, GBLK)], wsems[b])

        @pl.when(i + NBUF < NCH)
        def _():
            stage(i + NBUF, b)

    for b in range(NBUF):
        stage(b, b)

    def body(jj, carry):
        for b in range(NBUF):
            visit(jj * NBUF + b, b)
        return carry

    lax.fori_loop(0, NCH // NBUF, body, 0)
    for t in range(NCH - NCH // NBUF * NBUF):
        visit(NCH // NBUF * NBUF + t, t)

    for b in range(NBUF):
        wb_descr(0, b).wait()


def kernel(x, table):
    idx = jnp.transpose(x).reshape(-1)
    o5 = _gather_kernel(idx, table)
    return jnp.transpose(o5, (2, 4, 0, 1, 3)).reshape(NROW, NCOL, DIM)

# --- scband reference (transcript-rebuilt; emitter-appended) ---
"""Pipeline reference for scband-gumbel-softmax-embedding-47132971106724 (READ-ONLY COPY).

The authoritative reference and input builder live on the scoring server;
editing this copy changes nothing except your own understanding.
"""

import jax, jax.numpy as jnp
import numpy as np

NUM_EMBEDDINGS = 1000000
EMBEDDING_DIM = 32

def setup_inputs(seed: int = 0) -> dict:
    key = jax.random.key(seed)
    k1, k2 = jax.random.split(key)
    x = jax.random.randint(k1, (16384, 26), 0, NUM_EMBEDDINGS, dtype=jnp.int64 if jax.config.read('jax_enable_x64') else jnp.int32)
    table = jax.random.normal(k2, (NUM_EMBEDDINGS, EMBEDDING_DIM), dtype=jnp.float32)
    return {"x": x, "table": table}

def reference(x, table):
    # from_logits=False path: plain embedding lookup (gather rows of table)
    x_emb = jnp.take(table, x, axis=0)
    return x_emb

if __name__ == "__main__":
    import jax
    _d = setup_inputs()
    print(jax.jit(kernel)(*tuple(_d.values())))

</pallas_src>

<mosaic_0001>
#map = affine_map<(d0, d1) -> (0)>
#map1 = affine_map<(d0, d1) -> (0, 0)>
#map2 = affine_map<(d0, d1) -> (0, 0, 0, 0, 0)>
module attributes {stable_mosaic.version = 14 : i64} {
  func.func @_gather_kernel(%arg0: i32, %arg1: i32, %arg2: memref<425984xi32, #tpu.memory_space<hbm>>, %arg3: memref<1000000x32xf32, #tpu.memory_space<hbm>>, %arg4: memref<26x4x128x8x128xf32, #tpu.memory_space<hbm>>, %arg5: memref<3x512xi32, #tpu.memory_space<vmem>>, %arg6: memref<3x512x32xf32, #tpu.memory_space<vmem>>, %arg7: memref<3x4x4x8x128xf32, #tpu.memory_space<vmem>>, %arg8: memref<!tpu.dma_semaphore, #tpu.memory_space<semaphore_mem>>, %arg9: memref<!tpu.dma_semaphore, #tpu.memory_space<semaphore_mem>>, %arg10: memref<!tpu.dma_semaphore, #tpu.memory_space<semaphore_mem>>, %arg11: memref<!tpu.dma_semaphore, #tpu.memory_space<semaphore_mem>>, %arg12: memref<!tpu.dma_semaphore, #tpu.memory_space<semaphore_mem>>, %arg13: memref<!tpu.dma_semaphore, #tpu.memory_space<semaphore_mem>>) attributes {dimension_semantics = [#tpu.dimension_semantics<core_parallel>, #tpu.dimension_semantics<subcore_parallel>], iteration_bounds = array<i64: 2, 16>, scalar_prefetch = 0 : i64, scratch_operands = 9 : i64, tpu.core_type = #tpu.core_type<sc_vector_subcore>, window_params = [{transform_indices = #map}, {transform_indices = #map1}, {transform_indices = #map2}]} {
    %mul3A = arith.constant 2 : i32
    %mul3A_0 = arith.muli %arg1, %mul3A : i32
    %add3A = arith.addi %mul3A_0, %arg0 : i32
    %mul3A_1 = arith.constant 13312 : i32
    %mul3A_2 = arith.muli %add3A, %mul3A_1 : i32
    %iota3A = tpu.iota {dimensions = array<i32: 0>} : vector<16xi32>
    %add3A_3 = arith.constant 0 : i32
    %add3A_4 = arith.addi %mul3A_2, %add3A_3 : i32
    %run_scoped3A = arith.constant 0 : i32
    "tpu.region"() ({
      %run_scoped3A_572 = tpu.sem_alloc : memref<!tpu.dma_semaphore, #tpu.memory_space<semaphore_mem>>
      %dma_start3A_573 = arith.constant 0 : i32
      %dma_start3A_574 = tpu.memref_slice %arg5[%run_scoped3A, %dma_start3A_573] : memref<3x512xi32, #tpu.memory_space<vmem>> -> memref<1x512xi32, #tpu.memory_space<vmem>>
      %dma_start3A_575 = tpu.memref_squeeze %dma_start3A_574 : memref<1x512xi32, #tpu.memory_space<vmem>> -> memref<512xi32, #tpu.memory_space<vmem>>
      %dma_start3A_576 = tpu.memref_slice %arg2[%add3A_4] : memref<425984xi32, #tpu.memory_space<hbm>> -> memref<512xi32, #tpu.memory_space<hbm>>
      %dma_start3A_577 = arith.constant 0 : i32
      %dma_start3A_578 = tpu.memref_slice %arg5[%run_scoped3A, %dma_start3A_577] : memref<3x512xi32, #tpu.memory_space<vmem>> -> memref<1x512xi32, #tpu.memory_space<vmem>>
      %dma_start3A_579 = tpu.memref_squeeze %dma_start3A_578 : memref<1x512xi32, #tpu.memory_space<vmem>> -> memref<512xi32, #tpu.memory_space<vmem>>
      %dma_start3A_580 = tpu.memref_slice %arg2[%add3A_4] : memref<425984xi32, #tpu.memory_space<hbm>> -> memref<512xi32, #tpu.memory_space<hbm>>
      tpu.enqueue_dma source(%dma_start3A_580 : memref<512xi32, #tpu.memory_space<hbm>>) target(%dma_start3A_579 : memref<512xi32, #tpu.memory_space<vmem>>) target_semaphore(%run_scoped3A_572 : memref<!tpu.dma_semaphore, #tpu.memory_space<semaphore_mem>>)
      %dma_wait3A_581 = arith.constant 0 : i32
      %dma_wait3A_582 = tpu.memref_slice %arg5[%run_scoped3A, %dma_wait3A_581] : memref<3x512xi32, #tpu.memory_space<vmem>> -> memref<1x512xi32, #tpu.memory_space<vmem>>
      %dma_wait3A_583 = tpu.memref_squeeze %dma_wait3A_582 : memref<1x512xi32, #tpu.memory_space<vmem>> -> memref<512xi32, #tpu.memory_space<vmem>>
      %dma_wait3A_584 = tpu.memref_slice %arg2[%add3A_4] : memref<425984xi32, #tpu.memory_space<hbm>> -> memref<512xi32, #tpu.memory_space<hbm>>
      %dma_wait3A_585 = arith.constant 0 : i32
      %dma_wait3A_586 = tpu.memref_slice %arg5[%run_scoped3A, %dma_wait3A_585] : memref<3x512xi32, #tpu.memory_space<vmem>> -> memref<1x512xi32, #tpu.memory_space<vmem>>
      %dma_wait3A_587 = tpu.memref_squeeze %dma_wait3A_586 : memref<1x512xi32, #tpu.memory_space<vmem>> -> memref<512xi32, #tpu.memory_space<vmem>>
      %dma_wait3A_588 = tpu.memref_slice %arg2[%add3A_4] : memref<425984xi32, #tpu.memory_space<hbm>> -> memref<512xi32, #tpu.memory_space<hbm>>
      tpu.wait_dma2 semaphore(%run_scoped3A_572 : memref<!tpu.dma_semaphore, #tpu.memory_space<semaphore_mem>>) src(%dma_wait3A_588 : memref<512xi32, #tpu.memory_space<hbm>>) dst(%dma_wait3A_587 : memref<512xi32, #tpu.memory_space<vmem>>)
      tpu.yield
    }) : () -> ()
    %dma_start3A = arith.constant 0 : i32
    %dma_start3A_5 = arith.constant 0 : i32
    %dma_start3A_6 = arith.constant 0 : i32
    %dma_start3A_7 = arith.constant 0 : i32
    %dma_start3A_8 = tpu.memref_slice %arg6[%dma_start3A_5, %dma_start3A_6, %dma_start3A_7] : memref<3x512x32xf32, #tpu.memory_space<vmem>> -> memref<1x512x32xf32, #tpu.memory_space<vmem>>
    %dma_start3A_9 = tpu.memref_squeeze %dma_start3A_8 : memref<1x512x32xf32, #tpu.memory_space<vmem>> -> memref<512x32xf32, #tpu.memory_space<vmem>>
    %dma_start3A_10 = arith.constant 0 : i32
    %dma_start3A_11 = tpu.memref_slice %arg5[%dma_start3A, %dma_start3A_10] : memref<3x512xi32, #tpu.memory_space<vmem>> -> memref<1x512xi32, #tpu.memory_space<vmem>>
    %dma_start3A_12 = tpu.memref_squeeze %dma_start3A_11 : memref<1x512xi32, #tpu.memory_space<vmem>> -> memref<512xi32, #tpu.memory_space<vmem>>
    %dma_start3A_13 = arith.constant 0 : i32
    %dma_start3A_14 = arith.constant 0 : i32
    %dma_start3A_15 = tpu.memref_slice %arg3[%dma_start3A_13, %dma_start3A_14] : memref<1000000x32xf32, #tpu.memory_space<hbm>> -> memref<1000000x32xf32, #tpu.memory_space<hbm>>
    tpu.enqueue_indirect_dma source(%dma_start3A_15 : memref<1000000x32xf32, #tpu.memory_space<hbm>>) target(%dma_start3A_9 : memref<512x32xf32, #tpu.memory_space<vmem>>) offsets(%dma_start3A_12 : memref<512xi32, #tpu.memory_space<vmem>>) semaphore(%arg8 : memref<!tpu.dma_semaphore, #tpu.memory_space<semaphore_mem>>)
    %add3A_16 = arith.constant 512 : i32
    %add3A_17 = arith.addi %mul3A_2, %add3A_16 : i32
    %run_scoped3A_18 = arith.constant 1 : i32
    "tpu.region"() ({
      %run_scoped3A_572 = tpu.sem_alloc : memref<!tpu.dma_semaphore, #tpu.memory_space<semaphore_mem>>
      %dma_start3A_573 = arith.constant 0 : i32
      %dma_start3A_574 = tpu.memref_slice %arg5[%run_scoped3A_18, %dma_start3A_573] : memref<3x512xi32, #tpu.memory_space<vmem>> -> memref<1x512xi32, #tpu.memory_space<vmem>>
      %dma_start3A_575 = tpu.memref_squeeze %dma_start3A_574 : memref<1x512xi32, #tpu.memory_space<vmem>> -> memref<512xi32, #tpu.memory_space<vmem>>
      %dma_start3A_576 = tpu.memref_slice %arg2[%add3A_17] : memref<425984xi32, #tpu.memory_space<hbm>> -> memref<512xi32, #tpu.memory_space<hbm>>
      %dma_start3A_577 = arith.constant 0 : i32
      %dma_start3A_578 = tpu.memref_slice %arg5[%run_scoped3A_18, %dma_start3A_577] : memref<3x512xi32, #tpu.memory_space<vmem>> -> memref<1x512xi32, #tpu.memory_space<vmem>>
      %dma_start3A_579 = tpu.memref_squeeze %dma_start3A_578 : memref<1x512xi32, #tpu.memory_space<vmem>> -> memref<512xi32, #tpu.memory_space<vmem>>
      %dma_start3A_580 = tpu.memref_slice %arg2[%add3A_17] : memref<425984xi32, #tpu.memory_space<hbm>> -> memref<512xi32, #tpu.memory_space<hbm>>
      tpu.enqueue_dma source(%dma_start3A_580 : memref<512xi32, #tpu.memory_space<hbm>>) target(%dma_start3A_579 : memref<512xi32, #tpu.memory_space<vmem>>) target_semaphore(%run_scoped3A_572 : memref<!tpu.dma_semaphore, #tpu.memory_space<semaphore_mem>>)
      %dma_wait3A_581 = arith.constant 0 : i32
      %dma_wait3A_582 = tpu.memref_slice %arg5[%run_scoped3A_18, %dma_wait3A_581] : memref<3x512xi32, #tpu.memory_space<vmem>> -> memref<1x512xi32, #tpu.memory_space<vmem>>
      %dma_wait3A_583 = tpu.memref_squeeze %dma_wait3A_582 : memref<1x512xi32, #tpu.memory_space<vmem>> -> memref<512xi32, #tpu.memory_space<vmem>>
      %dma_wait3A_584 = tpu.memref_slice %arg2[%add3A_17] : memref<425984xi32, #tpu.memory_space<hbm>> -> memref<512xi32, #tpu.memory_space<hbm>>
      %dma_wait3A_585 = arith.constant 0 : i32
      %dma_wait3A_586 = tpu.memref_slice %arg5[%run_scoped3A_18, %dma_wait3A_585] : memref<3x512xi32, #tpu.memory_space<vmem>> -> memref<1x512xi32, #tpu.memory_space<vmem>>
      %dma_wait3A_587 = tpu.memref_squeeze %dma_wait3A_586 : memref<1x512xi32, #tpu.memory_space<vmem>> -> memref<512xi32, #tpu.memory_space<vmem>>
      %dma_wait3A_588 = tpu.memref_slice %arg2[%add3A_17] : memref<425984xi32, #tpu.memory_space<hbm>> -> memref<512xi32, #tpu.memory_space<hbm>>
      tpu.wait_dma2 semaphore(%run_scoped3A_572 : memref<!tpu.dma_semaphore, #tpu.memory_space<semaphore_mem>>) src(%dma_wait3A_588 : memref<512xi32, #tpu.memory_space<hbm>>) dst(%dma_wait3A_587 : memref<512xi32, #tpu.memory_space<vmem>>)
      tpu.yield
    }) : () -> ()
    %dma_start3A_19 = arith.constant 1 : i32
    %dma_start3A_20 = arith.constant 1 : i32
    %dma_start3A_21 = arith.constant 0 : i32
    %dma_start3A_22 = arith.constant 0 : i32
    %dma_start3A_23 = tpu.memref_slice %arg6[%dma_start3A_20, %dma_start3A_21, %dma_start3A_22] : memref<3x512x32xf32, #tpu.memory_space<vmem>> -> memref<1x512x32xf32, #tpu.memory_space<vmem>>
    %dma_start3A_24 = tpu.memref_squeeze %dma_start3A_23 : memref<1x512x32xf32, #tpu.memory_space<vmem>> -> memref<512x32xf32, #tpu.memory_space<vmem>>
    %dma_start3A_25 = arith.constant 0 : i32
    %dma_start3A_26 = tpu.memref_slice %arg5[%dma_start3A_19, %dma_start3A_25] : memref<3x512xi32, #tpu.memory_space<vmem>> -> memref<1x512xi32, #tpu.memory_space<vmem>>
    %dma_start3A_27 = tpu.memref_squeeze %dma_start3A_26 : memref<1x512xi32, #tpu.memory_space<vmem>> -> memref<512xi32, #tpu.memory_space<vmem>>
    %dma_start3A_28 = arith.constant 0 : i32
    %dma_start3A_29 = arith.constant 0 : i32
    %dma_start3A_30 = tpu.memref_slice %arg3[%dma_start3A_28, %dma_start3A_29] : memref<1000000x32xf32, #tpu.memory_space<hbm>> -> memref<1000000x32xf32, #tpu.memory_space<hbm>>
    tpu.enqueue_indirect_dma source(%dma_start3A_30 : memref<1000000x32xf32, #tpu.memory_space<hbm>>) target(%dma_start3A_24 : memref<512x32xf32, #tpu.memory_space<vmem>>) offsets(%dma_start3A_27 : memref<512xi32, #tpu.memory_space<vmem>>) semaphore(%arg9 : memref<!tpu.dma_semaphore, #tpu.memory_space<semaphore_mem>>)
    %add3A_31 = arith.constant 1024 : i32
    %add3A_32 = arith.addi %mul3A_2, %add3A_31 : i32
    %run_scoped3A_33 = arith.constant 2 : i32
    "tpu.region"() ({
      %run_scoped3A_572 = tpu.sem_alloc : memref<!tpu.dma_semaphore, #tpu.memory_space<semaphore_mem>>
      %dma_start3A_573 = arith.constant 0 : i32
      %dma_start3A_574 = tpu.memref_slice %arg5[%run_scoped3A_33, %dma_start3A_573] : memref<3x512xi32, #tpu.memory_space<vmem>> -> memref<1x512xi32, #tpu.memory_space<vmem>>
      %dma_start3A_575 = tpu.memref_squeeze %dma_start3A_574 : memref<1x512xi32, #tpu.memory_space<vmem>> -> memref<512xi32, #tpu.memory_space<vmem>>
      %dma_start3A_576 = tpu.memref_slice %arg2[%add3A_32] : memref<425984xi32, #tpu.memory_space<hbm>> -> memref<512xi32, #tpu.memory_space<hbm>>
      %dma_start3A_577 = arith.constant 0 : i32
      %dma_start3A_578 = tpu.memref_slice %arg5[%run_scoped3A_33, %dma_start3A_577] : memref<3x512xi32, #tpu.memory_space<vmem>> -> memref<1x512xi32, #tpu.memory_space<vmem>>
      %dma_start3A_579 = tpu.memref_squeeze %dma_start3A_578 : memref<1x512xi32, #tpu.memory_space<vmem>> -> memref<512xi32, #tpu.memory_space<vmem>>
      %dma_start3A_580 = tpu.memref_slice %arg2[%add3A_32] : memref<425984xi32, #tpu.memory_space<hbm>> -> memref<512xi32, #tpu.memory_space<hbm>>
      tpu.enqueue_dma source(%dma_start3A_580 : memref<512xi32, #tpu.memory_space<hbm>>) target(%dma_start3A_579 : memref<512xi32, #tpu.memory_space<vmem>>) target_semaphore(%run_scoped3A_572 : memref<!tpu.dma_semaphore, #tpu.memory_space<semaphore_mem>>)
      %dma_wait3A_581 = arith.constant 0 : i32
      %dma_wait3A_582 = tpu.memref_slice %arg5[%run_scoped3A_33, %dma_wait3A_581] : memref<3x512xi32, #tpu.memory_space<vmem>> -> memref<1x512xi32, #tpu.memory_space<vmem>>
      %dma_wait3A_583 = tpu.memref_squeeze %dma_wait3A_582 : memref<1x512xi32, #tpu.memory_space<vmem>> -> memref<512xi32, #tpu.memory_space<vmem>>
      %dma_wait3A_584 = tpu.memref_slice %arg2[%add3A_32] : memref<425984xi32, #tpu.memory_space<hbm>> -> memref<512xi32, #tpu.memory_space<hbm>>
      %dma_wait3A_585 = arith.constant 0 : i32
      %dma_wait3A_586 = tpu.memref_slice %arg5[%run_scoped3A_33, %dma_wait3A_585] : memref<3x512xi32, #tpu.memory_space<vmem>> -> memref<1x512xi32, #tpu.memory_space<vmem>>
      %dma_wait3A_587 = tpu.memref_squeeze %dma_wait3A_586 : memref<1x512xi32, #tpu.memory_space<vmem>> -> memref<512xi32, #tpu.memory_space<vmem>>
      %dma_wait3A_588 = tpu.memref_slice %arg2[%add3A_32] : memref<425984xi32, #tpu.memory_space<hbm>> -> memref<512xi32, #tpu.memory_space<hbm>>
      tpu.wait_dma2 semaphore(%run_scoped3A_572 : memref<!tpu.dma_semaphore, #tpu.memory_space<semaphore_mem>>) src(%dma_wait3A_588 : memref<512xi32, #tpu.memory_space<hbm>>) dst(%dma_wait3A_587 : memref<512xi32, #tpu.memory_space<vmem>>)
      tpu.yield
    }) : () -> ()
    %dma_start3A_34 = arith.constant 2 : i32
    %dma_start3A_35 = arith.constant 2 : i32
    %dma_start3A_36 = arith.constant 0 : i32
    %dma_start3A_37 = arith.constant 0 : i32
    %dma_start3A_38 = tpu.memref_slice %arg6[%dma_start3A_35, %dma_start3A_36, %dma_start3A_37] : memref<3x512x32xf32, #tpu.memory_space<vmem>> -> memref<1x512x32xf32, #tpu.memory_space<vmem>>
    %dma_start3A_39 = tpu.memref_squeeze %dma_start3A_38 : memref<1x512x32xf32, #tpu.memory_space<vmem>> -> memref<512x32xf32, #tpu.memory_space<vmem>>
    %dma_start3A_40 = arith.constant 0 : i32
    %dma_start3A_41 = tpu.memref_slice %arg5[%dma_start3A_34, %dma_start3A_40] : memref<3x512xi32, #tpu.memory_space<vmem>> -> memref<1x512xi32, #tpu.memory_space<vmem>>
    %dma_start3A_42 = tpu.memref_squeeze %dma_start3A_41 : memref<1x512xi32, #tpu.memory_space<vmem>> -> memref<512xi32, #tpu.memory_space<vmem>>
    %dma_start3A_43 = arith.constant 0 : i32
    %dma_start3A_44 = arith.constant 0 : i32
    %dma_start3A_45 = tpu.memref_slice %arg3[%dma_start3A_43, %dma_start3A_44] : memref<1000000x32xf32, #tpu.memory_space<hbm>> -> memref<1000000x32xf32, #tpu.memory_space<hbm>>
    tpu.enqueue_indirect_dma source(%dma_start3A_45 : memref<1000000x32xf32, #tpu.memory_space<hbm>>) target(%dma_start3A_39 : memref<512x32xf32, #tpu.memory_space<vmem>>) offsets(%dma_start3A_42 : memref<512xi32, #tpu.memory_space<vmem>>) semaphore(%arg10 : memref<!tpu.dma_semaphore, #tpu.memory_space<semaphore_mem>>)
    %scan3A = arith.constant 0 : i32
    %scan3A_46 = arith.constant 0 : i32
    %scan3A_47 = arith.constant 8 : i32
    %scan3A_48 = arith.addi %scan3A_46, %scan3A_47 : i32
    %scan3A_49 = arith.constant 1 : i32
    scf.for %scan3A_572 = %scan3A_46 to %scan3A_48 step %scan3A_49  : i32 {
      %mul3A_573 = arith.constant 3 : i32
      %mul3A_574 = arith.muli %scan3A_572, %mul3A_573 : i32
      %add3A_575 = arith.constant 0 : i32
      %add3A_576 = arith.addi %mul3A_574, %add3A_575 : i32
      %dma_wait3A_577 = arith.constant 0 : i32
      %dma_wait3A_578 = arith.constant 0 : i32
      %dma_wait3A_579 = arith.constant 0 : i32
      %dma_wait3A_580 = arith.constant 0 : i32
      %dma_wait3A_581 = tpu.memref_slice %arg6[%dma_wait3A_578, %dma_wait3A_579, %dma_wait3A_580] : memref<3x512x32xf32, #tpu.memory_space<vmem>> -> memref<1x512x32xf32, #tpu.memory_space<vmem>>
      %dma_wait3A_582 = tpu.memref_squeeze %dma_wait3A_581 : memref<1x512x32xf32, #tpu.memory_space<vmem>> -> memref<512x32xf32, #tpu.memory_space<vmem>>
      %dma_wait3A_583 = arith.constant 0 : i32
      %dma_wait3A_584 = tpu.memref_slice %arg5[%dma_wait3A_577, %dma_wait3A_583] : memref<3x512xi32, #tpu.memory_space<vmem>> -> memref<1x512xi32, #tpu.memory_space<vmem>>
      %dma_wait3A_585 = tpu.memref_squeeze %dma_wait3A_584 : memref<1x512xi32, #tpu.memory_space<vmem>> -> memref<512xi32, #tpu.memory_space<vmem>>
      %dma_wait3A_586 = arith.constant 0 : i32
      %dma_wait3A_587 = arith.constant 0 : i32
      %dma_wait3A_588 = tpu.memref_slice %arg3[%dma_wait3A_586, %dma_wait3A_587] : memref<1000000x32xf32, #tpu.memory_space<hbm>> -> memref<1000000x32xf32, #tpu.memory_space<hbm>>
      tpu.wait_indirect_dma semaphore(%arg8 : memref<!tpu.dma_semaphore, #tpu.memory_space<semaphore_mem>>) src(%dma_wait3A_588 : memref<1000000x32xf32, #tpu.memory_space<hbm>>) dst(%dma_wait3A_582 : memref<512x32xf32, #tpu.memory_space<vmem>>)
      %ge3A = arith.constant 3 : i32
      %ge3A_589 = arith.cmpi sge, %add3A_576, %ge3A : i32
      %convert_element_type3A = arith.extui %ge3A_589 : i1 to i32
      %cond3A = arith.constant 0 : i32
      %cond3A_590 = arith.cmpi ne, %convert_element_type3A, %cond3A : i32
      scf.if %cond3A_590 {
        %mul3A_918 = arith.constant 104 : i32
        %mul3A_919 = arith.muli %add3A, %mul3A_918 : i32
        %add3A_920 = arith.constant 0 : i32
        %add3A_921 = arith.addi %mul3A_919, %add3A_920 : i32
        %jit3A_922 = arith.constant 128 : i32
        %div3A_923 = arith.divsi %add3A_921, %jit3A_922 : i32
        %sign3A_924 = arith.constant 0 : i32
        %sign3A_925 = arith.cmpi sgt, %add3A_921, %sign3A_924 : i32
        %sign3A_926 = arith.extui %sign3A_925 : i1 to i32
        %sign3A_927 = arith.constant 0 : i32
        %sign3A_928 = arith.cmpi slt, %add3A_921, %sign3A_927 : i32
        %sign3A_929 = arith.extui %sign3A_928 : i1 to i32
        %sign3A_930 = arith.subi %sign3A_926, %sign3A_929 : i32
        %sign3A_931 = arith.constant 0 : i32
        %sign3A_932 = arith.cmpi sgt, %jit3A_922, %sign3A_931 : i32
        %sign3A_933 = arith.extui %sign3A_932 : i1 to i32
        %sign3A_934 = arith.constant 0 : i32
        %sign3A_935 = arith.cmpi slt, %jit3A_922, %sign3A_934 : i32
        %sign3A_936 = arith.extui %sign3A_935 : i1 to i32
        %sign3A_937 = arith.subi %sign3A_933, %sign3A_936 : i32
        %ne3A_938 = arith.cmpi ne, %sign3A_930, %sign3A_937 : i32
        %rem3A_939 = arith.remsi %add3A_921, %jit3A_922 : i32
        %ne3A_940 = arith.constant 0 : i32
        %ne3A_941 = arith.cmpi ne, %rem3A_939, %ne3A_940 : i32
        %and3A_942 = arith.andi %ne3A_938, %ne3A_941 : i1
        %sub3A_943 = arith.constant 1 : i32
        %sub3A_944 = arith.subi %div3A_923, %sub3A_943 : i32
        %select_n3A_945 = arith.select %and3A_942, %sub3A_944, %div3A_923 : i32
        %jit3A_946 = arith.constant 128 : i32
        %eq3A_947 = arith.constant 0 : i32
        %eq3A_948 = arith.cmpi eq, %jit3A_946, %eq3A_947 : i32
        %jit3A_949 = arith.constant 1 : i32
        %select_n3A_950 = arith.select %eq3A_948, %jit3A_949, %jit3A_946 : i32
        %rem3A_951 = arith.remsi %add3A_921, %select_n3A_950 : i32
        %ne3A_952 = arith.constant 0 : i32
        %ne3A_953 = arith.cmpi ne, %rem3A_951, %ne3A_952 : i32
        %lt3A_954 = arith.constant 0 : i32
        %lt3A_955 = arith.cmpi slt, %rem3A_951, %lt3A_954 : i32
        %lt3A_956 = arith.constant 0 : i32
        %lt3A_957 = arith.cmpi slt, %select_n3A_950, %lt3A_956 : i32
        %ne3A_958 = arith.xori %lt3A_955, %lt3A_957 : i1
        %and3A_959 = arith.andi %ne3A_958, %ne3A_953 : i1
        %add3A_960 = arith.addi %rem3A_951, %select_n3A_950 : i32
        %select_n3A_961 = arith.select %and3A_959, %add3A_960, %rem3A_951 : i32
        %dma_wait3A_962 = arith.constant 0 : i32
        %dma_wait3A_963 = arith.constant 0 : i32
        %dma_wait3A_964 = arith.constant 0 : i32
        %dma_wait3A_965 = arith.constant 0 : i32
        %dma_wait3A_966 = arith.constant 0 : i32
        %dma_wait3A_967 = tpu.memref_slice %arg7[%dma_wait3A_962, %dma_wait3A_963, %dma_wait3A_964, %dma_wait3A_965, %dma_wait3A_966] : memref<3x4x4x8x128xf32, #tpu.memory_space<vmem>> -> memref<1x4x4x8x128xf32, #tpu.memory_space<vmem>>
        %dma_wait3A_968 = tpu.memref_squeeze %dma_wait3A_967 : memref<1x4x4x8x128xf32, #tpu.memory_space<vmem>> -> memref<4x4x8x128xf32, #tpu.memory_space<vmem>>
        %dma_wait3A_969 = arith.constant 0 : i32
        %dma_wait3A_970 = arith.constant 0 : i32
        %dma_wait3A_971 = arith.constant 0 : i32
        %dma_wait3A_972 = tpu.memref_slice %arg4[%select_n3A_945, %dma_wait3A_969, %select_n3A_961, %dma_wait3A_970, %dma_wait3A_971] : memref<26x4x128x8x128xf32, #tpu.memory_space<hbm>> -> memref<1x4x4x8x128xf32, #tpu.memory_space<hbm>>
        %dma_wait3A_973 = tpu.memref_squeeze %dma_wait3A_972 : memref<1x4x4x8x128xf32, #tpu.memory_space<hbm>> -> memref<4x4x8x128xf32, #tpu.memory_space<hbm>>
        %dma_wait3A_974 = arith.constant 0 : i32
        %dma_wait3A_975 = arith.constant 0 : i32
        %dma_wait3A_976 = arith.constant 0 : i32
        %dma_wait3A_977 = tpu.memref_slice %arg4[%select_n3A_945, %dma_wait3A_974, %select_n3A_961, %dma_wait3A_975, %dma_wait3A_976] : memref<26x4x128x8x128xf32, #tpu.memory_space<hbm>> -> memref<1x4x4x8x128xf32, #tpu.memory_space<hbm>>
        %dma_wait3A_978 = tpu.memref_squeeze %dma_wait3A_977 : memref<1x4x4x8x128xf32, #tpu.memory_space<hbm>> -> memref<4x4x8x128xf32, #tpu.memory_space<hbm>>
        %dma_wait3A_979 = arith.constant 0 : i32
        %dma_wait3A_980 = arith.constant 0 : i32
        %dma_wait3A_981 = arith.constant 0 : i32
        %dma_wait3A_982 = arith.constant 0 : i32
        %dma_wait3A_983 = tpu.memref_slice %arg7[%dma_wait3A_962, %dma_wait3A_979, %dma_wait3A_980, %dma_wait3A_981, %dma_wait3A_982] : memref<3x4x4x8x128xf32, #tpu.memory_space<vmem>> -> memref<1x4x4x8x128xf32, #tpu.memory_space<vmem>>
        %dma_wait3A_984 = tpu.memref_squeeze %dma_wait3A_983 : memref<1x4x4x8x128xf32, #tpu.memory_space<vmem>> -> memref<4x4x8x128xf32, #tpu.memory_space<vmem>>
        tpu.wait_dma2 semaphore(%arg11 : memref<!tpu.dma_semaphore, #tpu.memory_space<semaphore_mem>>) src(%dma_wait3A_984 : memref<4x4x8x128xf32, #tpu.memory_space<vmem>>) dst(%dma_wait3A_978 : memref<4x4x8x128xf32, #tpu.memory_space<hbm>>)
      } else {
      }
      %parallel_loop3A_591 = arith.constant 0 : i32
      %parallel_loop3A_592 = arith.constant 256 : i32
      %parallel_loop3A_593 = arith.constant 1 : i32
      %parallel_loop3A_594 = arith.constant 0 : i32
      %parallel_loop3A_595 = arith.constant 0 : i32
      scf.for %parallel_loop3A_918 = %parallel_loop3A_591 to %parallel_loop3A_592 step %parallel_loop3A_593  : i32 {
        %parallel_loop3A_919 = arith.constant 5 : i32
        %parallel_loop3A_920 = arith.shrui %parallel_loop3A_918, %parallel_loop3A_919 : i32
        %parallel_loop3A_921 = arith.constant 4 : i32
        %parallel_loop3A_922 = arith.shli %parallel_loop3A_920, %parallel_loop3A_921 : i32
        %parallel_loop3A_923 = arith.constant 31 : i32
        %parallel_loop3A_924 = arith.andi %parallel_loop3A_918, %parallel_loop3A_923 : i32
        %parallel_loop3A_925 = arith.constant 0 : i32
        %parallel_loop3A_926 = arith.addi %parallel_loop3A_925, %parallel_loop3A_922 : i32
        %parallel_loop3A_927 = vector.broadcast %parallel_loop3A_926 : i32 to vector<16xi32>
        %parallel_loop3A_928 = arith.addi %parallel_loop3A_927, %iota3A : vector<16xi32>
        %parallel_loop3A_929 = vector.broadcast %parallel_loop3A_924 : i32 to vector<16xi32>
        %parallel_loop3A_930 = arith.addi %parallel_loop3A_929, %iota3A : vector<16xi32>
        %parallel_loop3A_931 = arith.constant 31 : i32
        %parallel_loop3A_932 = vector.broadcast %parallel_loop3A_931 : i32 to vector<16xi32>
        %parallel_loop3A_933 = arith.andi %parallel_loop3A_930, %parallel_loop3A_932 : vector<16xi32>
        %parallel_loop3A_934 = arith.constant 0 : i32
        %parallel_loop3A_935 = arith.constant 0 : i32
        %parallel_loop3A_936 = tpu.memref_slice %arg6[%parallel_loop3A_594, %parallel_loop3A_934, %parallel_loop3A_935] : memref<3x512x32xf32, #tpu.memory_space<vmem>> -> memref<1x512x32xf32, #tpu.memory_space<vmem>>
        %parallel_loop3A_937 = tpu.memref_squeeze %parallel_loop3A_936 : memref<1x512x32xf32, #tpu.memory_space<vmem>> -> memref<512x32xf32, #tpu.memory_space<vmem>>
        %parallel_loop3A_938 = tpu.vector_load_idx %parallel_loop3A_937[%parallel_loop3A_928, %parallel_loop3A_933] : memref<512x32xf32, #tpu.memory_space<vmem>>[vector<16xi32>, vector<16xi32>], vector<16xf32>,
        %parallel_loop3A_939 = arith.constant 3 : i32
        %parallel_loop3A_940 = vector.broadcast %parallel_loop3A_939 : i32 to vector<16xi32>
        %parallel_loop3A_941 = arith.shrui %parallel_loop3A_933, %parallel_loop3A_940 : vector<16xi32>
        %parallel_loop3A_942 = arith.constant 0 : i32
        %parallel_loop3A_943 = vector.broadcast %parallel_loop3A_942 : i32 to vector<16xi32>
        %parallel_loop3A_944 = arith.constant 7 : i32
        %parallel_loop3A_945 = vector.broadcast %parallel_loop3A_944 : i32 to vector<16xi32>
        %parallel_loop3A_946 = arith.andi %parallel_loop3A_933, %parallel_loop3A_945 : vector<16xi32>
        %parallel_loop3A_947 = vector.broadcast %parallel_loop3A_922 : i32 to vector<16xi32>
        %parallel_loop3A_948 = arith.addi %parallel_loop3A_947, %iota3A : vector<16xi32>
        %parallel_loop3A_949 = arith.constant 0 : i32
        %parallel_loop3A_950 = arith.constant 0 : i32
        %parallel_loop3A_951 = arith.constant 0 : i32
        %parallel_loop3A_952 = arith.constant 0 : i32
        %parallel_loop3A_953 = tpu.memref_slice %arg7[%parallel_loop3A_595, %parallel_loop3A_949, %parallel_loop3A_950, %parallel_loop3A_951, %parallel_loop3A_952] : memref<3x4x4x8x128xf32, #tpu.memory_space<vmem>> -> memref<1x4x4x8x128xf32, #tpu.memory_space<vmem>>
        %parallel_loop3A_954 = tpu.memref_squeeze %parallel_loop3A_953 : memref<1x4x4x8x128xf32, #tpu.memory_space<vmem>> -> memref<4x4x8x128xf32, #tpu.memory_space<vmem>>
        tpu.vector_store_idx %parallel_loop3A_954[%parallel_loop3A_941, %parallel_loop3A_943, %parallel_loop3A_946, %parallel_loop3A_948], %parallel_loop3A_938 : memref<4x4x8x128xf32, #tpu.memory_space<vmem>>[vector<16xi32>, vector<16xi32>, vector<16xi32>, vector<16xi32>], vector<16xf32>,
      } {sc.loop_unroll_factor = 8 : i64, sc.parallel_access}
      %parallel_loop3A_596 = arith.constant 0 : i32
      %parallel_loop3A_597 = arith.constant 256 : i32
      %parallel_loop3A_598 = arith.constant 1 : i32
      %parallel_loop3A_599 = arith.constant 0 : i32
      %parallel_loop3A_600 = arith.constant 0 : i32
      scf.for %parallel_loop3A_918 = %parallel_loop3A_596 to %parallel_loop3A_597 step %parallel_loop3A_598  : i32 {
        %parallel_loop3A_919 = arith.constant 5 : i32
        %parallel_loop3A_920 = arith.shrui %parallel_loop3A_918, %parallel_loop3A_919 : i32
        %parallel_loop3A_921 = arith.constant 4 : i32
        %parallel_loop3A_922 = arith.shli %parallel_loop3A_920, %parallel_loop3A_921 : i32
        %parallel_loop3A_923 = arith.constant 31 : i32
        %parallel_loop3A_924 = arith.andi %parallel_loop3A_918, %parallel_loop3A_923 : i32
        %parallel_loop3A_925 = arith.constant 128 : i32
        %parallel_loop3A_926 = arith.addi %parallel_loop3A_925, %parallel_loop3A_922 : i32
        %parallel_loop3A_927 = vector.broadcast %parallel_loop3A_926 : i32 to vector<16xi32>
        %parallel_loop3A_928 = arith.addi %parallel_loop3A_927, %iota3A : vector<16xi32>
        %parallel_loop3A_929 = vector.broadcast %parallel_loop3A_924 : i32 to vector<16xi32>
        %parallel_loop3A_930 = arith.addi %parallel_loop3A_929, %iota3A : vector<16xi32>
        %parallel_loop3A_931 = arith.constant 31 : i32
        %parallel_loop3A_932 = vector.broadcast %parallel_loop3A_931 : i32 to vector<16xi32>
        %parallel_loop3A_933 = arith.andi %parallel_loop3A_930, %parallel_loop3A_932 : vector<16xi32>
        %parallel_loop3A_934 = arith.constant 0 : i32
        %parallel_loop3A_935 = arith.constant 0 : i32
        %parallel_loop3A_936 = tpu.memref_slice %arg6[%parallel_loop3A_599, %parallel_loop3A_934, %parallel_loop3A_935] : memref<3x512x32xf32, #tpu.memory_space<vmem>> -> memref<1x512x32xf32, #tpu.memory_space<vmem>>
        %parallel_loop3A_937 = tpu.memref_squeeze %parallel_loop3A_936 : memref<1x512x32xf32, #tpu.memory_space<vmem>> -> memref<512x32xf32, #tpu.memory_space<vmem>>
        %parallel_loop3A_938 = tpu.vector_load_idx %parallel_loop3A_937[%parallel_loop3A_928, %parallel_loop3A_933] : memref<512x32xf32, #tpu.memory_space<vmem>>[vector<16xi32>, vector<16xi32>], vector<16xf32>,
        %parallel_loop3A_939 = arith.constant 3 : i32
        %parallel_loop3A_940 = vector.broadcast %parallel_loop3A_939 : i32 to vector<16xi32>
        %parallel_loop3A_941 = arith.shrui %parallel_loop3A_933, %parallel_loop3A_940 : vector<16xi32>
        %parallel_loop3A_942 = arith.constant 1 : i32
        %parallel_loop3A_943 = vector.broadcast %parallel_loop3A_942 : i32 to vector<16xi32>
        %parallel_loop3A_944 = arith.constant 7 : i32
        %parallel_loop3A_945 = vector.broadcast %parallel_loop3A_944 : i32 to vector<16xi32>
        %parallel_loop3A_946 = arith.andi %parallel_loop3A_933, %parallel_loop3A_945 : vector<16xi32>
        %parallel_loop3A_947 = vector.broadcast %parallel_loop3A_922 : i32 to vector<16xi32>
        %parallel_loop3A_948 = arith.addi %parallel_loop3A_947, %iota3A : vector<16xi32>
        %parallel_loop3A_949 = arith.constant 0 : i32
        %parallel_loop3A_950 = arith.constant 0 : i32
        %parallel_loop3A_951 = arith.constant 0 : i32
        %parallel_loop3A_952 = arith.constant 0 : i32
        %parallel_loop3A_953 = tpu.memref_slice %arg7[%parallel_loop3A_600, %parallel_loop3A_949, %parallel_loop3A_950, %parallel_loop3A_951, %parallel_loop3A_952] : memref<3x4x4x8x128xf32, #tpu.memory_space<vmem>> -> memref<1x4x4x8x128xf32, #tpu.memory_space<vmem>>
        %parallel_loop3A_954 = tpu.memref_squeeze %parallel_loop3A_953 : memref<1x4x4x8x128xf32, #tpu.memory_space<vmem>> -> memref<4x4x8x128xf32, #tpu.memory_space<vmem>>
        tpu.vector_store_idx %parallel_loop3A_954[%parallel_loop3A_941, %parallel_loop3A_943, %parallel_loop3A_946, %parallel_loop3A_948], %parallel_loop3A_938 : memref<4x4x8x128xf32, #tpu.memory_space<vmem>>[vector<16xi32>, vector<16xi32>, vector<16xi32>, vector<16xi32>], vector<16xf32>,
      } {sc.loop_unroll_factor = 8 : i64, sc.parallel_access}
      %parallel_loop3A_601 = arith.constant 0 : i32
      %parallel_loop3A_602 = arith.constant 256 : i32
      %parallel_loop3A_603 = arith.constant 1 : i32
      %parallel_loop3A_604 = arith.constant 0 : i32
      %parallel_loop3A_605 = arith.constant 0 : i32
      scf.for %parallel_loop3A_918 = %parallel_loop3A_601 to %parallel_loop3A_602 step %parallel_loop3A_603  : i32 {
        %parallel_loop3A_919 = arith.constant 5 : i32
        %parallel_loop3A_920 = arith.shrui %parallel_loop3A_918, %parallel_loop3A_919 : i32
        %parallel_loop3A_921 = arith.constant 4 : i32
        %parallel_loop3A_922 = arith.shli %parallel_loop3A_920, %parallel_loop3A_921 : i32
        %parallel_loop3A_923 = arith.constant 31 : i32
        %parallel_loop3A_924 = arith.andi %parallel_loop3A_918, %parallel_loop3A_923 : i32
        %parallel_loop3A_925 = arith.constant 256 : i32
        %parallel_loop3A_926 = arith.addi %parallel_loop3A_925, %parallel_loop3A_922 : i32
        %parallel_loop3A_927 = vector.broadcast %parallel_loop3A_926 : i32 to vector<16xi32>
        %parallel_loop3A_928 = arith.addi %parallel_loop3A_927, %iota3A : vector<16xi32>
        %parallel_loop3A_929 = vector.broadcast %parallel_loop3A_924 : i32 to vector<16xi32>
        %parallel_loop3A_930 = arith.addi %parallel_loop3A_929, %iota3A : vector<16xi32>
        %parallel_loop3A_931 = arith.constant 31 : i32
        %parallel_loop3A_932 = vector.broadcast %parallel_loop3A_931 : i32 to vector<16xi32>
        %parallel_loop3A_933 = arith.andi %parallel_loop3A_930, %parallel_loop3A_932 : vector<16xi32>
        %parallel_loop3A_934 = arith.constant 0 : i32
        %parallel_loop3A_935 = arith.constant 0 : i32
        %parallel_loop3A_936 = tpu.memref_slice %arg6[%parallel_loop3A_604, %parallel_loop3A_934, %parallel_loop3A_935] : memref<3x512x32xf32, #tpu.memory_space<vmem>> -> memref<1x512x32xf32, #tpu.memory_space<vmem>>
        %parallel_loop3A_937 = tpu.memref_squeeze %parallel_loop3A_936 : memref<1x512x32xf32, #tpu.memory_space<vmem>> -> memref<512x32xf32, #tpu.memory_space<vmem>>
        %parallel_loop3A_938 = tpu.vector_load_idx %parallel_loop3A_937[%parallel_loop3A_928, %parallel_loop3A_933] : memref<512x32xf32, #tpu.memory_space<vmem>>[vector<16xi32>, vector<16xi32>], vector<16xf32>,
        %parallel_loop3A_939 = arith.constant 3 : i32
        %parallel_loop3A_940 = vector.broadcast %parallel_loop3A_939 : i32 to vector<16xi32>
        %parallel_loop3A_941 = arith.shrui %parallel_loop3A_933, %parallel_loop3A_940 : vector<16xi32>
        %parallel_loop3A_942 = arith.constant 2 : i32
        %parallel_loop3A_943 = vector.broadcast %parallel_loop3A_942 : i32 to vector<16xi32>
        %parallel_loop3A_944 = arith.constant 7 : i32
        %parallel_loop3A_945 = vector.broadcast %parallel_loop3A_944 : i32 to vector<16xi32>
        %parallel_loop3A_946 = arith.andi %parallel_loop3A_933, %parallel_loop3A_945 : vector<16xi32>
        %parallel_loop3A_947 = vector.broadcast %parallel_loop3A_922 : i32 to vector<16xi32>
        %parallel_loop3A_948 = arith.addi %parallel_loop3A_947, %iota3A : vector<16xi32>
        %parallel_loop3A_949 = arith.constant 0 : i32
        %parallel_loop3A_950 = arith.constant 0 : i32
        %parallel_loop3A_951 = arith.constant 0 : i32
        %parallel_loop3A_952 = arith.constant 0 : i32
        %parallel_loop3A_953 = tpu.memref_slice %arg7[%parallel_loop3A_605, %parallel_loop3A_949, %parallel_loop3A_950, %parallel_loop3A_951, %parallel_loop3A_952] : memref<3x4x4x8x128xf32, #tpu.memory_space<vmem>> -> memref<1x4x4x8x128xf32, #tpu.memory_space<vmem>>
        %parallel_loop3A_954 = tpu.memref_squeeze %parallel_loop3A_953 : memref<1x4x4x8x128xf32, #tpu.memory_space<vmem>> -> memref<4x4x8x128xf32, #tpu.memory_space<vmem>>
        tpu.vector_store_idx %parallel_loop3A_954[%parallel_loop3A_941, %parallel_loop3A_943, %parallel_loop3A_946, %parallel_loop3A_948], %parallel_loop3A_938 : memref<4x4x8x128xf32, #tpu.memory_space<vmem>>[vector<16xi32>, vector<16xi32>, vector<16xi32>, vector<16xi32>], vector<16xf32>,
      } {sc.loop_unroll_factor = 8 : i64, sc.parallel_access}
      %parallel_loop3A_606 = arith.constant 0 : i32
      %parallel_loop3A_607 = arith.constant 256 : i32
      %parallel_loop3A_608 = arith.constant 1 : i32
      %parallel_loop3A_609 = arith.constant 0 : i32
      %parallel_loop3A_610 = arith.constant 0 : i32
      scf.for %parallel_loop3A_918 = %parallel_loop3A_606 to %parallel_loop3A_607 step %parallel_loop3A_608  : i32 {
        %parallel_loop3A_919 = arith.constant 5 : i32
        %parallel_loop3A_920 = arith.shrui %parallel_loop3A_918, %parallel_loop3A_919 : i32
        %parallel_loop3A_921 = arith.constant 4 : i32
        %parallel_loop3A_922 = arith.shli %parallel_loop3A_920, %parallel_loop3A_921 : i32
        %parallel_loop3A_923 = arith.constant 31 : i32
        %parallel_loop3A_924 = arith.andi %parallel_loop3A_918, %parallel_loop3A_923 : i32
        %parallel_loop3A_925 = arith.constant 384 : i32
        %parallel_loop3A_926 = arith.addi %parallel_loop3A_925, %parallel_loop3A_922 : i32
        %parallel_loop3A_927 = vector.broadcast %parallel_loop3A_926 : i32 to vector<16xi32>
        %parallel_loop3A_928 = arith.addi %parallel_loop3A_927, %iota3A : vector<16xi32>
        %parallel_loop3A_929 = vector.broadcast %parallel_loop3A_924 : i32 to vector<16xi32>
        %parallel_loop3A_930 = arith.addi %parallel_loop3A_929, %iota3A : vector<16xi32>
        %parallel_loop3A_931 = arith.constant 31 : i32
        %parallel_loop3A_932 = vector.broadcast %parallel_loop3A_931 : i32 to vector<16xi32>
        %parallel_loop3A_933 = arith.andi %parallel_loop3A_930, %parallel_loop3A_932 : vector<16xi32>
        %parallel_loop3A_934 = arith.constant 0 : i32
        %parallel_loop3A_935 = arith.constant 0 : i32
        %parallel_loop3A_936 = tpu.memref_slice %arg6[%parallel_loop3A_609, %parallel_loop3A_934, %parallel_loop3A_935] : memref<3x512x32xf32, #tpu.memory_space<vmem>> -> memref<1x512x32xf32, #tpu.memory_space<vmem>>
        %parallel_loop3A_937 = tpu.memref_squeeze %parallel_loop3A_936 : memref<1x512x32xf32, #tpu.memory_space<vmem>> -> memref<512x32xf32, #tpu.memory_space<vmem>>
        %parallel_loop3A_938 = tpu.vector_load_idx %parallel_loop3A_937[%parallel_loop3A_928, %parallel_loop3A_933] : memref<512x32xf32, #tpu.memory_space<vmem>>[vector<16xi32>, vector<16xi32>], vector<16xf32>,
        %parallel_loop3A_939 = arith.constant 3 : i32
        %parallel_loop3A_940 = vector.broadcast %parallel_loop3A_939 : i32 to vector<16xi32>
        %parallel_loop3A_941 = arith.shrui %parallel_loop3A_933, %parallel_loop3A_940 : vector<16xi32>
        %parallel_loop3A_942 = arith.constant 3 : i32
        %parallel_loop3A_943 = vector.broadcast %parallel_loop3A_942 : i32 to vector<16xi32>
        %parallel_loop3A_944 = arith.constant 7 : i32
        %parallel_loop3A_945 = vector.broadcast %parallel_loop3A_944 : i32 to vector<16xi32>
        %parallel_loop3A_946 = arith.andi %parallel_loop3A_933, %parallel_loop3A_945 : vector<16xi32>
        %parallel_loop3A_947 = vector.broadcast %parallel_loop3A_922 : i32 to vector<16xi32>
        %parallel_loop3A_948 = arith.addi %parallel_loop3A_947, %iota3A : vector<16xi32>
        %parallel_loop3A_949 = arith.constant 0 : i32
        %parallel_loop3A_950 = arith.constant 0 : i32
        %parallel_loop3A_951 = arith.constant 0 : i32
        %parallel_loop3A_952 = arith.constant 0 : i32
        %parallel_loop3A_953 = tpu.memref_slice %arg7[%parallel_loop3A_610, %parallel_loop3A_949, %parallel_loop3A_950, %parallel_loop3A_951, %parallel_loop3A_952] : memref<3x4x4x8x128xf32, #tpu.memory_space<vmem>> -> memref<1x4x4x8x128xf32, #tpu.memory_space<vmem>>
        %parallel_loop3A_954 = tpu.memref_squeeze %parallel_loop3A_953 : memref<1x4x4x8x128xf32, #tpu.memory_space<vmem>> -> memref<4x4x8x128xf32, #tpu.memory_space<vmem>>
        tpu.vector_store_idx %parallel_loop3A_954[%parallel_loop3A_941, %parallel_loop3A_943, %parallel_loop3A_946, %parallel_loop3A_948], %parallel_loop3A_938 : memref<4x4x8x128xf32, #tpu.memory_space<vmem>>[vector<16xi32>, vector<16xi32>, vector<16xi32>, vector<16xi32>], vector<16xf32>,
      } {sc.loop_unroll_factor = 8 : i64, sc.parallel_access}
      %mul3A_611 = arith.constant 104 : i32
      %mul3A_612 = arith.muli %add3A, %mul3A_611 : i32
      %mul3A_613 = arith.constant 4 : i32
      %mul3A_614 = arith.muli %add3A_576, %mul3A_613 : i32
      %add3A_615 = arith.addi %mul3A_612, %mul3A_614 : i32
      %jit3A_616 = arith.constant 128 : i32
      %div3A_617 = arith.divsi %add3A_615, %jit3A_616 : i32
      %sign3A_618 = arith.constant 0 : i32
      %sign3A_619 = arith.cmpi sgt, %add3A_615, %sign3A_618 : i32
      %sign3A_620 = arith.extui %sign3A_619 : i1 to i32
      %sign3A_621 = arith.constant 0 : i32
      %sign3A_622 = arith.cmpi slt, %add3A_615, %sign3A_621 : i32
      %sign3A_623 = arith.extui %sign3A_622 : i1 to i32
      %sign3A_624 = arith.subi %sign3A_620, %sign3A_623 : i32
      %sign3A_625 = arith.constant 0 : i32
      %sign3A_626 = arith.cmpi sgt, %jit3A_616, %sign3A_625 : i32
      %sign3A_627 = arith.extui %sign3A_626 : i1 to i32
      %sign3A_628 = arith.constant 0 : i32
      %sign3A_629 = arith.cmpi slt, %jit3A_616, %sign3A_628 : i32
      %sign3A_630 = arith.extui %sign3A_629 : i1 to i32
      %sign3A_631 = arith.subi %sign3A_627, %sign3A_630 : i32
      %ne3A_632 = arith.cmpi ne, %sign3A_624, %sign3A_631 : i32
      %rem3A_633 = arith.remsi %add3A_615, %jit3A_616 : i32
      %ne3A_634 = arith.constant 0 : i32
      %ne3A_635 = arith.cmpi ne, %rem3A_633, %ne3A_634 : i32
      %and3A_636 = arith.andi %ne3A_632, %ne3A_635 : i1
      %sub3A_637 = arith.constant 1 : i32
      %sub3A_638 = arith.subi %div3A_617, %sub3A_637 : i32
      %select_n3A_639 = arith.select %and3A_636, %sub3A_638, %div3A_617 : i32
      %jit3A_640 = arith.constant 128 : i32
      %eq3A_641 = arith.constant 0 : i32
      %eq3A_642 = arith.cmpi eq, %jit3A_640, %eq3A_641 : i32
      %jit3A_643 = arith.constant 1 : i32
      %select_n3A_644 = arith.select %eq3A_642, %jit3A_643, %jit3A_640 : i32
      %rem3A_645 = arith.remsi %add3A_615, %select_n3A_644 : i32
      %ne3A_646 = arith.constant 0 : i32
      %ne3A_647 = arith.cmpi ne, %rem3A_645, %ne3A_646 : i32
      %lt3A_648 = arith.constant 0 : i32
      %lt3A_649 = arith.cmpi slt, %rem3A_645, %lt3A_648 : i32
      %lt3A_650 = arith.constant 0 : i32
      %lt3A_651 = arith.cmpi slt, %select_n3A_644, %lt3A_650 : i32
      %ne3A_652 = arith.xori %lt3A_649, %lt3A_651 : i1
      %and3A_653 = arith.andi %ne3A_652, %ne3A_647 : i1
      %add3A_654 = arith.addi %rem3A_645, %select_n3A_644 : i32
      %select_n3A_655 = arith.select %and3A_653, %add3A_654, %rem3A_645 : i32
      %dma_start3A_656 = arith.constant 0 : i32
      %dma_start3A_657 = arith.constant 0 : i32
      %dma_start3A_658 = arith.constant 0 : i32
      %dma_start3A_659 = arith.constant 0 : i32
      %dma_start3A_660 = arith.constant 0 : i32
      %dma_start3A_661 = tpu.memref_slice %arg7[%dma_start3A_656, %dma_start3A_657, %dma_start3A_658, %dma_start3A_659, %dma_start3A_660] : memref<3x4x4x8x128xf32, #tpu.memory_space<vmem>> -> memref<1x4x4x8x128xf32, #tpu.memory_space<vmem>>
      %dma_start3A_662 = tpu.memref_squeeze %dma_start3A_661 : memref<1x4x4x8x128xf32, #tpu.memory_space<vmem>> -> memref<4x4x8x128xf32, #tpu.memory_space<vmem>>
      %dma_start3A_663 = arith.constant 0 : i32
      %dma_start3A_664 = arith.constant 0 : i32
      %dma_start3A_665 = arith.constant 0 : i32
      %dma_start3A_666 = tpu.memref_slice %arg4[%select_n3A_639, %dma_start3A_663, %select_n3A_655, %dma_start3A_664, %dma_start3A_665] : memref<26x4x128x8x128xf32, #tpu.memory_space<hbm>> -> memref<1x4x4x8x128xf32, #tpu.memory_space<hbm>>
      %dma_start3A_667 = tpu.memref_squeeze %dma_start3A_666 : memref<1x4x4x8x128xf32, #tpu.memory_space<hbm>> -> memref<4x4x8x128xf32, #tpu.memory_space<hbm>>
      %dma_start3A_668 = arith.constant 0 : i32
      %dma_start3A_669 = arith.constant 0 : i32
      %dma_start3A_670 = arith.constant 0 : i32
      %dma_start3A_671 = tpu.memref_slice %arg4[%select_n3A_639, %dma_start3A_668, %select_n3A_655, %dma_start3A_669, %dma_start3A_670] : memref<26x4x128x8x128xf32, #tpu.memory_space<hbm>> -> memref<1x4x4x8x128xf32, #tpu.memory_space<hbm>>
      %dma_start3A_672 = tpu.memref_squeeze %dma_start3A_671 : memref<1x4x4x8x128xf32, #tpu.memory_space<hbm>> -> memref<4x4x8x128xf32, #tpu.memory_space<hbm>>
      %dma_start3A_673 = arith.constant 0 : i32
      %dma_start3A_674 = arith.constant 0 : i32
      %dma_start3A_675 = arith.constant 0 : i32
      %dma_start3A_676 = arith.constant 0 : i32
      %dma_start3A_677 = tpu.memref_slice %arg7[%dma_start3A_656, %dma_start3A_673, %dma_start3A_674, %dma_start3A_675, %dma_start3A_676] : memref<3x4x4x8x128xf32, #tpu.memory_space<vmem>> -> memref<1x4x4x8x128xf32, #tpu.memory_space<vmem>>
      %dma_start3A_678 = tpu.memref_squeeze %dma_start3A_677 : memref<1x4x4x8x128xf32, #tpu.memory_space<vmem>> -> memref<4x4x8x128xf32, #tpu.memory_space<vmem>>
      tpu.enqueue_dma source(%dma_start3A_678 : memref<4x4x8x128xf32, #tpu.memory_space<vmem>>) target(%dma_start3A_672 : memref<4x4x8x128xf32, #tpu.memory_space<hbm>>) target_semaphore(%arg11 : memref<!tpu.dma_semaphore, #tpu.memory_space<semaphore_mem>>)
      %add3A_679 = arith.constant 3 : i32
      %add3A_680 = arith.addi %add3A_576, %add3A_679 : i32
      %lt3A_681 = arith.constant 26 : i32
      %lt3A_682 = arith.cmpi slt, %add3A_680, %lt3A_681 : i32
      %convert_element_type3A_683 = arith.extui %lt3A_682 : i1 to i32
      %cond3A_684 = arith.constant 0 : i32
      %cond3A_685 = arith.cmpi ne, %convert_element_type3A_683, %cond3A_684 : i32
      scf.if %cond3A_685 {
        %add3A_918 = arith.constant 3 : i32
        %add3A_919 = arith.addi %add3A_576, %add3A_918 : i32
        %mul3A_920 = arith.constant 512 : i32
        %mul3A_921 = arith.muli %add3A_919, %mul3A_920 : i32
        %add3A_922 = arith.addi %mul3A_2, %mul3A_921 : i32
        %run_scoped3A_923 = arith.constant 0 : i32
        "tpu.region"() ({
          %run_scoped3A_936 = tpu.sem_alloc : memref<!tpu.dma_semaphore, #tpu.memory_space<semaphore_mem>>
          %dma_start3A_937 = arith.constant 0 : i32
          %dma_start3A_938 = tpu.memref_slice %arg5[%run_scoped3A_923, %dma_start3A_937] : memref<3x512xi32, #tpu.memory_space<vmem>> -> memref<1x512xi32, #tpu.memory_space<vmem>>
          %dma_start3A_939 = tpu.memref_squeeze %dma_start3A_938 : memref<1x512xi32, #tpu.memory_space<vmem>> -> memref<512xi32, #tpu.memory_space<vmem>>
          %dma_start3A_940 = tpu.memref_slice %arg2[%add3A_922] : memref<425984xi32, #tpu.memory_space<hbm>> -> memref<512xi32, #tpu.memory_space<hbm>>
          %dma_start3A_941 = arith.constant 0 : i32
          %dma_start3A_942 = tpu.memref_slice %arg5[%run_scoped3A_923, %dma_start3A_941] : memref<3x512xi32, #tpu.memory_space<vmem>> -> memref<1x512xi32, #tpu.memory_space<vmem>>
          %dma_start3A_943 = tpu.memref_squeeze %dma_start3A_942 : memref<1x512xi32, #tpu.memory_space<vmem>> -> memref<512xi32, #tpu.memory_space<vmem>>
          %dma_start3A_944 = tpu.memref_slice %arg2[%add3A_922] : memref<425984xi32, #tpu.memory_space<hbm>> -> memref<512xi32, #tpu.memory_space<hbm>>
          tpu.enqueue_dma source(%dma_start3A_944 : memref<512xi32, #tpu.memory_space<hbm>>) target(%dma_start3A_943 : memref<512xi32, #tpu.memory_space<vmem>>) target_semaphore(%run_scoped3A_936 : memref<!tpu.dma_semaphore, #tpu.memory_space<semaphore_mem>>)
          %dma_wait3A_945 = arith.constant 0 : i32
          %dma_wait3A_946 = tpu.memref_slice %arg5[%run_scoped3A_923, %dma_wait3A_945] : memref<3x512xi32, #tpu.memory_space<vmem>> -> memref<1x512xi32, #tpu.memory_space<vmem>>
          %dma_wait3A_947 = tpu.memref_squeeze %dma_wait3A_946 : memref<1x512xi32, #tpu.memory_space<vmem>> -> memref<512xi32, #tpu.memory_space<vmem>>
          %dma_wait3A_948 = tpu.memref_slice %arg2[%add3A_922] : memref<425984xi32, #tpu.memory_space<hbm>> -> memref<512xi32, #tpu.memory_space<hbm>>
          %dma_wait3A_949 = arith.constant 0 : i32
          %dma_wait3A_950 = tpu.memref_slice %arg5[%run_scoped3A_923, %dma_wait3A_949] : memref<3x512xi32, #tpu.memory_space<vmem>> -> memref<1x512xi32, #tpu.memory_space<vmem>>
          %dma_wait3A_951 = tpu.memref_squeeze %dma_wait3A_950 : memref<1x512xi32, #tpu.memory_space<vmem>> -> memref<512xi32, #tpu.memory_space<vmem>>
          %dma_wait3A_952 = tpu.memref_slice %arg2[%add3A_922] : memref<425984xi32, #tpu.memory_space<hbm>> -> memref<512xi32, #tpu.memory_space<hbm>>
          tpu.wait_dma2 semaphore(%run_scoped3A_936 : memref<!tpu.dma_semaphore, #tpu.memory_space<semaphore_mem>>) src(%dma_wait3A_952 : memref<512xi32, #tpu.memory_space<hbm>>) dst(%dma_wait3A_951 : memref<512xi32, #tpu.memory_space<vmem>>)
          tpu.yield
        }) : () -> ()
        %dma_start3A_924 = arith.constant 0 : i32
        %dma_start3A_925 = arith.constant 0 : i32
        %dma_start3A_926 = arith.constant 0 : i32
        %dma_start3A_927 = arith.constant 0 : i32
        %dma_start3A_928 = tpu.memref_slice %arg6[%dma_start3A_925, %dma_start3A_926, %dma_start3A_927] : memref<3x512x32xf32, #tpu.memory_space<vmem>> -> memref<1x512x32xf32, #tpu.memory_space<vmem>>
        %dma_start3A_929 = tpu.memref_squeeze %dma_start3A_928 : memref<1x512x32xf32, #tpu.memory_space<vmem>> -> memref<512x32xf32, #tpu.memory_space<vmem>>
        %dma_start3A_930 = arith.constant 0 : i32
        %dma_start3A_931 = tpu.memref_slice %arg5[%dma_start3A_924, %dma_start3A_930] : memref<3x512xi32, #tpu.memory_space<vmem>> -> memref<1x512xi32, #tpu.memory_space<vmem>>
        %dma_start3A_932 = tpu.memref_squeeze %dma_start3A_931 : memref<1x512xi32, #tpu.memory_space<vmem>> -> memref<512xi32, #tpu.memory_space<vmem>>
        %dma_start3A_933 = arith.constant 0 : i32
        %dma_start3A_934 = arith.constant 0 : i32
        %dma_start3A_935 = tpu.memref_slice %arg3[%dma_start3A_933, %dma_start3A_934] : memref<1000000x32xf32, #tpu.memory_space<hbm>> -> memref<1000000x32xf32, #tpu.memory_space<hbm>>
        tpu.enqueue_indirect_dma source(%dma_start3A_935 : memref<1000000x32xf32, #tpu.memory_space<hbm>>) target(%dma_start3A_929 : memref<512x32xf32, #tpu.memory_space<vmem>>) offsets(%dma_start3A_932 : memref<512xi32, #tpu.memory_space<vmem>>) semaphore(%arg8 : memref<!tpu.dma_semaphore, #tpu.memory_space<semaphore_mem>>)
      } else {
      }
      %mul3A_686 = arith.constant 3 : i32
      %mul3A_687 = arith.muli %scan3A_572, %mul3A_686 : i32
      %add3A_688 = arith.constant 1 : i32
      %add3A_689 = arith.addi %mul3A_687, %add3A_688 : i32
      %dma_wait3A_690 = arith.constant 1 : i32
      %dma_wait3A_691 = arith.constant 1 : i32
      %dma_wait3A_692 = arith.constant 0 : i32
      %dma_wait3A_693 = arith.constant 0 : i32
      %dma_wait3A_694 = tpu.memref_slice %arg6[%dma_wait3A_691, %dma_wait3A_692, %dma_wait3A_693] : memref<3x512x32xf32, #tpu.memory_space<vmem>> -> memref<1x512x32xf32, #tpu.memory_space<vmem>>
      %dma_wait3A_695 = tpu.memref_squeeze %dma_wait3A_694 : memref<1x512x32xf32, #tpu.memory_space<vmem>> -> memref<512x32xf32, #tpu.memory_space<vmem>>
      %dma_wait3A_696 = arith.constant 0 : i32
      %dma_wait3A_697 = tpu.memref_slice %arg5[%dma_wait3A_690, %dma_wait3A_696] : memref<3x512xi32, #tpu.memory_space<vmem>> -> memref<1x512xi32, #tpu.memory_space<vmem>>
      %dma_wait3A_698 = tpu.memref_squeeze %dma_wait3A_697 : memref<1x512xi32, #tpu.memory_space<vmem>> -> memref<512xi32, #tpu.memory_space<vmem>>
      %dma_wait3A_699 = arith.constant 0 : i32
      %dma_wait3A_700 = arith.constant 0 : i32
      %dma_wait3A_701 = tpu.memref_slice %arg3[%dma_wait3A_699, %dma_wait3A_700] : memref<1000000x32xf32, #tpu.memory_space<hbm>> -> memref<1000000x32xf32, #tpu.memory_space<hbm>>
      tpu.wait_indirect_dma semaphore(%arg9 : memref<!tpu.dma_semaphore, #tpu.memory_space<semaphore_mem>>) src(%dma_wait3A_701 : memref<1000000x32xf32, #tpu.memory_space<hbm>>) dst(%dma_wait3A_695 : memref<512x32xf32, #tpu.memory_space<vmem>>)
      %ge3A_702 = arith.constant 3 : i32
      %ge3A_703 = arith.cmpi sge, %add3A_689, %ge3A_702 : i32
      %convert_element_type3A_704 = arith.extui %ge3A_703 : i1 to i32
      %cond3A_705 = arith.constant 0 : i32
      %cond3A_706 = arith.cmpi ne, %convert_element_type3A_704, %cond3A_705 : i32
      scf.if %cond3A_706 {
        %mul3A_918 = arith.constant 104 : i32
        %mul3A_919 = arith.muli %add3A, %mul3A_918 : i32
        %add3A_920 = arith.constant 0 : i32
        %add3A_921 = arith.addi %mul3A_919, %add3A_920 : i32
        %jit3A_922 = arith.constant 128 : i32
        %div3A_923 = arith.divsi %add3A_921, %jit3A_922 : i32
        %sign3A_924 = arith.constant 0 : i32
        %sign3A_925 = arith.cmpi sgt, %add3A_921, %sign3A_924 : i32
        %sign3A_926 = arith.extui %sign3A_925 : i1 to i32
        %sign3A_927 = arith.constant 0 : i32
        %sign3A_928 = arith.cmpi slt, %add3A_921, %sign3A_927 : i32
        %sign3A_929 = arith.extui %sign3A_928 : i1 to i32
        %sign3A_930 = arith.subi %sign3A_926, %sign3A_929 : i32
        %sign3A_931 = arith.constant 0 : i32
        %sign3A_932 = arith.cmpi sgt, %jit3A_922, %sign3A_931 : i32
        %sign3A_933 = arith.extui %sign3A_932 : i1 to i32
        %sign3A_934 = arith.constant 0 : i32
        %sign3A_935 = arith.cmpi slt, %jit3A_922, %sign3A_934 : i32
        %sign3A_936 = arith.extui %sign3A_935 : i1 to i32
        %sign3A_937 = arith.subi %sign3A_933, %sign3A_936 : i32
        %ne3A_938 = arith.cmpi ne, %sign3A_930, %sign3A_937 : i32
        %rem3A_939 = arith.remsi %add3A_921, %jit3A_922 : i32
        %ne3A_940 = arith.constant 0 : i32
        %ne3A_941 = arith.cmpi ne, %rem3A_939, %ne3A_940 : i32
        %and3A_942 = arith.andi %ne3A_938, %ne3A_941 : i1
        %sub3A_943 = arith.constant 1 : i32
        %sub3A_944 = arith.subi %div3A_923, %sub3A_943 : i32
        %select_n3A_945 = arith.select %and3A_942, %sub3A_944, %div3A_923 : i32
        %jit3A_946 = arith.constant 128 : i32
        %eq3A_947 = arith.constant 0 : i32
        %eq3A_948 = arith.cmpi eq, %jit3A_946, %eq3A_947 : i32
        %jit3A_949 = arith.constant 1 : i32
        %select_n3A_950 = arith.select %eq3A_948, %jit3A_949, %jit3A_946 : i32
        %rem3A_951 = arith.remsi %add3A_921, %select_n3A_950 : i32
        %ne3A_952 = arith.constant 0 : i32
        %ne3A_953 = arith.cmpi ne, %rem3A_951, %ne3A_952 : i32
        %lt3A_954 = arith.constant 0 : i32
        %lt3A_955 = arith.cmpi slt, %rem3A_951, %lt3A_954 : i32
        %lt3A_956 = arith.constant 0 : i32
        %lt3A_957 = arith.cmpi slt, %select_n3A_950, %lt3A_956 : i32
        %ne3A_958 = arith.xori %lt3A_955, %lt3A_957 : i1
        %and3A_959 = arith.andi %ne3A_958, %ne3A_953 : i1
        %add3A_960 = arith.addi %rem3A_951, %select_n3A_950 : i32
        %select_n3A_961 = arith.select %and3A_959, %add3A_960, %rem3A_951 : i32
        %dma_wait3A_962 = arith.constant 1 : i32
        %dma_wait3A_963 = arith.constant 0 : i32
        %dma_wait3A_964 = arith.constant 0 : i32
        %dma_wait3A_965 = arith.constant 0 : i32
        %dma_wait3A_966 = arith.constant 0 : i32
        %dma_wait3A_967 = tpu.memref_slice %arg7[%dma_wait3A_962, %dma_wait3A_963, %dma_wait3A_964, %dma_wait3A_965, %dma_wait3A_966] : memref<3x4x4x8x128xf32, #tpu.memory_space<vmem>> -> memref<1x4x4x8x128xf32, #tpu.memory_space<vmem>>
        %dma_wait3A_968 = tpu.memref_squeeze %dma_wait3A_967 : memref<1x4x4x8x128xf32, #tpu.memory_space<vmem>> -> memref<4x4x8x128xf32, #tpu.memory_space<vmem>>
        %dma_wait3A_969 = arith.constant 0 : i32
        %dma_wait3A_970 = arith.constant 0 : i32
        %dma_wait3A_971 = arith.constant 0 : i32
        %dma_wait3A_972 = tpu.memref_slice %arg4[%select_n3A_945, %dma_wait3A_969, %select_n3A_961, %dma_wait3A_970, %dma_wait3A_971] : memref<26x4x128x8x128xf32, #tpu.memory_space<hbm>> -> memref<1x4x4x8x128xf32, #tpu.memory_space<hbm>>
        %dma_wait3A_973 = tpu.memref_squeeze %dma_wait3A_972 : memref<1x4x4x8x128xf32, #tpu.memory_space<hbm>> -> memref<4x4x8x128xf32, #tpu.memory_space<hbm>>
        %dma_wait3A_974 = arith.constant 0 : i32
        %dma_wait3A_975 = arith.constant 0 : i32
        %dma_wait3A_976 = arith.constant 0 : i32
        %dma_wait3A_977 = tpu.memref_slice %arg4[%select_n3A_945, %dma_wait3A_974, %select_n3A_961, %dma_wait3A_975, %dma_wait3A_976] : memref<26x4x128x8x128xf32, #tpu.memory_space<hbm>> -> memref<1x4x4x8x128xf32, #tpu.memory_space<hbm>>
        %dma_wait3A_978 = tpu.memref_squeeze %dma_wait3A_977 : memref<1x4x4x8x128xf32, #tpu.memory_space<hbm>> -> memref<4x4x8x128xf32, #tpu.memory_space<hbm>>
        %dma_wait3A_979 = arith.constant 0 : i32
        %dma_wait3A_980 = arith.constant 0 : i32
        %dma_wait3A_981 = arith.constant 0 : i32
        %dma_wait3A_982 = arith.constant 0 : i32
        %dma_wait3A_983 = tpu.memref_slice %arg7[%dma_wait3A_962, %dma_wait3A_979, %dma_wait3A_980, %dma_wait3A_981, %dma_wait3A_982] : memref<3x4x4x8x128xf32, #tpu.memory_space<vmem>> -> memref<1x4x4x8x128xf32, #tpu.memory_space<vmem>>
        %dma_wait3A_984 = tpu.memref_squeeze %dma_wait3A_983 : memref<1x4x4x8x128xf32, #tpu.memory_space<vmem>> -> memref<4x4x8x128xf32, #tpu.memory_space<vmem>>
        tpu.wait_dma2 semaphore(%arg12 : memref<!tpu.dma_semaphore, #tpu.memory_space<semaphore_mem>>) src(%dma_wait3A_984 : memref<4x4x8x128xf32, #tpu.memory_space<vmem>>) dst(%dma_wait3A_978 : memref<4x4x8x128xf32, #tpu.memory_space<hbm>>)
      } else {
      }
      %parallel_loop3A_707 = arith.constant 0 : i32
      %parallel_loop3A_708 = arith.constant 256 : i32
      %parallel_loop3A_709 = arith.constant 1 : i32
      %parallel_loop3A_710 = arith.constant 1 : i32
      %parallel_loop3A_711 = arith.constant 1 : i32
      scf.for %parallel_loop3A_918 = %parallel_loop3A_707 to %parallel_loop3A_708 step %parallel_loop3A_709  : i32 {
        %parallel_loop3A_919 = arith.constant 5 : i32
        %parallel_loop3A_920 = arith.shrui %parallel_loop3A_918, %parallel_loop3A_919 : i32
        %parallel_loop3A_921 = arith.constant 4 : i32
        %parallel_loop3A_922 = arith.shli %parallel_loop3A_920, %parallel_loop3A_921 : i32
        %parallel_loop3A_923 = arith.constant 31 : i32
        %parallel_loop3A_924 = arith.andi %parallel_loop3A_918, %parallel_loop3A_923 : i32
        %parallel_loop3A_925 = arith.constant 0 : i32
        %parallel_loop3A_926 = arith.addi %parallel_loop3A_925, %parallel_loop3A_922 : i32
        %parallel_loop3A_927 = vector.broadcast %parallel_loop3A_926 : i32 to vector<16xi32>
        %parallel_loop3A_928 = arith.addi %parallel_loop3A_927, %iota3A : vector<16xi32>
        %parallel_loop3A_929 = vector.broadcast %parallel_loop3A_924 : i32 to vector<16xi32>
        %parallel_loop3A_930 = arith.addi %parallel_loop3A_929, %iota3A : vector<16xi32>
        %parallel_loop3A_931 = arith.constant 31 : i32
        %parallel_loop3A_932 = vector.broadcast %parallel_loop3A_931 : i32 to vector<16xi32>
        %parallel_loop3A_933 = arith.andi %parallel_loop3A_930, %parallel_loop3A_932 : vector<16xi32>
        %parallel_loop3A_934 = arith.constant 0 : i32
        %parallel_loop3A_935 = arith.constant 0 : i32
        %parallel_loop3A_936 = tpu.memref_slice %arg6[%parallel_loop3A_710, %parallel_loop3A_934, %parallel_loop3A_935] : memref<3x512x32xf32, #tpu.memory_space<vmem>> -> memref<1x512x32xf32, #tpu.memory_space<vmem>>
        %parallel_loop3A_937 = tpu.memref_squeeze %parallel_loop3A_936 : memref<1x512x32xf32, #tpu.memory_space<vmem>> -> memref<512x32xf32, #tpu.memory_space<vmem>>
        %parallel_loop3A_938 = tpu.vector_load_idx %parallel_loop3A_937[%parallel_loop3A_928, %parallel_loop3A_933] : memref<512x32xf32, #tpu.memory_space<vmem>>[vector<16xi32>, vector<16xi32>], vector<16xf32>,
        %parallel_loop3A_939 = arith.constant 3 : i32
        %parallel_loop3A_940 = vector.broadcast %parallel_loop3A_939 : i32 to vector<16xi32>
        %parallel_loop3A_941 = arith.shrui %parallel_loop3A_933, %parallel_loop3A_940 : vector<16xi32>
        %parallel_loop3A_942 = arith.constant 0 : i32
        %parallel_loop3A_943 = vector.broadcast %parallel_loop3A_942 : i32 to vector<16xi32>
        %parallel_loop3A_944 = arith.constant 7 : i32
        %parallel_loop3A_945 = vector.broadcast %parallel_loop3A_944 : i32 to vector<16xi32>
        %parallel_loop3A_946 = arith.andi %parallel_loop3A_933, %parallel_loop3A_945 : vector<16xi32>
        %parallel_loop3A_947 = vector.broadcast %parallel_loop3A_922 : i32 to vector<16xi32>
        %parallel_loop3A_948 = arith.addi %parallel_loop3A_947, %iota3A : vector<16xi32>
        %parallel_loop3A_949 = arith.constant 0 : i32
        %parallel_loop3A_950 = arith.constant 0 : i32
        %parallel_loop3A_951 = arith.constant 0 : i32
        %parallel_loop3A_952 = arith.constant 0 : i32
        %parallel_loop3A_953 = tpu.memref_slice %arg7[%parallel_loop3A_711, %parallel_loop3A_949, %parallel_loop3A_950, %parallel_loop3A_951, %parallel_loop3A_952] : memref<3x4x4x8x128xf32, #tpu.memory_space<vmem>> -> memref<1x4x4x8x128xf32, #tpu.memory_space<vmem>>
        %parallel_loop3A_954 = tpu.memref_squeeze %parallel_loop3A_953 : memref<1x4x4x8x128xf32, #tpu.memory_space<vmem>> -> memref<4x4x8x128xf32, #tpu.memory_space<vmem>>
        tpu.vector_store_idx %parallel_loop3A_954[%parallel_loop3A_941, %parallel_loop3A_943, %parallel_loop3A_946, %parallel_loop3A_948], %parallel_loop3A_938 : memref<4x4x8x128xf32, #tpu.memory_space<vmem>>[vector<16xi32>, vector<16xi32>, vector<16xi32>, vector<16xi32>], vector<16xf32>,
      } {sc.loop_unroll_factor = 8 : i64, sc.parallel_access}
      %parallel_loop3A_712 = arith.constant 0 : i32
      %parallel_loop3A_713 = arith.constant 256 : i32
      %parallel_loop3A_714 = arith.constant 1 : i32
      %parallel_loop3A_715 = arith.constant 1 : i32
      %parallel_loop3A_716 = arith.constant 1 : i32
      scf.for %parallel_loop3A_918 = %parallel_loop3A_712 to %parallel_loop3A_713 step %parallel_loop3A_714  : i32 {
        %parallel_loop3A_919 = arith.constant 5 : i32
        %parallel_loop3A_920 = arith.shrui %parallel_loop3A_918, %parallel_loop3A_919 : i32
        %parallel_loop3A_921 = arith.constant 4 : i32
        %parallel_loop3A_922 = arith.shli %parallel_loop3A_920, %parallel_loop3A_921 : i32
        %parallel_loop3A_923 = arith.constant 31 : i32
        %parallel_loop3A_924 = arith.andi %parallel_loop3A_918, %parallel_loop3A_923 : i32
        %parallel_loop3A_925 = arith.constant 128 : i32
        %parallel_loop3A_926 = arith.addi %parallel_loop3A_925, %parallel_loop3A_922 : i32
        %parallel_loop3A_927 = vector.broadcast %parallel_loop3A_926 : i32 to vector<16xi32>
        %parallel_loop3A_928 = arith.addi %parallel_loop3A_927, %iota3A : vector<16xi32>
        %parallel_loop3A_929 = vector.broadcast %parallel_loop3A_924 : i32 to vector<16xi32>
        %parallel_loop3A_930 = arith.addi %parallel_loop3A_929, %iota3A : vector<16xi32>
        %parallel_loop3A_931 = arith.constant 31 : i32
        %parallel_loop3A_932 = vector.broadcast %parallel_loop3A_931 : i32 to vector<16xi32>
        %parallel_loop3A_933 = arith.andi %parallel_loop3A_930, %parallel_loop3A_932 : vector<16xi32>
        %parallel_loop3A_934 = arith.constant 0 : i32
        %parallel_loop3A_935 = arith.constant 0 : i32
        %parallel_loop3A_936 = tpu.memref_slice %arg6[%parallel_loop3A_715, %parallel_loop3A_934, %parallel_loop3A_935] : memref<3x512x32xf32, #tpu.memory_space<vmem>> -> memref<1x512x32xf32, #tpu.memory_space<vmem>>
        %parallel_loop3A_937 = tpu.memref_squeeze %parallel_loop3A_936 : memref<1x512x32xf32, #tpu.memory_space<vmem>> -> memref<512x32xf32, #tpu.memory_space<vmem>>
        %parallel_loop3A_938 = tpu.vector_load_idx %parallel_loop3A_937[%parallel_loop3A_928, %parallel_loop3A_933] : memref<512x32xf32, #tpu.memory_space<vmem>>[vector<16xi32>, vector<16xi32>], vector<16xf32>,
        %parallel_loop3A_939 = arith.constant 3 : i32
        %parallel_loop3A_940 = vector.broadcast %parallel_loop3A_939 : i32 to vector<16xi32>
        %parallel_loop3A_941 = arith.shrui %parallel_loop3A_933, %parallel_loop3A_940 : vector<16xi32>
        %parallel_loop3A_942 = arith.constant 1 : i32
        %parallel_loop3A_943 = vector.broadcast %parallel_loop3A_942 : i32 to vector<16xi32>
        %parallel_loop3A_944 = arith.constant 7 : i32
        %parallel_loop3A_945 = vector.broadcast %parallel_loop3A_944 : i32 to vector<16xi32>
        %parallel_loop3A_946 = arith.andi %parallel_loop3A_933, %parallel_loop3A_945 : vector<16xi32>
        %parallel_loop3A_947 = vector.broadcast %parallel_loop3A_922 : i32 to vector<16xi32>
        %parallel_loop3A_948 = arith.addi %parallel_loop3A_947, %iota3A : vector<16xi32>
        %parallel_loop3A_949 = arith.constant 0 : i32
        %parallel_loop3A_950 = arith.constant 0 : i32
        %parallel_loop3A_951 = arith.constant 0 : i32
        %parallel_loop3A_952 = arith.constant 0 : i32
        %parallel_loop3A_953 = tpu.memref_slice %arg7[%parallel_loop3A_716, %parallel_loop3A_949, %parallel_loop3A_950, %parallel_loop3A_951, %parallel_loop3A_952] : memref<3x4x4x8x128xf32, #tpu.memory_space<vmem>> -> memref<1x4x4x8x128xf32, #tpu.memory_space<vmem>>
        %parallel_loop3A_954 = tpu.memref_squeeze %parallel_loop3A_953 : memref<1x4x4x8x128xf32, #tpu.memory_space<vmem>> -> memref<4x4x8x128xf32, #tpu.memory_space<vmem>>
        tpu.vector_store_idx %parallel_loop3A_954[%parallel_loop3A_941, %parallel_loop3A_943, %parallel_loop3A_946, %parallel_loop3A_948], %parallel_loop3A_938 : memref<4x4x8x128xf32, #tpu.memory_space<vmem>>[vector<16xi32>, vector<16xi32>, vector<16xi32>, vector<16xi32>], vector<16xf32>,
      } {sc.loop_unroll_factor = 8 : i64, sc.parallel_access}
      %parallel_loop3A_717 = arith.constant 0 : i32
      %parallel_loop3A_718 = arith.constant 256 : i32
      %parallel_loop3A_719 = arith.constant 1 : i32
      %parallel_loop3A_720 = arith.constant 1 : i32
      %parallel_loop3A_721 = arith.constant 1 : i32
      scf.for %parallel_loop3A_918 = %parallel_loop3A_717 to %parallel_loop3A_718 step %parallel_loop3A_719  : i32 {
        %parallel_loop3A_919 = arith.constant 5 : i32
        %parallel_loop3A_920 = arith.shrui %parallel_loop3A_918, %parallel_loop3A_919 : i32
        %parallel_loop3A_921 = arith.constant 4 : i32
        %parallel_loop3A_922 = arith.shli %parallel_loop3A_920, %parallel_loop3A_921 : i32
        %parallel_loop3A_923 = arith.constant 31 : i32
        %parallel_loop3A_924 = arith.andi %parallel_loop3A_918, %parallel_loop3A_923 : i32
        %parallel_loop3A_925 = arith.constant 256 : i32
        %parallel_loop3A_926 = arith.addi %parallel_loop3A_925, %parallel_loop3A_922 : i32
        %parallel_loop3A_927 = vector.broadcast %parallel_loop3A_926 : i32 to vector<16xi32>
        %parallel_loop3A_928 = arith.addi %parallel_loop3A_927, %iota3A : vector<16xi32>
        %parallel_loop3A_929 = vector.broadcast %parallel_loop3A_924 : i32 to vector<16xi32>
        %parallel_loop3A_930 = arith.addi %parallel_loop3A_929, %iota3A : vector<16xi32>
        %parallel_loop3A_931 = arith.constant 31 : i32
        %parallel_loop3A_932 = vector.broadcast %parallel_loop3A_931 : i32 to vector<16xi32>
        %parallel_loop3A_933 = arith.andi %parallel_loop3A_930, %parallel_loop3A_932 : vector<16xi32>
        %parallel_loop3A_934 = arith.constant 0 : i32
        %parallel_loop3A_935 = arith.constant 0 : i32
        %parallel_loop3A_936 = tpu.memref_slice %arg6[%parallel_loop3A_720, %parallel_loop3A_934, %parallel_loop3A_935] : memref<3x512x32xf32, #tpu.memory_space<vmem>> -> memref<1x512x32xf32, #tpu.memory_space<vmem>>
        %parallel_loop3A_937 = tpu.memref_squeeze %parallel_loop3A_936 : memref<1x512x32xf32, #tpu.memory_space<vmem>> -> memref<512x32xf32, #tpu.memory_space<vmem>>
        %parallel_loop3A_938 = tpu.vector_load_idx %parallel_loop3A_937[%parallel_loop3A_928, %parallel_loop3A_933] : memref<512x32xf32, #tpu.memory_space<vmem>>[vector<16xi32>, vector<16xi32>], vector<16xf32>,
        %parallel_loop3A_939 = arith.constant 3 : i32
        %parallel_loop3A_940 = vector.broadcast %parallel_loop3A_939 : i32 to vector<16xi32>
        %parallel_loop3A_941 = arith.shrui %parallel_loop3A_933, %parallel_loop3A_940 : vector<16xi32>
        %parallel_loop3A_942 = arith.constant 2 : i32
        %parallel_loop3A_943 = vector.broadcast %parallel_loop3A_942 : i32 to vector<16xi32>
        %parallel_loop3A_944 = arith.constant 7 : i32
        %parallel_loop3A_945 = vector.broadcast %parallel_loop3A_944 : i32 to vector<16xi32>
        %parallel_loop3A_946 = arith.andi %parallel_loop3A_933, %parallel_loop3A_945 : vector<16xi32>
        %parallel_loop3A_947 = vector.broadcast %parallel_loop3A_922 : i32 to vector<16xi32>
        %parallel_loop3A_948 = arith.addi %parallel_loop3A_947, %iota3A : vector<16xi32>
        %parallel_loop3A_949 = arith.constant 0 : i32
        %parallel_loop3A_950 = arith.constant 0 : i32
        %parallel_loop3A_951 = arith.constant 0 : i32
        %parallel_loop3A_952 = arith.constant 0 : i32
        %parallel_loop3A_953 = tpu.memref_slice %arg7[%parallel_loop3A_721, %parallel_loop3A_949, %parallel_loop3A_950, %parallel_loop3A_951, %parallel_loop3A_952] : memref<3x4x4x8x128xf32, #tpu.memory_space<vmem>> -> memref<1x4x4x8x128xf32, #tpu.memory_space<vmem>>
        %parallel_loop3A_954 = tpu.memref_squeeze %parallel_loop3A_953 : memref<1x4x4x8x128xf32, #tpu.memory_space<vmem>> -> memref<4x4x8x128xf32, #tpu.memory_space<vmem>>
        tpu.vector_store_idx %parallel_loop3A_954[%parallel_loop3A_941, %parallel_loop3A_943, %parallel_loop3A_946, %parallel_loop3A_948], %parallel_loop3A_938 : memref<4x4x8x128xf32, #tpu.memory_space<vmem>>[vector<16xi32>, vector<16xi32>, vector<16xi32>, vector<16xi32>], vector<16xf32>,
      } {sc.loop_unroll_factor = 8 : i64, sc.parallel_access}
      %parallel_loop3A_722 = arith.constant 0 : i32
      %parallel_loop3A_723 = arith.constant 256 : i32
      %parallel_loop3A_724 = arith.constant 1 : i32
      %parallel_loop3A_725 = arith.constant 1 : i32
      %parallel_loop3A_726 = arith.constant 1 : i32
      scf.for %parallel_loop3A_918 = %parallel_loop3A_722 to %parallel_loop3A_723 step %parallel_loop3A_724  : i32 {
        %parallel_loop3A_919 = arith.constant 5 : i32
        %parallel_loop3A_920 = arith.shrui %parallel_loop3A_918, %parallel_loop3A_919 : i32
        %parallel_loop3A_921 = arith.constant 4 : i32
        %parallel_loop3A_922 = arith.shli %parallel_loop3A_920, %parallel_loop3A_921 : i32
        %parallel_loop3A_923 = arith.constant 31 : i32
        %parallel_loop3A_924 = arith.andi %parallel_loop3A_918, %parallel_loop3A_923 : i32
        %parallel_loop3A_925 = arith.constant 384 : i32
        %parallel_loop3A_926 = arith.addi %parallel_loop3A_925, %parallel_loop3A_922 : i32
        %parallel_loop3A_927 = vector.broadcast %parallel_loop3A_926 : i32 to vector<16xi32>
        %parallel_loop3A_928 = arith.addi %parallel_loop3A_927, %iota3A : vector<16xi32>
        %parallel_loop3A_929 = vector.broadcast %parallel_loop3A_924 : i32 to vector<16xi32>
        %parallel_loop3A_930 = arith.addi %parallel_loop3A_929, %iota3A : vector<16xi32>
        %parallel_loop3A_931 = arith.constant 31 : i32
        %parallel_loop3A_932 = vector.broadcast %parallel_loop3A_931 : i32 to vector<16xi32>
        %parallel_loop3A_933 = arith.andi %parallel_loop3A_930, %parallel_loop3A_932 : vector<16xi32>
        %parallel_loop3A_934 = arith.constant 0 : i32
        %parallel_loop3A_935 = arith.constant 0 : i32
        %parallel_loop3A_936 = tpu.memref_slice %arg6[%parallel_loop3A_725, %parallel_loop3A_934, %parallel_loop3A_935] : memref<3x512x32xf32, #tpu.memory_space<vmem>> -> memref<1x512x32xf32, #tpu.memory_space<vmem>>
        %parallel_loop3A_937 = tpu.memref_squeeze %parallel_loop3A_936 : memref<1x512x32xf32, #tpu.memory_space<vmem>> -> memref<512x32xf32, #tpu.memory_space<vmem>>
        %parallel_loop3A_938 = tpu.vector_load_idx %parallel_loop3A_937[%parallel_loop3A_928, %parallel_loop3A_933] : memref<512x32xf32, #tpu.memory_space<vmem>>[vector<16xi32>, vector<16xi32>], vector<16xf32>,
        %parallel_loop3A_939 = arith.constant 3 : i32
        %parallel_loop3A_940 = vector.broadcast %parallel_loop3A_939 : i32 to vector<16xi32>
        %parallel_loop3A_941 = arith.shrui %parallel_loop3A_933, %parallel_loop3A_940 : vector<16xi32>
        %parallel_loop3A_942 = arith.constant 3 : i32
        %parallel_loop3A_943 = vector.broadcast %parallel_loop3A_942 : i32 to vector<16xi32>
        %parallel_loop3A_944 = arith.constant 7 : i32
        %parallel_loop3A_945 = vector.broadcast %parallel_loop3A_944 : i32 to vector<16xi32>
        %parallel_loop3A_946 = arith.andi %parallel_loop3A_933, %parallel_loop3A_945 : vector<16xi32>
        %parallel_loop3A_947 = vector.broadcast %parallel_loop3A_922 : i32 to vector<16xi32>
        %parallel_loop3A_948 = arith.addi %parallel_loop3A_947, %iota3A : vector<16xi32>
        %parallel_loop3A_949 = arith.constant 0 : i32
        %parallel_loop3A_950 = arith.constant 0 : i32
        %parallel_loop3A_951 = arith.constant 0 : i32
        %parallel_loop3A_952 = arith.constant 0 : i32
        %parallel_loop3A_953 = tpu.memref_slice %arg7[%parallel_loop3A_726, %parallel_loop3A_949, %parallel_loop3A_950, %parallel_loop3A_951, %parallel_loop3A_952] : memref<3x4x4x8x128xf32, #tpu.memory_space<vmem>> -> memref<1x4x4x8x128xf32, #tpu.memory_space<vmem>>
        %parallel_loop3A_954 = tpu.memref_squeeze %parallel_loop3A_953 : memref<1x4x4x8x128xf32, #tpu.memory_space<vmem>> -> memref<4x4x8x128xf32, #tpu.memory_space<vmem>>
        tpu.vector_store_idx %parallel_loop3A_954[%parallel_loop3A_941, %parallel_loop3A_943, %parallel_loop3A_946, %parallel_loop3A_948], %parallel_loop3A_938 : memref<4x4x8x128xf32, #tpu.memory_space<vmem>>[vector<16xi32>, vector<16xi32>, vector<16xi32>, vector<16xi32>], vector<16xf32>,
      } {sc.loop_unroll_factor = 8 : i64, sc.parallel_access}
      %mul3A_727 = arith.constant 104 : i32
      %mul3A_728 = arith.muli %add3A, %mul3A_727 : i32
      %mul3A_729 = arith.constant 4 : i32
      %mul3A_730 = arith.muli %add3A_689, %mul3A_729 : i32
      %add3A_731 = arith.addi %mul3A_728, %mul3A_730 : i32
      %jit3A_732 = arith.constant 128 : i32
      %div3A_733 = arith.divsi %add3A_731, %jit3A_732 : i32
      %sign3A_734 = arith.constant 0 : i32
      %sign3A_735 = arith.cmpi sgt, %add3A_731, %sign3A_734 : i32
      %sign3A_736 = arith.extui %sign3A_735 : i1 to i32
      %sign3A_737 = arith.constant 0 : i32
      %sign3A_738 = arith.cmpi slt, %add3A_731, %sign3A_737 : i32
      %sign3A_739 = arith.extui %sign3A_738 : i1 to i32
      %sign3A_740 = arith.subi %sign3A_736, %sign3A_739 : i32
      %sign3A_741 = arith.constant 0 : i32
      %sign3A_742 = arith.cmpi sgt, %jit3A_732, %sign3A_741 : i32
      %sign3A_743 = arith.extui %sign3A_742 : i1 to i32
      %sign3A_744 = arith.constant 0 : i32
      %sign3A_745 = arith.cmpi slt, %jit3A_732, %sign3A_744 : i32
      %sign3A_746 = arith.extui %sign3A_745 : i1 to i32
      %sign3A_747 = arith.subi %sign3A_743, %sign3A_746 : i32
      %ne3A_748 = arith.cmpi ne, %sign3A_740, %sign3A_747 : i32
      %rem3A_749 = arith.remsi %add3A_731, %jit3A_732 : i32
      %ne3A_750 = arith.constant 0 : i32
      %ne3A_751 = arith.cmpi ne, %rem3A_749, %ne3A_750 : i32
      %and3A_752 = arith.andi %ne3A_748, %ne3A_751 : i1
      %sub3A_753 = arith.constant 1 : i32
      %sub3A_754 = arith.subi %div3A_733, %sub3A_753 : i32
      %select_n3A_755 = arith.select %and3A_752, %sub3A_754, %div3A_733 : i32
      %jit3A_756 = arith.constant 128 : i32
      %eq3A_757 = arith.constant 0 : i32
      %eq3A_758 = arith.cmpi eq, %jit3A_756, %eq3A_757 : i32
      %jit3A_759 = arith.constant 1 : i32
      %select_n3A_760 = arith.select %eq3A_758, %jit3A_759, %jit3A_756 : i32
      %rem3A_761 = arith.remsi %add3A_731, %select_n3A_760 : i32
      %ne3A_762 = arith.constant 0 : i32
      %ne3A_763 = arith.cmpi ne, %rem3A_761, %ne3A_762 : i32
      %lt3A_764 = arith.constant 0 : i32
      %lt3A_765 = arith.cmpi slt, %rem3A_761, %lt3A_764 : i32
      %lt3A_766 = arith.constant 0 : i32
      %lt3A_767 = arith.cmpi slt, %select_n3A_760, %lt3A_766 : i32
      %ne3A_768 = arith.xori %lt3A_765, %lt3A_767 : i1
      %and3A_769 = arith.andi %ne3A_768, %ne3A_763 : i1
      %add3A_770 = arith.addi %rem3A_761, %select_n3A_760 : i32
      %select_n3A_771 = arith.select %and3A_769, %add3A_770, %rem3A_761 : i32
      %dma_start3A_772 = arith.constant 1 : i32
      %dma_start3A_773 = arith.constant 0 : i32
      %dma_start3A_774 = arith.constant 0 : i32
      %dma_start3A_775 = arith.constant 0 : i32
      %dma_start3A_776 = arith.constant 0 : i32
      %dma_start3A_777 = tpu.memref_slice %arg7[%dma_start3A_772, %dma_start3A_773, %dma_start3A_774, %dma_start3A_775, %dma_start3A_776] : memref<3x4x4x8x128xf32, #tpu.memory_space<vmem>> -> memref<1x4x4x8x128xf32, #tpu.memory_space<vmem>>
      %dma_start3A_778 = tpu.memref_squeeze %dma_start3A_777 : memref<1x4x4x8x128xf32, #tpu.memory_space<vmem>> -> memref<4x4x8x128xf32, #tpu.memory_space<vmem>>
      %dma_start3A_779 = arith.constant 0 : i32
      %dma_start3A_780 = arith.constant 0 : i32
      %dma_start3A_781 = arith.constant 0 : i32
      %dma_start3A_782 = tpu.memref_slice %arg4[%select_n3A_755, %dma_start3A_779, %select_n3A_771, %dma_start3A_780, %dma_start3A_781] : memref<26x4x128x8x128xf32, #tpu.memory_space<hbm>> -> memref<1x4x4x8x128xf32, #tpu.memory_space<hbm>>
      %dma_start3A_783 = tpu.memref_squeeze %dma_start3A_782 : memref<1x4x4x8x128xf32, #tpu.memory_space<hbm>> -> memref<4x4x8x128xf32, #tpu.memory_space<hbm>>
      %dma_start3A_784 = arith.constant 0 : i32
      %dma_start3A_785 = arith.constant 0 : i32
      %dma_start3A_786 = arith.constant 0 : i32
      %dma_start3A_787 = tpu.memref_slice %arg4[%select_n3A_755, %dma_start3A_784, %select_n3A_771, %dma_start3A_785, %dma_start3A_786] : memref<26x4x128x8x128xf32, #tpu.memory_space<hbm>> -> memref<1x4x4x8x128xf32, #tpu.memory_space<hbm>>
      %dma_start3A_788 = tpu.memref_squeeze %dma_start3A_787 : memref<1x4x4x8x128xf32, #tpu.memory_space<hbm>> -> memref<4x4x8x128xf32, #tpu.memory_space<hbm>>
      %dma_start3A_789 = arith.constant 0 : i32
      %dma_start3A_790 = arith.constant 0 : i32
      %dma_start3A_791 = arith.constant 0 : i32
      %dma_start3A_792 = arith.constant 0 : i32
      %dma_start3A_793 = tpu.memref_slice %arg7[%dma_start3A_772, %dma_start3A_789, %dma_start3A_790, %dma_start3A_791, %dma_start3A_792] : memref<3x4x4x8x128xf32, #tpu.memory_space<vmem>> -> memref<1x4x4x8x128xf32, #tpu.memory_space<vmem>>
      %dma_start3A_794 = tpu.memref_squeeze %dma_start3A_793 : memref<1x4x4x8x128xf32, #tpu.memory_space<vmem>> -> memref<4x4x8x128xf32, #tpu.memory_space<vmem>>
      tpu.enqueue_dma source(%dma_start3A_794 : memref<4x4x8x128xf32, #tpu.memory_space<vmem>>) target(%dma_start3A_788 : memref<4x4x8x128xf32, #tpu.memory_space<hbm>>) target_semaphore(%arg12 : memref<!tpu.dma_semaphore, #tpu.memory_space<semaphore_mem>>)
      %add3A_795 = arith.constant 3 : i32
      %add3A_796 = arith.addi %add3A_689, %add3A_795 : i32
      %lt3A_797 = arith.constant 26 : i32
      %lt3A_798 = arith.cmpi slt, %add3A_796, %lt3A_797 : i32
      %convert_element_type3A_799 = arith.extui %lt3A_798 : i1 to i32
      %cond3A_800 = arith.constant 0 : i32
      %cond3A_801 = arith.cmpi ne, %convert_element_type3A_799, %cond3A_800 : i32
      scf.if %cond3A_801 {
        %add3A_918 = arith.constant 3 : i32
        %add3A_919 = arith.addi %add3A_689, %add3A_918 : i32
        %mul3A_920 = arith.constant 512 : i32
        %mul3A_921 = arith.muli %add3A_919, %mul3A_920 : i32
        %add3A_922 = arith.addi %mul3A_2, %mul3A_921 : i32
        %run_scoped3A_923 = arith.constant 1 : i32
        "tpu.region"() ({
          %run_scoped3A_936 = tpu.sem_alloc : memref<!tpu.dma_semaphore, #tpu.memory_space<semaphore_mem>>
          %dma_start3A_937 = arith.constant 0 : i32
          %dma_start3A_938 = tpu.memref_slice %arg5[%run_scoped3A_923, %dma_start3A_937] : memref<3x512xi32, #tpu.memory_space<vmem>> -> memref<1x512xi32, #tpu.memory_space<vmem>>
          %dma_start3A_939 = tpu.memref_squeeze %dma_start3A_938 : memref<1x512xi32, #tpu.memory_space<vmem>> -> memref<512xi32, #tpu.memory_space<vmem>>
          %dma_start3A_940 = tpu.memref_slice %arg2[%add3A_922] : memref<425984xi32, #tpu.memory_space<hbm>> -> memref<512xi32, #tpu.memory_space<hbm>>
          %dma_start3A_941 = arith.constant 0 : i32
          %dma_start3A_942 = tpu.memref_slice %arg5[%run_scoped3A_923, %dma_start3A_941] : memref<3x512xi32, #tpu.memory_space<vmem>> -> memref<1x512xi32, #tpu.memory_space<vmem>>
          %dma_start3A_943 = tpu.memref_squeeze %dma_start3A_942 : memref<1x512xi32, #tpu.memory_space<vmem>> -> memref<512xi32, #tpu.memory_space<vmem>>
          %dma_start3A_944 = tpu.memref_slice %arg2[%add3A_922] : memref<425984xi32, #tpu.memory_space<hbm>> -> memref<512xi32, #tpu.memory_space<hbm>>
          tpu.enqueue_dma source(%dma_start3A_944 : memref<512xi32, #tpu.memory_space<hbm>>) target(%dma_start3A_943 : memref<512xi32, #tpu.memory_space<vmem>>) target_semaphore(%run_scoped3A_936 : memref<!tpu.dma_semaphore, #tpu.memory_space<semaphore_mem>>)
          %dma_wait3A_945 = arith.constant 0 : i32
          %dma_wait3A_946 = tpu.memref_slice %arg5[%run_scoped3A_923, %dma_wait3A_945] : memref<3x512xi32, #tpu.memory_space<vmem>> -> memref<1x512xi32, #tpu.memory_space<vmem>>
          %dma_wait3A_947 = tpu.memref_squeeze %dma_wait3A_946 : memref<1x512xi32, #tpu.memory_space<vmem>> -> memref<512xi32, #tpu.memory_space<vmem>>
          %dma_wait3A_948 = tpu.memref_slice %arg2[%add3A_922] : memref<425984xi32, #tpu.memory_space<hbm>> -> memref<512xi32, #tpu.memory_space<hbm>>
          %dma_wait3A_949 = arith.constant 0 : i32
          %dma_wait3A_950 = tpu.memref_slice %arg5[%run_scoped3A_923, %dma_wait3A_949] : memref<3x512xi32, #tpu.memory_space<vmem>> -> memref<1x512xi32, #tpu.memory_space<vmem>>
          %dma_wait3A_951 = tpu.memref_squeeze %dma_wait3A_950 : memref<1x512xi32, #tpu.memory_space<vmem>> -> memref<512xi32, #tpu.memory_space<vmem>>
          %dma_wait3A_952 = tpu.memref_slice %arg2[%add3A_922] : memref<425984xi32, #tpu.memory_space<hbm>> -> memref<512xi32, #tpu.memory_space<hbm>>
          tpu.wait_dma2 semaphore(%run_scoped3A_936 : memref<!tpu.dma_semaphore, #tpu.memory_space<semaphore_mem>>) src(%dma_wait3A_952 : memref<512xi32, #tpu.memory_space<hbm>>) dst(%dma_wait3A_951 : memref<512xi32, #tpu.memory_space<vmem>>)
          tpu.yield
        }) : () -> ()
        %dma_start3A_924 = arith.constant 1 : i32
        %dma_start3A_925 = arith.constant 1 : i32
        %dma_start3A_926 = arith.constant 0 : i32
        %dma_start3A_927 = arith.constant 0 : i32
        %dma_start3A_928 = tpu.memref_slice %arg6[%dma_start3A_925, %dma_start3A_926, %dma_start3A_927] : memref<3x512x32xf32, #tpu.memory_space<vmem>> -> memref<1x512x32xf32, #tpu.memory_space<vmem>>
        %dma_start3A_929 = tpu.memref_squeeze %dma_start3A_928 : memref<1x512x32xf32, #tpu.memory_space<vmem>> -> memref<512x32xf32, #tpu.memory_space<vmem>>
        %dma_start3A_930 = arith.constant 0 : i32
        %dma_start3A_931 = tpu.memref_slice %arg5[%dma_start3A_924, %dma_start3A_930] : memref<3x512xi32, #tpu.memory_space<vmem>> -> memref<1x512xi32, #tpu.memory_space<vmem>>
        %dma_start3A_932 = tpu.memref_squeeze %dma_start3A_931 : memref<1x512xi32, #tpu.memory_space<vmem>> -> memref<512xi32, #tpu.memory_space<vmem>>
        %dma_start3A_933 = arith.constant 0 : i32
        %dma_start3A_934 = arith.constant 0 : i32
        %dma_start3A_935 = tpu.memref_slice %arg3[%dma_start3A_933, %dma_start3A_934] : memref<1000000x32xf32, #tpu.memory_space<hbm>> -> memref<1000000x32xf32, #tpu.memory_space<hbm>>
        tpu.enqueue_indirect_dma source(%dma_start3A_935 : memref<1000000x32xf32, #tpu.memory_space<hbm>>) target(%dma_start3A_929 : memref<512x32xf32, #tpu.memory_space<vmem>>) offsets(%dma_start3A_932 : memref<512xi32, #tpu.memory_space<vmem>>) semaphore(%arg9 : memref<!tpu.dma_semaphore, #tpu.memory_space<semaphore_mem>>)
      } else {
      }
      %mul3A_802 = arith.constant 3 : i32
      %mul3A_803 = arith.muli %scan3A_572, %mul3A_802 : i32
      %add3A_804 = arith.constant 2 : i32
      %add3A_805 = arith.addi %mul3A_803, %add3A_804 : i32
      %dma_wait3A_806 = arith.constant 2 : i32
      %dma_wait3A_807 = arith.constant 2 : i32
      %dma_wait3A_808 = arith.constant 0 : i32
      %dma_wait3A_809 = arith.constant 0 : i32
      %dma_wait3A_810 = tpu.memref_slice %arg6[%dma_wait3A_807, %dma_wait3A_808, %dma_wait3A_809] : memref<3x512x32xf32, #tpu.memory_space<vmem>> -> memref<1x512x32xf32, #tpu.memory_space<vmem>>
      %dma_wait3A_811 = tpu.memref_squeeze %dma_wait3A_810 : memref<1x512x32xf32, #tpu.memory_space<vmem>> -> memref<512x32xf32, #tpu.memory_space<vmem>>
      %dma_wait3A_812 = arith.constant 0 : i32
      %dma_wait3A_813 = tpu.memref_slice %arg5[%dma_wait3A_806, %dma_wait3A_812] : memref<3x512xi32, #tpu.memory_space<vmem>> -> memref<1x512xi32, #tpu.memory_space<vmem>>
      %dma_wait3A_814 = tpu.memref_squeeze %dma_wait3A_813 : memref<1x512xi32, #tpu.memory_space<vmem>> -> memref<512xi32, #tpu.memory_space<vmem>>
      %dma_wait3A_815 = arith.constant 0 : i32
      %dma_wait3A_816 = arith.constant 0 : i32
      %dma_wait3A_817 = tpu.memref_slice %arg3[%dma_wait3A_815, %dma_wait3A_816] : memref<1000000x32xf32, #tpu.memory_space<hbm>> -> memref<1000000x32xf32, #tpu.memory_space<hbm>>
      tpu.wait_indirect_dma semaphore(%arg10 : memref<!tpu.dma_semaphore, #tpu.memory_space<semaphore_mem>>) src(%dma_wait3A_817 : memref<1000000x32xf32, #tpu.memory_space<hbm>>) dst(%dma_wait3A_811 : memref<512x32xf32, #tpu.memory_space<vmem>>)
      %ge3A_818 = arith.constant 3 : i32
      %ge3A_819 = arith.cmpi sge, %add3A_805, %ge3A_818 : i32
      %convert_element_type3A_820 = arith.extui %ge3A_819 : i1 to i32
      %cond3A_821 = arith.constant 0 : i32
      %cond3A_822 = arith.cmpi ne, %convert_element_type3A_820, %cond3A_821 : i32
      scf.if %cond3A_822 {
        %mul3A_918 = arith.constant 104 : i32
        %mul3A_919 = arith.muli %add3A, %mul3A_918 : i32
        %add3A_920 = arith.constant 0 : i32
        %add3A_921 = arith.addi %mul3A_919, %add3A_920 : i32
        %jit3A_922 = arith.constant 128 : i32
        %div3A_923 = arith.divsi %add3A_921, %jit3A_922 : i32
        %sign3A_924 = arith.constant 0 : i32
        %sign3A_925 = arith.cmpi sgt, %add3A_921, %sign3A_924 : i32
        %sign3A_926 = arith.extui %sign3A_925 : i1 to i32
        %sign3A_927 = arith.constant 0 : i32
        %sign3A_928 = arith.cmpi slt, %add3A_921, %sign3A_927 : i32
        %sign3A_929 = arith.extui %sign3A_928 : i1 to i32
        %sign3A_930 = arith.subi %sign3A_926, %sign3A_929 : i32
        %sign3A_931 = arith.constant 0 : i32
        %sign3A_932 = arith.cmpi sgt, %jit3A_922, %sign3A_931 : i32
        %sign3A_933 = arith.extui %sign3A_932 : i1 to i32
        %sign3A_934 = arith.constant 0 : i32
        %sign3A_935 = arith.cmpi slt, %jit3A_922, %sign3A_934 : i32
        %sign3A_936 = arith.extui %sign3A_935 : i1 to i32
        %sign3A_937 = arith.subi %sign3A_933, %sign3A_936 : i32
        %ne3A_938 = arith.cmpi ne, %sign3A_930, %sign3A_937 : i32
        %rem3A_939 = arith.remsi %add3A_921, %jit3A_922 : i32
        %ne3A_940 = arith.constant 0 : i32
        %ne3A_941 = arith.cmpi ne, %rem3A_939, %ne3A_940 : i32
        %and3A_942 = arith.andi %ne3A_938, %ne3A_941 : i1
        %sub3A_943 = arith.constant 1 : i32
        %sub3A_944 = arith.subi %div3A_923, %sub3A_943 : i32
        %select_n3A_945 = arith.select %and3A_942, %sub3A_944, %div3A_923 : i32
        %jit3A_946 = arith.constant 128 : i32
        %eq3A_947 = arith.constant 0 : i32
        %eq3A_948 = arith.cmpi eq, %jit3A_946, %eq3A_947 : i32
        %jit3A_949 = arith.constant 1 : i32
        %select_n3A_950 = arith.select %eq3A_948, %jit3A_949, %jit3A_946 : i32
        %rem3A_951 = arith.remsi %add3A_921, %select_n3A_950 : i32
        %ne3A_952 = arith.constant 0 : i32
        %ne3A_953 = arith.cmpi ne, %rem3A_951, %ne3A_952 : i32
        %lt3A_954 = arith.constant 0 : i32
        %lt3A_955 = arith.cmpi slt, %rem3A_951, %lt3A_954 : i32
        %lt3A_956 = arith.constant 0 : i32
        %lt3A_957 = arith.cmpi slt, %select_n3A_950, %lt3A_956 : i32
        %ne3A_958 = arith.xori %lt3A_955, %lt3A_957 : i1
        %and3A_959 = arith.andi %ne3A_958, %ne3A_953 : i1
        %add3A_960 = arith.addi %rem3A_951, %select_n3A_950 : i32
        %select_n3A_961 = arith.select %and3A_959, %add3A_960, %rem3A_951 : i32
        %dma_wait3A_962 = arith.constant 2 : i32
        %dma_wait3A_963 = arith.constant 0 : i32
        %dma_wait3A_964 = arith.constant 0 : i32
        %dma_wait3A_965 = arith.constant 0 : i32
        %dma_wait3A_966 = arith.constant 0 : i32
        %dma_wait3A_967 = tpu.memref_slice %arg7[%dma_wait3A_962, %dma_wait3A_963, %dma_wait3A_964, %dma_wait3A_965, %dma_wait3A_966] : memref<3x4x4x8x128xf32, #tpu.memory_space<vmem>> -> memref<1x4x4x8x128xf32, #tpu.memory_space<vmem>>
        %dma_wait3A_968 = tpu.memref_squeeze %dma_wait3A_967 : memref<1x4x4x8x128xf32, #tpu.memory_space<vmem>> -> memref<4x4x8x128xf32, #tpu.memory_space<vmem>>
        %dma_wait3A_969 = arith.constant 0 : i32
        %dma_wait3A_970 = arith.constant 0 : i32
        %dma_wait3A_971 = arith.constant 0 : i32
        %dma_wait3A_972 = tpu.memref_slice %arg4[%select_n3A_945, %dma_wait3A_969, %select_n3A_961, %dma_wait3A_970, %dma_wait3A_971] : memref<26x4x128x8x128xf32, #tpu.memory_space<hbm>> -> memref<1x4x4x8x128xf32, #tpu.memory_space<hbm>>
        %dma_wait3A_973 = tpu.memref_squeeze %dma_wait3A_972 : memref<1x4x4x8x128xf32, #tpu.memory_space<hbm>> -> memref<4x4x8x128xf32, #tpu.memory_space<hbm>>
        %dma_wait3A_974 = arith.constant 0 : i32
        %dma_wait3A_975 = arith.constant 0 : i32
        %dma_wait3A_976 = arith.constant 0 : i32
        %dma_wait3A_977 = tpu.memref_slice %arg4[%select_n3A_945, %dma_wait3A_974, %select_n3A_961, %dma_wait3A_975, %dma_wait3A_976] : memref<26x4x128x8x128xf32, #tpu.memory_space<hbm>> -> memref<1x4x4x8x128xf32, #tpu.memory_space<hbm>>
        %dma_wait3A_978 = tpu.memref_squeeze %dma_wait3A_977 : memref<1x4x4x8x128xf32, #tpu.memory_space<hbm>> -> memref<4x4x8x128xf32, #tpu.memory_space<hbm>>
        %dma_wait3A_979 = arith.constant 0 : i32
        %dma_wait3A_980 = arith.constant 0 : i32
        %dma_wait3A_981 = arith.constant 0 : i32
        %dma_wait3A_982 = arith.constant 0 : i32
        %dma_wait3A_983 = tpu.memref_slice %arg7[%dma_wait3A_962, %dma_wait3A_979, %dma_wait3A_980, %dma_wait3A_981, %dma_wait3A_982] : memref<3x4x4x8x128xf32, #tpu.memory_space<vmem>> -> memref<1x4x4x8x128xf32, #tpu.memory_space<vmem>>
        %dma_wait3A_984 = tpu.memref_squeeze %dma_wait3A_983 : memref<1x4x4x8x128xf32, #tpu.memory_space<vmem>> -> memref<4x4x8x128xf32, #tpu.memory_space<vmem>>
        tpu.wait_dma2 semaphore(%arg13 : memref<!tpu.dma_semaphore, #tpu.memory_space<semaphore_mem>>) src(%dma_wait3A_984 : memref<4x4x8x128xf32, #tpu.memory_space<vmem>>) dst(%dma_wait3A_978 : memref<4x4x8x128xf32, #tpu.memory_space<hbm>>)
      } else {
      }
      %parallel_loop3A_823 = arith.constant 0 : i32
      %parallel_loop3A_824 = arith.constant 256 : i32
      %parallel_loop3A_825 = arith.constant 1 : i32
      %parallel_loop3A_826 = arith.constant 2 : i32
      %parallel_loop3A_827 = arith.constant 2 : i32
      scf.for %parallel_loop3A_918 = %parallel_loop3A_823 to %parallel_loop3A_824 step %parallel_loop3A_825  : i32 {
        %parallel_loop3A_919 = arith.constant 5 : i32
        %parallel_loop3A_920 = arith.shrui %parallel_loop3A_918, %parallel_loop3A_919 : i32
        %parallel_loop3A_921 = arith.constant 4 : i32
        %parallel_loop3A_922 = arith.shli %parallel_loop3A_920, %parallel_loop3A_921 : i32
        %parallel_loop3A_923 = arith.constant 31 : i32
        %parallel_loop3A_924 = arith.andi %parallel_loop3A_918, %parallel_loop3A_923 : i32
        %parallel_loop3A_925 = arith.constant 0 : i32
        %parallel_loop3A_926 = arith.addi %parallel_loop3A_925, %parallel_loop3A_922 : i32
        %parallel_loop3A_927 = vector.broadcast %parallel_loop3A_926 : i32 to vector<16xi32>
        %parallel_loop3A_928 = arith.addi %parallel_loop3A_927, %iota3A : vector<16xi32>
        %parallel_loop3A_929 = vector.broadcast %parallel_loop3A_924 : i32 to vector<16xi32>
        %parallel_loop3A_930 = arith.addi %parallel_loop3A_929, %iota3A : vector<16xi32>
        %parallel_loop3A_931 = arith.constant 31 : i32
        %parallel_loop3A_932 = vector.broadcast %parallel_loop3A_931 : i32 to vector<16xi32>
        %parallel_loop3A_933 = arith.andi %parallel_loop3A_930, %parallel_loop3A_932 : vector<16xi32>
        %parallel_loop3A_934 = arith.constant 0 : i32
        %parallel_loop3A_935 = arith.constant 0 : i32
        %parallel_loop3A_936 = tpu.memref_slice %arg6[%parallel_loop3A_826, %parallel_loop3A_934, %parallel_loop3A_935] : memref<3x512x32xf32, #tpu.memory_space<vmem>> -> memref<1x512x32xf32, #tpu.memory_space<vmem>>
        %parallel_loop3A_937 = tpu.memref_squeeze %parallel_loop3A_936 : memref<1x512x32xf32, #tpu.memory_space<vmem>> -> memref<512x32xf32, #tpu.memory_space<vmem>>
        %parallel_loop3A_938 = tpu.vector_load_idx %parallel_loop3A_937[%parallel_loop3A_928, %parallel_loop3A_933] : memref<512x32xf32, #tpu.memory_space<vmem>>[vector<16xi32>, vector<16xi32>], vector<16xf32>,
        %parallel_loop3A_939 = arith.constant 3 : i32
        %parallel_loop3A_940 = vector.broadcast %parallel_loop3A_939 : i32 to vector<16xi32>
        %parallel_loop3A_941 = arith.shrui %parallel_loop3A_933, %parallel_loop3A_940 : vector<16xi32>
        %parallel_loop3A_942 = arith.constant 0 : i32
        %parallel_loop3A_943 = vector.broadcast %parallel_loop3A_942 : i32 to vector<16xi32>
        %parallel_loop3A_944 = arith.constant 7 : i32
        %parallel_loop3A_945 = vector.broadcast %parallel_loop3A_944 : i32 to vector<16xi32>
        %parallel_loop3A_946 = arith.andi %parallel_loop3A_933, %parallel_loop3A_945 : vector<16xi32>
        %parallel_loop3A_947 = vector.broadcast %parallel_loop3A_922 : i32 to vector<16xi32>
        %parallel_loop3A_948 = arith.addi %parallel_loop3A_947, %iota3A : vector<16xi32>
        %parallel_loop3A_949 = arith.constant 0 : i32
        %parallel_loop3A_950 = arith.constant 0 : i32
        %parallel_loop3A_951 = arith.constant 0 : i32
        %parallel_loop3A_952 = arith.constant 0 : i32
        %parallel_loop3A_953 = tpu.memref_slice %arg7[%parallel_loop3A_827, %parallel_loop3A_949, %parallel_loop3A_950, %parallel_loop3A_951, %parallel_loop3A_952] : memref<3x4x4x8x128xf32, #tpu.memory_space<vmem>> -> memref<1x4x4x8x128xf32, #tpu.memory_space<vmem>>
        %parallel_loop3A_954 = tpu.memref_squeeze %parallel_loop3A_953 : memref<1x4x4x8x128xf32, #tpu.memory_space<vmem>> -> memref<4x4x8x128xf32, #tpu.memory_space<vmem>>
        tpu.vector_store_idx %parallel_loop3A_954[%parallel_loop3A_941, %parallel_loop3A_943, %parallel_loop3A_946, %parallel_loop3A_948], %parallel_loop3A_938 : memref<4x4x8x128xf32, #tpu.memory_space<vmem>>[vector<16xi32>, vector<16xi32>, vector<16xi32>, vector<16xi32>], vector<16xf32>,
      } {sc.loop_unroll_factor = 8 : i64, sc.parallel_access}
      %parallel_loop3A_828 = arith.constant 0 : i32
      %parallel_loop3A_829 = arith.constant 256 : i32
      %parallel_loop3A_830 = arith.constant 1 : i32
      %parallel_loop3A_831 = arith.constant 2 : i32
      %parallel_loop3A_832 = arith.constant 2 : i32
      scf.for %parallel_loop3A_918 = %parallel_loop3A_828 to %parallel_loop3A_829 step %parallel_loop3A_830  : i32 {
        %parallel_loop3A_919 = arith.constant 5 : i32
        %parallel_loop3A_920 = arith.shrui %parallel_loop3A_918, %parallel_loop3A_919 : i32
        %parallel_loop3A_921 = arith.constant 4 : i32
        %parallel_loop3A_922 = arith.shli %parallel_loop3A_920, %parallel_loop3A_921 : i32
        %parallel_loop3A_923 = arith.constant 31 : i32
        %parallel_loop3A_924 = arith.andi %parallel_loop3A_918, %parallel_loop3A_923 : i32
        %parallel_loop3A_925 = arith.constant 128 : i32
        %parallel_loop3A_926 = arith.addi %parallel_loop3A_925, %parallel_loop3A_922 : i32
        %parallel_loop3A_927 = vector.broadcast %parallel_loop3A_926 : i32 to vector<16xi32>
        %parallel_loop3A_928 = arith.addi %parallel_loop3A_927, %iota3A : vector<16xi32>
        %parallel_loop3A_929 = vector.broadcast %parallel_loop3A_924 : i32 to vector<16xi32>
        %parallel_loop3A_930 = arith.addi %parallel_loop3A_929, %iota3A : vector<16xi32>
        %parallel_loop3A_931 = arith.constant 31 : i32
        %parallel_loop3A_932 = vector.broadcast %parallel_loop3A_931 : i32 to vector<16xi32>
        %parallel_loop3A_933 = arith.andi %parallel_loop3A_930, %parallel_loop3A_932 : vector<16xi32>
        %parallel_loop3A_934 = arith.constant 0 : i32
        %parallel_loop3A_935 = arith.constant 0 : i32
        %parallel_loop3A_936 = tpu.memref_slice %arg6[%parallel_loop3A_831, %parallel_loop3A_934, %parallel_loop3A_935] : memref<3x512x32xf32, #tpu.memory_space<vmem>> -> memref<1x512x32xf32, #tpu.memory_space<vmem>>
        %parallel_loop3A_937 = tpu.memref_squeeze %parallel_loop3A_936 : memref<1x512x32xf32, #tpu.memory_space<vmem>> -> memref<512x32xf32, #tpu.memory_space<vmem>>
        %parallel_loop3A_938 = tpu.vector_load_idx %parallel_loop3A_937[%parallel_loop3A_928, %parallel_loop3A_933] : memref<512x32xf32, #tpu.memory_space<vmem>>[vector<16xi32>, vector<16xi32>], vector<16xf32>,
        %parallel_loop3A_939 = arith.constant 3 : i32
        %parallel_loop3A_940 = vector.broadcast %parallel_loop3A_939 : i32 to vector<16xi32>
        %parallel_loop3A_941 = arith.shrui %parallel_loop3A_933, %parallel_loop3A_940 : vector<16xi32>
        %parallel_loop3A_942 = arith.constant 1 : i32
        %parallel_loop3A_943 = vector.broadcast %parallel_loop3A_942 : i32 to vector<16xi32>
        %parallel_loop3A_944 = arith.constant 7 : i32
        %parallel_loop3A_945 = vector.broadcast %parallel_loop3A_944 : i32 to vector<16xi32>
        %parallel_loop3A_946 = arith.andi %parallel_loop3A_933, %parallel_loop3A_945 : vector<16xi32>
        %parallel_loop3A_947 = vector.broadcast %parallel_loop3A_922 : i32 to vector<16xi32>
        %parallel_loop3A_948 = arith.addi %parallel_loop3A_947, %iota3A : vector<16xi32>
        %parallel_loop3A_949 = arith.constant 0 : i32
        %parallel_loop3A_950 = arith.constant 0 : i32
        %parallel_loop3A_951 = arith.constant 0 : i32
        %parallel_loop3A_952 = arith.constant 0 : i32
        %parallel_loop3A_953 = tpu.memref_slice %arg7[%parallel_loop3A_832, %parallel_loop3A_949, %parallel_loop3A_950, %parallel_loop3A_951, %parallel_loop3A_952] : memref<3x4x4x8x128xf32, #tpu.memory_space<vmem>> -> memref<1x4x4x8x128xf32, #tpu.memory_space<vmem>>
        %parallel_loop3A_954 = tpu.memref_squeeze %parallel_loop3A_953 : memref<1x4x4x8x128xf32, #tpu.memory_space<vmem>> -> memref<4x4x8x128xf32, #tpu.memory_space<vmem>>
        tpu.vector_store_idx %parallel_loop3A_954[%parallel_loop3A_941, %parallel_loop3A_943, %parallel_loop3A_946, %parallel_loop3A_948], %parallel_loop3A_938 : memref<4x4x8x128xf32, #tpu.memory_space<vmem>>[vector<16xi32>, vector<16xi32>, vector<16xi32>, vector<16xi32>], vector<16xf32>,
      } {sc.loop_unroll_factor = 8 : i64, sc.parallel_access}
      %parallel_loop3A_833 = arith.constant 0 : i32
      %parallel_loop3A_834 = arith.constant 256 : i32
      %parallel_loop3A_835 = arith.constant 1 : i32
      %parallel_loop3A_836 = arith.constant 2 : i32
      %parallel_loop3A_837 = arith.constant 2 : i32
      scf.for %parallel_loop3A_918 = %parallel_loop3A_833 to %parallel_loop3A_834 step %parallel_loop3A_835  : i32 {
        %parallel_loop3A_919 = arith.constant 5 : i32
        %parallel_loop3A_920 = arith.shrui %parallel_loop3A_918, %parallel_loop3A_919 : i32
        %parallel_loop3A_921 = arith.constant 4 : i32
        %parallel_loop3A_922 = arith.shli %parallel_loop3A_920, %parallel_loop3A_921 : i32
        %parallel_loop3A_923 = arith.constant 31 : i32
        %parallel_loop3A_924 = arith.andi %parallel_loop3A_918, %parallel_loop3A_923 : i32
        %parallel_loop3A_925 = arith.constant 256 : i32
        %parallel_loop3A_926 = arith.addi %parallel_loop3A_925, %parallel_loop3A_922 : i32
        %parallel_loop3A_927 = vector.broadcast %parallel_loop3A_926 : i32 to vector<16xi32>
        %parallel_loop3A_928 = arith.addi %parallel_loop3A_927, %iota3A : vector<16xi32>
        %parallel_loop3A_929 = vector.broadcast %parallel_loop3A_924 : i32 to vector<16xi32>
        %parallel_loop3A_930 = arith.addi %parallel_loop3A_929, %iota3A : vector<16xi32>
        %parallel_loop3A_931 = arith.constant 31 : i32
        %parallel_loop3A_932 = vector.broadcast %parallel_loop3A_931 : i32 to vector<16xi32>
        %parallel_loop3A_933 = arith.andi %parallel_loop3A_930, %parallel_loop3A_932 : vector<16xi32>
        %parallel_loop3A_934 = arith.constant 0 : i32
        %parallel_loop3A_935 = arith.constant 0 : i32
        %parallel_loop3A_936 = tpu.memref_slice %arg6[%parallel_loop3A_836, %parallel_loop3A_934, %parallel_loop3A_935] : memref<3x512x32xf32, #tpu.memory_space<vmem>> -> memref<1x512x32xf32, #tpu.memory_space<vmem>>
        %parallel_loop3A_937 = tpu.memref_squeeze %parallel_loop3A_936 : memref<1x512x32xf32, #tpu.memory_space<vmem>> -> memref<512x32xf32, #tpu.memory_space<vmem>>
        %parallel_loop3A_938 = tpu.vector_load_idx %parallel_loop3A_937[%parallel_loop3A_928, %parallel_loop3A_933] : memref<512x32xf32, #tpu.memory_space<vmem>>[vector<16xi32>, vector<16xi32>], vector<16xf32>,
        %parallel_loop3A_939 = arith.constant 3 : i32
        %parallel_loop3A_940 = vector.broadcast %parallel_loop3A_939 : i32 to vector<16xi32>
        %parallel_loop3A_941 = arith.shrui %parallel_loop3A_933, %parallel_loop3A_940 : vector<16xi32>
        %parallel_loop3A_942 = arith.constant 2 : i32
        %parallel_loop3A_943 = vector.broadcast %parallel_loop3A_942 : i32 to vector<16xi32>
        %parallel_loop3A_944 = arith.constant 7 : i32
        %parallel_loop3A_945 = vector.broadcast %parallel_loop3A_944 : i32 to vector<16xi32>
        %parallel_loop3A_946 = arith.andi %parallel_loop3A_933, %parallel_loop3A_945 : vector<16xi32>
        %parallel_loop3A_947 = vector.broadcast %parallel_loop3A_922 : i32 to vector<16xi32>
        %parallel_loop3A_948 = arith.addi %parallel_loop3A_947, %iota3A : vector<16xi32>
        %parallel_loop3A_949 = arith.constant 0 : i32
        %parallel_loop3A_950 = arith.constant 0 : i32
        %parallel_loop3A_951 = arith.constant 0 : i32
        %parallel_loop3A_952 = arith.constant 0 : i32
        %parallel_loop3A_953 = tpu.memref_slice %arg7[%parallel_loop3A_837, %parallel_loop3A_949, %parallel_loop3A_950, %parallel_loop3A_951, %parallel_loop3A_952] : memref<3x4x4x8x128xf32, #tpu.memory_space<vmem>> -> memref<1x4x4x8x128xf32, #tpu.memory_space<vmem>>
        %parallel_loop3A_954 = tpu.memref_squeeze %parallel_loop3A_953 : memref<1x4x4x8x128xf32, #tpu.memory_space<vmem>> -> memref<4x4x8x128xf32, #tpu.memory_space<vmem>>
        tpu.vector_store_idx %parallel_loop3A_954[%parallel_loop3A_941, %parallel_loop3A_943, %parallel_loop3A_946, %parallel_loop3A_948], %parallel_loop3A_938 : memref<4x4x8x128xf32, #tpu.memory_space<vmem>>[vector<16xi32>, vector<16xi32>, vector<16xi32>, vector<16xi32>], vector<16xf32>,
      } {sc.loop_unroll_factor = 8 : i64, sc.parallel_access}
      %parallel_loop3A_838 = arith.constant 0 : i32
      %parallel_loop3A_839 = arith.constant 256 : i32
      %parallel_loop3A_840 = arith.constant 1 : i32
      %parallel_loop3A_841 = arith.constant 2 : i32
      %parallel_loop3A_842 = arith.constant 2 : i32
      scf.for %parallel_loop3A_918 = %parallel_loop3A_838 to %parallel_loop3A_839 step %parallel_loop3A_840  : i32 {
        %parallel_loop3A_919 = arith.constant 5 : i32
        %parallel_loop3A_920 = arith.shrui %parallel_loop3A_918, %parallel_loop3A_919 : i32
        %parallel_loop3A_921 = arith.constant 4 : i32
        %parallel_loop3A_922 = arith.shli %parallel_loop3A_920, %parallel_loop3A_921 : i32
        %parallel_loop3A_923 = arith.constant 31 : i32
        %parallel_loop3A_924 = arith.andi %parallel_loop3A_918, %parallel_loop3A_923 : i32
        %parallel_loop3A_925 = arith.constant 384 : i32
        %parallel_loop3A_926 = arith.addi %parallel_loop3A_925, %parallel_loop3A_922 : i32
        %parallel_loop3A_927 = vector.broadcast %parallel_loop3A_926 : i32 to vector<16xi32>
        %parallel_loop3A_928 = arith.addi %parallel_loop3A_927, %iota3A : vector<16xi32>
        %parallel_loop3A_929 = vector.broadcast %parallel_loop3A_924 : i32 to vector<16xi32>
        %parallel_loop3A_930 = arith.addi %parallel_loop3A_929, %iota3A : vector<16xi32>
        %parallel_loop3A_931 = arith.constant 31 : i32
        %parallel_loop3A_932 = vector.broadcast %parallel_loop3A_931 : i32 to vector<16xi32>
        %parallel_loop3A_933 = arith.andi %parallel_loop3A_930, %parallel_loop3A_932 : vector<16xi32>
        %parallel_loop3A_934 = arith.constant 0 : i32
        %parallel_loop3A_935 = arith.constant 0 : i32
        %parallel_loop3A_936 = tpu.memref_slice %arg6[%parallel_loop3A_841, %parallel_loop3A_934, %parallel_loop3A_935] : memref<3x512x32xf32, #tpu.memory_space<vmem>> -> memref<1x512x32xf32, #tpu.memory_space<vmem>>
        %parallel_loop3A_937 = tpu.memref_squeeze %parallel_loop3A_936 : memref<1x512x32xf32, #tpu.memory_space<vmem>> -> memref<512x32xf32, #tpu.memory_space<vmem>>
        %parallel_loop3A_938 = tpu.vector_load_idx %parallel_loop3A_937[%parallel_loop3A_928, %parallel_loop3A_933] : memref<512x32xf32, #tpu.memory_space<vmem>>[vector<16xi32>, vector<16xi32>], vector<16xf32>,
        %parallel_loop3A_939 = arith.constant 3 : i32
        %parallel_loop3A_940 = vector.broadcast %parallel_loop3A_939 : i32 to vector<16xi32>
        %parallel_loop3A_941 = arith.shrui %parallel_loop3A_933, %parallel_loop3A_940 : vector<16xi32>
        %parallel_loop3A_942 = arith.constant 3 : i32
        %parallel_loop3A_943 = vector.broadcast %parallel_loop3A_942 : i32 to vector<16xi32>
        %parallel_loop3A_944 = arith.constant 7 : i32
        %parallel_loop3A_945 = vector.broadcast %parallel_loop3A_944 : i32 to vector<16xi32>
        %parallel_loop3A_946 = arith.andi %parallel_loop3A_933, %parallel_loop3A_945 : vector<16xi32>
        %parallel_loop3A_947 = vector.broadcast %parallel_loop3A_922 : i32 to vector<16xi32>
        %parallel_loop3A_948 = arith.addi %parallel_loop3A_947, %iota3A : vector<16xi32>
        %parallel_loop3A_949 = arith.constant 0 : i32
        %parallel_loop3A_950 = arith.constant 0 : i32
        %parallel_loop3A_951 = arith.constant 0 : i32
        %parallel_loop3A_952 = arith.constant 0 : i32
        %parallel_loop3A_953 = tpu.memref_slice %arg7[%parallel_loop3A_842, %parallel_loop3A_949, %parallel_loop3A_950, %parallel_loop3A_951, %parallel_loop3A_952] : memref<3x4x4x8x128xf32, #tpu.memory_space<vmem>> -> memref<1x4x4x8x128xf32, #tpu.memory_space<vmem>>
        %parallel_loop3A_954 = tpu.memref_squeeze %parallel_loop3A_953 : memref<1x4x4x8x128xf32, #tpu.memory_space<vmem>> -> memref<4x4x8x128xf32, #tpu.memory_space<vmem>>
        tpu.vector_store_idx %parallel_loop3A_954[%parallel_loop3A_941, %parallel_loop3A_943, %parallel_loop3A_946, %parallel_loop3A_948], %parallel_loop3A_938 : memref<4x4x8x128xf32, #tpu.memory_space<vmem>>[vector<16xi32>, vector<16xi32>, vector<16xi32>, vector<16xi32>], vector<16xf32>,
      } {sc.loop_unroll_factor = 8 : i64, sc.parallel_access}
      %mul3A_843 = arith.constant 104 : i32
      %mul3A_844 = arith.muli %add3A, %mul3A_843 : i32
      %mul3A_845 = arith.constant 4 : i32
      %mul3A_846 = arith.muli %add3A_805, %mul3A_845 : i32
      %add3A_847 = arith.addi %mul3A_844, %mul3A_846 : i32
      %jit3A_848 = arith.constant 128 : i32
      %div3A_849 = arith.divsi %add3A_847, %jit3A_848 : i32
      %sign3A_850 = arith.constant 0 : i32
      %sign3A_851 = arith.cmpi sgt, %add3A_847, %sign3A_850 : i32
      %sign3A_852 = arith.extui %sign3A_851 : i1 to i32
      %sign3A_853 = arith.constant 0 : i32
      %sign3A_854 = arith.cmpi slt, %add3A_847, %sign3A_853 : i32
      %sign3A_855 = arith.extui %sign3A_854 : i1 to i32
      %sign3A_856 = arith.subi %sign3A_852, %sign3A_855 : i32
      %sign3A_857 = arith.constant 0 : i32
      %sign3A_858 = arith.cmpi sgt, %jit3A_848, %sign3A_857 : i32
      %sign3A_859 = arith.extui %sign3A_858 : i1 to i32
      %sign3A_860 = arith.constant 0 : i32
      %sign3A_861 = arith.cmpi slt, %jit3A_848, %sign3A_860 : i32
      %sign3A_862 = arith.extui %sign3A_861 : i1 to i32
      %sign3A_863 = arith.subi %sign3A_859, %sign3A_862 : i32
      %ne3A_864 = arith.cmpi ne, %sign3A_856, %sign3A_863 : i32
      %rem3A_865 = arith.remsi %add3A_847, %jit3A_848 : i32
      %ne3A_866 = arith.constant 0 : i32
      %ne3A_867 = arith.cmpi ne, %rem3A_865, %ne3A_866 : i32
      %and3A_868 = arith.andi %ne3A_864, %ne3A_867 : i1
      %sub3A_869 = arith.constant 1 : i32
      %sub3A_870 = arith.subi %div3A_849, %sub3A_869 : i32
      %select_n3A_871 = arith.select %and3A_868, %sub3A_870, %div3A_849 : i32
      %jit3A_872 = arith.constant 128 : i32
      %eq3A_873 = arith.constant 0 : i32
      %eq3A_874 = arith.cmpi eq, %jit3A_872, %eq3A_873 : i32
      %jit3A_875 = arith.constant 1 : i32
      %select_n3A_876 = arith.select %eq3A_874, %jit3A_875, %jit3A_872 : i32
      %rem3A_877 = arith.remsi %add3A_847, %select_n3A_876 : i32
      %ne3A_878 = arith.constant 0 : i32
      %ne3A_879 = arith.cmpi ne, %rem3A_877, %ne3A_878 : i32
      %lt3A_880 = arith.constant 0 : i32
      %lt3A_881 = arith.cmpi slt, %rem3A_877, %lt3A_880 : i32
      %lt3A_882 = arith.constant 0 : i32
      %lt3A_883 = arith.cmpi slt, %select_n3A_876, %lt3A_882 : i32
      %ne3A_884 = arith.xori %lt3A_881, %lt3A_883 : i1
      %and3A_885 = arith.andi %ne3A_884, %ne3A_879 : i1
      %add3A_886 = arith.addi %rem3A_877, %select_n3A_876 : i32
      %select_n3A_887 = arith.select %and3A_885, %add3A_886, %rem3A_877 : i32
      %dma_start3A_888 = arith.constant 2 : i32
      %dma_start3A_889 = arith.constant 0 : i32
      %dma_start3A_890 = arith.constant 0 : i32
      %dma_start3A_891 = arith.constant 0 : i32
      %dma_start3A_892 = arith.constant 0 : i32
      %dma_start3A_893 = tpu.memref_slice %arg7[%dma_start3A_888, %dma_start3A_889, %dma_start3A_890, %dma_start3A_891, %dma_start3A_892] : memref<3x4x4x8x128xf32, #tpu.memory_space<vmem>> -> memref<1x4x4x8x128xf32, #tpu.memory_space<vmem>>
      %dma_start3A_894 = tpu.memref_squeeze %dma_start3A_893 : memref<1x4x4x8x128xf32, #tpu.memory_space<vmem>> -> memref<4x4x8x128xf32, #tpu.memory_space<vmem>>
      %dma_start3A_895 = arith.constant 0 : i32
      %dma_start3A_896 = arith.constant 0 : i32
      %dma_start3A_897 = arith.constant 0 : i32
      %dma_start3A_898 = tpu.memref_slice %arg4[%select_n3A_871, %dma_start3A_895, %select_n3A_887, %dma_start3A_896, %dma_start3A_897] : memref<26x4x128x8x128xf32, #tpu.memory_space<hbm>> -> memref<1x4x4x8x128xf32, #tpu.memory_space<hbm>>
      %dma_start3A_899 = tpu.memref_squeeze %dma_start3A_898 : memref<1x4x4x8x128xf32, #tpu.memory_space<hbm>> -> memref<4x4x8x128xf32, #tpu.memory_space<hbm>>
      %dma_start3A_900 = arith.constant 0 : i32
      %dma_start3A_901 = arith.constant 0 : i32
      %dma_start3A_902 = arith.constant 0 : i32
      %dma_start3A_903 = tpu.memref_slice %arg4[%select_n3A_871, %dma_start3A_900, %select_n3A_887, %dma_start3A_901, %dma_start3A_902] : memref<26x4x128x8x128xf32, #tpu.memory_space<hbm>> -> memref<1x4x4x8x128xf32, #tpu.memory_space<hbm>>
      %dma_start3A_904 = tpu.memref_squeeze %dma_start3A_903 : memref<1x4x4x8x128xf32, #tpu.memory_space<hbm>> -> memref<4x4x8x128xf32, #tpu.memory_space<hbm>>
      %dma_start3A_905 = arith.constant 0 : i32
      %dma_start3A_906 = arith.constant 0 : i32
      %dma_start3A_907 = arith.constant 0 : i32
      %dma_start3A_908 = arith.constant 0 : i32
      %dma_start3A_909 = tpu.memref_slice %arg7[%dma_start3A_888, %dma_start3A_905, %dma_start3A_906, %dma_start3A_907, %dma_start3A_908] : memref<3x4x4x8x128xf32, #tpu.memory_space<vmem>> -> memref<1x4x4x8x128xf32, #tpu.memory_space<vmem>>
      %dma_start3A_910 = tpu.memref_squeeze %dma_start3A_909 : memref<1x4x4x8x128xf32, #tpu.memory_space<vmem>> -> memref<4x4x8x128xf32, #tpu.memory_space<vmem>>
      tpu.enqueue_dma source(%dma_start3A_910 : memref<4x4x8x128xf32, #tpu.memory_space<vmem>>) target(%dma_start3A_904 : memref<4x4x8x128xf32, #tpu.memory_space<hbm>>) target_semaphore(%arg13 : memref<!tpu.dma_semaphore, #tpu.memory_space<semaphore_mem>>)
      %add3A_911 = arith.constant 3 : i32
      %add3A_912 = arith.addi %add3A_805, %add3A_911 : i32
      %lt3A_913 = arith.constant 26 : i32
      %lt3A_914 = arith.cmpi slt, %add3A_912, %lt3A_913 : i32
      %convert_element_type3A_915 = arith.extui %lt3A_914 : i1 to i32
      %cond3A_916 = arith.constant 0 : i32
      %cond3A_917 = arith.cmpi ne, %convert_element_type3A_915, %cond3A_916 : i32
      scf.if %cond3A_917 {
        %add3A_918 = arith.constant 3 : i32
        %add3A_919 = arith.addi %add3A_805, %add3A_918 : i32
        %mul3A_920 = arith.constant 512 : i32
        %mul3A_921 = arith.muli %add3A_919, %mul3A_920 : i32
        %add3A_922 = arith.addi %mul3A_2, %mul3A_921 : i32
        %run_scoped3A_923 = arith.constant 2 : i32
        "tpu.region"() ({
          %run_scoped3A_936 = tpu.sem_alloc : memref<!tpu.dma_semaphore, #tpu.memory_space<semaphore_mem>>
          %dma_start3A_937 = arith.constant 0 : i32
          %dma_start3A_938 = tpu.memref_slice %arg5[%run_scoped3A_923, %dma_start3A_937] : memref<3x512xi32, #tpu.memory_space<vmem>> -> memref<1x512xi32, #tpu.memory_space<vmem>>
          %dma_start3A_939 = tpu.memref_squeeze %dma_start3A_938 : memref<1x512xi32, #tpu.memory_space<vmem>> -> memref<512xi32, #tpu.memory_space<vmem>>
          %dma_start3A_940 = tpu.memref_slice %arg2[%add3A_922] : memref<425984xi32, #tpu.memory_space<hbm>> -> memref<512xi32, #tpu.memory_space<hbm>>
          %dma_start3A_941 = arith.constant 0 : i32
          %dma_start3A_942 = tpu.memref_slice %arg5[%run_scoped3A_923, %dma_start3A_941] : memref<3x512xi32, #tpu.memory_space<vmem>> -> memref<1x512xi32, #tpu.memory_space<vmem>>
          %dma_start3A_943 = tpu.memref_squeeze %dma_start3A_942 : memref<1x512xi32, #tpu.memory_space<vmem>> -> memref<512xi32, #tpu.memory_space<vmem>>
          %dma_start3A_944 = tpu.memref_slice %arg2[%add3A_922] : memref<425984xi32, #tpu.memory_space<hbm>> -> memref<512xi32, #tpu.memory_space<hbm>>
          tpu.enqueue_dma source(%dma_start3A_944 : memref<512xi32, #tpu.memory_space<hbm>>) target(%dma_start3A_943 : memref<512xi32, #tpu.memory_space<vmem>>) target_semaphore(%run_scoped3A_936 : memref<!tpu.dma_semaphore, #tpu.memory_space<semaphore_mem>>)
          %dma_wait3A_945 = arith.constant 0 : i32
          %dma_wait3A_946 = tpu.memref_slice %arg5[%run_scoped3A_923, %dma_wait3A_945] : memref<3x512xi32, #tpu.memory_space<vmem>> -> memref<1x512xi32, #tpu.memory_space<vmem>>
          %dma_wait3A_947 = tpu.memref_squeeze %dma_wait3A_946 : memref<1x512xi32, #tpu.memory_space<vmem>> -> memref<512xi32, #tpu.memory_space<vmem>>
          %dma_wait3A_948 = tpu.memref_slice %arg2[%add3A_922] : memref<425984xi32, #tpu.memory_space<hbm>> -> memref<512xi32, #tpu.memory_space<hbm>>
          %dma_wait3A_949 = arith.constant 0 : i32
          %dma_wait3A_950 = tpu.memref_slice %arg5[%run_scoped3A_923, %dma_wait3A_949] : memref<3x512xi32, #tpu.memory_space<vmem>> -> memref<1x512xi32, #tpu.memory_space<vmem>>
          %dma_wait3A_951 = tpu.memref_squeeze %dma_wait3A_950 : memref<1x512xi32, #tpu.memory_space<vmem>> -> memref<512xi32, #tpu.memory_space<vmem>>
          %dma_wait3A_952 = tpu.memref_slice %arg2[%add3A_922] : memref<425984xi32, #tpu.memory_space<hbm>> -> memref<512xi32, #tpu.memory_space<hbm>>
          tpu.wait_dma2 semaphore(%run_scoped3A_936 : memref<!tpu.dma_semaphore, #tpu.memory_space<semaphore_mem>>) src(%dma_wait3A_952 : memref<512xi32, #tpu.memory_space<hbm>>) dst(%dma_wait3A_951 : memref<512xi32, #tpu.memory_space<vmem>>)
          tpu.yield
        }) : () -> ()
        %dma_start3A_924 = arith.constant 2 : i32
        %dma_start3A_925 = arith.constant 2 : i32
        %dma_start3A_926 = arith.constant 0 : i32
        %dma_start3A_927 = arith.constant 0 : i32
        %dma_start3A_928 = tpu.memref_slice %arg6[%dma_start3A_925, %dma_start3A_926, %dma_start3A_927] : memref<3x512x32xf32, #tpu.memory_space<vmem>> -> memref<1x512x32xf32, #tpu.memory_space<vmem>>
        %dma_start3A_929 = tpu.memref_squeeze %dma_start3A_928 : memref<1x512x32xf32, #tpu.memory_space<vmem>> -> memref<512x32xf32, #tpu.memory_space<vmem>>
        %dma_start3A_930 = arith.constant 0 : i32
        %dma_start3A_931 = tpu.memref_slice %arg5[%dma_start3A_924, %dma_start3A_930] : memref<3x512xi32, #tpu.memory_space<vmem>> -> memref<1x512xi32, #tpu.memory_space<vmem>>
        %dma_start3A_932 = tpu.memref_squeeze %dma_start3A_931 : memref<1x512xi32, #tpu.memory_space<vmem>> -> memref<512xi32, #tpu.memory_space<vmem>>
        %dma_start3A_933 = arith.constant 0 : i32
        %dma_start3A_934 = arith.constant 0 : i32
        %dma_start3A_935 = tpu.memref_slice %arg3[%dma_start3A_933, %dma_start3A_934] : memref<1000000x32xf32, #tpu.memory_space<hbm>> -> memref<1000000x32xf32, #tpu.memory_space<hbm>>
        tpu.enqueue_indirect_dma source(%dma_start3A_935 : memref<1000000x32xf32, #tpu.memory_space<hbm>>) target(%dma_start3A_929 : memref<512x32xf32, #tpu.memory_space<vmem>>) offsets(%dma_start3A_932 : memref<512xi32, #tpu.memory_space<vmem>>) semaphore(%arg10 : memref<!tpu.dma_semaphore, #tpu.memory_space<semaphore_mem>>)
      } else {
      }
    }
    %scan3A_50 = arith.constant 8 : i32
    %dma_wait3A = arith.constant 0 : i32
    %dma_wait3A_51 = arith.constant 0 : i32
    %dma_wait3A_52 = arith.constant 0 : i32
    %dma_wait3A_53 = arith.constant 0 : i32
    %dma_wait3A_54 = tpu.memref_slice %arg6[%dma_wait3A_51, %dma_wait3A_52, %dma_wait3A_53] : memref<3x512x32xf32, #tpu.memory_space<vmem>> -> memref<1x512x32xf32, #tpu.memory_space<vmem>>
    %dma_wait3A_55 = tpu.memref_squeeze %dma_wait3A_54 : memref<1x512x32xf32, #tpu.memory_space<vmem>> -> memref<512x32xf32, #tpu.memory_space<vmem>>
    %dma_wait3A_56 = arith.constant 0 : i32
    %dma_wait3A_57 = tpu.memref_slice %arg5[%dma_wait3A, %dma_wait3A_56] : memref<3x512xi32, #tpu.memory_space<vmem>> -> memref<1x512xi32, #tpu.memory_space<vmem>>
    %dma_wait3A_58 = tpu.memref_squeeze %dma_wait3A_57 : memref<1x512xi32, #tpu.memory_space<vmem>> -> memref<512xi32, #tpu.memory_space<vmem>>
    %dma_wait3A_59 = arith.constant 0 : i32
    %dma_wait3A_60 = arith.constant 0 : i32
    %dma_wait3A_61 = tpu.memref_slice %arg3[%dma_wait3A_59, %dma_wait3A_60] : memref<1000000x32xf32, #tpu.memory_space<hbm>> -> memref<1000000x32xf32, #tpu.memory_space<hbm>>
    tpu.wait_indirect_dma semaphore(%arg8 : memref<!tpu.dma_semaphore, #tpu.memory_space<semaphore_mem>>) src(%dma_wait3A_61 : memref<1000000x32xf32, #tpu.memory_space<hbm>>) dst(%dma_wait3A_55 : memref<512x32xf32, #tpu.memory_space<vmem>>)
    %mul3A_62 = arith.constant 104 : i32
    %mul3A_63 = arith.muli %add3A, %mul3A_62 : i32
    %add3A_64 = arith.constant 0 : i32
    %add3A_65 = arith.addi %mul3A_63, %add3A_64 : i32
    %jit3A = arith.constant 128 : i32
    %div3A = arith.divsi %add3A_65, %jit3A : i32
    %sign3A = arith.constant 0 : i32
    %sign3A_66 = arith.cmpi sgt, %add3A_65, %sign3A : i32
    %sign3A_67 = arith.extui %sign3A_66 : i1 to i32
    %sign3A_68 = arith.constant 0 : i32
    %sign3A_69 = arith.cmpi slt, %add3A_65, %sign3A_68 : i32
    %sign3A_70 = arith.extui %sign3A_69 : i1 to i32
    %sign3A_71 = arith.subi %sign3A_67, %sign3A_70 : i32
    %sign3A_72 = arith.constant 0 : i32
    %sign3A_73 = arith.cmpi sgt, %jit3A, %sign3A_72 : i32
    %sign3A_74 = arith.extui %sign3A_73 : i1 to i32
    %sign3A_75 = arith.constant 0 : i32
    %sign3A_76 = arith.cmpi slt, %jit3A, %sign3A_75 : i32
    %sign3A_77 = arith.extui %sign3A_76 : i1 to i32
    %sign3A_78 = arith.subi %sign3A_74, %sign3A_77 : i32
    %ne3A = arith.cmpi ne, %sign3A_71, %sign3A_78 : i32
    %rem3A = arith.remsi %add3A_65, %jit3A : i32
    %ne3A_79 = arith.constant 0 : i32
    %ne3A_80 = arith.cmpi ne, %rem3A, %ne3A_79 : i32
    %and3A = arith.andi %ne3A, %ne3A_80 : i1
    %sub3A = arith.constant 1 : i32
    %sub3A_81 = arith.subi %div3A, %sub3A : i32
    %select_n3A = arith.select %and3A, %sub3A_81, %div3A : i32
    %jit3A_82 = arith.constant 128 : i32
    %eq3A = arith.constant 0 : i32
    %eq3A_83 = arith.cmpi eq, %jit3A_82, %eq3A : i32
    %jit3A_84 = arith.constant 1 : i32
    %select_n3A_85 = arith.select %eq3A_83, %jit3A_84, %jit3A_82 : i32
    %rem3A_86 = arith.remsi %add3A_65, %select_n3A_85 : i32
    %ne3A_87 = arith.constant 0 : i32
    %ne3A_88 = arith.cmpi ne, %rem3A_86, %ne3A_87 : i32
    %lt3A = arith.constant 0 : i32
    %lt3A_89 = arith.cmpi slt, %rem3A_86, %lt3A : i32
    %lt3A_90 = arith.constant 0 : i32
    %lt3A_91 = arith.cmpi slt, %select_n3A_85, %lt3A_90 : i32
    %ne3A_92 = arith.xori %lt3A_89, %lt3A_91 : i1
    %and3A_93 = arith.andi %ne3A_92, %ne3A_88 : i1
    %add3A_94 = arith.addi %rem3A_86, %select_n3A_85 : i32
    %select_n3A_95 = arith.select %and3A_93, %add3A_94, %rem3A_86 : i32
    %dma_wait3A_96 = arith.constant 0 : i32
    %dma_wait3A_97 = arith.constant 0 : i32
    %dma_wait3A_98 = arith.constant 0 : i32
    %dma_wait3A_99 = arith.constant 0 : i32
    %dma_wait3A_100 = arith.constant 0 : i32
    %dma_wait3A_101 = tpu.memref_slice %arg7[%dma_wait3A_96, %dma_wait3A_97, %dma_wait3A_98, %dma_wait3A_99, %dma_wait3A_100] : memref<3x4x4x8x128xf32, #tpu.memory_space<vmem>> -> memref<1x4x4x8x128xf32, #tpu.memory_space<vmem>>
    %dma_wait3A_102 = tpu.memref_squeeze %dma_wait3A_101 : memref<1x4x4x8x128xf32, #tpu.memory_space<vmem>> -> memref<4x4x8x128xf32, #tpu.memory_space<vmem>>
    %dma_wait3A_103 = arith.constant 0 : i32
    %dma_wait3A_104 = arith.constant 0 : i32
    %dma_wait3A_105 = arith.constant 0 : i32
    %dma_wait3A_106 = tpu.memref_slice %arg4[%select_n3A, %dma_wait3A_103, %select_n3A_95, %dma_wait3A_104, %dma_wait3A_105] : memref<26x4x128x8x128xf32, #tpu.memory_space<hbm>> -> memref<1x4x4x8x128xf32, #tpu.memory_space<hbm>>
    %dma_wait3A_107 = tpu.memref_squeeze %dma_wait3A_106 : memref<1x4x4x8x128xf32, #tpu.memory_space<hbm>> -> memref<4x4x8x128xf32, #tpu.memory_space<hbm>>
    %dma_wait3A_108 = arith.constant 0 : i32
    %dma_wait3A_109 = arith.constant 0 : i32
    %dma_wait3A_110 = arith.constant 0 : i32
    %dma_wait3A_111 = tpu.memref_slice %arg4[%select_n3A, %dma_wait3A_108, %select_n3A_95, %dma_wait3A_109, %dma_wait3A_110] : memref<26x4x128x8x128xf32, #tpu.memory_space<hbm>> -> memref<1x4x4x8x128xf32, #tpu.memory_space<hbm>>
    %dma_wait3A_112 = tpu.memref_squeeze %dma_wait3A_111 : memref<1x4x4x8x128xf32, #tpu.memory_space<hbm>> -> memref<4x4x8x128xf32, #tpu.memory_space<hbm>>
    %dma_wait3A_113 = arith.constant 0 : i32
    %dma_wait3A_114 = arith.constant 0 : i32
    %dma_wait3A_115 = arith.constant 0 : i32
    %dma_wait3A_116 = arith.constant 0 : i32
    %dma_wait3A_117 = tpu.memref_slice %arg7[%dma_wait3A_96, %dma_wait3A_113, %dma_wait3A_114, %dma_wait3A_115, %dma_wait3A_116] : memref<3x4x4x8x128xf32, #tpu.memory_space<vmem>> -> memref<1x4x4x8x128xf32, #tpu.memory_space<vmem>>
    %dma_wait3A_118 = tpu.memref_squeeze %dma_wait3A_117 : memref<1x4x4x8x128xf32, #tpu.memory_space<vmem>> -> memref<4x4x8x128xf32, #tpu.memory_space<vmem>>
    tpu.wait_dma2 semaphore(%arg11 : memref<!tpu.dma_semaphore, #tpu.memory_space<semaphore_mem>>) src(%dma_wait3A_118 : memref<4x4x8x128xf32, #tpu.memory_space<vmem>>) dst(%dma_wait3A_112 : memref<4x4x8x128xf32, #tpu.memory_space<hbm>>)
    %parallel_loop3A = arith.constant 0 : i32
    %parallel_loop3A_119 = arith.constant 256 : i32
    %parallel_loop3A_120 = arith.constant 1 : i32
    %parallel_loop3A_121 = arith.constant 0 : i32
    %parallel_loop3A_122 = arith.constant 0 : i32
    scf.for %parallel_loop3A_572 = %parallel_loop3A to %parallel_loop3A_119 step %parallel_loop3A_120  : i32 {
      %parallel_loop3A_573 = arith.constant 5 : i32
      %parallel_loop3A_574 = arith.shrui %parallel_loop3A_572, %parallel_loop3A_573 : i32
      %parallel_loop3A_575 = arith.constant 4 : i32
      %parallel_loop3A_576 = arith.shli %parallel_loop3A_574, %parallel_loop3A_575 : i32
      %parallel_loop3A_577 = arith.constant 31 : i32
      %parallel_loop3A_578 = arith.andi %parallel_loop3A_572, %parallel_loop3A_577 : i32
      %parallel_loop3A_579 = arith.constant 0 : i32
      %parallel_loop3A_580 = arith.addi %parallel_loop3A_579, %parallel_loop3A_576 : i32
      %parallel_loop3A_581 = vector.broadcast %parallel_loop3A_580 : i32 to vector<16xi32>
      %parallel_loop3A_582 = arith.addi %parallel_loop3A_581, %iota3A : vector<16xi32>
      %parallel_loop3A_583 = vector.broadcast %parallel_loop3A_578 : i32 to vector<16xi32>
      %parallel_loop3A_584 = arith.addi %parallel_loop3A_583, %iota3A : vector<16xi32>
      %parallel_loop3A_585 = arith.constant 31 : i32
      %parallel_loop3A_586 = vector.broadcast %parallel_loop3A_585 : i32 to vector<16xi32>
      %parallel_loop3A_587 = arith.andi %parallel_loop3A_584, %parallel_loop3A_586 : vector<16xi32>
      %parallel_loop3A_588 = arith.constant 0 : i32
      %parallel_loop3A_589 = arith.constant 0 : i32
      %parallel_loop3A_590 = tpu.memref_slice %arg6[%parallel_loop3A_121, %parallel_loop3A_588, %parallel_loop3A_589] : memref<3x512x32xf32, #tpu.memory_space<vmem>> -> memref<1x512x32xf32, #tpu.memory_space<vmem>>
      %parallel_loop3A_591 = tpu.memref_squeeze %parallel_loop3A_590 : memref<1x512x32xf32, #tpu.memory_space<vmem>> -> memref<512x32xf32, #tpu.memory_space<vmem>>
      %parallel_loop3A_592 = tpu.vector_load_idx %parallel_loop3A_591[%parallel_loop3A_582, %parallel_loop3A_587] : memref<512x32xf32, #tpu.memory_space<vmem>>[vector<16xi32>, vector<16xi32>], vector<16xf32>,
      %parallel_loop3A_593 = arith.constant 3 : i32
      %parallel_loop3A_594 = vector.broadcast %parallel_loop3A_593 : i32 to vector<16xi32>
      %parallel_loop3A_595 = arith.shrui %parallel_loop3A_587, %parallel_loop3A_594 : vector<16xi32>
      %parallel_loop3A_596 = arith.constant 0 : i32
      %parallel_loop3A_597 = vector.broadcast %parallel_loop3A_596 : i32 to vector<16xi32>
      %parallel_loop3A_598 = arith.constant 7 : i32
      %parallel_loop3A_599 = vector.broadcast %parallel_loop3A_598 : i32 to vector<16xi32>
      %parallel_loop3A_600 = arith.andi %parallel_loop3A_587, %parallel_loop3A_599 : vector<16xi32>
      %parallel_loop3A_601 = vector.broadcast %parallel_loop3A_576 : i32 to vector<16xi32>
      %parallel_loop3A_602 = arith.addi %parallel_loop3A_601, %iota3A : vector<16xi32>
      %parallel_loop3A_603 = arith.constant 0 : i32
      %parallel_loop3A_604 = arith.constant 0 : i32
      %parallel_loop3A_605 = arith.constant 0 : i32
      %parallel_loop3A_606 = arith.constant 0 : i32
      %parallel_loop3A_607 = tpu.memref_slice %arg7[%parallel_loop3A_122, %parallel_loop3A_603, %parallel_loop3A_604, %parallel_loop3A_605, %parallel_loop3A_606] : memref<3x4x4x8x128xf32, #tpu.memory_space<vmem>> -> memref<1x4x4x8x128xf32, #tpu.memory_space<vmem>>
      %parallel_loop3A_608 = tpu.memref_squeeze %parallel_loop3A_607 : memref<1x4x4x8x128xf32, #tpu.memory_space<vmem>> -> memref<4x4x8x128xf32, #tpu.memory_space<vmem>>
      tpu.vector_store_idx %parallel_loop3A_608[%parallel_loop3A_595, %parallel_loop3A_597, %parallel_loop3A_600, %parallel_loop3A_602], %parallel_loop3A_592 : memref<4x4x8x128xf32, #tpu.memory_space<vmem>>[vector<16xi32>, vector<16xi32>, vector<16xi32>, vector<16xi32>], vector<16xf32>,
    } {sc.loop_unroll_factor = 8 : i64, sc.parallel_access}
    %parallel_loop3A_123 = arith.constant 0 : i32
    %parallel_loop3A_124 = arith.constant 256 : i32
    %parallel_loop3A_125 = arith.constant 1 : i32
    %parallel_loop3A_126 = arith.constant 0 : i32
    %parallel_loop3A_127 = arith.constant 0 : i32
    scf.for %parallel_loop3A_572 = %parallel_loop3A_123 to %parallel_loop3A_124 step %parallel_loop3A_125  : i32 {
      %parallel_loop3A_573 = arith.constant 5 : i32
      %parallel_loop3A_574 = arith.shrui %parallel_loop3A_572, %parallel_loop3A_573 : i32
      %parallel_loop3A_575 = arith.constant 4 : i32
      %parallel_loop3A_576 = arith.shli %parallel_loop3A_574, %parallel_loop3A_575 : i32
      %parallel_loop3A_577 = arith.constant 31 : i32
      %parallel_loop3A_578 = arith.andi %parallel_loop3A_572, %parallel_loop3A_577 : i32
      %parallel_loop3A_579 = arith.constant 128 : i32
      %parallel_loop3A_580 = arith.addi %parallel_loop3A_579, %parallel_loop3A_576 : i32
      %parallel_loop3A_581 = vector.broadcast %parallel_loop3A_580 : i32 to vector<16xi32>
      %parallel_loop3A_582 = arith.addi %parallel_loop3A_581, %iota3A : vector<16xi32>
      %parallel_loop3A_583 = vector.broadcast %parallel_loop3A_578 : i32 to vector<16xi32>
      %parallel_loop3A_584 = arith.addi %parallel_loop3A_583, %iota3A : vector<16xi32>
      %parallel_loop3A_585 = arith.constant 31 : i32
      %parallel_loop3A_586 = vector.broadcast %parallel_loop3A_585 : i32 to vector<16xi32>
      %parallel_loop3A_587 = arith.andi %parallel_loop3A_584, %parallel_loop3A_586 : vector<16xi32>
      %parallel_loop3A_588 = arith.constant 0 : i32
      %parallel_loop3A_589 = arith.constant 0 : i32
      %parallel_loop3A_590 = tpu.memref_slice %arg6[%parallel_loop3A_126, %parallel_loop3A_588, %parallel_loop3A_589] : memref<3x512x32xf32, #tpu.memory_space<vmem>> -> memref<1x512x32xf32, #tpu.memory_space<vmem>>
      %parallel_loop3A_591 = tpu.memref_squeeze %parallel_loop3A_590 : memref<1x512x32xf32, #tpu.memory_space<vmem>> -> memref<512x32xf32, #tpu.memory_space<vmem>>
      %parallel_loop3A_592 = tpu.vector_load_idx %parallel_loop3A_591[%parallel_loop3A_582, %parallel_loop3A_587] : memref<512x32xf32, #tpu.memory_space<vmem>>[vector<16xi32>, vector<16xi32>], vector<16xf32>,
      %parallel_loop3A_593 = arith.constant 3 : i32
      %parallel_loop3A_594 = vector.broadcast %parallel_loop3A_593 : i32 to vector<16xi32>
      %parallel_loop3A_595 = arith.shrui %parallel_loop3A_587, %parallel_loop3A_594 : vector<16xi32>
      %parallel_loop3A_596 = arith.constant 1 : i32
      %parallel_loop3A_597 = vector.broadcast %parallel_loop3A_596 : i32 to vector<16xi32>
      %parallel_loop3A_598 = arith.constant 7 : i32
      %parallel_loop3A_599 = vector.broadcast %parallel_loop3A_598 : i32 to vector<16xi32>
      %parallel_loop3A_600 = arith.andi %parallel_loop3A_587, %parallel_loop3A_599 : vector<16xi32>
      %parallel_loop3A_601 = vector.broadcast %parallel_loop3A_576 : i32 to vector<16xi32>
      %parallel_loop3A_602 = arith.addi %parallel_loop3A_601, %iota3A : vector<16xi32>
      %parallel_loop3A_603 = arith.constant 0 : i32
      %parallel_loop3A_604 = arith.constant 0 : i32
      %parallel_loop3A_605 = arith.constant 0 : i32
      %parallel_loop3A_606 = arith.constant 0 : i32
      %parallel_loop3A_607 = tpu.memref_slice %arg7[%parallel_loop3A_127, %parallel_loop3A_603, %parallel_loop3A_604, %parallel_loop3A_605, %parallel_loop3A_606] : memref<3x4x4x8x128xf32, #tpu.memory_space<vmem>> -> memref<1x4x4x8x128xf32, #tpu.memory_space<vmem>>
      %parallel_loop3A_608 = tpu.memref_squeeze %parallel_loop3A_607 : memref<1x4x4x8x128xf32, #tpu.memory_space<vmem>> -> memref<4x4x8x128xf32, #tpu.memory_space<vmem>>
      tpu.vector_store_idx %parallel_loop3A_608[%parallel_loop3A_595, %parallel_loop3A_597, %parallel_loop3A_600, %parallel_loop3A_602], %parallel_loop3A_592 : memref<4x4x8x128xf32, #tpu.memory_space<vmem>>[vector<16xi32>, vector<16xi32>, vector<16xi32>, vector<16xi32>], vector<16xf32>,
    } {sc.loop_unroll_factor = 8 : i64, sc.parallel_access}
    %parallel_loop3A_128 = arith.constant 0 : i32
    %parallel_loop3A_129 = arith.constant 256 : i32
    %parallel_loop3A_130 = arith.constant 1 : i32
    %parallel_loop3A_131 = arith.constant 0 : i32
    %parallel_loop3A_132 = arith.constant 0 : i32
    scf.for %parallel_loop3A_572 = %parallel_loop3A_128 to %parallel_loop3A_129 step %parallel_loop3A_130  : i32 {
      %parallel_loop3A_573 = arith.constant 5 : i32
      %parallel_loop3A_574 = arith.shrui %parallel_loop3A_572, %parallel_loop3A_573 : i32
      %parallel_loop3A_575 = arith.constant 4 : i32
      %parallel_loop3A_576 = arith.shli %parallel_loop3A_574, %parallel_loop3A_575 : i32
      %parallel_loop3A_577 = arith.constant 31 : i32
      %parallel_loop3A_578 = arith.andi %parallel_loop3A_572, %parallel_loop3A_577 : i32
      %parallel_loop3A_579 = arith.constant 256 : i32
      %parallel_loop3A_580 = arith.addi %parallel_loop3A_579, %parallel_loop3A_576 : i32
      %parallel_loop3A_581 = vector.broadcast %parallel_loop3A_580 : i32 to vector<16xi32>
      %parallel_loop3A_582 = arith.addi %parallel_loop3A_581, %iota3A : vector<16xi32>
      %parallel_loop3A_583 = vector.broadcast %parallel_loop3A_578 : i32 to vector<16xi32>
      %parallel_loop3A_584 = arith.addi %parallel_loop3A_583, %iota3A : vector<16xi32>
      %parallel_loop3A_585 = arith.constant 31 : i32
      %parallel_loop3A_586 = vector.broadcast %parallel_loop3A_585 : i32 to vector<16xi32>
      %parallel_loop3A_587 = arith.andi %parallel_loop3A_584, %parallel_loop3A_586 : vector<16xi32>
      %parallel_loop3A_588 = arith.constant 0 : i32
      %parallel_loop3A_589 = arith.constant 0 : i32
      %parallel_loop3A_590 = tpu.memref_slice %arg6[%parallel_loop3A_131, %parallel_loop3A_588, %parallel_loop3A_589] : memref<3x512x32xf32, #tpu.memory_space<vmem>> -> memref<1x512x32xf32, #tpu.memory_space<vmem>>
      %parallel_loop3A_591 = tpu.memref_squeeze %parallel_loop3A_590 : memref<1x512x32xf32, #tpu.memory_space<vmem>> -> memref<512x32xf32, #tpu.memory_space<vmem>>
      %parallel_loop3A_592 = tpu.vector_load_idx %parallel_loop3A_591[%parallel_loop3A_582, %parallel_loop3A_587] : memref<512x32xf32, #tpu.memory_space<vmem>>[vector<16xi32>, vector<16xi32>], vector<16xf32>,
      %parallel_loop3A_593 = arith.constant 3 : i32
      %parallel_loop3A_594 = vector.broadcast %parallel_loop3A_593 : i32 to vector<16xi32>
      %parallel_loop3A_595 = arith.shrui %parallel_loop3A_587, %parallel_loop3A_594 : vector<16xi32>
      %parallel_loop3A_596 = arith.constant 2 : i32
      %parallel_loop3A_597 = vector.broadcast %parallel_loop3A_596 : i32 to vector<16xi32>
      %parallel_loop3A_598 = arith.constant 7 : i32
      %parallel_loop3A_599 = vector.broadcast %parallel_loop3A_598 : i32 to vector<16xi32>
      %parallel_loop3A_600 = arith.andi %parallel_loop3A_587, %parallel_loop3A_599 : vector<16xi32>
      %parallel_loop3A_601 = vector.broadcast %parallel_loop3A_576 : i32 to vector<16xi32>
      %parallel_loop3A_602 = arith.addi %parallel_loop3A_601, %iota3A : vector<16xi32>
      %parallel_loop3A_603 = arith.constant 0 : i32
      %parallel_loop3A_604 = arith.constant 0 : i32
      %parallel_loop3A_605 = arith.constant 0 : i32
      %parallel_loop3A_606 = arith.constant 0 : i32
      %parallel_loop3A_607 = tpu.memref_slice %arg7[%parallel_loop3A_132, %parallel_loop3A_603, %parallel_loop3A_604, %parallel_loop3A_605, %parallel_loop3A_606] : memref<3x4x4x8x128xf32, #tpu.memory_space<vmem>> -> memref<1x4x4x8x128xf32, #tpu.memory_space<vmem>>
      %parallel_loop3A_608 = tpu.memref_squeeze %parallel_loop3A_607 : memref<1x4x4x8x128xf32, #tpu.memory_space<vmem>> -> memref<4x4x8x128xf32, #tpu.memory_space<vmem>>
      tpu.vector_store_idx %parallel_loop3A_608[%parallel_loop3A_595, %parallel_loop3A_597, %parallel_loop3A_600, %parallel_loop3A_602], %parallel_loop3A_592 : memref<4x4x8x128xf32, #tpu.memory_space<vmem>>[vector<16xi32>, vector<16xi32>, vector<16xi32>, vector<16xi32>], vector<16xf32>,
    } {sc.loop_unroll_factor = 8 : i64, sc.parallel_access}
    %parallel_loop3A_133 = arith.constant 0 : i32
    %parallel_loop3A_134 = arith.constant 256 : i32
    %parallel_loop3A_135 = arith.constant 1 : i32
    %parallel_loop3A_136 = arith.constant 0 : i32
    %parallel_loop3A_137 = arith.constant 0 : i32
    scf.for %parallel_loop3A_572 = %parallel_loop3A_133 to %parallel_loop3A_134 step %parallel_loop3A_135  : i32 {
      %parallel_loop3A_573 = arith.constant 5 : i32
      %parallel_loop3A_574 = arith.shrui %parallel_loop3A_572, %parallel_loop3A_573 : i32
      %parallel_loop3A_575 = arith.constant 4 : i32
      %parallel_loop3A_576 = arith.shli %parallel_loop3A_574, %parallel_loop3A_575 : i32
      %parallel_loop3A_577 = arith.constant 31 : i32
      %parallel_loop3A_578 = arith.andi %parallel_loop3A_572, %parallel_loop3A_577 : i32
      %parallel_loop3A_579 = arith.constant 384 : i32
      %parallel_loop3A_580 = arith.addi %parallel_loop3A_579, %parallel_loop3A_576 : i32
      %parallel_loop3A_581 = vector.broadcast %parallel_loop3A_580 : i32 to vector<16xi32>
      %parallel_loop3A_582 = arith.addi %parallel_loop3A_581, %iota3A : vector<16xi32>
      %parallel_loop3A_583 = vector.broadcast %parallel_loop3A_578 : i32 to vector<16xi32>
      %parallel_loop3A_584 = arith.addi %parallel_loop3A_583, %iota3A : vector<16xi32>
      %parallel_loop3A_585 = arith.constant 31 : i32
      %parallel_loop3A_586 = vector.broadcast %parallel_loop3A_585 : i32 to vector<16xi32>
      %parallel_loop3A_587 = arith.andi %parallel_loop3A_584, %parallel_loop3A_586 : vector<16xi32>
      %parallel_loop3A_588 = arith.constant 0 : i32
      %parallel_loop3A_589 = arith.constant 0 : i32
      %parallel_loop3A_590 = tpu.memref_slice %arg6[%parallel_loop3A_136, %parallel_loop3A_588, %parallel_loop3A_589] : memref<3x512x32xf32, #tpu.memory_space<vmem>> -> memref<1x512x32xf32, #tpu.memory_space<vmem>>
      %parallel_loop3A_591 = tpu.memref_squeeze %parallel_loop3A_590 : memref<1x512x32xf32, #tpu.memory_space<vmem>> -> memref<512x32xf32, #tpu.memory_space<vmem>>
      %parallel_loop3A_592 = tpu.vector_load_idx %parallel_loop3A_591[%parallel_loop3A_582, %parallel_loop3A_587] : memref<512x32xf32, #tpu.memory_space<vmem>>[vector<16xi32>, vector<16xi32>], vector<16xf32>,
      %parallel_loop3A_593 = arith.constant 3 : i32
      %parallel_loop3A_594 = vector.broadcast %parallel_loop3A_593 : i32 to vector<16xi32>
      %parallel_loop3A_595 = arith.shrui %parallel_loop3A_587, %parallel_loop3A_594 : vector<16xi32>
      %parallel_loop3A_596 = arith.constant 3 : i32
      %parallel_loop3A_597 = vector.broadcast %parallel_loop3A_596 : i32 to vector<16xi32>
      %parallel_loop3A_598 = arith.constant 7 : i32
      %parallel_loop3A_599 = vector.broadcast %parallel_loop3A_598 : i32 to vector<16xi32>
      %parallel_loop3A_600 = arith.andi %parallel_loop3A_587, %parallel_loop3A_599 : vector<16xi32>
      %parallel_loop3A_601 = vector.broadcast %parallel_loop3A_576 : i32 to vector<16xi32>
      %parallel_loop3A_602 = arith.addi %parallel_loop3A_601, %iota3A : vector<16xi32>
      %parallel_loop3A_603 = arith.constant 0 : i32
      %parallel_loop3A_604 = arith.constant 0 : i32
      %parallel_loop3A_605 = arith.constant 0 : i32
      %parallel_loop3A_606 = arith.constant 0 : i32
      %parallel_loop3A_607 = tpu.memref_slice %arg7[%parallel_loop3A_137, %parallel_loop3A_603, %parallel_loop3A_604, %parallel_loop3A_605, %parallel_loop3A_606] : memref<3x4x4x8x128xf32, #tpu.memory_space<vmem>> -> memref<1x4x4x8x128xf32, #tpu.memory_space<vmem>>
      %parallel_loop3A_608 = tpu.memref_squeeze %parallel_loop3A_607 : memref<1x4x4x8x128xf32, #tpu.memory_space<vmem>> -> memref<4x4x8x128xf32, #tpu.memory_space<vmem>>
      tpu.vector_store_idx %parallel_loop3A_608[%parallel_loop3A_595, %parallel_loop3A_597, %parallel_loop3A_600, %parallel_loop3A_602], %parallel_loop3A_592 : memref<4x4x8x128xf32, #tpu.memory_space<vmem>>[vector<16xi32>, vector<16xi32>, vector<16xi32>, vector<16xi32>], vector<16xf32>,
    } {sc.loop_unroll_factor = 8 : i64, sc.parallel_access}
    %mul3A_138 = arith.constant 104 : i32
    %mul3A_139 = arith.muli %add3A, %mul3A_138 : i32
    %add3A_140 = arith.constant 96 : i32
    %add3A_141 = arith.addi %mul3A_139, %add3A_140 : i32
    %jit3A_142 = arith.constant 128 : i32
    %div3A_143 = arith.divsi %add3A_141, %jit3A_142 : i32
    %sign3A_144 = arith.constant 0 : i32
    %sign3A_145 = arith.cmpi sgt, %add3A_141, %sign3A_144 : i32
    %sign3A_146 = arith.extui %sign3A_145 : i1 to i32
    %sign3A_147 = arith.constant 0 : i32
    %sign3A_148 = arith.cmpi slt, %add3A_141, %sign3A_147 : i32
    %sign3A_149 = arith.extui %sign3A_148 : i1 to i32
    %sign3A_150 = arith.subi %sign3A_146, %sign3A_149 : i32
    %sign3A_151 = arith.constant 0 : i32
    %sign3A_152 = arith.cmpi sgt, %jit3A_142, %sign3A_151 : i32
    %sign3A_153 = arith.extui %sign3A_152 : i1 to i32
    %sign3A_154 = arith.constant 0 : i32
    %sign3A_155 = arith.cmpi slt, %jit3A_142, %sign3A_154 : i32
    %sign3A_156 = arith.extui %sign3A_155 : i1 to i32
    %sign3A_157 = arith.subi %sign3A_153, %sign3A_156 : i32
    %ne3A_158 = arith.cmpi ne, %sign3A_150, %sign3A_157 : i32
    %rem3A_159 = arith.remsi %add3A_141, %jit3A_142 : i32
    %ne3A_160 = arith.constant 0 : i32
    %ne3A_161 = arith.cmpi ne, %rem3A_159, %ne3A_160 : i32
    %and3A_162 = arith.andi %ne3A_158, %ne3A_161 : i1
    %sub3A_163 = arith.constant 1 : i32
    %sub3A_164 = arith.subi %div3A_143, %sub3A_163 : i32
    %select_n3A_165 = arith.select %and3A_162, %sub3A_164, %div3A_143 : i32
    %jit3A_166 = arith.constant 128 : i32
    %eq3A_167 = arith.constant 0 : i32
    %eq3A_168 = arith.cmpi eq, %jit3A_166, %eq3A_167 : i32
    %jit3A_169 = arith.constant 1 : i32
    %select_n3A_170 = arith.select %eq3A_168, %jit3A_169, %jit3A_166 : i32
    %rem3A_171 = arith.remsi %add3A_141, %select_n3A_170 : i32
    %ne3A_172 = arith.constant 0 : i32
    %ne3A_173 = arith.cmpi ne, %rem3A_171, %ne3A_172 : i32
    %lt3A_174 = arith.constant 0 : i32
    %lt3A_175 = arith.cmpi slt, %rem3A_171, %lt3A_174 : i32
    %lt3A_176 = arith.constant 0 : i32
    %lt3A_177 = arith.cmpi slt, %select_n3A_170, %lt3A_176 : i32
    %ne3A_178 = arith.xori %lt3A_175, %lt3A_177 : i1
    %and3A_179 = arith.andi %ne3A_178, %ne3A_173 : i1
    %add3A_180 = arith.addi %rem3A_171, %select_n3A_170 : i32
    %select_n3A_181 = arith.select %and3A_179, %add3A_180, %rem3A_171 : i32
    %dma_start3A_182 = arith.constant 0 : i32
    %dma_start3A_183 = arith.constant 0 : i32
    %dma_start3A_184 = arith.constant 0 : i32
    %dma_start3A_185 = arith.constant 0 : i32
    %dma_start3A_186 = arith.constant 0 : i32
    %dma_start3A_187 = tpu.memref_slice %arg7[%dma_start3A_182, %dma_start3A_183, %dma_start3A_184, %dma_start3A_185, %dma_start3A_186] : memref<3x4x4x8x128xf32, #tpu.memory_space<vmem>> -> memref<1x4x4x8x128xf32, #tpu.memory_space<vmem>>
    %dma_start3A_188 = tpu.memref_squeeze %dma_start3A_187 : memref<1x4x4x8x128xf32, #tpu.memory_space<vmem>> -> memref<4x4x8x128xf32, #tpu.memory_space<vmem>>
    %dma_start3A_189 = arith.constant 0 : i32
    %dma_start3A_190 = arith.constant 0 : i32
    %dma_start3A_191 = arith.constant 0 : i32
    %dma_start3A_192 = tpu.memref_slice %arg4[%select_n3A_165, %dma_start3A_189, %select_n3A_181, %dma_start3A_190, %dma_start3A_191] : memref<26x4x128x8x128xf32, #tpu.memory_space<hbm>> -> memref<1x4x4x8x128xf32, #tpu.memory_space<hbm>>
    %dma_start3A_193 = tpu.memref_squeeze %dma_start3A_192 : memref<1x4x4x8x128xf32, #tpu.memory_space<hbm>> -> memref<4x4x8x128xf32, #tpu.memory_space<hbm>>
    %dma_start3A_194 = arith.constant 0 : i32
    %dma_start3A_195 = arith.constant 0 : i32
    %dma_start3A_196 = arith.constant 0 : i32
    %dma_start3A_197 = tpu.memref_slice %arg4[%select_n3A_165, %dma_start3A_194, %select_n3A_181, %dma_start3A_195, %dma_start3A_196] : memref<26x4x128x8x128xf32, #tpu.memory_space<hbm>> -> memref<1x4x4x8x128xf32, #tpu.memory_space<hbm>>
    %dma_start3A_198 = tpu.memref_squeeze %dma_start3A_197 : memref<1x4x4x8x128xf32, #tpu.memory_space<hbm>> -> memref<4x4x8x128xf32, #tpu.memory_space<hbm>>
    %dma_start3A_199 = arith.constant 0 : i32
    %dma_start3A_200 = arith.constant 0 : i32
    %dma_start3A_201 = arith.constant 0 : i32
    %dma_start3A_202 = arith.constant 0 : i32
    %dma_start3A_203 = tpu.memref_slice %arg7[%dma_start3A_182, %dma_start3A_199, %dma_start3A_200, %dma_start3A_201, %dma_start3A_202] : memref<3x4x4x8x128xf32, #tpu.memory_space<vmem>> -> memref<1x4x4x8x128xf32, #tpu.memory_space<vmem>>
    %dma_start3A_204 = tpu.memref_squeeze %dma_start3A_203 : memref<1x4x4x8x128xf32, #tpu.memory_space<vmem>> -> memref<4x4x8x128xf32, #tpu.memory_space<vmem>>
    tpu.enqueue_dma source(%dma_start3A_204 : memref<4x4x8x128xf32, #tpu.memory_space<vmem>>) target(%dma_start3A_198 : memref<4x4x8x128xf32, #tpu.memory_space<hbm>>) target_semaphore(%arg11 : memref<!tpu.dma_semaphore, #tpu.memory_space<semaphore_mem>>)
    %dma_wait3A_205 = arith.constant 1 : i32
    %dma_wait3A_206 = arith.constant 1 : i32
    %dma_wait3A_207 = arith.constant 0 : i32
    %dma_wait3A_208 = arith.constant 0 : i32
    %dma_wait3A_209 = tpu.memref_slice %arg6[%dma_wait3A_206, %dma_wait3A_207, %dma_wait3A_208] : memref<3x512x32xf32, #tpu.memory_space<vmem>> -> memref<1x512x32xf32, #tpu.memory_space<vmem>>
    %dma_wait3A_210 = tpu.memref_squeeze %dma_wait3A_209 : memref<1x512x32xf32, #tpu.memory_space<vmem>> -> memref<512x32xf32, #tpu.memory_space<vmem>>
    %dma_wait3A_211 = arith.constant 0 : i32
    %dma_wait3A_212 = tpu.memref_slice %arg5[%dma_wait3A_205, %dma_wait3A_211] : memref<3x512xi32, #tpu.memory_space<vmem>> -> memref<1x512xi32, #tpu.memory_space<vmem>>
    %dma_wait3A_213 = tpu.memref_squeeze %dma_wait3A_212 : memref<1x512xi32, #tpu.memory_space<vmem>> -> memref<512xi32, #tpu.memory_space<vmem>>
    %dma_wait3A_214 = arith.constant 0 : i32
    %dma_wait3A_215 = arith.constant 0 : i32
    %dma_wait3A_216 = tpu.memref_slice %arg3[%dma_wait3A_214, %dma_wait3A_215] : memref<1000000x32xf32, #tpu.memory_space<hbm>> -> memref<1000000x32xf32, #tpu.memory_space<hbm>>
    tpu.wait_indirect_dma semaphore(%arg9 : memref<!tpu.dma_semaphore, #tpu.memory_space<semaphore_mem>>) src(%dma_wait3A_216 : memref<1000000x32xf32, #tpu.memory_space<hbm>>) dst(%dma_wait3A_210 : memref<512x32xf32, #tpu.memory_space<vmem>>)
    %mul3A_217 = arith.constant 104 : i32
    %mul3A_218 = arith.muli %add3A, %mul3A_217 : i32
    %add3A_219 = arith.constant 0 : i32
    %add3A_220 = arith.addi %mul3A_218, %add3A_219 : i32
    %jit3A_221 = arith.constant 128 : i32
    %div3A_222 = arith.divsi %add3A_220, %jit3A_221 : i32
    %sign3A_223 = arith.constant 0 : i32
    %sign3A_224 = arith.cmpi sgt, %add3A_220, %sign3A_223 : i32
    %sign3A_225 = arith.extui %sign3A_224 : i1 to i32
    %sign3A_226 = arith.constant 0 : i32
    %sign3A_227 = arith.cmpi slt, %add3A_220, %sign3A_226 : i32
    %sign3A_228 = arith.extui %sign3A_227 : i1 to i32
    %sign3A_229 = arith.subi %sign3A_225, %sign3A_228 : i32
    %sign3A_230 = arith.constant 0 : i32
    %sign3A_231 = arith.cmpi sgt, %jit3A_221, %sign3A_230 : i32
    %sign3A_232 = arith.extui %sign3A_231 : i1 to i32
    %sign3A_233 = arith.constant 0 : i32
    %sign3A_234 = arith.cmpi slt, %jit3A_221, %sign3A_233 : i32
    %sign3A_235 = arith.extui %sign3A_234 : i1 to i32
    %sign3A_236 = arith.subi %sign3A_232, %sign3A_235 : i32
    %ne3A_237 = arith.cmpi ne, %sign3A_229, %sign3A_236 : i32
    %rem3A_238 = arith.remsi %add3A_220, %jit3A_221 : i32
    %ne3A_239 = arith.constant 0 : i32
    %ne3A_240 = arith.cmpi ne, %rem3A_238, %ne3A_239 : i32
    %and3A_241 = arith.andi %ne3A_237, %ne3A_240 : i1
    %sub3A_242 = arith.constant 1 : i32
    %sub3A_243 = arith.subi %div3A_222, %sub3A_242 : i32
    %select_n3A_244 = arith.select %and3A_241, %sub3A_243, %div3A_222 : i32
    %jit3A_245 = arith.constant 128 : i32
    %eq3A_246 = arith.constant 0 : i32
    %eq3A_247 = arith.cmpi eq, %jit3A_245, %eq3A_246 : i32
    %jit3A_248 = arith.constant 1 : i32
    %select_n3A_249 = arith.select %eq3A_247, %jit3A_248, %jit3A_245 : i32
    %rem3A_250 = arith.remsi %add3A_220, %select_n3A_249 : i32
    %ne3A_251 = arith.constant 0 : i32
    %ne3A_252 = arith.cmpi ne, %rem3A_250, %ne3A_251 : i32
    %lt3A_253 = arith.constant 0 : i32
    %lt3A_254 = arith.cmpi slt, %rem3A_250, %lt3A_253 : i32
    %lt3A_255 = arith.constant 0 : i32
    %lt3A_256 = arith.cmpi slt, %select_n3A_249, %lt3A_255 : i32
    %ne3A_257 = arith.xori %lt3A_254, %lt3A_256 : i1
    %and3A_258 = arith.andi %ne3A_257, %ne3A_252 : i1
    %add3A_259 = arith.addi %rem3A_250, %select_n3A_249 : i32
    %select_n3A_260 = arith.select %and3A_258, %add3A_259, %rem3A_250 : i32
    %dma_wait3A_261 = arith.constant 1 : i32
    %dma_wait3A_262 = arith.constant 0 : i32
    %dma_wait3A_263 = arith.constant 0 : i32
    %dma_wait3A_264 = arith.constant 0 : i32
    %dma_wait3A_265 = arith.constant 0 : i32
    %dma_wait3A_266 = tpu.memref_slice %arg7[%dma_wait3A_261, %dma_wait3A_262, %dma_wait3A_263, %dma_wait3A_264, %dma_wait3A_265] : memref<3x4x4x8x128xf32, #tpu.memory_space<vmem>> -> memref<1x4x4x8x128xf32, #tpu.memory_space<vmem>>
    %dma_wait3A_267 = tpu.memref_squeeze %dma_wait3A_266 : memref<1x4x4x8x128xf32, #tpu.memory_space<vmem>> -> memref<4x4x8x128xf32, #tpu.memory_space<vmem>>
    %dma_wait3A_268 = arith.constant 0 : i32
    %dma_wait3A_269 = arith.constant 0 : i32
    %dma_wait3A_270 = arith.constant 0 : i32
    %dma_wait3A_271 = tpu.memref_slice %arg4[%select_n3A_244, %dma_wait3A_268, %select_n3A_260, %dma_wait3A_269, %dma_wait3A_270] : memref<26x4x128x8x128xf32, #tpu.memory_space<hbm>> -> memref<1x4x4x8x128xf32, #tpu.memory_space<hbm>>
    %dma_wait3A_272 = tpu.memref_squeeze %dma_wait3A_271 : memref<1x4x4x8x128xf32, #tpu.memory_space<hbm>> -> memref<4x4x8x128xf32, #tpu.memory_space<hbm>>
    %dma_wait3A_273 = arith.constant 0 : i32
    %dma_wait3A_274 = arith.constant 0 : i32
    %dma_wait3A_275 = arith.constant 0 : i32
    %dma_wait3A_276 = tpu.memref_slice %arg4[%select_n3A_244, %dma_wait3A_273, %select_n3A_260, %dma_wait3A_274, %dma_wait3A_275] : memref<26x4x128x8x128xf32, #tpu.memory_space<hbm>> -> memref<1x4x4x8x128xf32, #tpu.memory_space<hbm>>
    %dma_wait3A_277 = tpu.memref_squeeze %dma_wait3A_276 : memref<1x4x4x8x128xf32, #tpu.memory_space<hbm>> -> memref<4x4x8x128xf32, #tpu.memory_space<hbm>>
    %dma_wait3A_278 = arith.constant 0 : i32
    %dma_wait3A_279 = arith.constant 0 : i32
    %dma_wait3A_280 = arith.constant 0 : i32
    %dma_wait3A_281 = arith.constant 0 : i32
    %dma_wait3A_282 = tpu.memref_slice %arg7[%dma_wait3A_261, %dma_wait3A_278, %dma_wait3A_279, %dma_wait3A_280, %dma_wait3A_281] : memref<3x4x4x8x128xf32, #tpu.memory_space<vmem>> -> memref<1x4x4x8x128xf32, #tpu.memory_space<vmem>>
    %dma_wait3A_283 = tpu.memref_squeeze %dma_wait3A_282 : memref<1x4x4x8x128xf32, #tpu.memory_space<vmem>> -> memref<4x4x8x128xf32, #tpu.memory_space<vmem>>
    tpu.wait_dma2 semaphore(%arg12 : memref<!tpu.dma_semaphore, #tpu.memory_space<semaphore_mem>>) src(%dma_wait3A_283 : memref<4x4x8x128xf32, #tpu.memory_space<vmem>>) dst(%dma_wait3A_277 : memref<4x4x8x128xf32, #tpu.memory_space<hbm>>)
    %parallel_loop3A_284 = arith.constant 0 : i32
    %parallel_loop3A_285 = arith.constant 256 : i32
    %parallel_loop3A_286 = arith.constant 1 : i32
    %parallel_loop3A_287 = arith.constant 1 : i32
    %parallel_loop3A_288 = arith.constant 1 : i32
    scf.for %parallel_loop3A_572 = %parallel_loop3A_284 to %parallel_loop3A_285 step %parallel_loop3A_286  : i32 {
      %parallel_loop3A_573 = arith.constant 5 : i32
      %parallel_loop3A_574 = arith.shrui %parallel_loop3A_572, %parallel_loop3A_573 : i32
      %parallel_loop3A_575 = arith.constant 4 : i32
      %parallel_loop3A_576 = arith.shli %parallel_loop3A_574, %parallel_loop3A_575 : i32
      %parallel_loop3A_577 = arith.constant 31 : i32
      %parallel_loop3A_578 = arith.andi %parallel_loop3A_572, %parallel_loop3A_577 : i32
      %parallel_loop3A_579 = arith.constant 0 : i32
      %parallel_loop3A_580 = arith.addi %parallel_loop3A_579, %parallel_loop3A_576 : i32
      %parallel_loop3A_581 = vector.broadcast %parallel_loop3A_580 : i32 to vector<16xi32>
      %parallel_loop3A_582 = arith.addi %parallel_loop3A_581, %iota3A : vector<16xi32>
      %parallel_loop3A_583 = vector.broadcast %parallel_loop3A_578 : i32 to vector<16xi32>
      %parallel_loop3A_584 = arith.addi %parallel_loop3A_583, %iota3A : vector<16xi32>
      %parallel_loop3A_585 = arith.constant 31 : i32
      %parallel_loop3A_586 = vector.broadcast %parallel_loop3A_585 : i32 to vector<16xi32>
      %parallel_loop3A_587 = arith.andi %parallel_loop3A_584, %parallel_loop3A_586 : vector<16xi32>
      %parallel_loop3A_588 = arith.constant 0 : i32
      %parallel_loop3A_589 = arith.constant 0 : i32
      %parallel_loop3A_590 = tpu.memref_slice %arg6[%parallel_loop3A_287, %parallel_loop3A_588, %parallel_loop3A_589] : memref<3x512x32xf32, #tpu.memory_space<vmem>> -> memref<1x512x32xf32, #tpu.memory_space<vmem>>
      %parallel_loop3A_591 = tpu.memref_squeeze %parallel_loop3A_590 : memref<1x512x32xf32, #tpu.memory_space<vmem>> -> memref<512x32xf32, #tpu.memory_space<vmem>>
      %parallel_loop3A_592 = tpu.vector_load_idx %parallel_loop3A_591[%parallel_loop3A_582, %parallel_loop3A_587] : memref<512x32xf32, #tpu.memory_space<vmem>>[vector<16xi32>, vector<16xi32>], vector<16xf32>,
      %parallel_loop3A_593 = arith.constant 3 : i32
      %parallel_loop3A_594 = vector.broadcast %parallel_loop3A_593 : i32 to vector<16xi32>
      %parallel_loop3A_595 = arith.shrui %parallel_loop3A_587, %parallel_loop3A_594 : vector<16xi32>
      %parallel_loop3A_596 = arith.constant 0 : i32
      %parallel_loop3A_597 = vector.broadcast %parallel_loop3A_596 : i32 to vector<16xi32>
      %parallel_loop3A_598 = arith.constant 7 : i32
      %parallel_loop3A_599 = vector.broadcast %parallel_loop3A_598 : i32 to vector<16xi32>
      %parallel_loop3A_600 = arith.andi %parallel_loop3A_587, %parallel_loop3A_599 : vector<16xi32>
      %parallel_loop3A_601 = vector.broadcast %parallel_loop3A_576 : i32 to vector<16xi32>
      %parallel_loop3A_602 = arith.addi %parallel_loop3A_601, %iota3A : vector<16xi32>
      %parallel_loop3A_603 = arith.constant 0 : i32
      %parallel_loop3A_604 = arith.constant 0 : i32
      %parallel_loop3A_605 = arith.constant 0 : i32
      %parallel_loop3A_606 = arith.constant 0 : i32
      %parallel_loop3A_607 = tpu.memref_slice %arg7[%parallel_loop3A_288, %parallel_loop3A_603, %parallel_loop3A_604, %parallel_loop3A_605, %parallel_loop3A_606] : memref<3x4x4x8x128xf32, #tpu.memory_space<vmem>> -> memref<1x4x4x8x128xf32, #tpu.memory_space<vmem>>
      %parallel_loop3A_608 = tpu.memref_squeeze %parallel_loop3A_607 : memref<1x4x4x8x128xf32, #tpu.memory_space<vmem>> -> memref<4x4x8x128xf32, #tpu.memory_space<vmem>>
      tpu.vector_store_idx %parallel_loop3A_608[%parallel_loop3A_595, %parallel_loop3A_597, %parallel_loop3A_600, %parallel_loop3A_602], %parallel_loop3A_592 : memref<4x4x8x128xf32, #tpu.memory_space<vmem>>[vector<16xi32>, vector<16xi32>, vector<16xi32>, vector<16xi32>], vector<16xf32>,
    } {sc.loop_unroll_factor = 8 : i64, sc.parallel_access}
    %parallel_loop3A_289 = arith.constant 0 : i32
    %parallel_loop3A_290 = arith.constant 256 : i32
    %parallel_loop3A_291 = arith.constant 1 : i32
    %parallel_loop3A_292 = arith.constant 1 : i32
    %parallel_loop3A_293 = arith.constant 1 : i32
    scf.for %parallel_loop3A_572 = %parallel_loop3A_289 to %parallel_loop3A_290 step %parallel_loop3A_291  : i32 {
      %parallel_loop3A_573 = arith.constant 5 : i32
      %parallel_loop3A_574 = arith.shrui %parallel_loop3A_572, %parallel_loop3A_573 : i32
      %parallel_loop3A_575 = arith.constant 4 : i32
      %parallel_loop3A_576 = arith.shli %parallel_loop3A_574, %parallel_loop3A_575 : i32
      %parallel_loop3A_577 = arith.constant 31 : i32
      %parallel_loop3A_578 = arith.andi %parallel_loop3A_572, %parallel_loop3A_577 : i32
      %parallel_loop3A_579 = arith.constant 128 : i32
      %parallel_loop3A_580 = arith.addi %parallel_loop3A_579, %parallel_loop3A_576 : i32
      %parallel_loop3A_581 = vector.broadcast %parallel_loop3A_580 : i32 to vector<16xi32>
      %parallel_loop3A_582 = arith.addi %parallel_loop3A_581, %iota3A : vector<16xi32>
      %parallel_loop3A_583 = vector.broadcast %parallel_loop3A_578 : i32 to vector<16xi32>
      %parallel_loop3A_584 = arith.addi %parallel_loop3A_583, %iota3A : vector<16xi32>
      %parallel_loop3A_585 = arith.constant 31 : i32
      %parallel_loop3A_586 = vector.broadcast %parallel_loop3A_585 : i32 to vector<16xi32>
      %parallel_loop3A_587 = arith.andi %parallel_loop3A_584, %parallel_loop3A_586 : vector<16xi32>
      %parallel_loop3A_588 = arith.constant 0 : i32
      %parallel_loop3A_589 = arith.constant 0 : i32
      %parallel_loop3A_590 = tpu.memref_slice %arg6[%parallel_loop3A_292, %parallel_loop3A_588, %parallel_loop3A_589] : memref<3x512x32xf32, #tpu.memory_space<vmem>> -> memref<1x512x32xf32, #tpu.memory_space<vmem>>
      %parallel_loop3A_591 = tpu.memref_squeeze %parallel_loop3A_590 : memref<1x512x32xf32, #tpu.memory_space<vmem>> -> memref<512x32xf32, #tpu.memory_space<vmem>>
      %parallel_loop3A_592 = tpu.vector_load_idx %parallel_loop3A_591[%parallel_loop3A_582, %parallel_loop3A_587] : memref<512x32xf32, #tpu.memory_space<vmem>>[vector<16xi32>, vector<16xi32>], vector<16xf32>,
      %parallel_loop3A_593 = arith.constant 3 : i32
      %parallel_loop3A_594 = vector.broadcast %parallel_loop3A_593 : i32 to vector<16xi32>
      %parallel_loop3A_595 = arith.shrui %parallel_loop3A_587, %parallel_loop3A_594 : vector<16xi32>
      %parallel_loop3A_596 = arith.constant 1 : i32
      %parallel_loop3A_597 = vector.broadcast %parallel_loop3A_596 : i32 to vector<16xi32>
      %parallel_loop3A_598 = arith.constant 7 : i32
      %parallel_loop3A_599 = vector.broadcast %parallel_loop3A_598 : i32 to vector<16xi32>
      %parallel_loop3A_600 = arith.andi %parallel_loop3A_587, %parallel_loop3A_599 : vector<16xi32>
      %parallel_loop3A_601 = vector.broadcast %parallel_loop3A_576 : i32 to vector<16xi32>
      %parallel_loop3A_602 = arith.addi %parallel_loop3A_601, %iota3A : vector<16xi32>
      %parallel_loop3A_603 = arith.constant 0 : i32
      %parallel_loop3A_604 = arith.constant 0 : i32
      %parallel_loop3A_605 = arith.constant 0 : i32
      %parallel_loop3A_606 = arith.constant 0 : i32
      %parallel_loop3A_607 = tpu.memref_slice %arg7[%parallel_loop3A_293, %parallel_loop3A_603, %parallel_loop3A_604, %parallel_loop3A_605, %parallel_loop3A_606] : memref<3x4x4x8x128xf32, #tpu.memory_space<vmem>> -> memref<1x4x4x8x128xf32, #tpu.memory_space<vmem>>
      %parallel_loop3A_608 = tpu.memref_squeeze %parallel_loop3A_607 : memref<1x4x4x8x128xf32, #tpu.memory_space<vmem>> -> memref<4x4x8x128xf32, #tpu.memory_space<vmem>>
      tpu.vector_store_idx %parallel_loop3A_608[%parallel_loop3A_595, %parallel_loop3A_597, %parallel_loop3A_600, %parallel_loop3A_602], %parallel_loop3A_592 : memref<4x4x8x128xf32, #tpu.memory_space<vmem>>[vector<16xi32>, vector<16xi32>, vector<16xi32>, vector<16xi32>], vector<16xf32>,
    } {sc.loop_unroll_factor = 8 : i64, sc.parallel_access}
    %parallel_loop3A_294 = arith.constant 0 : i32
    %parallel_loop3A_295 = arith.constant 256 : i32
    %parallel_loop3A_296 = arith.constant 1 : i32
    %parallel_loop3A_297 = arith.constant 1 : i32
    %parallel_loop3A_298 = arith.constant 1 : i32
    scf.for %parallel_loop3A_572 = %parallel_loop3A_294 to %parallel_loop3A_295 step %parallel_loop3A_296  : i32 {
      %parallel_loop3A_573 = arith.constant 5 : i32
      %parallel_loop3A_574 = arith.shrui %parallel_loop3A_572, %parallel_loop3A_573 : i32
      %parallel_loop3A_575 = arith.constant 4 : i32
      %parallel_loop3A_576 = arith.shli %parallel_loop3A_574, %parallel_loop3A_575 : i32
      %parallel_loop3A_577 = arith.constant 31 : i32
      %parallel_loop3A_578 = arith.andi %parallel_loop3A_572, %parallel_loop3A_577 : i32
      %parallel_loop3A_579 = arith.constant 256 : i32
      %parallel_loop3A_580 = arith.addi %parallel_loop3A_579, %parallel_loop3A_576 : i32
      %parallel_loop3A_581 = vector.broadcast %parallel_loop3A_580 : i32 to vector<16xi32>
      %parallel_loop3A_582 = arith.addi %parallel_loop3A_581, %iota3A : vector<16xi32>
      %parallel_loop3A_583 = vector.broadcast %parallel_loop3A_578 : i32 to vector<16xi32>
      %parallel_loop3A_584 = arith.addi %parallel_loop3A_583, %iota3A : vector<16xi32>
      %parallel_loop3A_585 = arith.constant 31 : i32
      %parallel_loop3A_586 = vector.broadcast %parallel_loop3A_585 : i32 to vector<16xi32>
      %parallel_loop3A_587 = arith.andi %parallel_loop3A_584, %parallel_loop3A_586 : vector<16xi32>
      %parallel_loop3A_588 = arith.constant 0 : i32
      %parallel_loop3A_589 = arith.constant 0 : i32
      %parallel_loop3A_590 = tpu.memref_slice %arg6[%parallel_loop3A_297, %parallel_loop3A_588, %parallel_loop3A_589] : memref<3x512x32xf32, #tpu.memory_space<vmem>> -> memref<1x512x32xf32, #tpu.memory_space<vmem>>
      %parallel_loop3A_591 = tpu.memref_squeeze %parallel_loop3A_590 : memref<1x512x32xf32, #tpu.memory_space<vmem>> -> memref<512x32xf32, #tpu.memory_space<vmem>>
      %parallel_loop3A_592 = tpu.vector_load_idx %parallel_loop3A_591[%parallel_loop3A_582, %parallel_loop3A_587] : memref<512x32xf32, #tpu.memory_space<vmem>>[vector<16xi32>, vector<16xi32>], vector<16xf32>,
      %parallel_loop3A_593 = arith.constant 3 : i32
      %parallel_loop3A_594 = vector.broadcast %parallel_loop3A_593 : i32 to vector<16xi32>
      %parallel_loop3A_595 = arith.shrui %parallel_loop3A_587, %parallel_loop3A_594 : vector<16xi32>
      %parallel_loop3A_596 = arith.constant 2 : i32
      %parallel_loop3A_597 = vector.broadcast %parallel_loop3A_596 : i32 to vector<16xi32>
      %parallel_loop3A_598 = arith.constant 7 : i32
      %parallel_loop3A_599 = vector.broadcast %parallel_loop3A_598 : i32 to vector<16xi32>
      %parallel_loop3A_600 = arith.andi %parallel_loop3A_587, %parallel_loop3A_599 : vector<16xi32>
      %parallel_loop3A_601 = vector.broadcast %parallel_loop3A_576 : i32 to vector<16xi32>
      %parallel_loop3A_602 = arith.addi %parallel_loop3A_601, %iota3A : vector<16xi32>
      %parallel_loop3A_603 = arith.constant 0 : i32
      %parallel_loop3A_604 = arith.constant 0 : i32
      %parallel_loop3A_605 = arith.constant 0 : i32
      %parallel_loop3A_606 = arith.constant 0 : i32
      %parallel_loop3A_607 = tpu.memref_slice %arg7[%parallel_loop3A_298, %parallel_loop3A_603, %parallel_loop3A_604, %parallel_loop3A_605, %parallel_loop3A_606] : memref<3x4x4x8x128xf32, #tpu.memory_space<vmem>> -> memref<1x4x4x8x128xf32, #tpu.memory_space<vmem>>
      %parallel_loop3A_608 = tpu.memref_squeeze %parallel_loop3A_607 : memref<1x4x4x8x128xf32, #tpu.memory_space<vmem>> -> memref<4x4x8x128xf32, #tpu.memory_space<vmem>>
      tpu.vector_store_idx %parallel_loop3A_608[%parallel_loop3A_595, %parallel_loop3A_597, %parallel_loop3A_600, %parallel_loop3A_602], %parallel_loop3A_592 : memref<4x4x8x128xf32, #tpu.memory_space<vmem>>[vector<16xi32>, vector<16xi32>, vector<16xi32>, vector<16xi32>], vector<16xf32>,
    } {sc.loop_unroll_factor = 8 : i64, sc.parallel_access}
    %parallel_loop3A_299 = arith.constant 0 : i32
    %parallel_loop3A_300 = arith.constant 256 : i32
    %parallel_loop3A_301 = arith.constant 1 : i32
    %parallel_loop3A_302 = arith.constant 1 : i32
    %parallel_loop3A_303 = arith.constant 1 : i32
    scf.for %parallel_loop3A_572 = %parallel_loop3A_299 to %parallel_loop3A_300 step %parallel_loop3A_301  : i32 {
      %parallel_loop3A_573 = arith.constant 5 : i32
      %parallel_loop3A_574 = arith.shrui %parallel_loop3A_572, %parallel_loop3A_573 : i32
      %parallel_loop3A_575 = arith.constant 4 : i32
      %parallel_loop3A_576 = arith.shli %parallel_loop3A_574, %parallel_loop3A_575 : i32
      %parallel_loop3A_577 = arith.constant 31 : i32
      %parallel_loop3A_578 = arith.andi %parallel_loop3A_572, %parallel_loop3A_577 : i32
      %parallel_loop3A_579 = arith.constant 384 : i32
      %parallel_loop3A_580 = arith.addi %parallel_loop3A_579, %parallel_loop3A_576 : i32
      %parallel_loop3A_581 = vector.broadcast %parallel_loop3A_580 : i32 to vector<16xi32>
      %parallel_loop3A_582 = arith.addi %parallel_loop3A_581, %iota3A : vector<16xi32>
      %parallel_loop3A_583 = vector.broadcast %parallel_loop3A_578 : i32 to vector<16xi32>
      %parallel_loop3A_584 = arith.addi %parallel_loop3A_583, %iota3A : vector<16xi32>
      %parallel_loop3A_585 = arith.constant 31 : i32
      %parallel_loop3A_586 = vector.broadcast %parallel_loop3A_585 : i32 to vector<16xi32>
      %parallel_loop3A_587 = arith.andi %parallel_loop3A_584, %parallel_loop3A_586 : vector<16xi32>
      %parallel_loop3A_588 = arith.constant 0 : i32
      %parallel_loop3A_589 = arith.constant 0 : i32
      %parallel_loop3A_590 = tpu.memref_slice %arg6[%parallel_loop3A_302, %parallel_loop3A_588, %parallel_loop3A_589] : memref<3x512x32xf32, #tpu.memory_space<vmem>> -> memref<1x512x32xf32, #tpu.memory_space<vmem>>
      %parallel_loop3A_591 = tpu.memref_squeeze %parallel_loop3A_590 : memref<1x512x32xf32, #tpu.memory_space<vmem>> -> memref<512x32xf32, #tpu.memory_space<vmem>>
      %parallel_loop3A_592 = tpu.vector_load_idx %parallel_loop3A_591[%parallel_loop3A_582, %parallel_loop3A_587] : memref<512x32xf32, #tpu.memory_space<vmem>>[vector<16xi32>, vector<16xi32>], vector<16xf32>,
      %parallel_loop3A_593 = arith.constant 3 : i32
      %parallel_loop3A_594 = vector.broadcast %parallel_loop3A_593 : i32 to vector<16xi32>
      %parallel_loop3A_595 = arith.shrui %parallel_loop3A_587, %parallel_loop3A_594 : vector<16xi32>
      %parallel_loop3A_596 = arith.constant 3 : i32
      %parallel_loop3A_597 = vector.broadcast %parallel_loop3A_596 : i32 to vector<16xi32>
      %parallel_loop3A_598 = arith.constant 7 : i32
      %parallel_loop3A_599 = vector.broadcast %parallel_loop3A_598 : i32 to vector<16xi32>
      %parallel_loop3A_600 = arith.andi %parallel_loop3A_587, %parallel_loop3A_599 : vector<16xi32>
      %parallel_loop3A_601 = vector.broadcast %parallel_loop3A_576 : i32 to vector<16xi32>
      %parallel_loop3A_602 = arith.addi %parallel_loop3A_601, %iota3A : vector<16xi32>
      %parallel_loop3A_603 = arith.constant 0 : i32
      %parallel_loop3A_604 = arith.constant 0 : i32
      %parallel_loop3A_605 = arith.constant 0 : i32
      %parallel_loop3A_606 = arith.constant 0 : i32
      %parallel_loop3A_607 = tpu.memref_slice %arg7[%parallel_loop3A_303, %parallel_loop3A_603, %parallel_loop3A_604, %parallel_loop3A_605, %parallel_loop3A_606] : memref<3x4x4x8x128xf32, #tpu.memory_space<vmem>> -> memref<1x4x4x8x128xf32, #tpu.memory_space<vmem>>
      %parallel_loop3A_608 = tpu.memref_squeeze %parallel_loop3A_607 : memref<1x4x4x8x128xf32, #tpu.memory_space<vmem>> -> memref<4x4x8x128xf32, #tpu.memory_space<vmem>>
      tpu.vector_store_idx %parallel_loop3A_608[%parallel_loop3A_595, %parallel_loop3A_597, %parallel_loop3A_600, %parallel_loop3A_602], %parallel_loop3A_592 : memref<4x4x8x128xf32, #tpu.memory_space<vmem>>[vector<16xi32>, vector<16xi32>, vector<16xi32>, vector<16xi32>], vector<16xf32>,
    } {sc.loop_unroll_factor = 8 : i64, sc.parallel_access}
    %mul3A_304 = arith.constant 104 : i32
    %mul3A_305 = arith.muli %add3A, %mul3A_304 : i32
    %add3A_306 = arith.constant 100 : i32
    %add3A_307 = arith.addi %mul3A_305, %add3A_306 : i32
    %jit3A_308 = arith.constant 128 : i32
    %div3A_309 = arith.divsi %add3A_307, %jit3A_308 : i32
    %sign3A_310 = arith.constant 0 : i32
    %sign3A_311 = arith.cmpi sgt, %add3A_307, %sign3A_310 : i32
    %sign3A_312 = arith.extui %sign3A_311 : i1 to i32
    %sign3A_313 = arith.constant 0 : i32
    %sign3A_314 = arith.cmpi slt, %add3A_307, %sign3A_313 : i32
    %sign3A_315 = arith.extui %sign3A_314 : i1 to i32
    %sign3A_316 = arith.subi %sign3A_312, %sign3A_315 : i32
    %sign3A_317 = arith.constant 0 : i32
    %sign3A_318 = arith.cmpi sgt, %jit3A_308, %sign3A_317 : i32
    %sign3A_319 = arith.extui %sign3A_318 : i1 to i32
    %sign3A_320 = arith.constant 0 : i32
    %sign3A_321 = arith.cmpi slt, %jit3A_308, %sign3A_320 : i32
    %sign3A_322 = arith.extui %sign3A_321 : i1 to i32
    %sign3A_323 = arith.subi %sign3A_319, %sign3A_322 : i32
    %ne3A_324 = arith.cmpi ne, %sign3A_316, %sign3A_323 : i32
    %rem3A_325 = arith.remsi %add3A_307, %jit3A_308 : i32
    %ne3A_326 = arith.constant 0 : i32
    %ne3A_327 = arith.cmpi ne, %rem3A_325, %ne3A_326 : i32
    %and3A_328 = arith.andi %ne3A_324, %ne3A_327 : i1
    %sub3A_329 = arith.constant 1 : i32
    %sub3A_330 = arith.subi %div3A_309, %sub3A_329 : i32
    %select_n3A_331 = arith.select %and3A_328, %sub3A_330, %div3A_309 : i32
    %jit3A_332 = arith.constant 128 : i32
    %eq3A_333 = arith.constant 0 : i32
    %eq3A_334 = arith.cmpi eq, %jit3A_332, %eq3A_333 : i32
    %jit3A_335 = arith.constant 1 : i32
    %select_n3A_336 = arith.select %eq3A_334, %jit3A_335, %jit3A_332 : i32
    %rem3A_337 = arith.remsi %add3A_307, %select_n3A_336 : i32
    %ne3A_338 = arith.constant 0 : i32
    %ne3A_339 = arith.cmpi ne, %rem3A_337, %ne3A_338 : i32
    %lt3A_340 = arith.constant 0 : i32
    %lt3A_341 = arith.cmpi slt, %rem3A_337, %lt3A_340 : i32
    %lt3A_342 = arith.constant 0 : i32
    %lt3A_343 = arith.cmpi slt, %select_n3A_336, %lt3A_342 : i32
    %ne3A_344 = arith.xori %lt3A_341, %lt3A_343 : i1
    %and3A_345 = arith.andi %ne3A_344, %ne3A_339 : i1
    %add3A_346 = arith.addi %rem3A_337, %select_n3A_336 : i32
    %select_n3A_347 = arith.select %and3A_345, %add3A_346, %rem3A_337 : i32
    %dma_start3A_348 = arith.constant 1 : i32
    %dma_start3A_349 = arith.constant 0 : i32
    %dma_start3A_350 = arith.constant 0 : i32
    %dma_start3A_351 = arith.constant 0 : i32
    %dma_start3A_352 = arith.constant 0 : i32
    %dma_start3A_353 = tpu.memref_slice %arg7[%dma_start3A_348, %dma_start3A_349, %dma_start3A_350, %dma_start3A_351, %dma_start3A_352] : memref<3x4x4x8x128xf32, #tpu.memory_space<vmem>> -> memref<1x4x4x8x128xf32, #tpu.memory_space<vmem>>
    %dma_start3A_354 = tpu.memref_squeeze %dma_start3A_353 : memref<1x4x4x8x128xf32, #tpu.memory_space<vmem>> -> memref<4x4x8x128xf32, #tpu.memory_space<vmem>>
    %dma_start3A_355 = arith.constant 0 : i32
    %dma_start3A_356 = arith.constant 0 : i32
    %dma_start3A_357 = arith.constant 0 : i32
    %dma_start3A_358 = tpu.memref_slice %arg4[%select_n3A_331, %dma_start3A_355, %select_n3A_347, %dma_start3A_356, %dma_start3A_357] : memref<26x4x128x8x128xf32, #tpu.memory_space<hbm>> -> memref<1x4x4x8x128xf32, #tpu.memory_space<hbm>>
    %dma_start3A_359 = tpu.memref_squeeze %dma_start3A_358 : memref<1x4x4x8x128xf32, #tpu.memory_space<hbm>> -> memref<4x4x8x128xf32, #tpu.memory_space<hbm>>
    %dma_start3A_360 = arith.constant 0 : i32
    %dma_start3A_361 = arith.constant 0 : i32
    %dma_start3A_362 = arith.constant 0 : i32
    %dma_start3A_363 = tpu.memref_slice %arg4[%select_n3A_331, %dma_start3A_360, %select_n3A_347, %dma_start3A_361, %dma_start3A_362] : memref<26x4x128x8x128xf32, #tpu.memory_space<hbm>> -> memref<1x4x4x8x128xf32, #tpu.memory_space<hbm>>
    %dma_start3A_364 = tpu.memref_squeeze %dma_start3A_363 : memref<1x4x4x8x128xf32, #tpu.memory_space<hbm>> -> memref<4x4x8x128xf32, #tpu.memory_space<hbm>>
    %dma_start3A_365 = arith.constant 0 : i32
    %dma_start3A_366 = arith.constant 0 : i32
    %dma_start3A_367 = arith.constant 0 : i32
    %dma_start3A_368 = arith.constant 0 : i32
    %dma_start3A_369 = tpu.memref_slice %arg7[%dma_start3A_348, %dma_start3A_365, %dma_start3A_366, %dma_start3A_367, %dma_start3A_368] : memref<3x4x4x8x128xf32, #tpu.memory_space<vmem>> -> memref<1x4x4x8x128xf32, #tpu.memory_space<vmem>>
    %dma_start3A_370 = tpu.memref_squeeze %dma_start3A_369 : memref<1x4x4x8x128xf32, #tpu.memory_space<vmem>> -> memref<4x4x8x128xf32, #tpu.memory_space<vmem>>
    tpu.enqueue_dma source(%dma_start3A_370 : memref<4x4x8x128xf32, #tpu.memory_space<vmem>>) target(%dma_start3A_364 : memref<4x4x8x128xf32, #tpu.memory_space<hbm>>) target_semaphore(%arg12 : memref<!tpu.dma_semaphore, #tpu.memory_space<semaphore_mem>>)
    %mul3A_371 = arith.constant 104 : i32
    %mul3A_372 = arith.muli %add3A, %mul3A_371 : i32
    %add3A_373 = arith.constant 0 : i32
    %add3A_374 = arith.addi %mul3A_372, %add3A_373 : i32
    %jit3A_375 = arith.constant 128 : i32
    %div3A_376 = arith.divsi %add3A_374, %jit3A_375 : i32
    %sign3A_377 = arith.constant 0 : i32
    %sign3A_378 = arith.cmpi sgt, %add3A_374, %sign3A_377 : i32
    %sign3A_379 = arith.extui %sign3A_378 : i1 to i32
    %sign3A_380 = arith.constant 0 : i32
    %sign3A_381 = arith.cmpi slt, %add3A_374, %sign3A_380 : i32
    %sign3A_382 = arith.extui %sign3A_381 : i1 to i32
    %sign3A_383 = arith.subi %sign3A_379, %sign3A_382 : i32
    %sign3A_384 = arith.constant 0 : i32
    %sign3A_385 = arith.cmpi sgt, %jit3A_375, %sign3A_384 : i32
    %sign3A_386 = arith.extui %sign3A_385 : i1 to i32
    %sign3A_387 = arith.constant 0 : i32
    %sign3A_388 = arith.cmpi slt, %jit3A_375, %sign3A_387 : i32
    %sign3A_389 = arith.extui %sign3A_388 : i1 to i32
    %sign3A_390 = arith.subi %sign3A_386, %sign3A_389 : i32
    %ne3A_391 = arith.cmpi ne, %sign3A_383, %sign3A_390 : i32
    %rem3A_392 = arith.remsi %add3A_374, %jit3A_375 : i32
    %ne3A_393 = arith.constant 0 : i32
    %ne3A_394 = arith.cmpi ne, %rem3A_392, %ne3A_393 : i32
    %and3A_395 = arith.andi %ne3A_391, %ne3A_394 : i1
    %sub3A_396 = arith.constant 1 : i32
    %sub3A_397 = arith.subi %div3A_376, %sub3A_396 : i32
    %select_n3A_398 = arith.select %and3A_395, %sub3A_397, %div3A_376 : i32
    %jit3A_399 = arith.constant 128 : i32
    %eq3A_400 = arith.constant 0 : i32
    %eq3A_401 = arith.cmpi eq, %jit3A_399, %eq3A_400 : i32
    %jit3A_402 = arith.constant 1 : i32
    %select_n3A_403 = arith.select %eq3A_401, %jit3A_402, %jit3A_399 : i32
    %rem3A_404 = arith.remsi %add3A_374, %select_n3A_403 : i32
    %ne3A_405 = arith.constant 0 : i32
    %ne3A_406 = arith.cmpi ne, %rem3A_404, %ne3A_405 : i32
    %lt3A_407 = arith.constant 0 : i32
    %lt3A_408 = arith.cmpi slt, %rem3A_404, %lt3A_407 : i32
    %lt3A_409 = arith.constant 0 : i32
    %lt3A_410 = arith.cmpi slt, %select_n3A_403, %lt3A_409 : i32
    %ne3A_411 = arith.xori %lt3A_408, %lt3A_410 : i1
    %and3A_412 = arith.andi %ne3A_411, %ne3A_406 : i1
    %add3A_413 = arith.addi %rem3A_404, %select_n3A_403 : i32
    %select_n3A_414 = arith.select %and3A_412, %add3A_413, %rem3A_404 : i32
    %dma_wait3A_415 = arith.constant 0 : i32
    %dma_wait3A_416 = arith.constant 0 : i32
    %dma_wait3A_417 = arith.constant 0 : i32
    %dma_wait3A_418 = arith.constant 0 : i32
    %dma_wait3A_419 = arith.constant 0 : i32
    %dma_wait3A_420 = tpu.memref_slice %arg7[%dma_wait3A_415, %dma_wait3A_416, %dma_wait3A_417, %dma_wait3A_418, %dma_wait3A_419] : memref<3x4x4x8x128xf32, #tpu.memory_space<vmem>> -> memref<1x4x4x8x128xf32, #tpu.memory_space<vmem>>
    %dma_wait3A_421 = tpu.memref_squeeze %dma_wait3A_420 : memref<1x4x4x8x128xf32, #tpu.memory_space<vmem>> -> memref<4x4x8x128xf32, #tpu.memory_space<vmem>>
    %dma_wait3A_422 = arith.constant 0 : i32
    %dma_wait3A_423 = arith.constant 0 : i32
    %dma_wait3A_424 = arith.constant 0 : i32
    %dma_wait3A_425 = tpu.memref_slice %arg4[%select_n3A_398, %dma_wait3A_422, %select_n3A_414, %dma_wait3A_423, %dma_wait3A_424] : memref<26x4x128x8x128xf32, #tpu.memory_space<hbm>> -> memref<1x4x4x8x128xf32, #tpu.memory_space<hbm>>
    %dma_wait3A_426 = tpu.memref_squeeze %dma_wait3A_425 : memref<1x4x4x8x128xf32, #tpu.memory_space<hbm>> -> memref<4x4x8x128xf32, #tpu.memory_space<hbm>>
    %dma_wait3A_427 = arith.constant 0 : i32
    %dma_wait3A_428 = arith.constant 0 : i32
    %dma_wait3A_429 = arith.constant 0 : i32
    %dma_wait3A_430 = tpu.memref_slice %arg4[%select_n3A_398, %dma_wait3A_427, %select_n3A_414, %dma_wait3A_428, %dma_wait3A_429] : memref<26x4x128x8x128xf32, #tpu.memory_space<hbm>> -> memref<1x4x4x8x128xf32, #tpu.memory_space<hbm>>
    %dma_wait3A_431 = tpu.memref_squeeze %dma_wait3A_430 : memref<1x4x4x8x128xf32, #tpu.memory_space<hbm>> -> memref<4x4x8x128xf32, #tpu.memory_space<hbm>>
    %dma_wait3A_432 = arith.constant 0 : i32
    %dma_wait3A_433 = arith.constant 0 : i32
    %dma_wait3A_434 = arith.constant 0 : i32
    %dma_wait3A_435 = arith.constant 0 : i32
    %dma_wait3A_436 = tpu.memref_slice %arg7[%dma_wait3A_415, %dma_wait3A_432, %dma_wait3A_433, %dma_wait3A_434, %dma_wait3A_435] : memref<3x4x4x8x128xf32, #tpu.memory_space<vmem>> -> memref<1x4x4x8x128xf32, #tpu.memory_space<vmem>>
    %dma_wait3A_437 = tpu.memref_squeeze %dma_wait3A_436 : memref<1x4x4x8x128xf32, #tpu.memory_space<vmem>> -> memref<4x4x8x128xf32, #tpu.memory_space<vmem>>
    tpu.wait_dma2 semaphore(%arg11 : memref<!tpu.dma_semaphore, #tpu.memory_space<semaphore_mem>>) src(%dma_wait3A_437 : memref<4x4x8x128xf32, #tpu.memory_space<vmem>>) dst(%dma_wait3A_431 : memref<4x4x8x128xf32, #tpu.memory_space<hbm>>)
    %mul3A_438 = arith.constant 104 : i32
    %mul3A_439 = arith.muli %add3A, %mul3A_438 : i32
    %add3A_440 = arith.constant 0 : i32
    %add3A_441 = arith.addi %mul3A_439, %add3A_440 : i32
    %jit3A_442 = arith.constant 128 : i32
    %div3A_443 = arith.divsi %add3A_441, %jit3A_442 : i32
    %sign3A_444 = arith.constant 0 : i32
    %sign3A_445 = arith.cmpi sgt, %add3A_441, %sign3A_444 : i32
    %sign3A_446 = arith.extui %sign3A_445 : i1 to i32
    %sign3A_447 = arith.constant 0 : i32
    %sign3A_448 = arith.cmpi slt, %add3A_441, %sign3A_447 : i32
    %sign3A_449 = arith.extui %sign3A_448 : i1 to i32
    %sign3A_450 = arith.subi %sign3A_446, %sign3A_449 : i32
    %sign3A_451 = arith.constant 0 : i32
    %sign3A_452 = arith.cmpi sgt, %jit3A_442, %sign3A_451 : i32
    %sign3A_453 = arith.extui %sign3A_452 : i1 to i32
    %sign3A_454 = arith.constant 0 : i32
    %sign3A_455 = arith.cmpi slt, %jit3A_442, %sign3A_454 : i32
    %sign3A_456 = arith.extui %sign3A_455 : i1 to i32
    %sign3A_457 = arith.subi %sign3A_453, %sign3A_456 : i32
    %ne3A_458 = arith.cmpi ne, %sign3A_450, %sign3A_457 : i32
    %rem3A_459 = arith.remsi %add3A_441, %jit3A_442 : i32
    %ne3A_460 = arith.constant 0 : i32
    %ne3A_461 = arith.cmpi ne, %rem3A_459, %ne3A_460 : i32
    %and3A_462 = arith.andi %ne3A_458, %ne3A_461 : i1
    %sub3A_463 = arith.constant 1 : i32
    %sub3A_464 = arith.subi %div3A_443, %sub3A_463 : i32
    %select_n3A_465 = arith.select %and3A_462, %sub3A_464, %div3A_443 : i32
    %jit3A_466 = arith.constant 128 : i32
    %eq3A_467 = arith.constant 0 : i32
    %eq3A_468 = arith.cmpi eq, %jit3A_466, %eq3A_467 : i32
    %jit3A_469 = arith.constant 1 : i32
    %select_n3A_470 = arith.select %eq3A_468, %jit3A_469, %jit3A_466 : i32
    %rem3A_471 = arith.remsi %add3A_441, %select_n3A_470 : i32
    %ne3A_472 = arith.constant 0 : i32
    %ne3A_473 = arith.cmpi ne, %rem3A_471, %ne3A_472 : i32
    %lt3A_474 = arith.constant 0 : i32
    %lt3A_475 = arith.cmpi slt, %rem3A_471, %lt3A_474 : i32
    %lt3A_476 = arith.constant 0 : i32
    %lt3A_477 = arith.cmpi slt, %select_n3A_470, %lt3A_476 : i32
    %ne3A_478 = arith.xori %lt3A_475, %lt3A_477 : i1
    %and3A_479 = arith.andi %ne3A_478, %ne3A_473 : i1
    %add3A_480 = arith.addi %rem3A_471, %select_n3A_470 : i32
    %select_n3A_481 = arith.select %and3A_479, %add3A_480, %rem3A_471 : i32
    %dma_wait3A_482 = arith.constant 1 : i32
    %dma_wait3A_483 = arith.constant 0 : i32
    %dma_wait3A_484 = arith.constant 0 : i32
    %dma_wait3A_485 = arith.constant 0 : i32
    %dma_wait3A_486 = arith.constant 0 : i32
    %dma_wait3A_487 = tpu.memref_slice %arg7[%dma_wait3A_482, %dma_wait3A_483, %dma_wait3A_484, %dma_wait3A_485, %dma_wait3A_486] : memref<3x4x4x8x128xf32, #tpu.memory_space<vmem>> -> memref<1x4x4x8x128xf32, #tpu.memory_space<vmem>>
    %dma_wait3A_488 = tpu.memref_squeeze %dma_wait3A_487 : memref<1x4x4x8x128xf32, #tpu.memory_space<vmem>> -> memref<4x4x8x128xf32, #tpu.memory_space<vmem>>
    %dma_wait3A_489 = arith.constant 0 : i32
    %dma_wait3A_490 = arith.constant 0 : i32
    %dma_wait3A_491 = arith.constant 0 : i32
    %dma_wait3A_492 = tpu.memref_slice %arg4[%select_n3A_465, %dma_wait3A_489, %select_n3A_481, %dma_wait3A_490, %dma_wait3A_491] : memref<26x4x128x8x128xf32, #tpu.memory_space<hbm>> -> memref<1x4x4x8x128xf32, #tpu.memory_space<hbm>>
    %dma_wait3A_493 = tpu.memref_squeeze %dma_wait3A_492 : memref<1x4x4x8x128xf32, #tpu.memory_space<hbm>> -> memref<4x4x8x128xf32, #tpu.memory_space<hbm>>
    %dma_wait3A_494 = arith.constant 0 : i32
    %dma_wait3A_495 = arith.constant 0 : i32
    %dma_wait3A_496 = arith.constant 0 : i32
    %dma_wait3A_497 = tpu.memref_slice %arg4[%select_n3A_465, %dma_wait3A_494, %select_n3A_481, %dma_wait3A_495, %dma_wait3A_496] : memref<26x4x128x8x128xf32, #tpu.memory_space<hbm>> -> memref<1x4x4x8x128xf32, #tpu.memory_space<hbm>>
    %dma_wait3A_498 = tpu.memref_squeeze %dma_wait3A_497 : memref<1x4x4x8x128xf32, #tpu.memory_space<hbm>> -> memref<4x4x8x128xf32, #tpu.memory_space<hbm>>
    %dma_wait3A_499 = arith.constant 0 : i32
    %dma_wait3A_500 = arith.constant 0 : i32
    %dma_wait3A_501 = arith.constant 0 : i32
    %dma_wait3A_502 = arith.constant 0 : i32
    %dma_wait3A_503 = tpu.memref_slice %arg7[%dma_wait3A_482, %dma_wait3A_499, %dma_wait3A_500, %dma_wait3A_501, %dma_wait3A_502] : memref<3x4x4x8x128xf32, #tpu.memory_space<vmem>> -> memref<1x4x4x8x128xf32, #tpu.memory_space<vmem>>
    %dma_wait3A_504 = tpu.memref_squeeze %dma_wait3A_503 : memref<1x4x4x8x128xf32, #tpu.memory_space<vmem>> -> memref<4x4x8x128xf32, #tpu.memory_space<vmem>>
    tpu.wait_dma2 semaphore(%arg12 : memref<!tpu.dma_semaphore, #tpu.memory_space<semaphore_mem>>) src(%dma_wait3A_504 : memref<4x4x8x128xf32, #tpu.memory_space<vmem>>) dst(%dma_wait3A_498 : memref<4x4x8x128xf32, #tpu.memory_space<hbm>>)
    %mul3A_505 = arith.constant 104 : i32
    %mul3A_506 = arith.muli %add3A, %mul3A_505 : i32
    %add3A_507 = arith.constant 0 : i32
    %add3A_508 = arith.addi %mul3A_506, %add3A_507 : i32
    %jit3A_509 = arith.constant 128 : i32
    %div3A_510 = arith.divsi %add3A_508, %jit3A_509 : i32
    %sign3A_511 = arith.constant 0 : i32
    %sign3A_512 = arith.cmpi sgt, %add3A_508, %sign3A_511 : i32
    %sign3A_513 = arith.extui %sign3A_512 : i1 to i32
    %sign3A_514 = arith.constant 0 : i32
    %sign3A_515 = arith.cmpi slt, %add3A_508, %sign3A_514 : i32
    %sign3A_516 = arith.extui %sign3A_515 : i1 to i32
    %sign3A_517 = arith.subi %sign3A_513, %sign3A_516 : i32
    %sign3A_518 = arith.constant 0 : i32
    %sign3A_519 = arith.cmpi sgt, %jit3A_509, %sign3A_518 : i32
    %sign3A_520 = arith.extui %sign3A_519 : i1 to i32
    %sign3A_521 = arith.constant 0 : i32
    %sign3A_522 = arith.cmpi slt, %jit3A_509, %sign3A_521 : i32
    %sign3A_523 = arith.extui %sign3A_522 : i1 to i32
    %sign3A_524 = arith.subi %sign3A_520, %sign3A_523 : i32
    %ne3A_525 = arith.cmpi ne, %sign3A_517, %sign3A_524 : i32
    %rem3A_526 = arith.remsi %add3A_508, %jit3A_509 : i32
    %ne3A_527 = arith.constant 0 : i32
    %ne3A_528 = arith.cmpi ne, %rem3A_526, %ne3A_527 : i32
    %and3A_529 = arith.andi %ne3A_525, %ne3A_528 : i1
    %sub3A_530 = arith.constant 1 : i32
    %sub3A_531 = arith.subi %div3A_510, %sub3A_530 : i32
    %select_n3A_532 = arith.select %and3A_529, %sub3A_531, %div3A_510 : i32
    %jit3A_533 = arith.constant 128 : i32
    %eq3A_534 = arith.constant 0 : i32
    %eq3A_535 = arith.cmpi eq, %jit3A_533, %eq3A_534 : i32
    %jit3A_536 = arith.constant 1 : i32
    %select_n3A_537 = arith.select %eq3A_535, %jit3A_536, %jit3A_533 : i32
    %rem3A_538 = arith.remsi %add3A_508, %select_n3A_537 : i32
    %ne3A_539 = arith.constant 0 : i32
    %ne3A_540 = arith.cmpi ne, %rem3A_538, %ne3A_539 : i32
    %lt3A_541 = arith.constant 0 : i32
    %lt3A_542 = arith.cmpi slt, %rem3A_538, %lt3A_541 : i32
    %lt3A_543 = arith.constant 0 : i32
    %lt3A_544 = arith.cmpi slt, %select_n3A_537, %lt3A_543 : i32
    %ne3A_545 = arith.xori %lt3A_542, %lt3A_544 : i1
    %and3A_546 = arith.andi %ne3A_545, %ne3A_540 : i1
    %add3A_547 = arith.addi %rem3A_538, %select_n3A_537 : i32
    %select_n3A_548 = arith.select %and3A_546, %add3A_547, %rem3A_538 : i32
    %dma_wait3A_549 = arith.constant 2 : i32
    %dma_wait3A_550 = arith.constant 0 : i32
    %dma_wait3A_551 = arith.constant 0 : i32
    %dma_wait3A_552 = arith.constant 0 : i32
    %dma_wait3A_553 = arith.constant 0 : i32
    %dma_wait3A_554 = tpu.memref_slice %arg7[%dma_wait3A_549, %dma_wait3A_550, %dma_wait3A_551, %dma_wait3A_552, %dma_wait3A_553] : memref<3x4x4x8x128xf32, #tpu.memory_space<vmem>> -> memref<1x4x4x8x128xf32, #tpu.memory_space<vmem>>
    %dma_wait3A_555 = tpu.memref_squeeze %dma_wait3A_554 : memref<1x4x4x8x128xf32, #tpu.memory_space<vmem>> -> memref<4x4x8x128xf32, #tpu.memory_space<vmem>>
    %dma_wait3A_556 = arith.constant 0 : i32
    %dma_wait3A_557 = arith.constant 0 : i32
    %dma_wait3A_558 = arith.constant 0 : i32
    %dma_wait3A_559 = tpu.memref_slice %arg4[%select_n3A_532, %dma_wait3A_556, %select_n3A_548, %dma_wait3A_557, %dma_wait3A_558] : memref<26x4x128x8x128xf32, #tpu.memory_space<hbm>> -> memref<1x4x4x8x128xf32, #tpu.memory_space<hbm>>
    %dma_wait3A_560 = tpu.memref_squeeze %dma_wait3A_559 : memref<1x4x4x8x128xf32, #tpu.memory_space<hbm>> -> memref<4x4x8x128xf32, #tpu.memory_space<hbm>>
    %dma_wait3A_561 = arith.constant 0 : i32
    %dma_wait3A_562 = arith.constant 0 : i32
    %dma_wait3A_563 = arith.constant 0 : i32
    %dma_wait3A_564 = tpu.memref_slice %arg4[%select_n3A_532, %dma_wait3A_561, %select_n3A_548, %dma_wait3A_562, %dma_wait3A_563] : memref<26x4x128x8x128xf32, #tpu.memory_space<hbm>> -> memref<1x4x4x8x128xf32, #tpu.memory_space<hbm>>
    %dma_wait3A_565 = tpu.memref_squeeze %dma_wait3A_564 : memref<1x4x4x8x128xf32, #tpu.memory_space<hbm>> -> memref<4x4x8x128xf32, #tpu.memory_space<hbm>>
    %dma_wait3A_566 = arith.constant 0 : i32
    %dma_wait3A_567 = arith.constant 0 : i32
    %dma_wait3A_568 = arith.constant 0 : i32
    %dma_wait3A_569 = arith.constant 0 : i32
    %dma_wait3A_570 = tpu.memref_slice %arg7[%dma_wait3A_549, %dma_wait3A_566, %dma_wait3A_567, %dma_wait3A_568, %dma_wait3A_569] : memref<3x4x4x8x128xf32, #tpu.memory_space<vmem>> -> memref<1x4x4x8x128xf32, #tpu.memory_space<vmem>>
    %dma_wait3A_571 = tpu.memref_squeeze %dma_wait3A_570 : memref<1x4x4x8x128xf32, #tpu.memory_space<vmem>> -> memref<4x4x8x128xf32, #tpu.memory_space<vmem>>
    tpu.wait_dma2 semaphore(%arg13 : memref<!tpu.dma_semaphore, #tpu.memory_space<semaphore_mem>>) src(%dma_wait3A_571 : memref<4x4x8x128xf32, #tpu.memory_space<vmem>>) dst(%dma_wait3A_565 : memref<4x4x8x128xf32, #tpu.memory_space<hbm>>)
    return
  }
}

</mosaic_0001>

<sc_bundles>
// kernel: kernel.3.cloned.1.call-start
scs
__scs_entry_jumppad:
0x0: {  	(pc) =	sbr.rel $0x88, $3  }
0x1: {  	(tag) =	ssettag $0x0;
	lr =	simm.s32 $0x1  }
0x2: {  	[smem:$0x3F9F] =	sst lr;
	_ =	strace $0xD0000000  }
0x3: {  	_ = 	snop  }
0x4: {  	_ = 	snop  }
0x5: {  	_ = 	snop  }
0x6: {  	_ = 	snop  }
0x7: {  	_ = 	snop  }
__scs_overlays_trampoline_lowered:
0x8: {  	[smem:$0x3FAE] =	sst s0  }
0x9: {  	[smem:$0x3FAF] =	sst s1  }
0xa: {  	[smem:$0x3FB0] =	sst s2  }
0xb: {  	[smem:$0x3FB1] =	sst s3  }
0xc: {  	[smem:$0x3FB2] =	sst s4  }
0xd: {  	[smem:$0x3FB3] =	sst s5  }
0xe: {  	[smem:$0x3FB4] =	sst s6  }
0xf: {  	[smem:$0x3FB5] =	sst s7  }
0x10: {  	[smem:$0x3FB6] =	sst s8  }
0x11: {  	[smem:$0x3FB7] =	sst s9;
	s0 =	simm.s32 @!p0 $0x0  }
0x12: {  	s1 =	sld [smem:$0x3F9D];
	s0 =	simm.s32 @p0 $0x1  }
0x13: {  	[smem:$0x3FB8] =	sst s0;
	s0 =	simm.s32 @!p1 $0x0  }
0x14: {  	s2 =	sld [smem:$0x3F9C];
	s0 =	simm.s32 @p1 $0x1  }
0x15: {  	[smem:$0x3FB9] =	sst s0;
	s0 =	simm.s32 @!p2 $0x0  }
0x16: {  	s3 =	sld [smem:$0x3FDB];
	s0 =	simm.s32 @p2 $0x1  }
0x17: {  	s4 =	simm.s32 $0x1BF5;
	[smem:$0x3FBB] =	sst s0  }
0x18: {  	s0 =	sld [smem:$0x3F9E];
	_ =	swait.ge [sflag:s4], $0x0  }
0x19: {  	s7 =	sld [smem:$0x3F9F]  }
0x1a: {  	s8 =	sadd.s32 $0xFFFFE003, lr  }
0x1b: {  	s9 =	sadd.s32 $0xFFFFFEF7, lr;
	s5 =	simm.s32 $0xFFFFFFFF;
	p2 =	slt.u32 s8, $0xFFFFF086  }
0x1c: {  	p1 =	slt.u32 s9, $0xF7A;
	s5 =	simm.s32 @!p2 $0x0  }
0x1d: {  	s5 =	simm.s32 @p1 $0x1;
	p0 =	seq.s32 s7, s2  }
0x1e: {  	s7 =	smul.u32 @!p0 $0xF7A, s2;
	p2 =	seq.s32 @!p0 s5, $0x0  }
0x1f: {  	s9 =	smul.u32 $0xF7A, s1;
	s8 =	simm.s32 @!p0 $0x1BF5;
	p2 =	por !p2, p0  }
0x20: {  	[sflag:s8] =	ssyncset.s32 @!p0 $0xFFFFF086;
	s6 =	sadd.s32 @!p0 s3, s7;
	s7 =	simm.s32 @!p0 $0x108  }
0x21: {  	s3 =	sadd.s32 s3, s9;
	s6 =	sadd.s32 @!p0 $0x88, s6;
	s7 =	simm.s32 @p2 $0x1082  }
0x22: {  	[simem:s7], [sflag:s8] =	dma.local @!p0 [hbm:s6], $0xF7A  }
0x23: {  	s9 =	sor.u32 $0xD0000000, s2;
	s6 =	simm.s32 $0x108;
	_ =	swait.ge @!p0 [sflag:s8], $0x0  }
0x24: {  	s3 =	sadd.s32 $0x88, s3;
	s6 =	simm.s32 @!p1 $0x1082;
	[sflag:s4] =	ssyncset.s32 $0xFFFFF086  }
0x25: {  	[simem:s6], [sflag:s4] =	dma.local [hbm:s3], $0xF7A  }
0x26: {  	[smem:$0x3F9F] =	sst s1;
	(tag) =	ssettag s2;
	_ =	strace s9  }
0x27: {  	s1 =	sld [smem:$0x3FAF]  }
0x28: {  	s2 =	sld [smem:$0x3FB0]  }
0x29: {  	s4 =	sld [smem:$0x3FB2]  }
0x2a: {  	p0 =	seq.s32 s5, $0x0;
	s5 =	sld [smem:$0x3FB3]  }
0x2b: {  	s6 =	sld [smem:$0x3FB4]  }
0x2c: {  	s7 =	sld [smem:$0x3FB5]  }
0x2d: {  	s3 =	simm.s32 $0x108;
	s8 =	sld [smem:$0x3FB6]  }
0x2e: {  	s3 =	simm.s32 @!p0 $0x1082;
	s9 =	sld [smem:$0x3FB7]  }
0x2f: {  	lr =	sadd.s32 s0, s3;
	s0 =	sld [smem:$0x3FAE]  }
0x30: {  	s3 =	sld [smem:$0x3FB1]  }
0x31: {  	[smem:$0x3FBA] =	sst s10  }
0x32: {  	s10 =	sld [smem:$0x3FB8];
	_ =	sdelay $0x3  }
0x33: {  	p0 =	seq.s32 s10, $0x1;
	s10 =	sld [smem:$0x3FBA];
	_ =	sdelay $0x3  }
0x34: {  	[smem:$0x3FBA] =	sst s10  }
0x35: {  	s10 =	sld [smem:$0x3FB9];
	_ =	sdelay $0x3  }
0x36: {  	p1 =	seq.s32 s10, $0x1;
	s10 =	sld [smem:$0x3FBA];
	_ =	sdelay $0x3  }
0x37: {  	[smem:$0x3FBA] =	sst s10  }
0x38: {  	s10 =	sld [smem:$0x3FBB]  }
0x39: {  	_ = 	snop;
	(pc) =	sbr.ind lr, $3  }
0x3a: {  	_ = 	snop  }
0x3b: {  	_ = 	snop  }
0x3c: {  	p2 =	seq.s32 s10, $0x1;
	s10 =	sld [smem:$0x3FBA]  }
0x3d: {  	_ =	shalt  }
0x3e: {  	_ =	shalt  }
0x3f: {  	_ =	shalt  }
0x40: {  	_ =	shalt  }
0x41: {  	_ =	shalt  }
0x42: {  	_ =	shalt  }
0x43: {  	_ =	shalt  }
0x44: {  	_ =	shalt  }
0x45: {  	_ =	shalt  }
0x46: {  	_ =	shalt  }
0x47: {  	_ =	shalt  }
0x48: {  	_ =	shalt  }
0x49: {  	_ =	shalt  }
0x4a: {  	_ =	shalt  }
0x4b: {  	_ =	shalt  }
0x4c: {  	_ =	shalt  }
0x4d: {  	_ =	shalt  }
0x4e: {  	_ =	shalt  }
0x4f: {  	_ =	shalt  }
0x50: {  	_ =	shalt  }
0x51: {  	_ =	shalt  }
0x52: {  	_ =	shalt  }
0x53: {  	_ =	shalt  }
0x54: {  	_ =	shalt  }
0x55: {  	_ =	shalt  }
0x56: {  	_ =	shalt  }
0x57: {  	_ =	shalt  }
0x58: {  	_ =	shalt  }
0x59: {  	_ =	shalt  }
0x5a: {  	_ =	shalt  }
0x5b: {  	_ =	shalt  }
0x5c: {  	_ =	shalt  }
0x5d: {  	_ =	shalt  }
0x5e: {  	_ =	shalt  }
0x5f: {  	_ =	shalt  }
0x60: {  	_ =	shalt  }
0x61: {  	_ =	shalt  }
0x62: {  	_ =	shalt  }
0x63: {  	_ =	shalt  }
0x64: {  	_ =	shalt  }
0x65: {  	_ =	shalt  }
0x66: {  	_ =	shalt  }
0x67: {  	_ =	shalt  }
0x68: {  	_ =	shalt  }
0x69: {  	_ =	shalt  }
0x6a: {  	_ =	shalt  }
0x6b: {  	_ =	shalt  }
0x6c: {  	_ =	shalt  }
0x6d: {  	_ =	shalt  }
0x6e: {  	_ =	shalt  }
0x6f: {  	_ =	shalt  }
0x70: {  	_ =	shalt  }
0x71: {  	_ =	shalt  }
0x72: {  	_ =	shalt  }
0x73: {  	_ =	shalt  }
0x74: {  	_ =	shalt  }
0x75: {  	_ =	shalt  }
0x76: {  	_ =	shalt  }
0x77: {  	_ =	shalt  }
0x78: {  	_ =	shalt  }
0x79: {  	_ =	shalt  }
0x7a: {  	_ =	shalt  }
0x7b: {  	_ =	shalt  }
0x7c: {  	_ =	shalt  }
0x7d: {  	_ =	shalt  }
0x7e: {  	_ =	shalt  }
0x7f: {  	_ =	shalt  }
0x80: {  	_ =	shalt  }
0x81: {  	_ =	shalt  }
0x82: {  	_ =	shalt  }
0x83: {  	_ =	shalt  }
0x84: {  	_ =	shalt  }
0x85: {  	_ =	shalt  }
0x86: {  	_ =	shalt  }
0x87: {  	_ =	shalt  }
.Lfunc_end0:
.L_simem_size_0:
called_computation_lowered:
.L_overlay_start_0:
0x88: {  	s2 =	sld [smem:$0x3FD9]  }
0x89: {  	s3 =	sld [smem:$0x3FFE];
	_ =	sdelay $0x1  }
0x8a: {  	s1 =	srdreg.scid  }
0x8b: {  	s0 =	sand.u32 $0x1, s1  }
0x8c: {  	s17 =	sshll.u32 s0, $0xA;
	s2 =	sadd.s32 s3, s2  }
0x8d: {  	s2 =	sadd.s32 s2, s17  }
0x8e: {  	[smem:$0x3FC6] =	sst s2  }
0x8f: {  	_ = 	snop  }
0x90: {  	s2 =	sld [smem:$0x3FD0];
	(tm) =	ssettm $0x1  }
0x91: {  	s18 =	sld [smem:$0x3FFB];
	_ =	sdelay $0x3  }
0x92: {  	_ =	strace s18  }
0x93: {  	s3 =	sld [smem:$0x3FFC];
	_ =	sdelay $0x3  }
0x94: {  	_ =	strace s3  }
0x95: {  	s3 =	sld [smem:$0x3FFD];
	_ =	sdelay $0x3  }
0x96: {  	_ =	strace s3  }
0x97: {  	_ =	strace $0x8FFFFFFF  }
0x98: {  	s19 =	sld [smem:$0x3FDB];
	_ =	sdelay $0x1  }
0x99: {  	s4 =	simm.s32 $_scs_section_size  }
0x9a: {  	s5 =	simm.s32 $_size__tile_overlayer_lowered;
	s6 =	simm.s32 $_tile_overlayer_lowered  }
0x9b: {  	s22 =	simm.s32 $0x1BFF;
	s21 =	sshll.u32 s6, $0x1;
	s3 =	sadd.s32 s4, s19  }
0x9c: {  	s7 =	simm.s32 $0x0;
	s20 =	sshll.u32 s5, $0x1;
	s5 =	sadd.s32 s21, s3  }
0x9d: {  	[timem:s7], [sflag:s22] =	dma.local [hbm:s5], s20  }
0x9e: {  	_ =	swait.ge [sflag:s22], s20  }
0x9f: {  	s4 =	ssub.s32 $0x0, s20;
	[sflag:s22] =	ssyncset.done $0x0  }
0xa0: {  	[sflag:s22] =	ssyncadd.s32 s4;
	_ =	sdelay $0x1  }
0xa1: {  	s23 =	simm.s32 $0x1B8B  }
0xa2: {  	_ =	swait.ge [sflag:s23], $0x1  }
0xa3: {  	[sflag:s23] =	ssyncset.done $0x0  }
0xa4: {  	s25 =	simm.s32 $0x1B8E;
	s24 =	sld [smem:$0x3FFE];
	[sflag:s23] =	ssyncadd.s32 $0xFFFFFFFF  }
0xa5: {  	s26 =	simm.s32 $execute0_lowered;
	[smem:$0x3FD2] =	sst s25  }
0xa6: {  	s5 =	sshll.u32 s26, $0x1;
	_ =	strace $0x80000046;
	[dreg:$0x1] =	wrdreg $0xFFFFFFFF  }
0xa7: {  	s28 =	simm.s32 $_size_execute0_lowered;
	s3 =	sadd.s32 s3, s5;
	[dreg:$0x0] =	wrdreg $0x0  }
0xa8: {  	s5 =	sshll.u32 s28, $0x1;
	[dreg:$0x2] =	wrdreg s3  }
0xa9: {  	[dreg:$0x3] =	wrdreg s5  }
0xaa: {  	[dreg:$0x4] =	wrdreg $0xC0  }
0xab: {  	_ =	task [dreg:s7], $0x5FFFF  }
0xac: {  	[dreg:$0x1] =	wrdreg $0xFFFFFFFF  }
0xad: {  	[dreg:$0x0] =	wrdreg $0x60  }
0xae: {  	[dreg:$0x2] =	wrdreg s24  }
0xaf: {  	[dreg:$0x3] =	wrdreg s2  }
0xb0: {  	[dreg:$0x4] =	wrdreg $0x9  }
0xb1: {  	_ =	task.clear_ibuf [dreg:s7], $0x5FFFF;
	_ =	strace $0x90000046  }
0xb2: {  	s29 =	simm.s32 $0x9;
	_ =	strace $0x80000048  }
0xb3: {  	_ =	swait.ge [sflag:s29], $0x1  }
0xb4: {  	[sflag:s29] =	ssyncadd.s32 $0xFFFFFFFF  }
0xb5: {  	_ =	strace $0x90000048  }
0xb6: {  	_ =	sfence  }
0xb7: {  	s30 =	sld [smem:$0x0];
	_ =	sdelay $0x2  }
0xb8: {  	s31 =	sshll.u32 s1, $0xD;
	s1 =	sshrl.u32 s1, $0x2  }
0xb9: {  	s3 =	sand.u32 $0x4000, s31;
	s1 =	sadd.s32 s1, s30  }
0xba: {  	s0 =	sor.u32 s3, s0;
	s1 =	sshll.u32 s1, $0x11  }
0xbb: {  	s0 =	sor.u32 s1, s0  }
0xbc: {  	s0 =	sadd.s32 $0x8F2B, s0  }
0xbd: {  	[sflag:s0] =	ssyncadd.remote.s32 $0x1  }
0xbe: {  	_ =	sfence.sel $0xFFFF  }
0xbf: {  	[dreg:$0x0] =	wrdreg $0xFFFFFFFF;
	(pc) =	sbr.abs _section_cstart, $3  }
0xc0: {  	[dreg:$0x1] =	wrdreg $0xFFFFFFFF  }
0xc1: {  	_ =	task.clear_ibuf [dreg:s7], $0x2FFFF;
	_ =	strace $0x9FFFFFFF  }
0xc2: {  	(tm) =	ssettm $0x7FFFFFFF  }
0xc3: {  	_ =	shalt  }
tec
execute0_lowered:
.L_overlay_start_1:
0x0: {  	(tag) =	ssettag $0x1  }
0x1: {  	v0 =	vimm.s32 $0x78F;
	vm7 =	vcmask $0x300  }
0x2: {  	vm8 =	vcmask $0x704;
	vm6 =	vcmask $0xB08;
	s0 =	rddreg [dreg:$0x0];
	vm4 =	vcmask $0xF0C;
	s1 =	srdreg.scid  }
0x3: {  	s3 =	stileid.u32;
	vm1 =	vcmask $0x1310;
	s2 =	rddreg [dreg:$0x1];
	vm2 =	vcmask $0x1714;
	vm3 =	vcmask $0x1B18  }
0x4: {  	vm0 =	vcmask $0x1F1C;
	v6 =	vimm.s32 $0xB8F;
	vm5 =	vcmask $0x2320;
	s28 =	simm.s32 $0x20000;
	s29 =	simm.s32 $0x2;
	s30 =	simm.s32 $0x10600  }
0x5: {  	v7 =	vimm.s32 $0xF8F;
	vm10 =	vcmask $0x2724;
	vm11 =	vcmask $0x2B28;
	s31 =	simm.s32 $0x3;
	s1 =	sand.u32 $0x1, s1;
	s4 =	sshll.u32 s3, $0x1  }
0x6: {  	vm12 =	vcmask $0x2F2C;
	vm13 =	vcmask $0x3330;
	vm14 =	vcmask $0x3734;
	s3 =	simm.s32 $0x0;
	s7 =	sadd.s32 $0xF42A00, s0;
	s5 =	sor.u32 s1, s4  }
0x7: {  	vm15 =	vcmask $0x3B38;
	v0 =	vsel vm7, $0x400, v0;
	v6 =	vsel vm7, $0x800, v6;
	[smem:$0x7FF] =	sst s3;
	s1 =	ssub.s32 $0x2, s1;
	s8 =	smul.u32 $0x3400, s5  }
0x8: {  	v7 =	vsel vm7, $0xC00, v7;
	v0 =	vsel vm8, $0x481, v0;
	s4 =	sadd.s32 $0x600, s0;
	v6 =	vsel vm8, $0x881, v6;
	s9 =	sshrl.u32 s1, $0x1;
	s10 =	smul.u32 $0x68, s5  }
0x9: {  	v7 =	vsel vm8, $0xC81, v7;
	v1 =	vsel vm6, $0x502, v0;
	v0 =	vlaneseq.u32;
	_ =	strace $0x80000047;
	s14 =	ssub.s32 s1, s9;
	s17 =	sadd.s32 $0x600, s8  }
0xa: {  	v6 =	vsel vm6, $0x902, v6;
	v7 =	vsel vm6, $0xD02, v7;
	v2 =	vsel vm4, $0x583, v1;
	s6 =	sshrl.u32 s8, $0x3;
	s18 =	sor.u32 $0x4, s10;
	[dreg:$0x6] =	wrdreg s17  }
0xb: {  	v1 =	vand.u32 $0x7, v0;
	v6 =	vsel vm4, $0x983, v6;
	v7 =	vsel vm4, $0xD83, v7;
	s19 =	sadd.s32 $0x800, s8;
	s20 =	sadd.s32 $0x8, s10;
	[dreg:$0x7] =	wrdreg s18  }
0xc: {  	v10 =	vor.u32 $0xC00, v0;
	v3 =	vsel vm1, $0x604, v2;
	v2 =	vmul.u32 $0x81, v1;
	s21 =	sadd.s32 $0x60, s10;
	s22 =	sadd.s32 $0xA00, s8;
	[dreg:$0x8] =	wrdreg s19  }
0xd: {  	v6 =	vsel vm1, $0xA04, v6;
	s24 =	sadd.s32 $0x64, s10;
	v7 =	vsel vm1, $0xE04, v7;
	s0 =	smax.u32 s14, $0x1;
	v4 =	vsel vm2, $0x685, v3;
	[dreg:$0x9] =	wrdreg s20  }
0xe: {  	v3 =	vor.u32 $0x78, v0;
	s6 =	sadd.s32 s4, s6;
	[dreg:$0xa] =	wrdreg s22;
	s23 =	sshll.u32 s21, $0x9;
	v6 =	vsel vm2, $0xA85, v6;
	v7 =	vsel vm2, $0xE85, v7  }
0xf: {  	s22 =	smov.u32 s10;
	s1 =	sshll.u32 s21, $0x7;
	s25 =	sshll.u32 s24, $0x7;
	v5 =	vsel vm3, $0x706, v4;
	v4 =	vmul.u32 $0x20, v0;
	v6 =	vsel vm3, $0xB06, v6  }
0x10: {  	s8 =	sshll.u32 s24, $0x9;
	[dreg:$0xd] =	wrdreg s0;
	s18 =	simm.s32 $0x7;
	v7 =	vsel vm3, $0xF06, v7;
	v5 =	vsel vm0, $0x787, v5;
	v6 =	vsel vm0, $0xB87, v6  }
0x11: {  	s19 =	simm.s32 $0x200;
	s20 =	simm.s32 $0x600;
	s21 =	simm.s32 $0x4600;
	v7 =	vsel vm0, $0xF87, v7;
	v5 =	vsel vm5, $0x408, v5;
	v6 =	vsel vm5, $0x808, v6  }
0x12: {  	s24 =	simm.s32 $0x1;
	s15 =	sadd.s32 $0x40, s6;
	[dreg:$0x3] =	wrdreg s6;
	v7 =	vsel vm5, $0xC08, v7;
	v5 =	vsel vm10, $0x489, v5;
	v6 =	vsel vm10, $0x889, v6  }
0x13: {  	s16 =	sadd.s32 $0x80, s6;
	s5 =	sand.u32 $0x3F0000, s23;
	s1 =	sand.u32 $0x3C00, s1;
	v7 =	vsel vm10, $0xC89, v7;
	v5 =	vsel vm11, $0x50A, v5;
	v6 =	vsel vm11, $0x90A, v6  }
0x14: {  	s9 =	sand.u32 $0x3E00, s25;
	s8 =	sand.u32 $0x3F0000, s8;
	s23 =	simm.s32 $0x8600;
	v7 =	vsel vm11, $0xD0A, v7;
	v5 =	vsel vm12, $0x58B, v5;
	v6 =	vsel vm12, $0x98B, v6  }
0x15: {  	s25 =	simm.s32 $0xC600;
	[dreg:$0x4] =	wrdreg s15;
	s1 =	sadd.s32 s2, s1;
	v7 =	vsel vm12, $0xD8B, v7;
	v5 =	vsel vm13, $0x60C, v5;
	v6 =	vsel vm13, $0xA0C, v6  }
0x16: {  	[dreg:$0x5] =	wrdreg s16;
	s9 =	sadd.s32 s2, s9;
	s1 =	sadd.s32 s5, s1;
	v9 =	vsel vm13, $0xE0C, v7;
	v5 =	vsel vm14, $0x68D, v5;
	v8 =	vsel vm14, $0xA8D, v6  }
0x17: {  	s6 =	simm.s32 $0x0;
	s26 =	sadd.s32 s8, s9;
	[dreg:$0xb] =	wrdreg s1;
	v6 =	vor.u32 $0x400, v0;
	v9 =	vsel vm14, $0xE8D, v9;
	v5 =	vsel vm15, $0x70E, v5  }
0x18: {  	[dreg:$0xc] =	wrdreg s26;
	s26 =	simm.s32 $0x1000;
	s1 =	simm.s32 $0x14600;
	v7 =	vsel vm15, $0xB0E, v8;
	v8 =	vor.u32 $0x800, v0;
	v9 =	vsel vm15, $0xF0E, v9  }
.LBB2_1:
0x19: {  	[dreg:$0xe] =	wrdreg s6  }
0x1a: {  	s0 =	rddreg [dreg:$0x3]  }
0x1b: {  	[tilespmem:s3], [sflag:$0x7] =	stream.linear.gather [hbm4b:s0+s3], $0x200, $0x38;
	[tilespmem:$0x18600] =	vst v63  }
0x1c: {  	_ =	swait.ge [sflag:s18], $0x200  }
0x1d: {  	[sflag:s18] =	ssyncset.done $0x0  }
0x1e: {  	[sflag:s18] =	ssyncadd.s32 $0xFFFFFE00  }
0x1f: {  	[tilespmem:s20], [sflag:$0x1] =	stream.indirect.gather [hbm4b:s7+s19], $0x20, s3, s19, $0xb8;
	[tilespmem:$0x18600] =	vst v63  }
0x20: {  	s16 =	rddreg [dreg:$0x4]  }
0x21: {  	[tilespmem:s19], [sflag:$0x7] =	stream.linear.gather [hbm4b:s16+s3], $0x200, $0x38;
	[tilespmem:$0x18600] =	vst v63  }
0x22: {  	_ =	swait.ge [sflag:s18], $0x200  }
0x23: {  	[sflag:s18] =	ssyncset.done $0x0  }
0x24: {  	[sflag:s18] =	ssyncadd.s32 $0xFFFFFE00  }
0x25: {  	[tilespmem:s21], [sflag:$0x2] =	stream.indirect.gather [hbm4b:s7+s19], $0x20, s19, s19, $0xb8;
	[tilespmem:$0x18600] =	vst v63  }
0x26: {  	s5 =	simm.s32 $0x400;
	s17 =	rddreg [dreg:$0x5]  }
0x27: {  	[tilespmem:s5], [sflag:$0x7] =	stream.linear.gather [hbm4b:s17+s3], $0x200, $0x38;
	[tilespmem:$0x18600] =	vst v63  }
0x28: {  	_ =	swait.ge [sflag:s18], $0x200  }
0x29: {  	[sflag:s18] =	ssyncset.done $0x0  }
0x2a: {  	s16 =	simm.s32 $0x0;
	[sflag:s18] =	ssyncadd.s32 $0xFFFFFE00  }
0x2b: {  	[tilespmem:s23], [sflag:$0x3] =	stream.indirect.gather [hbm4b:s7+s19], $0x20, s5, s19, $0xb8;
	[tilespmem:$0x18600] =	vst v63  }
.LBB2_2:
0x2c: {  	s0 =	simm.s32 $0x0;
	s8 =	simm.s32 $0x0  }
0x2d: {  	s9 =	sand.u32 $0x18, s0;
	s5 =	sand.u32 $0x70, s8  }
0x2e: {  	v13 =	vadd.s32 s9, v0;
	s15 =	sor.u32 $0x7, s9;
	v14 =	vor.u32 s5, v0  }
0x2f: {  	s17 =	sor.u32 $0x1, s9;
	s12 =	sor.u32 $0x2, s9;
	s14 =	sor.u32 $0x3, s9;
	v11 =	vand.u32 $0x18, v13;
	v12 =	vadd.s32 s15, v0;
	v15 =	vshll.u32 v14, $0x5  }
0x30: {  	s13 =	sor.u32 $0x4, s9;
	s10 =	sor.u32 $0x5, s9;
	s9 =	sor.u32 $0x6, s9;
	v16 =	vadd.s32 s17, v0;
	v18 =	vadd.s32 s12, v0;
	v19 =	vadd.s32 s14, v0  }
0x31: {  	v20 =	vadd.s32 s13, v0;
	v21 =	vadd.s32 s10, v0;
	v22 =	vadd.s32 s9, v0  }
0x32: {  	v13 =	vshll.u32 v13, $0x9;
	v17 =	vand.u32 $0x1F, v12;
	v23 =	vor.u32 v15, v11  }
0x33: {  	v24 =	vand.u32 $0x1F, v16;
	v25 =	vand.u32 $0x1F, v18;
	v26 =	vand.u32 $0x1F, v19  }
0x34: {  	v11 =	vshll.u32 v12, $0x9;
	v12 =	vshll.u32 v12, $0x7;
	v27 =	vand.u32 $0x1F, v20  }
0x35: {  	v29 =	vand.u32 $0x1F, v21;
	v62 =	vand.u32 $0x1F, v22;
	v31 =	vshll.u32 v18, $0x9  }
0x36: {  	v18 =	vshll.u32 v18, $0x7;
	v32 =	vshll.u32 v19, $0x9;
	v19 =	vshll.u32 v19, $0x7  }
0x37: {  	_ =	swait.ge [sflag:s24], $0x4000;
	v33 =	vshll.u32 v20, $0x9;
	v20 =	vshll.u32 v20, $0x7;
	v34 =	vshll.u32 v21, $0x9  }
0x38: {  	p0 =	seq.s32 s16, $0x0;
	[sflag:s24] =	ssyncset.done $0x0;
	v21 =	vshll.u32 v21, $0x7;
	v36 =	vshll.u32 v22, $0x9;
	v17 =	vor.u32 v17, v15  }
0x39: {  	[sflag:s24] =	ssyncadd.s32 $0xFFFFC000;
	s9 =	simm.s32 @!p0 $0x4;
	v22 =	vshll.u32 v22, $0x7;
	v28 =	vand.u32 $0x3000, v11;
	v23 =	vor.u32 v1, v23  }
0x3a: {  	_ =	swait.ge @!p0 [sflag:s9], $0x4000;
	v12 =	vand.u32 $0x380, v12;
	v11 =	vand.u32 v3, v14;
	v24 =	vor.u32 v24, v15  }
0x3b: {  	v25 =	vor.u32 v25, v15;
	v26 =	vor.u32 v26, v15;
	v27 =	vor.u32 v27, v15;
	[sflag:s9] =	ssyncset.done @!p0 $0x0  }
0x3c: {  	v29 =	vor.u32 v29, v15;
	v63 =	vand.u32 $0x380, v18;
	v32 =	vand.u32 $0x3000, v32;
	[sflag:s9] =	ssyncadd.s32 @!p0 $0xFFFFC000  }
0x3d: {  	v19 =	vand.u32 $0x380, v19;
	v33 =	vand.u32 $0x3000, v33;
	v12 =	vor.u32 v28, v12;
	v35 =	vld.idx.msk [tilespmem:v17+s20+$0x0], $0xffff  }
0x3e: {  	v38 =	vand.u32 $0x380, v20;
	v34 =	vand.u32 $0x3000, v34;
	v30 =	vor.u32 v11, v12;
	v12 =	vld.idx.msk [tilespmem:v23+s20+$0x0], $0xffff  }
0x3f: {  	v39 =	vand.u32 $0x380, v21;
	v36 =	vand.u32 $0x3000, v36;
	v28 =	vor.u32 v62, v15;
	v17 =	vld.idx.msk [tilespmem:v24+s20+$0x0], $0xffff  }
0x40: {  	v20 =	vand.u32 $0x78, v14;
	v15 =	vshll.u32 v16, $0x9;
	v16 =	vshll.u32 v16, $0x7;
	v18 =	vld.idx.msk [tilespmem:v25+s20+$0x0], $0xffff  }
0x41: {  	v21 =	vand.u32 $0x3000, v13;
	v37 =	vand.u32 $0x380, v16;
	v23 =	vand.u32 $0x3000, v15;
	v15 =	vld.idx.msk [tilespmem:v26+s20+$0x0], $0xffff  }
0x42: {  	v24 =	vand.u32 $0x3000, v31;
	v16 =	vld.idx.msk [tilespmem:v27+s20+$0x0], $0xffff;
	v27 =	vand.u32 $0x380, v22;
	v22 =	vor.u32 v32, v19  }
0x43: {  	v14 =	vld.idx.msk [tilespmem:v29+s20+$0x0], $0xffff;
	v25 =	vor.u32 v23, v37;
	v26 =	vor.u32 v24, v63;
	v23 =	vor.u32 v33, v38  }
0x44: {  	v13 =	vld.idx.msk [tilespmem:v28+s20+$0x0], $0xffff;
	v24 =	vor.u32 v34, v39;
	v19 =	vor.u32 v36, v27;
	[tilespmem:v30+s25+$0x0] =	vst.idx.msk $0xffff, v35  }
.LBB2_3:
0x45: {  	s0 =	sadd.s32 $0x8, s0;
	v20 =	vor.u32 v20, v21;
	v21 =	vor.u32 v11, v25;
	v25 =	vor.u32 v11, v26  }
0x46: {  	v22 =	vor.u32 v11, v22;
	v23 =	vor.u32 v11, v23;
	v24 =	vor.u32 v11, v24;
	s8 =	sadd.s32 $0x4, s8;
	s9 =	sand.u32 $0x18, s0;
	p1 =	slt.u32 s0, $0xF8  }
0x47: {  	v19 =	vor.u32 v11, v19;
	s10 =	sand.u32 $0x70, s8;
	v20 =	vor.u32 v2, v20;
	v26 =	vadd.s32 s9, v0;
	s14 =	sor.u32 $0x1, s9;
	s15 =	sor.u32 $0x7, s9  }
0x48: {  	v27 =	vor.u32 s10, v0;
	s10 =	sor.u32 $0x2, s9;
	s17 =	sor.u32 $0x3, s9;
	s11 =	sor.u32 $0x4, s9;
	v11 =	vand.u32 $0x18, v26;
	v28 =	vadd.s32 s15, v0  }
0x49: {  	v29 =	vshll.u32 v27, $0x5;
	v30 =	vadd.s32 s14, v0;
	s14 =	sor.u32 $0x5, s9;
	s9 =	sor.u32 $0x6, s9;
	v31 =	vand.u32 $0x1F, v28  }
0x4a: {  	v32 =	vadd.s32 s10, v0;
	v33 =	vadd.s32 s17, v0;
	v31 =	vor.u32 v31, v29;
	[tilespmem:v21+s25+$0x0] =	vst.idx.msk $0xffff, v17  }
0x4b: {  	v34 =	vadd.s32 s9, v0;
	v17 =	vadd.s32 s11, v0;
	v21 =	vadd.s32 s14, v0;
	[tilespmem:v25+s25+$0x0] =	vst.idx.msk $0xffff, v18  }
0x4c: {  	v35 =	vand.u32 $0x1F, v32;
	v18 =	vor.u32 v29, v11;
	v25 =	vand.u32 $0x1F, v30;
	[tilespmem:v20+s25+$0x0] =	vst.idx.msk $0xffff, v12  }
0x4d: {  	v11 =	vshll.u32 v28, $0x9;
	v12 =	vand.u32 $0x1F, v33;
	v20 =	vshll.u32 v28, $0x7;
	[tilespmem:v22+s25+$0x0] =	vst.idx.msk $0xffff, v15  }
0x4e: {  	v15 =	vand.u32 $0x1F, v17;
	v22 =	vand.u32 $0x3000, v11;
	v20 =	vand.u32 $0x380, v20;
	[tilespmem:v23+s25+$0x0] =	vst.idx.msk $0xffff, v16  }
0x4f: {  	v11 =	vand.u32 v3, v27;
	v16 =	vand.u32 $0x1F, v21;
	v20 =	vor.u32 v22, v20;
	v23 =	vld.idx.msk [tilespmem:v31+s20+$0x0], $0xffff  }
0x50: {  	v18 =	vor.u32 v1, v18;
	v22 =	vand.u32 $0x1F, v34;
	v20 =	vor.u32 v11, v20;
	[tilespmem:v24+s25+$0x0] =	vst.idx.msk $0xffff, v14  }
0x51: {  	v14 =	vor.u32 v25, v29;
	v24 =	vor.u32 v35, v29;
	v25 =	vor.u32 v12, v29  }
0x52: {  	v28 =	vor.u32 v15, v29;
	v31 =	vor.u32 v16, v29;
	v22 =	vor.u32 v22, v29  }
0x53: {  	v15 =	vshll.u32 v30, $0x9;
	v16 =	vshll.u32 v30, $0x7;
	v29 =	vshll.u32 v32, $0x9;
	[tilespmem:v19+s25+$0x0] =	vst.idx.msk $0xffff, v13  }
0x54: {  	v30 =	vshll.u32 v33, $0x7;
	v13 =	vshll.u32 v32, $0x7;
	v19 =	vshll.u32 v33, $0x9  }
0x55: {  	v35 =	vshll.u32 v21, $0x9;
	v32 =	vshll.u32 v17, $0x9;
	v33 =	vshll.u32 v17, $0x7;
	v12 =	vld.idx.msk [tilespmem:v18+s20+$0x0], $0xffff;
	[tilespmem:v20+s25+$0x0] =	vst.idx.msk $0xffff, v23  }
0x56: {  	v20 =	vshll.u32 v21, $0x7;
	v21 =	vshll.u32 v34, $0x9;
	v23 =	vshll.u32 v34, $0x7;
	v17 =	vld.idx.msk [tilespmem:v14+s20+$0x0], $0xffff  }
0x57: {  	v26 =	vshll.u32 v26, $0x9;
	v36 =	vand.u32 $0x380, v16;
	v34 =	vand.u32 $0x3000, v15;
	v18 =	vld.idx.msk [tilespmem:v24+s20+$0x0], $0xffff  }
0x58: {  	v19 =	vand.u32 $0x3000, v19;
	v24 =	vand.u32 $0x3000, v29;
	v29 =	vand.u32 $0x380, v13;
	v15 =	vld.idx.msk [tilespmem:v25+s20+$0x0], $0xffff  }
.Ltmp0:
0x59: {  	v30 =	vand.u32 $0x380, v30;
	v16 =	vld.idx.msk [tilespmem:v28+s20+$0x0], $0xffff;
	v28 =	vand.u32 $0x3000, v32;
	v32 =	vand.u32 $0x380, v33;
	(pc) =	sbr.rel @p1 .LBB2_3-.Ltmp0, $4  }
0x5a: {  	v33 =	vand.u32 $0x380, v20;
	v14 =	vld.idx.msk [tilespmem:v31+s20+$0x0], $0xffff;
	v31 =	vand.u32 $0x3000, v35;
	v35 =	vand.u32 $0x3000, v21  }
0x5b: {  	v20 =	vand.u32 $0x78, v27;
	v27 =	vand.u32 $0x380, v23;
	v21 =	vand.u32 $0x3000, v26;
	v13 =	vld.idx.msk [tilespmem:v22+s20+$0x0], $0xffff  }
0x5c: {  	v25 =	vor.u32 v34, v36;
	v26 =	vor.u32 v24, v29;
	v22 =	vor.u32 v19, v30  }
0x5d: {  	v23 =	vor.u32 v28, v32;
	v24 =	vor.u32 v31, v33;
	v19 =	vor.u32 v35, v27  }
0x5e: {  	v20 =	vor.u32 v20, v21;
	v21 =	vor.u32 v11, v25;
	v25 =	vor.u32 v11, v26;
	s0 =	simm.s32 $0x0  }
0x5f: {  	v22 =	vor.u32 v11, v22;
	v23 =	vor.u32 v11, v23;
	v24 =	vor.u32 v11, v24;
	s8 =	sor.u32 $0x80, s5;
	s9 =	sand.u32 $0x18, s0  }
0x60: {  	v19 =	vor.u32 v11, v19;
	v26 =	vmov s8;
	v27 =	vadd.s32 s9, v0  }
0x61: {  	v20 =	vor.u32 v2, v20;
	v26 =	vshll.u32 v26, $0x5;
	s14 =	sor.u32 $0x1, s9;
	s10 =	sor.u32 $0x2, s9;
	v28 =	vand.u32 $0x18, v27  }
0x62: {  	s11 =	sor.u32 $0x3, s9;
	s15 =	sor.u32 $0x4, s9;
	s17 =	sor.u32 $0x6, s9;
	v26 =	vor.u32 v4, v26;
	v29 =	vadd.s32 s14, v0;
	v30 =	vadd.s32 s10, v0  }
0x63: {  	s14 =	sor.u32 $0x5, s9;
	v31 =	vadd.s32 s11, v0;
	v32 =	vadd.s32 s15, v0;
	v35 =	vadd.s32 s17, v0  }
0x64: {  	s9 =	sor.u32 $0x7, s9;
	v28 =	vor.u32 v26, v28;
	v33 =	vadd.s32 s14, v0;
	v34 =	vand.u32 $0x1F, v29  }
0x65: {  	v36 =	vadd.s32 s9, v0;
	v37 =	vand.u32 $0x1F, v30;
	v38 =	vand.u32 $0x1F, v31  }
0x66: {  	v39 =	vand.u32 $0x1F, v32;
	v56 =	vshll.u32 v35, $0x9;
	v57 =	vshll.u32 v35, $0x7;
	[tilespmem:v21+s25+$0x0] =	vst.idx.msk $0xffff, v17  }
0x67: {  	v28 =	vor.u32 v1, v28;
	v17 =	vshll.u32 v27, $0x9;
	v21 =	vand.u32 $0x1F, v33;
	[tilespmem:v25+s25+$0x0] =	vst.idx.msk $0xffff, v18  }
0x68: {  	v27 =	vand.u32 $0x1F, v35;
	v18 =	vor.u32 v34, v26;
	v25 =	vand.u32 $0x1F, v36;
	[tilespmem:v22+s25+$0x0] =	vst.idx.msk $0xffff, v15  }
0x69: {  	v52 =	vor.u32 v39, v26;
	v15 =	vshll.u32 v29, $0x9;
	[tilespmem:v23+s25+$0x0] =	vst.idx.msk $0xffff, v16;
	v16 =	vshll.u32 v29, $0x7  }
0x6a: {  	v22 =	vshll.u32 v30, $0x9;
	v23 =	vshll.u32 v30, $0x7;
	[tilespmem:v24+s25+$0x0] =	vst.idx.msk $0xffff, v14;
	v24 =	vshll.u32 v31, $0x9  }
0x6b: {  	[tilespmem:v19+s25+$0x0] =	vst.idx.msk $0xffff, v13;
	v19 =	vshll.u32 v32, $0x7;
	v54 =	vshll.u32 v33, $0x9;
	v55 =	vshll.u32 v33, $0x7  }
0x6c: {  	v58 =	vshll.u32 v36, $0x9;
	v63 =	vand.u32 $0x380, v57;
	v17 =	vand.u32 $0x3000, v17;
	[tilespmem:v20+s25+$0x0] =	vst.idx.msk $0xffff, v12  }
0x6d: {  	v20 =	vor.u32 v38, v26;
	v21 =	vor.u32 v21, v26;
	v27 =	vor.u32 v27, v26  }
0x6e: {  	v53 =	vor.u32 v25, v26;
	v25 =	vshll.u32 v31, $0x7;
	v59 =	vand.u32 $0x3000, v15  }
0x6f: {  	v60 =	vand.u32 $0x380, v16;
	v12 =	vor.u32 s5, v17;
	v17 =	vor.u32 v37, v26;
	v28 =	vld.idx.msk [tilespmem:v28+s20+$0x0], $0xffff  }
0x70: {  	v61 =	vand.u32 $0x3000, v22;
	v23 =	vand.u32 $0x380, v23;
	v24 =	vand.u32 $0x3000, v24;
	v13 =	vld.idx.msk [tilespmem:v18+s20+$0x0], $0xffff  }
0x71: {  	v19 =	vand.u32 $0x380, v19;
	v29 =	vand.u32 $0x3000, v54;
	v12 =	vor.u32 v5, v12;
	v16 =	vld.idx.msk [tilespmem:v52+s20+$0x0], $0xffff  }
0x72: {  	v30 =	vand.u32 $0x380, v55;
	v31 =	vand.u32 $0x3000, v56;
	v18 =	vshll.u32 v36, $0x7;
	v15 =	vld.idx.msk [tilespmem:v20+s20+$0x0], $0xffff  }
0x73: {  	v26 =	vshll.u32 v32, $0x9;
	v62 =	vand.u32 $0x380, v25;
	v22 =	vand.u32 $0x380, v18;
	v18 =	vld.idx.msk [tilespmem:v27+s20+$0x0], $0xffff  }
0x74: {  	v25 =	vor.u32 v60, v59;
	v40 =	vand.u32 $0x3000, v26;
	v26 =	vor.u32 v23, v61;
	v14 =	vld.idx.msk [tilespmem:v17+s20+$0x0], $0xffff  }
0x75: {  	v23 =	vor.u32 v62, v24;
	v24 =	vor.u32 v19, v40;
	v19 =	vor.u32 v63, v31;
	v17 =	vld.idx.msk [tilespmem:v21+s20+$0x0], $0xffff  }
0x76: {  	v11 =	vor.u32 s5, v6;
	s5 =	simm.s32 $0x4;
	v20 =	vand.u32 $0x3000, v58;
	v21 =	vor.u32 v30, v29;
	[tilespmem:v12+s25+$0x0] =	vst.idx.msk $0xffff, v28;
	v12 =	vld.idx.msk [tilespmem:v53+s20+$0x0], $0xffff  }
.LBB2_5:
0x77: {  	s8 =	sand.u32 $0x70, s5;
	v25 =	vor.u32 v11, v25;
	v26 =	vor.u32 v11, v26;
	v20 =	vor.u32 v22, v20  }
0x78: {  	s0 =	sadd.s32 $0x8, s0;
	v23 =	vor.u32 v11, v23;
	v24 =	vor.u32 v11, v24;
	s9 =	sor.u32 $0x80, s8;
	v22 =	vor.u32 s8, v6  }
0x79: {  	v21 =	vor.u32 v11, v21;
	v19 =	vor.u32 v11, v19;
	s10 =	sand.u32 $0x18, s0;
	p1 =	slt.u32 s0, $0xF8;
	v27 =	vmov s9  }
0x7a: {  	v20 =	vor.u32 v11, v20;
	v28 =	vadd.s32 s10, v0;
	s9 =	sor.u32 $0x1, s10;
	s11 =	sor.u32 $0x2, s10;
	s14 =	sor.u32 $0x3, s10;
	v11 =	vmovc v22;
	v27 =	vshll.u32 v27, $0x5  }
0x7b: {  	s15 =	sor.u32 $0x5, s10;
	s17 =	sor.u32 $0x6, s10;
	v22 =	vand.u32 $0x18, v28;
	v29 =	vadd.s32 s9, v0;
	s9 =	sor.u32 $0x4, s10;
	v27 =	vor.u32 v4, v27  }
0x7c: {  	v30 =	vadd.s32 s11, v0;
	v31 =	vadd.s32 s14, v0;
	s10 =	sor.u32 $0x7, s10;
	v22 =	vor.u32 v27, v22;
	[tilespmem:v25+s25+$0x0] =	vst.idx.msk $0xffff, v13  }
0x7d: {  	v25 =	vadd.s32 s15, v0;
	v13 =	vor.u32 v1, v22;
	v22 =	vadd.s32 s9, v0;
	[tilespmem:v26+s25+$0x0] =	vst.idx.msk $0xffff, v14  }
0x7e: {  	v32 =	vadd.s32 s10, v0;
	v14 =	vand.u32 $0x1F, v29;
	v26 =	vadd.s32 s17, v0;
	[tilespmem:v23+s25+$0x0] =	vst.idx.msk $0xffff, v15  }
0x7f: {  	v15 =	vand.u32 $0x1F, v30;
	v23 =	vand.u32 $0x1F, v31;
	v33 =	vand.u32 $0x1F, v22;
	[tilespmem:v24+s25+$0x0] =	vst.idx.msk $0xffff, v16  }
0x80: {  	v16 =	vshll.u32 v28, $0x9;
	v24 =	vand.u32 $0x1F, v25;
	v28 =	vand.u32 $0x1F, v26;
	[tilespmem:v21+s25+$0x0] =	vst.idx.msk $0xffff, v17  }
0x81: {  	v14 =	vor.u32 v14, v27;
	v16 =	vand.u32 $0x3000, v16;
	v17 =	vand.u32 $0x1F, v32;
	[tilespmem:v19+s25+$0x0] =	vst.idx.msk $0xffff, v18  }
0x82: {  	v15 =	vor.u32 v15, v27;
	v18 =	vld.idx.msk [tilespmem:v13+s20+$0x0], $0xffff;
	v13 =	vor.u32 s8, v16;
	v16 =	vor.u32 v23, v27  }
0x83: {  	v21 =	vor.u32 v33, v27;
	v23 =	vor.u32 v24, v27;
	v19 =	vor.u32 v5, v13  }
0x84: {  	v28 =	vor.u32 v28, v27;
	v24 =	vshll.u32 v29, $0x9;
	v27 =	vor.u32 v17, v27;
	[tilespmem:v20+s25+$0x0] =	vst.idx.msk $0xffff, v12  }
0x85: {  	v17 =	vshll.u32 v30, $0x9;
	v12 =	vshll.u32 v29, $0x7;
	v20 =	vshll.u32 v30, $0x7  }
0x86: {  	v29 =	vshll.u32 v31, $0x9;
	v30 =	vshll.u32 v31, $0x7;
	v31 =	vshll.u32 v22, $0x9;
	v13 =	vld.idx.msk [tilespmem:v14+s20+$0x0], $0xffff  }
0x87: {  	v33 =	vshll.u32 v25, $0x9;
	v25 =	vshll.u32 v25, $0x7;
	v22 =	vshll.u32 v22, $0x7;
	v14 =	vld.idx.msk [tilespmem:v15+s20+$0x0], $0xffff  }
0x88: {  	v34 =	vshll.u32 v32, $0x9;
	s8 =	simm.s32 $0x0;
	[tilespmem:v19+s25+$0x0] =	vst.idx.msk $0xffff, v18;
	v15 =	vld.idx.msk [tilespmem:v16+s20+$0x0], $0xffff;
	v19 =	vshll.u32 v26, $0x9;
	v26 =	vshll.u32 v26, $0x7  }
0x89: {  	v24 =	vand.u32 $0x3000, v24;
	v35 =	vand.u32 $0x380, v12;
	v16 =	vld.idx.msk [tilespmem:v21+s20+$0x0], $0xffff;
	v21 =	vshll.u32 v32, $0x7  }
0x8a: {  	v36 =	vand.u32 $0x380, v20;
	v29 =	vand.u32 $0x3000, v29;
	v32 =	vand.u32 $0x3000, v17;
	v17 =	vld.idx.msk [tilespmem:v23+s20+$0x0], $0xffff  }
.Ltmp1:
0x8b: {  	v23 =	vand.u32 $0x380, v30;
	v30 =	vand.u32 $0x3000, v31;
	v31 =	vand.u32 $0x380, v22;
	v18 =	vld.idx.msk [tilespmem:v28+s20+$0x0], $0xffff;
	(pc) =	sbr.rel @p1 .LBB2_5-.Ltmp1, $4  }
0x8c: {  	v19 =	vand.u32 $0x3000, v19;
	v28 =	vand.u32 $0x3000, v33;
	v33 =	vand.u32 $0x380, v25;
	v12 =	vld.idx.msk [tilespmem:v27+s20+$0x0], $0xffff  }
0x8d: {  	v20 =	vand.u32 $0x3000, v34;
	v22 =	vand.u32 $0x380, v21;
	v27 =	vand.u32 $0x380, v26  }
0x8e: {  	v25 =	vor.u32 v35, v24;
	v23 =	vor.u32 v23, v29;
	v26 =	vor.u32 v36, v32  }
0x8f: {  	s5 =	sadd.s32 $0x4, s5;
	v24 =	vor.u32 v31, v30;
	v21 =	vor.u32 v33, v28;
	v19 =	vor.u32 v27, v19  }
0x90: {  	v25 =	vor.u32 v11, v25;
	v26 =	vor.u32 v11, v26;
	v20 =	vor.u32 v22, v20;
	s5 =	sand.u32 $0x70, s8  }
0x91: {  	v22 =	vor.u32 v11, v23;
	v23 =	vor.u32 v11, v24;
	v21 =	vor.u32 v11, v21;
	s0 =	simm.s32 $0x0;
	s8 =	sor.u32 $0x100, s5  }
0x92: {  	v19 =	vor.u32 v11, v19;
	v20 =	vor.u32 v11, v20;
	s9 =	sand.u32 $0x18, s0;
	v24 =	vmov s8  }
0x93: {  	v11 =	vor.u32 s5, v8;
	v27 =	vadd.s32 s9, v0;
	s14 =	sor.u32 $0x1, s9;
	s10 =	sor.u32 $0x2, s9;
	v24 =	vshll.u32 v24, $0x5  }
0x94: {  	s11 =	sor.u32 $0x3, s9;
	s15 =	sor.u32 $0x4, s9;
	s17 =	sor.u32 $0x6, s9;
	v28 =	vand.u32 $0x18, v27;
	v29 =	vadd.s32 s14, v0;
	v30 =	vadd.s32 s10, v0  }
0x95: {  	s14 =	sor.u32 $0x5, s9;
	v31 =	vadd.s32 s11, v0;
	v32 =	vadd.s32 s15, v0;
	v35 =	vadd.s32 s17, v0  }
0x96: {  	s9 =	sor.u32 $0x7, s9;
	v24 =	vor.u32 v4, v24;
	v33 =	vadd.s32 s14, v0;
	v34 =	vand.u32 $0x1F, v29  }
0x97: {  	v36 =	vadd.s32 s9, v0;
	v37 =	vand.u32 $0x1F, v30;
	v38 =	vand.u32 $0x1F, v31  }
0x98: {  	v39 =	vand.u32 $0x1F, v32;
	v56 =	vshll.u32 v35, $0x9;
	v57 =	vshll.u32 v35, $0x7;
	[tilespmem:v25+s25+$0x0] =	vst.idx.msk $0xffff, v13  }
0x99: {  	v28 =	vor.u32 v24, v28;
	v13 =	vshll.u32 v27, $0x9;
	v25 =	vand.u32 $0x1F, v33;
	[tilespmem:v26+s25+$0x0] =	vst.idx.msk $0xffff, v14  }
0x9a: {  	v27 =	vand.u32 $0x1F, v35;
	v14 =	vor.u32 v34, v24;
	[tilespmem:v22+s25+$0x0] =	vst.idx.msk $0xffff, v15;
	v15 =	vor.u32 v37, v24  }
0x9b: {  	v26 =	vand.u32 $0x1F, v36;
	v22 =	vor.u32 v38, v24;
	v54 =	vor.u32 v39, v24;
	[tilespmem:v23+s25+$0x0] =	vst.idx.msk $0xffff, v16  }
0x9c: {  	v16 =	vshll.u32 v29, $0x9;
	[tilespmem:v21+s25+$0x0] =	vst.idx.msk $0xffff, v17;
	v17 =	vshll.u32 v29, $0x7;
	v21 =	vshll.u32 v30, $0x9  }
0x9d: {  	[tilespmem:v19+s25+$0x0] =	vst.idx.msk $0xffff, v18;
	v18 =	vshll.u32 v31, $0x9;
	v19 =	vshll.u32 v31, $0x7;
	v55 =	vshll.u32 v33, $0x7  }
0x9e: {  	v58 =	vshll.u32 v36, $0x9;
	v28 =	vor.u32 v1, v28;
	v13 =	vand.u32 $0x3000, v13  }
0x9f: {  	v36 =	vshll.u32 v36, $0x7;
	v63 =	vand.u32 $0x380, v57;
	[tilespmem:v20+s25+$0x0] =	vst.idx.msk $0xffff, v12;
	v13 =	vor.u32 s5, v13  }
0xa0: {  	v25 =	vor.u32 v25, v24;
	v23 =	vor.u32 v27, v24;
	v53 =	vor.u32 v7, v13;
	v13 =	vld.idx.msk [tilespmem:v14+s20+$0x0], $0xffff  }
0xa1: {  	v24 =	vor.u32 v26, v24;
	v26 =	vshll.u32 v30, $0x7;
	v27 =	vshll.u32 v32, $0x9;
	v14 =	vld.idx.msk [tilespmem:v15+s20+$0x0], $0xffff  }
0xa2: {  	v12 =	vshll.u32 v32, $0x7;
	v20 =	vshll.u32 v33, $0x9;
	v59 =	vand.u32 $0x3000, v16;
	v16 =	vld.idx.msk [tilespmem:v22+s20+$0x0], $0xffff  }
0xa3: {  	v60 =	vand.u32 $0x380, v17;
	v61 =	vand.u32 $0x3000, v21;
	v62 =	vand.u32 $0x3000, v18;
	v28 =	vld.idx.msk [tilespmem:v28+s20+$0x0], $0xffff  }
0xa4: {  	v29 =	vand.u32 $0x380, v55;
	v30 =	vand.u32 $0x3000, v56;
	v21 =	vand.u32 $0x380, v36;
	v15 =	vld.idx.msk [tilespmem:v54+s20+$0x0], $0xffff  }
0xa5: {  	v26 =	vand.u32 $0x380, v26;
	v27 =	vand.u32 $0x3000, v27;
	v40 =	vand.u32 $0x380, v12;
	v17 =	vld.idx.msk [tilespmem:v25+s20+$0x0], $0xffff  }
0xa6: {  	v20 =	vand.u32 $0x3000, v20;
	v26 =	vor.u32 v26, v61;
	v22 =	vand.u32 $0x380, v19;
	v18 =	vld.idx.msk [tilespmem:v23+s20+$0x0], $0xffff  }
0xa7: {  	v25 =	vor.u32 v60, v59;
	v23 =	vor.u32 v22, v62;
	v12 =	vld.idx.msk [tilespmem:v24+s20+$0x0], $0xffff;
	v24 =	vor.u32 v40, v27  }
0xa8: {  	s8 =	simm.s32 $0x4;
	v19 =	vand.u32 $0x3000, v58;
	v22 =	vor.u32 v29, v20;
	v20 =	vor.u32 v63, v30;
	[tilespmem:v53+s25+$0x0] =	vst.idx.msk $0xffff, v28  }
.LBB2_7:
0xa9: {  	s9 =	sand.u32 $0x70, s8;
	v25 =	vor.u32 v11, v25;
	v26 =	vor.u32 v11, v26;
	v19 =	vor.u32 v21, v19  }
0xaa: {  	s0 =	sadd.s32 $0x8, s0;
	v23 =	vor.u32 v11, v23;
	v24 =	vor.u32 v11, v24;
	s10 =	sor.u32 $0x100, s9;
	v21 =	vor.u32 s9, v8  }
0xab: {  	v22 =	vor.u32 v11, v22;
	v20 =	vor.u32 v11, v20;
	s11 =	sand.u32 $0x18, s0;
	p1 =	slt.u32 s0, $0xF8;
	v27 =	vmov s10  }
0xac: {  	v19 =	vor.u32 v11, v19;
	v28 =	vadd.s32 s11, v0;
	s10 =	sor.u32 $0x1, s11;
	s14 =	sor.u32 $0x2, s11;
	s15 =	sor.u32 $0x3, s11;
	v11 =	vmovc v21;
	v27 =	vshll.u32 v27, $0x5  }
0xad: {  	s17 =	sor.u32 $0x5, s11;
	s12 =	sor.u32 $0x6, s11;
	v21 =	vand.u32 $0x18, v28;
	v29 =	vadd.s32 s10, v0;
	s10 =	sor.u32 $0x4, s11;
	v27 =	vor.u32 v4, v27  }
0xae: {  	v30 =	vadd.s32 s14, v0;
	v31 =	vadd.s32 s15, v0;
	s11 =	sor.u32 $0x7, s11;
	v21 =	vor.u32 v27, v21;
	[tilespmem:v25+s25+$0x0] =	vst.idx.msk $0xffff, v13  }
0xaf: {  	v25 =	vadd.s32 s17, v0;
	v13 =	vor.u32 v1, v21;
	v21 =	vadd.s32 s10, v0;
	[tilespmem:v26+s25+$0x0] =	vst.idx.msk $0xffff, v14  }
0xb0: {  	v32 =	vadd.s32 s11, v0;
	v14 =	vand.u32 $0x1F, v29;
	v26 =	vadd.s32 s12, v0;
	[tilespmem:v23+s25+$0x0] =	vst.idx.msk $0xffff, v16  }
0xb1: {  	v16 =	vand.u32 $0x1F, v30;
	v23 =	vand.u32 $0x1F, v31;
	v33 =	vand.u32 $0x1F, v21;
	[tilespmem:v24+s25+$0x0] =	vst.idx.msk $0xffff, v15  }
0xb2: {  	v15 =	vshll.u32 v28, $0x9;
	v24 =	vand.u32 $0x1F, v25;
	v28 =	vand.u32 $0x1F, v26;
	[tilespmem:v22+s25+$0x0] =	vst.idx.msk $0xffff, v17  }
0xb3: {  	v14 =	vor.u32 v14, v27;
	v15 =	vand.u32 $0x3000, v15;
	v17 =	vand.u32 $0x1F, v32;
	[tilespmem:v20+s25+$0x0] =	vst.idx.msk $0xffff, v18  }
0xb4: {  	v18 =	vld.idx.msk [tilespmem:v13+s20+$0x0], $0xffff;
	v13 =	vor.u32 s9, v15;
	v15 =	vor.u32 v16, v27;
	v16 =	vor.u32 v23, v27  }
0xb5: {  	v22 =	vor.u32 v33, v27;
	v23 =	vor.u32 v24, v27;
	v20 =	vor.u32 v7, v13  }
0xb6: {  	v28 =	vor.u32 v28, v27;
	v24 =	vshll.u32 v29, $0x9;
	v27 =	vor.u32 v17, v27;
	[tilespmem:v19+s25+$0x0] =	vst.idx.msk $0xffff, v12  }
0xb7: {  	v17 =	vshll.u32 v30, $0x9;
	v12 =	vshll.u32 v29, $0x7;
	v19 =	vshll.u32 v30, $0x7  }
0xb8: {  	v29 =	vshll.u32 v31, $0x9;
	v30 =	vshll.u32 v31, $0x7;
	v31 =	vshll.u32 v21, $0x9;
	v13 =	vld.idx.msk [tilespmem:v14+s20+$0x0], $0xffff  }
0xb9: {  	v33 =	vshll.u32 v25, $0x9;
	v25 =	vshll.u32 v25, $0x7;
	v21 =	vshll.u32 v21, $0x7;
	v14 =	vld.idx.msk [tilespmem:v15+s20+$0x0], $0xffff  }
0xba: {  	v34 =	vshll.u32 v32, $0x9;
	[tilespmem:v20+s25+$0x0] =	vst.idx.msk $0xffff, v18;
	v16 =	vld.idx.msk [tilespmem:v16+s20+$0x0], $0xffff;
	v20 =	vshll.u32 v26, $0x9;
	v26 =	vshll.u32 v26, $0x7  }
0xbb: {  	v24 =	vand.u32 $0x3000, v24;
	v35 =	vand.u32 $0x380, v12;
	v15 =	vld.idx.msk [tilespmem:v22+s20+$0x0], $0xffff;
	v22 =	vshll.u32 v32, $0x7  }
0xbc: {  	v36 =	vand.u32 $0x380, v19;
	v29 =	vand.u32 $0x3000, v29;
	v32 =	vand.u32 $0x3000, v17;
	v17 =	vld.idx.msk [tilespmem:v23+s20+$0x0], $0xffff  }
.Ltmp2:
0xbd: {  	v23 =	vand.u32 $0x380, v30;
	v30 =	vand.u32 $0x3000, v31;
	v31 =	vand.u32 $0x380, v21;
	v18 =	vld.idx.msk [tilespmem:v28+s20+$0x0], $0xffff;
	(pc) =	sbr.rel @p1 .LBB2_7-.Ltmp2, $4  }
0xbe: {  	v20 =	vand.u32 $0x3000, v20;
	v28 =	vand.u32 $0x3000, v33;
	v33 =	vand.u32 $0x380, v25;
	v12 =	vld.idx.msk [tilespmem:v27+s20+$0x0], $0xffff  }
0xbf: {  	v19 =	vand.u32 $0x3000, v34;
	v21 =	vand.u32 $0x380, v22;
	v27 =	vand.u32 $0x380, v26  }
0xc0: {  	v25 =	vor.u32 v35, v24;
	v23 =	vor.u32 v23, v29;
	v26 =	vor.u32 v36, v32  }
0xc1: {  	s8 =	sadd.s32 $0x4, s8;
	v24 =	vor.u32 v31, v30;
	v22 =	vor.u32 v33, v28;
	v20 =	vor.u32 v27, v20  }
0xc2: {  	v25 =	vor.u32 v11, v25  }
0xc3: {  	v26 =	vor.u32 v11, v26;
	v19 =	vor.u32 v21, v19;
	v21 =	vor.u32 v11, v23;
	s0 =	simm.s32 $0x0  }
0xc4: {  	v23 =	vor.u32 v11, v24;
	v22 =	vor.u32 v11, v22;
	s8 =	sor.u32 $0x180, s5;
	v20 =	vor.u32 v11, v20;
	s9 =	sand.u32 $0x18, s0  }
0xc5: {  	v19 =	vor.u32 v11, v19;
	v24 =	vmov s8;
	v27 =	vadd.s32 s9, v0  }
0xc6: {  	v11 =	vor.u32 s5, v10;
	v24 =	vshll.u32 v24, $0x5;
	s14 =	sor.u32 $0x1, s9;
	s10 =	sor.u32 $0x2, s9;
	v28 =	vand.u32 $0x18, v27  }
0xc7: {  	s11 =	sor.u32 $0x3, s9;
	s15 =	sor.u32 $0x4, s9;
	s12 =	sor.u32 $0x5, s9;
	v24 =	vor.u32 v4, v24;
	v29 =	vadd.s32 s14, v0;
	v30 =	vadd.s32 s10, v0  }
0xc8: {  	s17 =	sor.u32 $0x6, s9;
	s9 =	sor.u32 $0x7, s9;
	v31 =	vadd.s32 s11, v0;
	v32 =	vadd.s32 s15, v0;
	v33 =	vadd.s32 s12, v0  }
0xc9: {  	v35 =	vadd.s32 s17, v0;
	v36 =	vadd.s32 s9, v0;
	v28 =	vor.u32 v24, v28  }
0xca: {  	v34 =	vand.u32 $0x1F, v29;
	v37 =	vand.u32 $0x1F, v30;
	v38 =	vand.u32 $0x1F, v31  }
0xcb: {  	v39 =	vand.u32 $0x1F, v32;
	v55 =	vshll.u32 v33, $0x7;
	v56 =	vshll.u32 v35, $0x9;
	[tilespmem:v25+s25+$0x0] =	vst.idx.msk $0xffff, v13  }
0xcc: {  	v57 =	vshll.u32 v35, $0x7;
	v58 =	vshll.u32 v36, $0x9;
	v28 =	vor.u32 v1, v28;
	[tilespmem:v26+s25+$0x0] =	vst.idx.msk $0xffff, v14  }
0xcd: {  	v13 =	vshll.u32 v27, $0x9;
	v25 =	vand.u32 $0x1F, v33;
	v27 =	vand.u32 $0x1F, v35;
	[tilespmem:v21+s25+$0x0] =	vst.idx.msk $0xffff, v16  }
0xce: {  	v14 =	vor.u32 v34, v24;
	v26 =	vand.u32 $0x1F, v36;
	v16 =	vor.u32 v37, v24;
	[tilespmem:v23+s25+$0x0] =	vst.idx.msk $0xffff, v15  }
0xcf: {  	v21 =	vor.u32 v38, v24;
	v54 =	vor.u32 v39, v24;
	[tilespmem:v22+s25+$0x0] =	vst.idx.msk $0xffff, v17;
	v17 =	vshll.u32 v29, $0x7  }
0xd0: {  	v22 =	vshll.u32 v30, $0x9;
	v23 =	vshll.u32 v30, $0x7;
	[tilespmem:v20+s25+$0x0] =	vst.idx.msk $0xffff, v18;
	v18 =	vshll.u32 v31, $0x9  }
0xd1: {  	v20 =	vshll.u32 v31, $0x7;
	v36 =	vshll.u32 v36, $0x7;
	v30 =	vand.u32 $0x3000, v56  }
0xd2: {  	v63 =	vand.u32 $0x380, v57;
	v13 =	vand.u32 $0x3000, v13;
	v25 =	vor.u32 v25, v24  }
0xd3: {  	v15 =	vor.u32 v27, v24;
	v24 =	vor.u32 v26, v24;
	v26 =	vshll.u32 v32, $0x9;
	[tilespmem:v19+s25+$0x0] =	vst.idx.msk $0xffff, v12  }
0xd4: {  	v19 =	vshll.u32 v32, $0x7;
	v27 =	vshll.u32 v33, $0x9;
	v13 =	vor.u32 s5, v13;
	v28 =	vld.idx.msk [tilespmem:v28+s20+$0x0], $0xffff  }
0xd5: {  	v60 =	vand.u32 $0x380, v17;
	v53 =	vor.u32 v9, v13;
	v13 =	vshll.u32 v29, $0x9;
	v12 =	vld.idx.msk [tilespmem:v14+s20+$0x0], $0xffff  }
0xd6: {  	v22 =	vand.u32 $0x3000, v22;
	v23 =	vand.u32 $0x380, v23;
	v59 =	vand.u32 $0x3000, v13;
	v13 =	vld.idx.msk [tilespmem:v16+s20+$0x0], $0xffff  }
0xd7: {  	v61 =	vand.u32 $0x3000, v18;
	v62 =	vand.u32 $0x3000, v26;
	v40 =	vand.u32 $0x380, v19;
	v14 =	vld.idx.msk [tilespmem:v21+s20+$0x0], $0xffff  }
0xd8: {  	v27 =	vand.u32 $0x3000, v27;
	v19 =	vand.u32 $0x3000, v58;
	v29 =	vand.u32 $0x380, v55;
	v16 =	vld.idx.msk [tilespmem:v54+s20+$0x0], $0xffff  }
0xd9: {  	v26 =	vor.u32 v23, v22;
	v22 =	vor.u32 v29, v27;
	v21 =	vand.u32 $0x380, v20;
	v17 =	vld.idx.msk [tilespmem:v25+s20+$0x0], $0xffff  }
0xda: {  	v20 =	vand.u32 $0x380, v36;
	v18 =	vld.idx.msk [tilespmem:v15+s20+$0x0], $0xffff;
	v25 =	vor.u32 v60, v59;
	v23 =	vor.u32 v21, v61  }
0xdb: {  	s5 =	simm.s32 $0x4;
	v15 =	vld.idx.msk [tilespmem:v24+s20+$0x0], $0xffff;
	v24 =	vor.u32 v40, v62;
	v21 =	vor.u32 v63, v30;
	[tilespmem:v53+s25+$0x0] =	vst.idx.msk $0xffff, v28  }
.LBB2_9:
0xdc: {  	s8 =	sand.u32 $0x70, s5;
	v25 =	vor.u32 v11, v25;
	v26 =	vor.u32 v11, v26;
	v19 =	vor.u32 v20, v19  }
0xdd: {  	s0 =	sadd.s32 $0x8, s0;
	v23 =	vor.u32 v11, v23;
	v24 =	vor.u32 v11, v24;
	s9 =	sor.u32 $0x180, s8;
	v20 =	vor.u32 s8, v10  }
0xde: {  	v22 =	vor.u32 v11, v22;
	v21 =	vor.u32 v11, v21;
	s10 =	sand.u32 $0x18, s0;
	p1 =	slt.u32 s0, $0xF8;
	v27 =	vmov s9  }
0xdf: {  	v19 =	vor.u32 v11, v19;
	v28 =	vadd.s32 s10, v0;
	s9 =	sor.u32 $0x1, s10;
	s11 =	sor.u32 $0x2, s10;
	s12 =	sor.u32 $0x3, s10;
	v11 =	vmovc v20;
	v27 =	vshll.u32 v27, $0x5  }
0xe0: {  	s14 =	sor.u32 $0x5, s10;
	s15 =	sor.u32 $0x6, s10;
	v20 =	vand.u32 $0x18, v28;
	v29 =	vadd.s32 s9, v0;
	s9 =	sor.u32 $0x4, s10;
	v27 =	vor.u32 v4, v27  }
0xe1: {  	v30 =	vadd.s32 s11, v0;
	v31 =	vadd.s32 s12, v0;
	s10 =	sor.u32 $0x7, s10;
	v20 =	vor.u32 v27, v20;
	[tilespmem:v25+s25+$0x0] =	vst.idx.msk $0xffff, v12  }
0xe2: {  	v25 =	vadd.s32 s14, v0;
	v12 =	vor.u32 v1, v20;
	v20 =	vadd.s32 s9, v0;
	[tilespmem:v26+s25+$0x0] =	vst.idx.msk $0xffff, v13  }
0xe3: {  	v32 =	vadd.s32 s10, v0;
	v13 =	vand.u32 $0x1F, v29;
	v26 =	vadd.s32 s15, v0;
	[tilespmem:v23+s25+$0x0] =	vst.idx.msk $0xffff, v14  }
0xe4: {  	v14 =	vand.u32 $0x1F, v30;
	v23 =	vand.u32 $0x1F, v31;
	v33 =	vand.u32 $0x1F, v20;
	[tilespmem:v24+s25+$0x0] =	vst.idx.msk $0xffff, v16  }
0xe5: {  	v16 =	vshll.u32 v28, $0x9;
	v24 =	vand.u32 $0x1F, v25;
	v28 =	vand.u32 $0x1F, v26;
	[tilespmem:v22+s25+$0x0] =	vst.idx.msk $0xffff, v17  }
0xe6: {  	v13 =	vor.u32 v13, v27;
	v16 =	vand.u32 $0x3000, v16;
	v17 =	vand.u32 $0x1F, v32;
	[tilespmem:v21+s25+$0x0] =	vst.idx.msk $0xffff, v18  }
0xe7: {  	v14 =	vor.u32 v14, v27;
	v18 =	vld.idx.msk [tilespmem:v12+s20+$0x0], $0xffff;
	v12 =	vor.u32 s8, v16;
	v16 =	vor.u32 v23, v27  }
0xe8: {  	v22 =	vor.u32 v33, v27;
	v23 =	vor.u32 v24, v27;
	v21 =	vor.u32 v9, v12  }
0xe9: {  	v28 =	vor.u32 v28, v27;
	v24 =	vshll.u32 v29, $0x9;
	v27 =	vor.u32 v17, v27;
	[tilespmem:v19+s25+$0x0] =	vst.idx.msk $0xffff, v15  }
0xea: {  	v17 =	vshll.u32 v30, $0x9;
	v15 =	vshll.u32 v29, $0x7;
	v19 =	vshll.u32 v30, $0x7  }
0xeb: {  	v29 =	vshll.u32 v31, $0x9;
	v30 =	vshll.u32 v31, $0x7;
	v31 =	vshll.u32 v20, $0x9;
	v12 =	vld.idx.msk [tilespmem:v13+s20+$0x0], $0xffff  }
0xec: {  	v33 =	vshll.u32 v25, $0x9;
	v25 =	vshll.u32 v25, $0x7;
	v20 =	vshll.u32 v20, $0x7;
	v13 =	vld.idx.msk [tilespmem:v14+s20+$0x0], $0xffff  }
0xed: {  	v34 =	vshll.u32 v32, $0x9;
	[tilespmem:v21+s25+$0x0] =	vst.idx.msk $0xffff, v18;
	v14 =	vld.idx.msk [tilespmem:v16+s20+$0x0], $0xffff;
	v21 =	vshll.u32 v26, $0x9;
	v26 =	vshll.u32 v26, $0x7  }
0xee: {  	v24 =	vand.u32 $0x3000, v24;
	v35 =	vand.u32 $0x380, v15;
	v16 =	vld.idx.msk [tilespmem:v22+s20+$0x0], $0xffff;
	v22 =	vshll.u32 v32, $0x7  }
0xef: {  	v36 =	vand.u32 $0x380, v19;
	v29 =	vand.u32 $0x3000, v29;
	v32 =	vand.u32 $0x3000, v17;
	v17 =	vld.idx.msk [tilespmem:v23+s20+$0x0], $0xffff  }
.Ltmp3:
0xf0: {  	v23 =	vand.u32 $0x380, v30;
	v30 =	vand.u32 $0x3000, v31;
	v31 =	vand.u32 $0x380, v20;
	v18 =	vld.idx.msk [tilespmem:v28+s20+$0x0], $0xffff;
	(pc) =	sbr.rel @p1 .LBB2_9-.Ltmp3, $4  }
0xf1: {  	v21 =	vand.u32 $0x3000, v21;
	v28 =	vand.u32 $0x3000, v33;
	v33 =	vand.u32 $0x380, v25;
	v15 =	vld.idx.msk [tilespmem:v27+s20+$0x0], $0xffff  }
0xf2: {  	v19 =	vand.u32 $0x3000, v34;
	v20 =	vand.u32 $0x380, v22;
	v27 =	vand.u32 $0x380, v26  }
0xf3: {  	v25 =	vor.u32 v35, v24;
	v23 =	vor.u32 v23, v29;
	v26 =	vor.u32 v36, v32  }
0xf4: {  	s5 =	sadd.s32 $0x4, s5;
	v24 =	vor.u32 v31, v30;
	v22 =	vor.u32 v33, v28;
	v21 =	vor.u32 v27, v21  }
0xf5: {  	v25 =	vor.u32 v11, v25  }
0xf6: {  	v26 =	vor.u32 v11, v26  }
0xf7: {  	v23 =	vor.u32 v11, v23  }
0xf8: {  	v24 =	vor.u32 v11, v24  }
0xf9: {  	v22 =	vor.u32 v11, v22  }
0xfa: {  	v19 =	vor.u32 v20, v19;
	v20 =	vor.u32 v11, v21;
	s17 =	smul.u32 $0xC, s16;
	[tilespmem:v25+s25+$0x0] =	vst.idx.msk $0xffff, v12  }
0xfb: {  	v11 =	vor.u32 v11, v19;
	[tilespmem:v26+s25+$0x0] =	vst.idx.msk $0xffff, v13  }
0xfc: {  	s0 =	sadd.s32 s22, s17;
	[tilespmem:v23+s25+$0x0] =	vst.idx.msk $0xffff, v14  }
0xfd: {  	s5 =	sshll.u32 s0, $0x7;
	[tilespmem:v24+s25+$0x0] =	vst.idx.msk $0xffff, v16  }
0xfe: {  	s0 =	sshll.u32 s0, $0x9;
	s5 =	sand.u32 $0x3E00, s5;
	[tilespmem:v22+s25+$0x0] =	vst.idx.msk $0xffff, v17  }
0xff: {  	s0 =	sand.u32 $0xFFF0000, s0;
	[tilespmem:v20+s25+$0x0] =	vst.idx.msk $0xffff, v18;
	s5 =	sadd.s32 s2, s5  }
0x100: {  	[tilespmem:v11+s25+$0x0] =	vst.idx.msk $0xffff, v15;
	s0 =	sadd.s32 s0, s5  }
0x101: {  	[hbm4b:s0+s26] =	stream.strided.scatter [tilespmem:s25], [sflag:$0x4], $0x4000, s28, s26, $0x38;
	[tilespmem:$0x18600] =	vst v63  }
0x102: {  	s8 =	simm.s32 $0x0;
	s0 =	simm.s32 $0x0  }
0x103: {  	s5 =	smul.u32 $0x600, s16;
	s6 =	rddreg [dreg:$0x6];
	s10 =	sand.u32 $0x18, s0  }
0x104: {  	s9 =	sor.u32 $0x7, s10;
	s12 =	sor.u32 $0x1, s10;
	s14 =	sor.u32 $0x2, s10;
	v17 =	vadd.s32 s10, v0  }
0x105: {  	s11 =	sadd.s32 s5, s6;
	s15 =	sor.u32 $0x3, s10;
	v11 =	vadd.s32 s9, v0;
	v12 =	vadd.s32 s12, v0;
	v13 =	vadd.s32 s14, v0;
	s14 =	sor.u32 $0x4, s10  }
0x106: {  	s11 =	sshrl.u32 s11, $0x3;
	s9 =	sand.u32 $0x70, s8;
	v14 =	vadd.s32 s15, v0;
	s15 =	sor.u32 $0x5, s10;
	v21 =	vand.u32 $0x18, v17;
	v15 =	vadd.s32 s14, v0  }
0x107: {  	s11 =	sadd.s32 s4, s11;
	s10 =	sor.u32 $0x6, s10;
	v16 =	vadd.s32 s15, v0;
	v19 =	vor.u32 s9, v0;
	v20 =	vand.u32 $0x1F, v11  }
0x108: {  	[tilespmem:s3], [sflag:$0x7] =	stream.linear.gather [hbm4b:s11+s3], $0x200, $0x38;
	v22 =	vadd.s32 s10, v0;
	v23 =	vand.u32 $0x1F, v12;
	v24 =	vand.u32 $0x1F, v13;
	[tilespmem:$0x18600] =	vst v63  }
0x109: {  	v25 =	vand.u32 $0x1F, v14;
	v26 =	vshll.u32 v11, $0x9;
	v11 =	vshll.u32 v11, $0x7;
	_ =	swait.ge [sflag:s18], $0x200  }
0x10a: {  	v30 =	vshll.u32 v12, $0x7;
	v31 =	vshll.u32 v13, $0x9;
	v13 =	vshll.u32 v13, $0x7;
	[sflag:s18] =	ssyncset.done $0x0  }
0x10b: {  	v32 =	vshll.u32 v14, $0x9;
	v14 =	vshll.u32 v14, $0x7;
	v18 =	vshll.u32 v19, $0x5;
	[sflag:s18] =	ssyncadd.s32 $0xFFFFFE00  }
0x10c: {  	v27 =	vand.u32 $0x1F, v15;
	v26 =	vand.u32 $0x3000, v26;
	v28 =	vand.u32 $0x380, v11;
	[tilespmem:s20], [sflag:$0x1] =	stream.indirect.gather [hbm4b:s7+s19], $0x20, s3, s19, $0xb8;
	[tilespmem:$0x18600] =	vst v63  }
0x10d: {  	v11 =	vand.u32 v3, v19;
	v29 =	vand.u32 $0x1F, v16;
	v60 =	vand.u32 $0x1F, v22;
	_ =	swait.ge [sflag:s29], $0x4000  }
0x10e: {  	v33 =	vshll.u32 v15, $0x9;
	v20 =	vor.u32 v20, v18;
	v21 =	vor.u32 v18, v21;
	[sflag:s29] =	ssyncset.done $0x0  }
0x10f: {  	s10 =	simm.s32 @!p0 $0x5;
	v15 =	vshll.u32 v15, $0x7;
	v34 =	vshll.u32 v16, $0x9;
	v21 =	vor.u32 v1, v21;
	[sflag:s29] =	ssyncadd.s32 $0xFFFFC000  }
0x110: {  	v16 =	vshll.u32 v16, $0x7;
	v35 =	vshll.u32 v22, $0x9;
	v23 =	vor.u32 v23, v18;
	_ =	swait.ge @!p0 [sflag:s10], $0x4000  }
0x111: {  	v22 =	vshll.u32 v22, $0x7;
	v30 =	vand.u32 $0x380, v30;
	v24 =	vor.u32 v24, v18;
	[sflag:s10] =	ssyncset.done @!p0 $0x0  }
0x112: {  	v13 =	vand.u32 $0x380, v13;
	v26 =	vor.u32 v26, v28;
	v25 =	vor.u32 v25, v18;
	[sflag:s10] =	ssyncadd.s32 @!p0 $0xFFFFC000  }
0x113: {  	v61 =	vand.u32 $0x3000, v32;
	v27 =	vor.u32 v27, v18;
	v26 =	vor.u32 v11, v26;
	v20 =	vld.idx.msk [tilespmem:v20+s21+$0x0], $0xffff  }
0x114: {  	v29 =	vor.u32 v29, v18;
	v28 =	vor.u32 v60, v18;
	v18 =	vshll.u32 v12, $0x9;
	v12 =	vld.idx.msk [tilespmem:v21+s21+$0x0], $0xffff  }
0x115: {  	v62 =	vand.u32 $0x3000, v33;
	v63 =	vand.u32 $0x380, v15;
	v21 =	vshll.u32 v17, $0x9;
	v17 =	vld.idx.msk [tilespmem:v23+s21+$0x0], $0xffff  }
0x116: {  	v34 =	vand.u32 $0x3000, v34;
	v37 =	vand.u32 $0x380, v16;
	v36 =	vand.u32 $0x3000, v18;
	v18 =	vld.idx.msk [tilespmem:v24+s21+$0x0], $0xffff  }
0x117: {  	v35 =	vand.u32 $0x3000, v35;
	v23 =	vand.u32 $0x3000, v31;
	v24 =	vand.u32 $0x380, v14;
	v15 =	vld.idx.msk [tilespmem:v25+s21+$0x0], $0xffff  }
0x118: {  	v16 =	vld.idx.msk [tilespmem:v27+s21+$0x0], $0xffff;
	v25 =	vor.u32 v36, v30;
	v21 =	vand.u32 $0x3000, v21;
	[tilespmem:v26+s30+$0x0] =	vst.idx.msk $0xffff, v20;
	v20 =	vand.u32 $0x78, v19  }
0x119: {  	v14 =	vld.idx.msk [tilespmem:v29+s21+$0x0], $0xffff;
	v19 =	vand.u32 $0x380, v22;
	v26 =	vor.u32 v23, v13;
	v22 =	vor.u32 v61, v24  }
0x11a: {  	v13 =	vld.idx.msk [tilespmem:v28+s21+$0x0], $0xffff;
	v23 =	vor.u32 v62, v63;
	v24 =	vor.u32 v34, v37;
	v19 =	vor.u32 v35, v19  }
.LBB2_11:
0x11b: {  	s0 =	sadd.s32 $0x8, s0;
	v20 =	vor.u32 v20, v21;
	v21 =	vor.u32 v11, v25;
	v25 =	vor.u32 v11, v26  }
0x11c: {  	v22 =	vor.u32 v11, v22;
	v23 =	vor.u32 v11, v23;
	v24 =	vor.u32 v11, v24;
	s8 =	sadd.s32 $0x4, s8;
	s10 =	sand.u32 $0x18, s0;
	p1 =	slt.u32 s0, $0xF8  }
0x11d: {  	v19 =	vor.u32 v11, v19;
	s11 =	sand.u32 $0x70, s8;
	v20 =	vor.u32 v2, v20;
	v26 =	vadd.s32 s10, v0;
	s12 =	sor.u32 $0x1, s10;
	s14 =	sor.u32 $0x7, s10  }
0x11e: {  	v27 =	vor.u32 s11, v0;
	s11 =	sor.u32 $0x2, s10;
	s15 =	sor.u32 $0x3, s10;
	s13 =	sor.u32 $0x4, s10;
	v11 =	vand.u32 $0x18, v26;
	v28 =	vadd.s32 s14, v0  }
0x11f: {  	v29 =	vshll.u32 v27, $0x5;
	v30 =	vadd.s32 s12, v0;
	s12 =	sor.u32 $0x5, s10;
	s10 =	sor.u32 $0x6, s10;
	v31 =	vand.u32 $0x1F, v28  }
0x120: {  	v32 =	vadd.s32 s11, v0;
	v33 =	vadd.s32 s15, v0;
	v31 =	vor.u32 v31, v29;
	[tilespmem:v21+s30+$0x0] =	vst.idx.msk $0xffff, v17  }
0x121: {  	v34 =	vadd.s32 s10, v0;
	v17 =	vadd.s32 s13, v0;
	v21 =	vadd.s32 s12, v0;
	[tilespmem:v25+s30+$0x0] =	vst.idx.msk $0xffff, v18  }
0x122: {  	v35 =	vand.u32 $0x1F, v32;
	v18 =	vor.u32 v29, v11;
	v25 =	vand.u32 $0x1F, v30;
	[tilespmem:v20+s30+$0x0] =	vst.idx.msk $0xffff, v12  }
0x123: {  	v11 =	vshll.u32 v28, $0x9;
	v12 =	vand.u32 $0x1F, v33;
	v20 =	vshll.u32 v28, $0x7;
	[tilespmem:v22+s30+$0x0] =	vst.idx.msk $0xffff, v15  }
0x124: {  	v15 =	vand.u32 $0x1F, v17;
	v22 =	vand.u32 $0x3000, v11;
	v20 =	vand.u32 $0x380, v20;
	[tilespmem:v23+s30+$0x0] =	vst.idx.msk $0xffff, v16  }
0x125: {  	v11 =	vand.u32 v3, v27;
	v16 =	vand.u32 $0x1F, v21;
	v20 =	vor.u32 v22, v20;
	v23 =	vld.idx.msk [tilespmem:v31+s21+$0x0], $0xffff  }
0x126: {  	v18 =	vor.u32 v1, v18;
	v22 =	vand.u32 $0x1F, v34;
	v20 =	vor.u32 v11, v20;
	[tilespmem:v24+s30+$0x0] =	vst.idx.msk $0xffff, v14  }
0x127: {  	v14 =	vor.u32 v25, v29;
	v24 =	vor.u32 v35, v29;
	v25 =	vor.u32 v12, v29  }
0x128: {  	v28 =	vor.u32 v15, v29;
	v31 =	vor.u32 v16, v29;
	v22 =	vor.u32 v22, v29  }
0x129: {  	v15 =	vshll.u32 v30, $0x9;
	v16 =	vshll.u32 v30, $0x7;
	v29 =	vshll.u32 v32, $0x9;
	[tilespmem:v19+s30+$0x0] =	vst.idx.msk $0xffff, v13  }
0x12a: {  	v30 =	vshll.u32 v33, $0x7;
	v13 =	vshll.u32 v32, $0x7;
	v19 =	vshll.u32 v33, $0x9  }
0x12b: {  	v35 =	vshll.u32 v21, $0x9;
	v32 =	vshll.u32 v17, $0x9;
	v33 =	vshll.u32 v17, $0x7;
	v12 =	vld.idx.msk [tilespmem:v18+s21+$0x0], $0xffff;
	[tilespmem:v20+s30+$0x0] =	vst.idx.msk $0xffff, v23  }
0x12c: {  	v20 =	vshll.u32 v21, $0x7;
	v21 =	vshll.u32 v34, $0x9;
	v23 =	vshll.u32 v34, $0x7;
	v17 =	vld.idx.msk [tilespmem:v14+s21+$0x0], $0xffff  }
0x12d: {  	v26 =	vshll.u32 v26, $0x9;
	v36 =	vand.u32 $0x380, v16;
	v34 =	vand.u32 $0x3000, v15;
	v18 =	vld.idx.msk [tilespmem:v24+s21+$0x0], $0xffff  }
0x12e: {  	v19 =	vand.u32 $0x3000, v19;
	v24 =	vand.u32 $0x3000, v29;
	v29 =	vand.u32 $0x380, v13;
	v15 =	vld.idx.msk [tilespmem:v25+s21+$0x0], $0xffff  }
.Ltmp4:
0x12f: {  	v30 =	vand.u32 $0x380, v30;
	v16 =	vld.idx.msk [tilespmem:v28+s21+$0x0], $0xffff;
	v28 =	vand.u32 $0x3000, v32;
	v32 =	vand.u32 $0x380, v33;
	(pc) =	sbr.rel @p1 .LBB2_11-.Ltmp4, $4  }
0x130: {  	v33 =	vand.u32 $0x380, v20;
	v14 =	vld.idx.msk [tilespmem:v31+s21+$0x0], $0xffff;
	v31 =	vand.u32 $0x3000, v35;
	v35 =	vand.u32 $0x3000, v21  }
0x131: {  	v20 =	vand.u32 $0x78, v27;
	v27 =	vand.u32 $0x380, v23;
	v21 =	vand.u32 $0x3000, v26;
	v13 =	vld.idx.msk [tilespmem:v22+s21+$0x0], $0xffff  }
0x132: {  	v25 =	vor.u32 v34, v36;
	v26 =	vor.u32 v24, v29;
	v22 =	vor.u32 v19, v30  }
0x133: {  	v23 =	vor.u32 v28, v32;
	v24 =	vor.u32 v31, v33;
	v19 =	vor.u32 v35, v27  }
0x134: {  	v20 =	vor.u32 v20, v21;
	v21 =	vor.u32 v11, v25;
	v25 =	vor.u32 v11, v26;
	s0 =	simm.s32 $0x0  }
0x135: {  	v22 =	vor.u32 v11, v22;
	v23 =	vor.u32 v11, v23;
	v24 =	vor.u32 v11, v24;
	s8 =	sor.u32 $0x80, s9;
	s10 =	sand.u32 $0x18, s0  }
0x136: {  	v19 =	vor.u32 v11, v19;
	v26 =	vmov s8;
	v27 =	vadd.s32 s10, v0  }
0x137: {  	v20 =	vor.u32 v2, v20;
	v26 =	vshll.u32 v26, $0x5;
	s13 =	sor.u32 $0x1, s10;
	s11 =	sor.u32 $0x2, s10;
	v28 =	vand.u32 $0x18, v27  }
0x138: {  	s12 =	sor.u32 $0x3, s10;
	s14 =	sor.u32 $0x4, s10;
	s15 =	sor.u32 $0x6, s10;
	v26 =	vor.u32 v4, v26;
	v29 =	vadd.s32 s13, v0;
	v30 =	vadd.s32 s11, v0  }
0x139: {  	s13 =	sor.u32 $0x5, s10;
	v31 =	vadd.s32 s12, v0;
	v32 =	vadd.s32 s14, v0;
	v35 =	vadd.s32 s15, v0  }
0x13a: {  	s10 =	sor.u32 $0x7, s10;
	v28 =	vor.u32 v26, v28;
	v33 =	vadd.s32 s13, v0;
	v34 =	vand.u32 $0x1F, v29  }
0x13b: {  	v36 =	vadd.s32 s10, v0;
	v37 =	vand.u32 $0x1F, v30;
	v38 =	vand.u32 $0x1F, v31  }
0x13c: {  	v39 =	vand.u32 $0x1F, v32;
	v56 =	vshll.u32 v35, $0x9;
	v57 =	vshll.u32 v35, $0x7;
	[tilespmem:v21+s30+$0x0] =	vst.idx.msk $0xffff, v17  }
0x13d: {  	v28 =	vor.u32 v1, v28;
	v17 =	vshll.u32 v27, $0x9;
	v21 =	vand.u32 $0x1F, v33;
	[tilespmem:v25+s30+$0x0] =	vst.idx.msk $0xffff, v18  }
0x13e: {  	v27 =	vand.u32 $0x1F, v35;
	v18 =	vor.u32 v34, v26;
	v25 =	vand.u32 $0x1F, v36;
	[tilespmem:v22+s30+$0x0] =	vst.idx.msk $0xffff, v15  }
0x13f: {  	v52 =	vor.u32 v39, v26;
	v15 =	vshll.u32 v29, $0x9;
	[tilespmem:v23+s30+$0x0] =	vst.idx.msk $0xffff, v16;
	v16 =	vshll.u32 v29, $0x7  }
0x140: {  	v22 =	vshll.u32 v30, $0x9;
	v23 =	vshll.u32 v30, $0x7;
	[tilespmem:v24+s30+$0x0] =	vst.idx.msk $0xffff, v14;
	v24 =	vshll.u32 v31, $0x9  }
0x141: {  	[tilespmem:v19+s30+$0x0] =	vst.idx.msk $0xffff, v13;
	v19 =	vshll.u32 v32, $0x7;
	v54 =	vshll.u32 v33, $0x9;
	v55 =	vshll.u32 v33, $0x7  }
0x142: {  	v58 =	vshll.u32 v36, $0x9;
	v63 =	vand.u32 $0x380, v57;
	v17 =	vand.u32 $0x3000, v17;
	[tilespmem:v20+s30+$0x0] =	vst.idx.msk $0xffff, v12  }
0x143: {  	v20 =	vor.u32 v38, v26;
	v21 =	vor.u32 v21, v26;
	v27 =	vor.u32 v27, v26  }
0x144: {  	v53 =	vor.u32 v25, v26;
	v25 =	vshll.u32 v31, $0x7;
	v59 =	vand.u32 $0x3000, v15  }
0x145: {  	v60 =	vand.u32 $0x380, v16;
	v12 =	vor.u32 s9, v17;
	v17 =	vor.u32 v37, v26;
	v28 =	vld.idx.msk [tilespmem:v28+s21+$0x0], $0xffff  }
0x146: {  	v61 =	vand.u32 $0x3000, v22;
	v23 =	vand.u32 $0x380, v23;
	v24 =	vand.u32 $0x3000, v24;
	v13 =	vld.idx.msk [tilespmem:v18+s21+$0x0], $0xffff  }
0x147: {  	v19 =	vand.u32 $0x380, v19;
	v29 =	vand.u32 $0x3000, v54;
	v12 =	vor.u32 v5, v12;
	v16 =	vld.idx.msk [tilespmem:v52+s21+$0x0], $0xffff  }
0x148: {  	v30 =	vand.u32 $0x380, v55;
	v31 =	vand.u32 $0x3000, v56;
	v18 =	vshll.u32 v36, $0x7;
	v15 =	vld.idx.msk [tilespmem:v20+s21+$0x0], $0xffff  }
0x149: {  	v26 =	vshll.u32 v32, $0x9;
	v62 =	vand.u32 $0x380, v25;
	v22 =	vand.u32 $0x380, v18;
	v18 =	vld.idx.msk [tilespmem:v27+s21+$0x0], $0xffff  }
0x14a: {  	v25 =	vor.u32 v60, v59;
	v40 =	vand.u32 $0x3000, v26;
	v26 =	vor.u32 v23, v61;
	v14 =	vld.idx.msk [tilespmem:v17+s21+$0x0], $0xffff  }
0x14b: {  	v23 =	vor.u32 v62, v24;
	v24 =	vor.u32 v19, v40;
	v19 =	vor.u32 v63, v31;
	v17 =	vld.idx.msk [tilespmem:v21+s21+$0x0], $0xffff  }
0x14c: {  	v11 =	vor.u32 s9, v6;
	s8 =	simm.s32 $0x4;
	v20 =	vand.u32 $0x3000, v58;
	v21 =	vor.u32 v30, v29;
	[tilespmem:v12+s30+$0x0] =	vst.idx.msk $0xffff, v28;
	v12 =	vld.idx.msk [tilespmem:v53+s21+$0x0], $0xffff  }
.LBB2_13:
0x14d: {  	s9 =	sand.u32 $0x70, s8;
	v25 =	vor.u32 v11, v25;
	v26 =	vor.u32 v11, v26;
	v20 =	vor.u32 v22, v20  }
0x14e: {  	s0 =	sadd.s32 $0x8, s0;
	v23 =	vor.u32 v11, v23;
	v24 =	vor.u32 v11, v24;
	s10 =	sor.u32 $0x80, s9;
	v22 =	vor.u32 s9, v6  }
0x14f: {  	v21 =	vor.u32 v11, v21;
	v19 =	vor.u32 v11, v19;
	s11 =	sand.u32 $0x18, s0;
	p1 =	slt.u32 s0, $0xF8;
	v27 =	vmov s10  }
0x150: {  	v20 =	vor.u32 v11, v20;
	v28 =	vadd.s32 s11, v0;
	s10 =	sor.u32 $0x1, s11;
	s12 =	sor.u32 $0x2, s11;
	s13 =	sor.u32 $0x3, s11;
	v11 =	vmovc v22;
	v27 =	vshll.u32 v27, $0x5  }
0x151: {  	s14 =	sor.u32 $0x5, s11;
	s15 =	sor.u32 $0x6, s11;
	v22 =	vand.u32 $0x18, v28;
	v29 =	vadd.s32 s10, v0;
	s10 =	sor.u32 $0x4, s11;
	v27 =	vor.u32 v4, v27  }
0x152: {  	v30 =	vadd.s32 s12, v0;
	v31 =	vadd.s32 s13, v0;
	s11 =	sor.u32 $0x7, s11;
	v22 =	vor.u32 v27, v22;
	[tilespmem:v25+s30+$0x0] =	vst.idx.msk $0xffff, v13  }
0x153: {  	v25 =	vadd.s32 s14, v0;
	v13 =	vor.u32 v1, v22;
	v22 =	vadd.s32 s10, v0;
	[tilespmem:v26+s30+$0x0] =	vst.idx.msk $0xffff, v14  }
0x154: {  	v32 =	vadd.s32 s11, v0;
	v14 =	vand.u32 $0x1F, v29;
	v26 =	vadd.s32 s15, v0;
	[tilespmem:v23+s30+$0x0] =	vst.idx.msk $0xffff, v15  }
0x155: {  	v15 =	vand.u32 $0x1F, v30;
	v23 =	vand.u32 $0x1F, v31;
	v33 =	vand.u32 $0x1F, v22;
	[tilespmem:v24+s30+$0x0] =	vst.idx.msk $0xffff, v16  }
0x156: {  	v16 =	vshll.u32 v28, $0x9;
	v24 =	vand.u32 $0x1F, v25;
	v28 =	vand.u32 $0x1F, v26;
	[tilespmem:v21+s30+$0x0] =	vst.idx.msk $0xffff, v17  }
0x157: {  	v14 =	vor.u32 v14, v27;
	v16 =	vand.u32 $0x3000, v16;
	v17 =	vand.u32 $0x1F, v32;
	[tilespmem:v19+s30+$0x0] =	vst.idx.msk $0xffff, v18  }
0x158: {  	v15 =	vor.u32 v15, v27;
	v18 =	vld.idx.msk [tilespmem:v13+s21+$0x0], $0xffff;
	v13 =	vor.u32 s9, v16;
	v16 =	vor.u32 v23, v27  }
0x159: {  	v21 =	vor.u32 v33, v27;
	v23 =	vor.u32 v24, v27;
	v19 =	vor.u32 v5, v13  }
0x15a: {  	v28 =	vor.u32 v28, v27;
	v24 =	vshll.u32 v29, $0x9;
	v27 =	vor.u32 v17, v27;
	[tilespmem:v20+s30+$0x0] =	vst.idx.msk $0xffff, v12  }
0x15b: {  	v17 =	vshll.u32 v30, $0x9;
	v12 =	vshll.u32 v29, $0x7;
	v20 =	vshll.u32 v30, $0x7  }
0x15c: {  	v29 =	vshll.u32 v31, $0x9;
	v30 =	vshll.u32 v31, $0x7;
	v31 =	vshll.u32 v22, $0x9;
	v13 =	vld.idx.msk [tilespmem:v14+s21+$0x0], $0xffff  }
0x15d: {  	v33 =	vshll.u32 v25, $0x9;
	v25 =	vshll.u32 v25, $0x7;
	v22 =	vshll.u32 v22, $0x7;
	v14 =	vld.idx.msk [tilespmem:v15+s21+$0x0], $0xffff  }
0x15e: {  	v34 =	vshll.u32 v32, $0x9;
	s9 =	simm.s32 $0x0;
	[tilespmem:v19+s30+$0x0] =	vst.idx.msk $0xffff, v18;
	v15 =	vld.idx.msk [tilespmem:v16+s21+$0x0], $0xffff;
	v19 =	vshll.u32 v26, $0x9;
	v26 =	vshll.u32 v26, $0x7  }
0x15f: {  	v24 =	vand.u32 $0x3000, v24;
	v35 =	vand.u32 $0x380, v12;
	v16 =	vld.idx.msk [tilespmem:v21+s21+$0x0], $0xffff;
	v21 =	vshll.u32 v32, $0x7  }
0x160: {  	v36 =	vand.u32 $0x380, v20;
	v29 =	vand.u32 $0x3000, v29;
	v32 =	vand.u32 $0x3000, v17;
	v17 =	vld.idx.msk [tilespmem:v23+s21+$0x0], $0xffff  }
.Ltmp5:
0x161: {  	v23 =	vand.u32 $0x380, v30;
	v30 =	vand.u32 $0x3000, v31;
	v31 =	vand.u32 $0x380, v22;
	v18 =	vld.idx.msk [tilespmem:v28+s21+$0x0], $0xffff;
	(pc) =	sbr.rel @p1 .LBB2_13-.Ltmp5, $4  }
0x162: {  	v19 =	vand.u32 $0x3000, v19;
	v28 =	vand.u32 $0x3000, v33;
	v33 =	vand.u32 $0x380, v25;
	v12 =	vld.idx.msk [tilespmem:v27+s21+$0x0], $0xffff  }
0x163: {  	v20 =	vand.u32 $0x3000, v34;
	v22 =	vand.u32 $0x380, v21;
	v27 =	vand.u32 $0x380, v26  }
0x164: {  	v25 =	vor.u32 v35, v24;
	v23 =	vor.u32 v23, v29;
	v26 =	vor.u32 v36, v32  }
0x165: {  	s8 =	sadd.s32 $0x4, s8;
	v24 =	vor.u32 v31, v30;
	v21 =	vor.u32 v33, v28;
	v19 =	vor.u32 v27, v19  }
0x166: {  	v25 =	vor.u32 v11, v25;
	v26 =	vor.u32 v11, v26;
	v20 =	vor.u32 v22, v20;
	s9 =	sand.u32 $0x70, s9  }
0x167: {  	v22 =	vor.u32 v11, v23;
	v23 =	vor.u32 v11, v24;
	v21 =	vor.u32 v11, v21;
	s0 =	simm.s32 $0x0;
	s8 =	sor.u32 $0x100, s9  }
0x168: {  	v19 =	vor.u32 v11, v19;
	v20 =	vor.u32 v11, v20;
	s10 =	sand.u32 $0x18, s0;
	v24 =	vmov s8  }
0x169: {  	v11 =	vor.u32 s9, v8;
	v27 =	vadd.s32 s10, v0;
	s13 =	sor.u32 $0x1, s10;
	s11 =	sor.u32 $0x2, s10;
	v24 =	vshll.u32 v24, $0x5  }
0x16a: {  	s12 =	sor.u32 $0x3, s10;
	s14 =	sor.u32 $0x4, s10;
	s15 =	sor.u32 $0x6, s10;
	v28 =	vand.u32 $0x18, v27;
	v29 =	vadd.s32 s13, v0;
	v30 =	vadd.s32 s11, v0  }
0x16b: {  	s13 =	sor.u32 $0x5, s10;
	v31 =	vadd.s32 s12, v0;
	v32 =	vadd.s32 s14, v0;
	v35 =	vadd.s32 s15, v0  }
0x16c: {  	s10 =	sor.u32 $0x7, s10;
	v24 =	vor.u32 v4, v24;
	v33 =	vadd.s32 s13, v0;
	v34 =	vand.u32 $0x1F, v29  }
0x16d: {  	v36 =	vadd.s32 s10, v0;
	v37 =	vand.u32 $0x1F, v30;
	v38 =	vand.u32 $0x1F, v31  }
0x16e: {  	v39 =	vand.u32 $0x1F, v32;
	v56 =	vshll.u32 v35, $0x9;
	v57 =	vshll.u32 v35, $0x7;
	[tilespmem:v25+s30+$0x0] =	vst.idx.msk $0xffff, v13  }
0x16f: {  	v28 =	vor.u32 v24, v28;
	v13 =	vshll.u32 v27, $0x9;
	v25 =	vand.u32 $0x1F, v33;
	[tilespmem:v26+s30+$0x0] =	vst.idx.msk $0xffff, v14  }
0x170: {  	v27 =	vand.u32 $0x1F, v35;
	v14 =	vor.u32 v34, v24;
	[tilespmem:v22+s30+$0x0] =	vst.idx.msk $0xffff, v15;
	v15 =	vor.u32 v37, v24  }
0x171: {  	v26 =	vand.u32 $0x1F, v36;
	v22 =	vor.u32 v38, v24;
	v54 =	vor.u32 v39, v24;
	[tilespmem:v23+s30+$0x0] =	vst.idx.msk $0xffff, v16  }
0x172: {  	v16 =	vshll.u32 v29, $0x9;
	[tilespmem:v21+s30+$0x0] =	vst.idx.msk $0xffff, v17;
	v17 =	vshll.u32 v29, $0x7;
	v21 =	vshll.u32 v30, $0x9  }
0x173: {  	[tilespmem:v19+s30+$0x0] =	vst.idx.msk $0xffff, v18;
	v18 =	vshll.u32 v31, $0x9;
	v19 =	vshll.u32 v31, $0x7;
	v55 =	vshll.u32 v33, $0x7  }
0x174: {  	v58 =	vshll.u32 v36, $0x9;
	v28 =	vor.u32 v1, v28;
	v13 =	vand.u32 $0x3000, v13  }
0x175: {  	v36 =	vshll.u32 v36, $0x7;
	v63 =	vand.u32 $0x380, v57;
	[tilespmem:v20+s30+$0x0] =	vst.idx.msk $0xffff, v12;
	v13 =	vor.u32 s9, v13  }
0x176: {  	v25 =	vor.u32 v25, v24;
	v23 =	vor.u32 v27, v24;
	v53 =	vor.u32 v7, v13;
	v13 =	vld.idx.msk [tilespmem:v14+s21+$0x0], $0xffff  }
0x177: {  	v24 =	vor.u32 v26, v24;
	v26 =	vshll.u32 v30, $0x7;
	v27 =	vshll.u32 v32, $0x9;
	v14 =	vld.idx.msk [tilespmem:v15+s21+$0x0], $0xffff  }
0x178: {  	v12 =	vshll.u32 v32, $0x7;
	v20 =	vshll.u32 v33, $0x9;
	v59 =	vand.u32 $0x3000, v16;
	v16 =	vld.idx.msk [tilespmem:v22+s21+$0x0], $0xffff  }
0x179: {  	v60 =	vand.u32 $0x380, v17;
	v61 =	vand.u32 $0x3000, v21;
	v62 =	vand.u32 $0x3000, v18;
	v28 =	vld.idx.msk [tilespmem:v28+s21+$0x0], $0xffff  }
0x17a: {  	v29 =	vand.u32 $0x380, v55;
	v30 =	vand.u32 $0x3000, v56;
	v21 =	vand.u32 $0x380, v36;
	v15 =	vld.idx.msk [tilespmem:v54+s21+$0x0], $0xffff  }
0x17b: {  	v26 =	vand.u32 $0x380, v26;
	v27 =	vand.u32 $0x3000, v27;
	v40 =	vand.u32 $0x380, v12;
	v17 =	vld.idx.msk [tilespmem:v25+s21+$0x0], $0xffff  }
0x17c: {  	v20 =	vand.u32 $0x3000, v20;
	v26 =	vor.u32 v26, v61;
	v22 =	vand.u32 $0x380, v19;
	v18 =	vld.idx.msk [tilespmem:v23+s21+$0x0], $0xffff  }
0x17d: {  	v25 =	vor.u32 v60, v59;
	v23 =	vor.u32 v22, v62;
	v12 =	vld.idx.msk [tilespmem:v24+s21+$0x0], $0xffff;
	v24 =	vor.u32 v40, v27  }
0x17e: {  	s8 =	simm.s32 $0x4;
	v19 =	vand.u32 $0x3000, v58;
	v22 =	vor.u32 v29, v20;
	v20 =	vor.u32 v63, v30;
	[tilespmem:v53+s30+$0x0] =	vst.idx.msk $0xffff, v28  }
.LBB2_15:
0x17f: {  	s15 =	sand.u32 $0x70, s8;
	v25 =	vor.u32 v11, v25;
	v26 =	vor.u32 v11, v26;
	v19 =	vor.u32 v21, v19  }
0x180: {  	s0 =	sadd.s32 $0x8, s0;
	v23 =	vor.u32 v11, v23;
	v24 =	vor.u32 v11, v24;
	s10 =	sor.u32 $0x100, s15;
	v21 =	vor.u32 s15, v8  }
0x181: {  	v22 =	vor.u32 v11, v22;
	v20 =	vor.u32 v11, v20;
	s11 =	sand.u32 $0x18, s0;
	p1 =	slt.u32 s0, $0xF8;
	v27 =	vmov s10  }
0x182: {  	v19 =	vor.u32 v11, v19;
	v28 =	vadd.s32 s11, v0;
	s10 =	sor.u32 $0x1, s11;
	s12 =	sor.u32 $0x2, s11;
	s13 =	sor.u32 $0x3, s11;
	v11 =	vmovc v21;
	v27 =	vshll.u32 v27, $0x5  }
0x183: {  	s14 =	sor.u32 $0x5, s11;
	s6 =	sor.u32 $0x6, s11;
	v21 =	vand.u32 $0x18, v28;
	v29 =	vadd.s32 s10, v0;
	s10 =	sor.u32 $0x4, s11;
	v27 =	vor.u32 v4, v27  }
0x184: {  	v30 =	vadd.s32 s12, v0;
	v31 =	vadd.s32 s13, v0;
	s11 =	sor.u32 $0x7, s11;
	v21 =	vor.u32 v27, v21;
	[tilespmem:v25+s30+$0x0] =	vst.idx.msk $0xffff, v13  }
0x185: {  	v25 =	vadd.s32 s14, v0;
	v13 =	vor.u32 v1, v21;
	v21 =	vadd.s32 s10, v0;
	[tilespmem:v26+s30+$0x0] =	vst.idx.msk $0xffff, v14  }
0x186: {  	v32 =	vadd.s32 s11, v0;
	v14 =	vand.u32 $0x1F, v29;
	v26 =	vadd.s32 s6, v0;
	[tilespmem:v23+s30+$0x0] =	vst.idx.msk $0xffff, v16  }
0x187: {  	v16 =	vand.u32 $0x1F, v30;
	v23 =	vand.u32 $0x1F, v31;
	v33 =	vand.u32 $0x1F, v21;
	[tilespmem:v24+s30+$0x0] =	vst.idx.msk $0xffff, v15  }
0x188: {  	v15 =	vshll.u32 v28, $0x9;
	v24 =	vand.u32 $0x1F, v25;
	v28 =	vand.u32 $0x1F, v26;
	[tilespmem:v22+s30+$0x0] =	vst.idx.msk $0xffff, v17  }
0x189: {  	v14 =	vor.u32 v14, v27;
	v15 =	vand.u32 $0x3000, v15;
	v17 =	vand.u32 $0x1F, v32;
	[tilespmem:v20+s30+$0x0] =	vst.idx.msk $0xffff, v18  }
0x18a: {  	v18 =	vld.idx.msk [tilespmem:v13+s21+$0x0], $0xffff;
	v13 =	vor.u32 s15, v15;
	v15 =	vor.u32 v16, v27;
	v16 =	vor.u32 v23, v27  }
0x18b: {  	v22 =	vor.u32 v33, v27;
	v23 =	vor.u32 v24, v27;
	v20 =	vor.u32 v7, v13  }
0x18c: {  	v28 =	vor.u32 v28, v27;
	v24 =	vshll.u32 v29, $0x9;
	v27 =	vor.u32 v17, v27;
	[tilespmem:v19+s30+$0x0] =	vst.idx.msk $0xffff, v12  }
0x18d: {  	v17 =	vshll.u32 v30, $0x9;
	v12 =	vshll.u32 v29, $0x7;
	v19 =	vshll.u32 v30, $0x7  }
0x18e: {  	v29 =	vshll.u32 v31, $0x9;
	v30 =	vshll.u32 v31, $0x7;
	v31 =	vshll.u32 v21, $0x9;
	v13 =	vld.idx.msk [tilespmem:v14+s21+$0x0], $0xffff  }
0x18f: {  	v33 =	vshll.u32 v25, $0x9;
	v25 =	vshll.u32 v25, $0x7;
	v21 =	vshll.u32 v21, $0x7;
	v14 =	vld.idx.msk [tilespmem:v15+s21+$0x0], $0xffff  }
0x190: {  	v34 =	vshll.u32 v32, $0x9;
	[tilespmem:v20+s30+$0x0] =	vst.idx.msk $0xffff, v18;
	v16 =	vld.idx.msk [tilespmem:v16+s21+$0x0], $0xffff;
	v20 =	vshll.u32 v26, $0x9;
	v26 =	vshll.u32 v26, $0x7  }
0x191: {  	v24 =	vand.u32 $0x3000, v24;
	v35 =	vand.u32 $0x380, v12;
	v15 =	vld.idx.msk [tilespmem:v22+s21+$0x0], $0xffff;
	v22 =	vshll.u32 v32, $0x7  }
0x192: {  	v36 =	vand.u32 $0x380, v19;
	v29 =	vand.u32 $0x3000, v29;
	v32 =	vand.u32 $0x3000, v17;
	v17 =	vld.idx.msk [tilespmem:v23+s21+$0x0], $0xffff  }
.Ltmp6:
0x193: {  	v23 =	vand.u32 $0x380, v30;
	v30 =	vand.u32 $0x3000, v31;
	v31 =	vand.u32 $0x380, v21;
	v18 =	vld.idx.msk [tilespmem:v28+s21+$0x0], $0xffff;
	(pc) =	sbr.rel @p1 .LBB2_15-.Ltmp6, $4  }
0x194: {  	v20 =	vand.u32 $0x3000, v20;
	v28 =	vand.u32 $0x3000, v33;
	v33 =	vand.u32 $0x380, v25;
	v12 =	vld.idx.msk [tilespmem:v27+s21+$0x0], $0xffff  }
0x195: {  	v19 =	vand.u32 $0x3000, v34;
	v21 =	vand.u32 $0x380, v22;
	v27 =	vand.u32 $0x380, v26  }
0x196: {  	v25 =	vor.u32 v35, v24;
	v23 =	vor.u32 v23, v29;
	v26 =	vor.u32 v36, v32  }
0x197: {  	s8 =	sadd.s32 $0x4, s8;
	v24 =	vor.u32 v31, v30;
	v22 =	vor.u32 v33, v28;
	v20 =	vor.u32 v27, v20  }
0x198: {  	v25 =	vor.u32 v11, v25  }
0x199: {  	v26 =	vor.u32 v11, v26;
	v19 =	vor.u32 v21, v19;
	v21 =	vor.u32 v11, v23;
	s0 =	simm.s32 $0x0  }
0x19a: {  	v23 =	vor.u32 v11, v24;
	v22 =	vor.u32 v11, v22;
	s6 =	sor.u32 $0x180, s9;
	v20 =	vor.u32 v11, v20;
	s8 =	sand.u32 $0x18, s0  }
0x19b: {  	v19 =	vor.u32 v11, v19;
	v24 =	vmov s6;
	v27 =	vadd.s32 s8, v0  }
0x19c: {  	v11 =	vor.u32 s9, v10;
	v24 =	vshll.u32 v24, $0x5;
	s13 =	sor.u32 $0x1, s8;
	s10 =	sor.u32 $0x2, s8;
	v28 =	vand.u32 $0x18, v27  }
0x19d: {  	s11 =	sor.u32 $0x3, s8;
	s14 =	sor.u32 $0x4, s8;
	s12 =	sor.u32 $0x5, s8;
	v24 =	vor.u32 v4, v24;
	v29 =	vadd.s32 s13, v0;
	v30 =	vadd.s32 s10, v0  }
0x19e: {  	s15 =	sor.u32 $0x6, s8;
	s8 =	sor.u32 $0x7, s8;
	v31 =	vadd.s32 s11, v0;
	v32 =	vadd.s32 s14, v0;
	v33 =	vadd.s32 s12, v0  }
0x19f: {  	v35 =	vadd.s32 s15, v0;
	v36 =	vadd.s32 s8, v0;
	v28 =	vor.u32 v24, v28  }
0x1a0: {  	v34 =	vand.u32 $0x1F, v29;
	v37 =	vand.u32 $0x1F, v30;
	v38 =	vand.u32 $0x1F, v31  }
0x1a1: {  	v39 =	vand.u32 $0x1F, v32;
	v55 =	vshll.u32 v33, $0x7;
	v56 =	vshll.u32 v35, $0x9;
	[tilespmem:v25+s30+$0x0] =	vst.idx.msk $0xffff, v13  }
0x1a2: {  	v57 =	vshll.u32 v35, $0x7;
	v58 =	vshll.u32 v36, $0x9;
	v28 =	vor.u32 v1, v28;
	[tilespmem:v26+s30+$0x0] =	vst.idx.msk $0xffff, v14  }
0x1a3: {  	v13 =	vshll.u32 v27, $0x9;
	v25 =	vand.u32 $0x1F, v33;
	v27 =	vand.u32 $0x1F, v35;
	[tilespmem:v21+s30+$0x0] =	vst.idx.msk $0xffff, v16  }
0x1a4: {  	v14 =	vor.u32 v34, v24;
	v26 =	vand.u32 $0x1F, v36;
	v16 =	vor.u32 v37, v24;
	[tilespmem:v23+s30+$0x0] =	vst.idx.msk $0xffff, v15  }
0x1a5: {  	v21 =	vor.u32 v38, v24;
	v54 =	vor.u32 v39, v24;
	[tilespmem:v22+s30+$0x0] =	vst.idx.msk $0xffff, v17;
	v17 =	vshll.u32 v29, $0x7  }
0x1a6: {  	v22 =	vshll.u32 v30, $0x9;
	v23 =	vshll.u32 v30, $0x7;
	[tilespmem:v20+s30+$0x0] =	vst.idx.msk $0xffff, v18;
	v18 =	vshll.u32 v31, $0x9  }
0x1a7: {  	v20 =	vshll.u32 v31, $0x7;
	v36 =	vshll.u32 v36, $0x7;
	v30 =	vand.u32 $0x3000, v56  }
0x1a8: {  	v63 =	vand.u32 $0x380, v57;
	v13 =	vand.u32 $0x3000, v13;
	v25 =	vor.u32 v25, v24  }
0x1a9: {  	v15 =	vor.u32 v27, v24;
	v24 =	vor.u32 v26, v24;
	v26 =	vshll.u32 v32, $0x9;
	[tilespmem:v19+s30+$0x0] =	vst.idx.msk $0xffff, v12  }
0x1aa: {  	v19 =	vshll.u32 v32, $0x7;
	v27 =	vshll.u32 v33, $0x9;
	v13 =	vor.u32 s9, v13;
	v28 =	vld.idx.msk [tilespmem:v28+s21+$0x0], $0xffff  }
0x1ab: {  	v60 =	vand.u32 $0x380, v17;
	v53 =	vor.u32 v9, v13;
	v13 =	vshll.u32 v29, $0x9;
	v12 =	vld.idx.msk [tilespmem:v14+s21+$0x0], $0xffff  }
0x1ac: {  	v22 =	vand.u32 $0x3000, v22;
	v23 =	vand.u32 $0x380, v23;
	v59 =	vand.u32 $0x3000, v13;
	v13 =	vld.idx.msk [tilespmem:v16+s21+$0x0], $0xffff  }
0x1ad: {  	v61 =	vand.u32 $0x3000, v18;
	v62 =	vand.u32 $0x3000, v26;
	v40 =	vand.u32 $0x380, v19;
	v14 =	vld.idx.msk [tilespmem:v21+s21+$0x0], $0xffff  }
0x1ae: {  	v27 =	vand.u32 $0x3000, v27;
	v19 =	vand.u32 $0x3000, v58;
	v29 =	vand.u32 $0x380, v55;
	v16 =	vld.idx.msk [tilespmem:v54+s21+$0x0], $0xffff  }
0x1af: {  	v26 =	vor.u32 v23, v22;
	v22 =	vor.u32 v29, v27;
	v21 =	vand.u32 $0x380, v20;
	v17 =	vld.idx.msk [tilespmem:v25+s21+$0x0], $0xffff  }
0x1b0: {  	v20 =	vand.u32 $0x380, v36;
	v18 =	vld.idx.msk [tilespmem:v15+s21+$0x0], $0xffff;
	v25 =	vor.u32 v60, v59;
	v23 =	vor.u32 v21, v61  }
0x1b1: {  	s8 =	simm.s32 $0x4;
	v15 =	vld.idx.msk [tilespmem:v24+s21+$0x0], $0xffff;
	v24 =	vor.u32 v40, v62;
	v21 =	vor.u32 v63, v30;
	[tilespmem:v53+s30+$0x0] =	vst.idx.msk $0xffff, v28  }
.LBB2_17:
0x1b2: {  	s9 =	sand.u32 $0x70, s8;
	v25 =	vor.u32 v11, v25;
	v26 =	vor.u32 v11, v26;
	v19 =	vor.u32 v20, v19  }
0x1b3: {  	s0 =	sadd.s32 $0x8, s0;
	v23 =	vor.u32 v11, v23;
	v24 =	vor.u32 v11, v24;
	s6 =	sor.u32 $0x180, s9;
	v20 =	vor.u32 s9, v10  }
0x1b4: {  	v22 =	vor.u32 v11, v22;
	v21 =	vor.u32 v11, v21;
	s10 =	sand.u32 $0x18, s0;
	p1 =	slt.u32 s0, $0xF8;
	v27 =	vmov s6  }
0x1b5: {  	v19 =	vor.u32 v11, v19;
	v28 =	vadd.s32 s10, v0;
	s6 =	sor.u32 $0x1, s10;
	s11 =	sor.u32 $0x2, s10;
	s12 =	sor.u32 $0x3, s10;
	v11 =	vmovc v20;
	v27 =	vshll.u32 v27, $0x5  }
0x1b6: {  	s13 =	sor.u32 $0x5, s10;
	s14 =	sor.u32 $0x6, s10;
	v20 =	vand.u32 $0x18, v28;
	v29 =	vadd.s32 s6, v0;
	s6 =	sor.u32 $0x4, s10;
	v27 =	vor.u32 v4, v27  }
0x1b7: {  	v30 =	vadd.s32 s11, v0;
	v31 =	vadd.s32 s12, v0;
	s10 =	sor.u32 $0x7, s10;
	v20 =	vor.u32 v27, v20;
	[tilespmem:v25+s30+$0x0] =	vst.idx.msk $0xffff, v12  }
0x1b8: {  	v25 =	vadd.s32 s13, v0;
	v12 =	vor.u32 v1, v20;
	v20 =	vadd.s32 s6, v0;
	[tilespmem:v26+s30+$0x0] =	vst.idx.msk $0xffff, v13  }
0x1b9: {  	v32 =	vadd.s32 s10, v0;
	v13 =	vand.u32 $0x1F, v29;
	v26 =	vadd.s32 s14, v0;
	[tilespmem:v23+s30+$0x0] =	vst.idx.msk $0xffff, v14  }
0x1ba: {  	v14 =	vand.u32 $0x1F, v30;
	v23 =	vand.u32 $0x1F, v31;
	v33 =	vand.u32 $0x1F, v20;
	[tilespmem:v24+s30+$0x0] =	vst.idx.msk $0xffff, v16  }
0x1bb: {  	v16 =	vshll.u32 v28, $0x9;
	v24 =	vand.u32 $0x1F, v25;
	v28 =	vand.u32 $0x1F, v26;
	[tilespmem:v22+s30+$0x0] =	vst.idx.msk $0xffff, v17  }
0x1bc: {  	v13 =	vor.u32 v13, v27;
	v16 =	vand.u32 $0x3000, v16;
	v17 =	vand.u32 $0x1F, v32;
	[tilespmem:v21+s30+$0x0] =	vst.idx.msk $0xffff, v18  }
0x1bd: {  	v14 =	vor.u32 v14, v27;
	v18 =	vld.idx.msk [tilespmem:v12+s21+$0x0], $0xffff;
	v12 =	vor.u32 s9, v16;
	v16 =	vor.u32 v23, v27  }
0x1be: {  	v22 =	vor.u32 v33, v27;
	v23 =	vor.u32 v24, v27;
	v21 =	vor.u32 v9, v12  }
0x1bf: {  	v28 =	vor.u32 v28, v27;
	v24 =	vshll.u32 v29, $0x9;
	v27 =	vor.u32 v17, v27;
	[tilespmem:v19+s30+$0x0] =	vst.idx.msk $0xffff, v15  }
0x1c0: {  	v17 =	vshll.u32 v30, $0x9;
	v15 =	vshll.u32 v29, $0x7;
	v19 =	vshll.u32 v30, $0x7  }
0x1c1: {  	v29 =	vshll.u32 v31, $0x9;
	v30 =	vshll.u32 v31, $0x7;
	v31 =	vshll.u32 v20, $0x9;
	v12 =	vld.idx.msk [tilespmem:v13+s21+$0x0], $0xffff  }
0x1c2: {  	v33 =	vshll.u32 v25, $0x9;
	v25 =	vshll.u32 v25, $0x7;
	v20 =	vshll.u32 v20, $0x7;
	v13 =	vld.idx.msk [tilespmem:v14+s21+$0x0], $0xffff  }
0x1c3: {  	v34 =	vshll.u32 v32, $0x9;
	[tilespmem:v21+s30+$0x0] =	vst.idx.msk $0xffff, v18;
	v14 =	vld.idx.msk [tilespmem:v16+s21+$0x0], $0xffff;
	v21 =	vshll.u32 v26, $0x9;
	v26 =	vshll.u32 v26, $0x7  }
0x1c4: {  	v24 =	vand.u32 $0x3000, v24;
	v35 =	vand.u32 $0x380, v15;
	v16 =	vld.idx.msk [tilespmem:v22+s21+$0x0], $0xffff;
	v22 =	vshll.u32 v32, $0x7  }
0x1c5: {  	v36 =	vand.u32 $0x380, v19;
	v29 =	vand.u32 $0x3000, v29;
	v32 =	vand.u32 $0x3000, v17;
	v17 =	vld.idx.msk [tilespmem:v23+s21+$0x0], $0xffff  }
.Ltmp7:
0x1c6: {  	v23 =	vand.u32 $0x380, v30;
	v30 =	vand.u32 $0x3000, v31;
	v31 =	vand.u32 $0x380, v20;
	v18 =	vld.idx.msk [tilespmem:v28+s21+$0x0], $0xffff;
	(pc) =	sbr.rel @p1 .LBB2_17-.Ltmp7, $4  }
0x1c7: {  	v21 =	vand.u32 $0x3000, v21;
	v28 =	vand.u32 $0x3000, v33;
	v33 =	vand.u32 $0x380, v25;
	v15 =	vld.idx.msk [tilespmem:v27+s21+$0x0], $0xffff  }
0x1c8: {  	v19 =	vand.u32 $0x3000, v34;
	v20 =	vand.u32 $0x380, v22;
	v27 =	vand.u32 $0x380, v26  }
0x1c9: {  	v25 =	vor.u32 v35, v24;
	v23 =	vor.u32 v23, v29;
	v26 =	vor.u32 v36, v32  }
0x1ca: {  	s8 =	sadd.s32 $0x4, s8;
	v24 =	vor.u32 v31, v30;
	v22 =	vor.u32 v33, v28;
	v21 =	vor.u32 v27, v21  }
0x1cb: {  	v25 =	vor.u32 v11, v25  }
0x1cc: {  	v26 =	vor.u32 v11, v26  }
0x1cd: {  	v23 =	vor.u32 v11, v23;
	_ =	sdelay $0x2  }
0x1ce: {  	v24 =	vor.u32 v11, v24;
	[tilespmem:v25+s30+$0x0] =	vst.idx.msk $0xffff, v12  }
0x1cf: {  	v22 =	vor.u32 v11, v22;
	[tilespmem:v26+s30+$0x0] =	vst.idx.msk $0xffff, v13  }
0x1d0: {  	v19 =	vor.u32 v20, v19;
	v20 =	vor.u32 v11, v21;
	[tilespmem:v23+s30+$0x0] =	vst.idx.msk $0xffff, v14  }
0x1d1: {  	v11 =	vor.u32 v11, v19;
	s0 =	rddreg [dreg:$0x7]  }
0x1d2: {  	s0 =	sadd.s32 s0, s17  }
0x1d3: {  	[tilespmem:v24+s30+$0x0] =	vst.idx.msk $0xffff, v16;
	s6 =	sshll.u32 s0, $0x7  }
0x1d4: {  	[tilespmem:v22+s30+$0x0] =	vst.idx.msk $0xffff, v17;
	s0 =	sshll.u32 s0, $0x9;
	s6 =	sand.u32 $0x3E00, s6  }
0x1d5: {  	[tilespmem:v20+s30+$0x0] =	vst.idx.msk $0xffff, v18;
	s0 =	sand.u32 $0xFFF0000, s0;
	s6 =	sadd.s32 s2, s6  }
0x1d6: {  	[tilespmem:v11+s30+$0x0] =	vst.idx.msk $0xffff, v15;
	s0 =	sadd.s32 s0, s6  }
0x1d7: {  	[hbm4b:s0+s26] =	stream.strided.scatter [tilespmem:s30], [sflag:$0x5], $0x4000, s28, s26, $0x38;
	[tilespmem:$0x18600] =	vst v63  }
0x1d8: {  	s8 =	simm.s32 $0x0;
	s9 =	rddreg [dreg:$0x8];
	s0 =	simm.s32 $0x0  }
0x1d9: {  	s10 =	sadd.s32 s5, s9;
	s9 =	sand.u32 $0x70, s8;
	s6 =	sand.u32 $0x18, s0  }
0x1da: {  	v14 =	vor.u32 s9, v0;
	v13 =	vadd.s32 s6, v0;
	s11 =	sor.u32 $0x7, s6  }
0x1db: {  	v15 =	vshll.u32 v14, $0x5;
	s12 =	sor.u32 $0x1, s6;
	s13 =	sor.u32 $0x3, s6;
	s15 =	sor.u32 $0x4, s6;
	v11 =	vand.u32 $0x18, v13;
	v12 =	vadd.s32 s11, v0  }
0x1dc: {  	s10 =	sshrl.u32 s10, $0x3;
	s14 =	sor.u32 $0x5, s6;
	v16 =	vadd.s32 s12, v0;
	v19 =	vadd.s32 s13, v0;
	v20 =	vadd.s32 s15, v0  }
0x1dd: {  	s10 =	sadd.s32 s4, s10;
	s11 =	sor.u32 $0x2, s6;
	s6 =	sor.u32 $0x6, s6;
	v21 =	vadd.s32 s14, v0;
	v13 =	vshll.u32 v13, $0x9;
	v17 =	vand.u32 $0x1F, v12  }
0x1de: {  	[tilespmem:s19], [sflag:$0x7] =	stream.linear.gather [hbm4b:s10+s3], $0x200, $0x38;
	v18 =	vadd.s32 s11, v0;
	v22 =	vadd.s32 s6, v0;
	v23 =	vor.u32 v15, v11;
	[tilespmem:$0x18600] =	vst v63  }
0x1df: {  	_ =	swait.ge [sflag:s18], $0x200;
	v24 =	vand.u32 $0x1F, v16;
	v26 =	vand.u32 $0x1F, v19;
	v11 =	vshll.u32 v12, $0x9  }
0x1e0: {  	[sflag:s18] =	ssyncset.done $0x0;
	v12 =	vshll.u32 v12, $0x7;
	v27 =	vand.u32 $0x1F, v20;
	v29 =	vand.u32 $0x1F, v21  }
0x1e1: {  	v32 =	vshll.u32 v19, $0x9;
	v19 =	vshll.u32 v19, $0x7;
	v33 =	vshll.u32 v20, $0x9;
	[sflag:s18] =	ssyncadd.s32 $0xFFFFFE00  }
0x1e2: {  	v20 =	vshll.u32 v20, $0x7;
	v34 =	vshll.u32 v21, $0x9;
	v21 =	vshll.u32 v21, $0x7;
	[tilespmem:s21], [sflag:$0x2] =	stream.indirect.gather [hbm4b:s7+s19], $0x20, s19, s19, $0xb8;
	[tilespmem:$0x18600] =	vst v63  }
0x1e3: {  	v17 =	vor.u32 v17, v15;
	v25 =	vand.u32 $0x1F, v18;
	v28 =	vand.u32 $0x3000, v11;
	_ =	swait.ge [sflag:s31], $0x4000  }
0x1e4: {  	v12 =	vand.u32 $0x380, v12;
	v11 =	vand.u32 v3, v14;
	v23 =	vor.u32 v1, v23;
	[sflag:s31] =	ssyncset.done $0x0  }
0x1e5: {  	s6 =	simm.s32 @!p0 $0x6;
	v62 =	vand.u32 $0x1F, v22;
	v24 =	vor.u32 v24, v15;
	v26 =	vor.u32 v26, v15;
	[sflag:s31] =	ssyncadd.s32 $0xFFFFC000  }
0x1e6: {  	v27 =	vor.u32 v27, v15;
	v29 =	vor.u32 v29, v15;
	v31 =	vshll.u32 v18, $0x9;
	_ =	swait.ge @!p0 [sflag:s6], $0x4000  }
0x1e7: {  	v18 =	vshll.u32 v18, $0x7;
	v36 =	vshll.u32 v22, $0x9;
	v25 =	vor.u32 v25, v15;
	[sflag:s6] =	ssyncset.done @!p0 $0x0  }
0x1e8: {  	v22 =	vshll.u32 v22, $0x7;
	v32 =	vand.u32 $0x3000, v32;
	v19 =	vand.u32 $0x380, v19;
	[sflag:s6] =	ssyncadd.s32 @!p0 $0xFFFFC000  }
0x1e9: {  	v33 =	vand.u32 $0x3000, v33;
	v38 =	vand.u32 $0x380, v20;
	v12 =	vor.u32 v28, v12;
	v35 =	vld.idx.msk [tilespmem:v17+s23+$0x0], $0xffff  }
0x1ea: {  	v34 =	vand.u32 $0x3000, v34;
	v39 =	vand.u32 $0x380, v21;
	v30 =	vor.u32 v11, v12;
	v12 =	vld.idx.msk [tilespmem:v23+s23+$0x0], $0xffff  }
0x1eb: {  	v20 =	vand.u32 $0x78, v14;
	v21 =	vand.u32 $0x3000, v13;
	v28 =	vor.u32 v62, v15;
	v17 =	vld.idx.msk [tilespmem:v24+s23+$0x0], $0xffff  }
0x1ec: {  	v15 =	vshll.u32 v16, $0x9;
	v16 =	vshll.u32 v16, $0x7;
	v63 =	vand.u32 $0x380, v18;
	v18 =	vld.idx.msk [tilespmem:v25+s23+$0x0], $0xffff  }
0x1ed: {  	v36 =	vand.u32 $0x3000, v36;
	v37 =	vand.u32 $0x380, v16;
	v23 =	vand.u32 $0x3000, v15;
	v15 =	vld.idx.msk [tilespmem:v26+s23+$0x0], $0xffff  }
0x1ee: {  	v24 =	vand.u32 $0x3000, v31;
	v16 =	vld.idx.msk [tilespmem:v27+s23+$0x0], $0xffff;
	v27 =	vand.u32 $0x380, v22;
	v22 =	vor.u32 v32, v19  }
0x1ef: {  	v14 =	vld.idx.msk [tilespmem:v29+s23+$0x0], $0xffff;
	v25 =	vor.u32 v23, v37;
	v26 =	vor.u32 v24, v63;
	v23 =	vor.u32 v33, v38  }
0x1f0: {  	v13 =	vld.idx.msk [tilespmem:v28+s23+$0x0], $0xffff;
	v24 =	vor.u32 v34, v39;
	v19 =	vor.u32 v36, v27;
	[tilespmem:v30+s1+$0x0] =	vst.idx.msk $0xffff, v35  }
.LBB2_19:
0x1f1: {  	s0 =	sadd.s32 $0x8, s0;
	v20 =	vor.u32 v20, v21;
	v21 =	vor.u32 v11, v25;
	v25 =	vor.u32 v11, v26  }
0x1f2: {  	v22 =	vor.u32 v11, v22;
	v23 =	vor.u32 v11, v23;
	v24 =	vor.u32 v11, v24;
	s8 =	sadd.s32 $0x4, s8;
	s6 =	sand.u32 $0x18, s0;
	p0 =	slt.u32 s0, $0xF8  }
0x1f3: {  	v19 =	vor.u32 v11, v19;
	s10 =	sand.u32 $0x70, s8;
	v20 =	vor.u32 v2, v20;
	v26 =	vadd.s32 s6, v0;
	s11 =	sor.u32 $0x1, s6;
	s12 =	sor.u32 $0x7, s6  }
0x1f4: {  	v27 =	vor.u32 s10, v0;
	s10 =	sor.u32 $0x2, s6;
	s13 =	sor.u32 $0x3, s6;
	s14 =	sor.u32 $0x4, s6;
	v11 =	vand.u32 $0x18, v26;
	v28 =	vadd.s32 s12, v0  }
0x1f5: {  	v29 =	vshll.u32 v27, $0x5;
	v30 =	vadd.s32 s11, v0;
	s11 =	sor.u32 $0x5, s6;
	s6 =	sor.u32 $0x6, s6;
	v31 =	vand.u32 $0x1F, v28  }
0x1f6: {  	v32 =	vadd.s32 s10, v0;
	v33 =	vadd.s32 s13, v0;
	v31 =	vor.u32 v31, v29;
	[tilespmem:v21+s1+$0x0] =	vst.idx.msk $0xffff, v17  }
0x1f7: {  	v34 =	vadd.s32 s6, v0;
	v17 =	vadd.s32 s14, v0;
	v21 =	vadd.s32 s11, v0;
	[tilespmem:v25+s1+$0x0] =	vst.idx.msk $0xffff, v18  }
0x1f8: {  	v35 =	vand.u32 $0x1F, v32;
	v18 =	vor.u32 v29, v11;
	v25 =	vand.u32 $0x1F, v30;
	[tilespmem:v20+s1+$0x0] =	vst.idx.msk $0xffff, v12  }
0x1f9: {  	v11 =	vshll.u32 v28, $0x9;
	v12 =	vand.u32 $0x1F, v33;
	v20 =	vshll.u32 v28, $0x7;
	[tilespmem:v22+s1+$0x0] =	vst.idx.msk $0xffff, v15  }
0x1fa: {  	v15 =	vand.u32 $0x1F, v17;
	v22 =	vand.u32 $0x3000, v11;
	v20 =	vand.u32 $0x380, v20;
	[tilespmem:v23+s1+$0x0] =	vst.idx.msk $0xffff, v16  }
0x1fb: {  	v11 =	vand.u32 v3, v27;
	v16 =	vand.u32 $0x1F, v21;
	v20 =	vor.u32 v22, v20;
	v23 =	vld.idx.msk [tilespmem:v31+s23+$0x0], $0xffff  }
0x1fc: {  	v18 =	vor.u32 v1, v18;
	v22 =	vand.u32 $0x1F, v34;
	v20 =	vor.u32 v11, v20;
	[tilespmem:v24+s1+$0x0] =	vst.idx.msk $0xffff, v14  }
0x1fd: {  	v14 =	vor.u32 v25, v29;
	v24 =	vor.u32 v35, v29;
	v25 =	vor.u32 v12, v29  }
0x1fe: {  	v28 =	vor.u32 v15, v29;
	v31 =	vor.u32 v16, v29;
	v22 =	vor.u32 v22, v29  }
0x1ff: {  	v15 =	vshll.u32 v30, $0x9;
	v16 =	vshll.u32 v30, $0x7;
	v29 =	vshll.u32 v32, $0x9;
	[tilespmem:v19+s1+$0x0] =	vst.idx.msk $0xffff, v13  }
0x200: {  	v30 =	vshll.u32 v33, $0x7;
	v13 =	vshll.u32 v32, $0x7;
	v19 =	vshll.u32 v33, $0x9  }
0x201: {  	v35 =	vshll.u32 v21, $0x9;
	v32 =	vshll.u32 v17, $0x9;
	v33 =	vshll.u32 v17, $0x7;
	v12 =	vld.idx.msk [tilespmem:v18+s23+$0x0], $0xffff;
	[tilespmem:v20+s1+$0x0] =	vst.idx.msk $0xffff, v23  }
0x202: {  	v20 =	vshll.u32 v21, $0x7;
	v21 =	vshll.u32 v34, $0x9;
	v23 =	vshll.u32 v34, $0x7;
	v17 =	vld.idx.msk [tilespmem:v14+s23+$0x0], $0xffff  }
0x203: {  	v26 =	vshll.u32 v26, $0x9;
	v36 =	vand.u32 $0x380, v16;
	v34 =	vand.u32 $0x3000, v15;
	v18 =	vld.idx.msk [tilespmem:v24+s23+$0x0], $0xffff  }
0x204: {  	v19 =	vand.u32 $0x3000, v19;
	v24 =	vand.u32 $0x3000, v29;
	v29 =	vand.u32 $0x380, v13;
	v15 =	vld.idx.msk [tilespmem:v25+s23+$0x0], $0xffff  }
.Ltmp8:
0x205: {  	v30 =	vand.u32 $0x380, v30;
	v16 =	vld.idx.msk [tilespmem:v28+s23+$0x0], $0xffff;
	v28 =	vand.u32 $0x3000, v32;
	v32 =	vand.u32 $0x380, v33;
	(pc) =	sbr.rel @p0 .LBB2_19-.Ltmp8, $4  }
0x206: {  	v33 =	vand.u32 $0x380, v20;
	v14 =	vld.idx.msk [tilespmem:v31+s23+$0x0], $0xffff;
	v31 =	vand.u32 $0x3000, v35;
	v35 =	vand.u32 $0x3000, v21  }
0x207: {  	v20 =	vand.u32 $0x78, v27;
	v27 =	vand.u32 $0x380, v23;
	v21 =	vand.u32 $0x3000, v26;
	v13 =	vld.idx.msk [tilespmem:v22+s23+$0x0], $0xffff  }
0x208: {  	v25 =	vor.u32 v34, v36;
	v26 =	vor.u32 v24, v29;
	v22 =	vor.u32 v19, v30  }
0x209: {  	v23 =	vor.u32 v28, v32;
	v24 =	vor.u32 v31, v33;
	v19 =	vor.u32 v35, v27  }
0x20a: {  	v20 =	vor.u32 v20, v21;
	v21 =	vor.u32 v11, v25;
	v25 =	vor.u32 v11, v26;
	s0 =	simm.s32 $0x0  }
0x20b: {  	v22 =	vor.u32 v11, v22;
	v23 =	vor.u32 v11, v23;
	v24 =	vor.u32 v11, v24;
	s6 =	sor.u32 $0x80, s9;
	s8 =	sand.u32 $0x18, s0  }
0x20c: {  	v19 =	vor.u32 v11, v19;
	v26 =	vmov s6;
	v27 =	vadd.s32 s8, v0  }
0x20d: {  	v20 =	vor.u32 v2, v20;
	v26 =	vshll.u32 v26, $0x5;
	s13 =	sor.u32 $0x1, s8;
	s10 =	sor.u32 $0x2, s8;
	v28 =	vand.u32 $0x18, v27  }
0x20e: {  	s11 =	sor.u32 $0x3, s8;
	s14 =	sor.u32 $0x4, s8;
	s12 =	sor.u32 $0x5, s8;
	v26 =	vor.u32 v4, v26;
	v29 =	vadd.s32 s13, v0;
	v30 =	vadd.s32 s10, v0  }
0x20f: {  	s15 =	sor.u32 $0x6, s8;
	s8 =	sor.u32 $0x7, s8;
	v31 =	vadd.s32 s11, v0;
	v32 =	vadd.s32 s14, v0;
	v33 =	vadd.s32 s12, v0  }
0x210: {  	v35 =	vadd.s32 s15, v0;
	v36 =	vadd.s32 s8, v0;
	v28 =	vor.u32 v26, v28  }
0x211: {  	v34 =	vand.u32 $0x1F, v29;
	v37 =	vand.u32 $0x1F, v30;
	v38 =	vand.u32 $0x1F, v31  }
0x212: {  	v39 =	vand.u32 $0x1F, v32;
	v54 =	vshll.u32 v33, $0x9;
	v55 =	vshll.u32 v33, $0x7  }
0x213: {  	v56 =	vshll.u32 v35, $0x9;
	v57 =	vshll.u32 v35, $0x7;
	v58 =	vshll.u32 v36, $0x9;
	[tilespmem:v21+s1+$0x0] =	vst.idx.msk $0xffff, v17  }
0x214: {  	v28 =	vor.u32 v1, v28;
	v17 =	vshll.u32 v27, $0x9;
	v21 =	vand.u32 $0x1F, v33;
	[tilespmem:v25+s1+$0x0] =	vst.idx.msk $0xffff, v18  }
0x215: {  	v27 =	vand.u32 $0x1F, v35;
	v18 =	vor.u32 v34, v26;
	v25 =	vand.u32 $0x1F, v36;
	[tilespmem:v22+s1+$0x0] =	vst.idx.msk $0xffff, v15  }
0x216: {  	v52 =	vor.u32 v39, v26;
	v15 =	vshll.u32 v29, $0x9;
	[tilespmem:v23+s1+$0x0] =	vst.idx.msk $0xffff, v16;
	v16 =	vshll.u32 v29, $0x7  }
0x217: {  	v22 =	vshll.u32 v30, $0x9;
	v23 =	vshll.u32 v30, $0x7;
	[tilespmem:v24+s1+$0x0] =	vst.idx.msk $0xffff, v14;
	v24 =	vshll.u32 v31, $0x9  }
0x218: {  	[tilespmem:v19+s1+$0x0] =	vst.idx.msk $0xffff, v13;
	v19 =	vshll.u32 v32, $0x7;
	v29 =	vand.u32 $0x3000, v54;
	v30 =	vand.u32 $0x380, v55  }
0x219: {  	v63 =	vand.u32 $0x380, v57;
	v17 =	vand.u32 $0x3000, v17;
	[tilespmem:v20+s1+$0x0] =	vst.idx.msk $0xffff, v12;
	v20 =	vor.u32 v38, v26  }
0x21a: {  	v21 =	vor.u32 v21, v26;
	v27 =	vor.u32 v27, v26;
	v53 =	vor.u32 v25, v26  }
0x21b: {  	v25 =	vshll.u32 v31, $0x7;
	v12 =	vor.u32 s9, v17;
	v17 =	vor.u32 v37, v26;
	v28 =	vld.idx.msk [tilespmem:v28+s23+$0x0], $0xffff  }
0x21c: {  	v59 =	vand.u32 $0x3000, v15;
	v60 =	vand.u32 $0x380, v16;
	v61 =	vand.u32 $0x3000, v22;
	v13 =	vld.idx.msk [tilespmem:v18+s23+$0x0], $0xffff  }
0x21d: {  	v23 =	vand.u32 $0x380, v23;
	v24 =	vand.u32 $0x3000, v24;
	v12 =	vor.u32 v5, v12;
	v16 =	vld.idx.msk [tilespmem:v52+s23+$0x0], $0xffff  }
0x21e: {  	v19 =	vand.u32 $0x380, v19;
	v31 =	vand.u32 $0x3000, v56;
	v18 =	vshll.u32 v36, $0x7;
	v15 =	vld.idx.msk [tilespmem:v20+s23+$0x0], $0xffff  }
0x21f: {  	v26 =	vshll.u32 v32, $0x9;
	v62 =	vand.u32 $0x380, v25;
	v22 =	vand.u32 $0x380, v18;
	v18 =	vld.idx.msk [tilespmem:v27+s23+$0x0], $0xffff  }
0x220: {  	v25 =	vor.u32 v60, v59;
	v40 =	vand.u32 $0x3000, v26;
	v26 =	vor.u32 v23, v61;
	v14 =	vld.idx.msk [tilespmem:v17+s23+$0x0], $0xffff  }
0x221: {  	v23 =	vor.u32 v62, v24;
	v24 =	vor.u32 v19, v40;
	v19 =	vor.u32 v63, v31;
	v17 =	vld.idx.msk [tilespmem:v21+s23+$0x0], $0xffff  }
0x222: {  	v11 =	vor.u32 s9, v6;
	s8 =	simm.s32 $0x4;
	v20 =	vand.u32 $0x3000, v58;
	v21 =	vor.u32 v30, v29;
	[tilespmem:v12+s1+$0x0] =	vst.idx.msk $0xffff, v28;
	v12 =	vld.idx.msk [tilespmem:v53+s23+$0x0], $0xffff  }
.LBB2_21:
0x223: {  	s9 =	sand.u32 $0x70, s8;
	v25 =	vor.u32 v11, v25;
	v26 =	vor.u32 v11, v26;
	v20 =	vor.u32 v22, v20  }
0x224: {  	s0 =	sadd.s32 $0x8, s0;
	v23 =	vor.u32 v11, v23;
	v24 =	vor.u32 v11, v24;
	s6 =	sor.u32 $0x80, s9;
	v22 =	vor.u32 s9, v6  }
0x225: {  	v21 =	vor.u32 v11, v21;
	v19 =	vor.u32 v11, v19;
	s10 =	sand.u32 $0x18, s0;
	p0 =	slt.u32 s0, $0xF8;
	v27 =	vmov s6  }
0x226: {  	v20 =	vor.u32 v11, v20;
	v28 =	vadd.s32 s10, v0;
	s6 =	sor.u32 $0x1, s10;
	s11 =	sor.u32 $0x2, s10;
	s12 =	sor.u32 $0x3, s10;
	v11 =	vmovc v22;
	v27 =	vshll.u32 v27, $0x5  }
0x227: {  	s13 =	sor.u32 $0x5, s10;
	s14 =	sor.u32 $0x6, s10;
	v22 =	vand.u32 $0x18, v28;
	v29 =	vadd.s32 s6, v0;
	s6 =	sor.u32 $0x4, s10;
	v27 =	vor.u32 v4, v27  }
0x228: {  	v30 =	vadd.s32 s11, v0;
	v31 =	vadd.s32 s12, v0;
	s10 =	sor.u32 $0x7, s10;
	v22 =	vor.u32 v27, v22;
	[tilespmem:v25+s1+$0x0] =	vst.idx.msk $0xffff, v13  }
0x229: {  	v25 =	vadd.s32 s13, v0;
	v13 =	vor.u32 v1, v22;
	v22 =	vadd.s32 s6, v0;
	[tilespmem:v26+s1+$0x0] =	vst.idx.msk $0xffff, v14  }
0x22a: {  	v32 =	vadd.s32 s10, v0;
	v14 =	vand.u32 $0x1F, v29;
	v26 =	vadd.s32 s14, v0;
	[tilespmem:v23+s1+$0x0] =	vst.idx.msk $0xffff, v15  }
0x22b: {  	v15 =	vand.u32 $0x1F, v30;
	v23 =	vand.u32 $0x1F, v31;
	v33 =	vand.u32 $0x1F, v22;
	[tilespmem:v24+s1+$0x0] =	vst.idx.msk $0xffff, v16  }
0x22c: {  	v16 =	vshll.u32 v28, $0x9;
	v24 =	vand.u32 $0x1F, v25;
	v28 =	vand.u32 $0x1F, v26;
	[tilespmem:v21+s1+$0x0] =	vst.idx.msk $0xffff, v17  }
0x22d: {  	v14 =	vor.u32 v14, v27;
	v16 =	vand.u32 $0x3000, v16;
	v17 =	vand.u32 $0x1F, v32;
	[tilespmem:v19+s1+$0x0] =	vst.idx.msk $0xffff, v18  }
0x22e: {  	v15 =	vor.u32 v15, v27;
	v18 =	vld.idx.msk [tilespmem:v13+s23+$0x0], $0xffff;
	v13 =	vor.u32 s9, v16;
	v16 =	vor.u32 v23, v27  }
0x22f: {  	v21 =	vor.u32 v33, v27;
	v23 =	vor.u32 v24, v27;
	v19 =	vor.u32 v5, v13  }
0x230: {  	v28 =	vor.u32 v28, v27;
	v24 =	vshll.u32 v29, $0x9;
	v27 =	vor.u32 v17, v27;
	[tilespmem:v20+s1+$0x0] =	vst.idx.msk $0xffff, v12  }
0x231: {  	v17 =	vshll.u32 v30, $0x9;
	v12 =	vshll.u32 v29, $0x7;
	v20 =	vshll.u32 v30, $0x7  }
0x232: {  	v29 =	vshll.u32 v31, $0x9;
	v30 =	vshll.u32 v31, $0x7;
	v31 =	vshll.u32 v22, $0x9;
	v13 =	vld.idx.msk [tilespmem:v14+s23+$0x0], $0xffff  }
0x233: {  	v33 =	vshll.u32 v25, $0x9;
	v25 =	vshll.u32 v25, $0x7;
	v22 =	vshll.u32 v22, $0x7;
	v14 =	vld.idx.msk [tilespmem:v15+s23+$0x0], $0xffff  }
0x234: {  	v34 =	vshll.u32 v32, $0x9;
	s9 =	simm.s32 $0x0;
	[tilespmem:v19+s1+$0x0] =	vst.idx.msk $0xffff, v18;
	v15 =	vld.idx.msk [tilespmem:v16+s23+$0x0], $0xffff;
	v19 =	vshll.u32 v26, $0x9;
	v26 =	vshll.u32 v26, $0x7  }
0x235: {  	v24 =	vand.u32 $0x3000, v24;
	v35 =	vand.u32 $0x380, v12;
	v16 =	vld.idx.msk [tilespmem:v21+s23+$0x0], $0xffff;
	v21 =	vshll.u32 v32, $0x7  }
0x236: {  	v36 =	vand.u32 $0x380, v20;
	v29 =	vand.u32 $0x3000, v29;
	v32 =	vand.u32 $0x3000, v17;
	v17 =	vld.idx.msk [tilespmem:v23+s23+$0x0], $0xffff  }
.Ltmp9:
0x237: {  	v23 =	vand.u32 $0x380, v30;
	v30 =	vand.u32 $0x3000, v31;
	v31 =	vand.u32 $0x380, v22;
	v18 =	vld.idx.msk [tilespmem:v28+s23+$0x0], $0xffff;
	(pc) =	sbr.rel @p0 .LBB2_21-.Ltmp9, $4  }
0x238: {  	v19 =	vand.u32 $0x3000, v19;
	v28 =	vand.u32 $0x3000, v33;
	v33 =	vand.u32 $0x380, v25;
	v12 =	vld.idx.msk [tilespmem:v27+s23+$0x0], $0xffff  }
0x239: {  	v20 =	vand.u32 $0x3000, v34;
	v22 =	vand.u32 $0x380, v21;
	v27 =	vand.u32 $0x380, v26  }
0x23a: {  	v25 =	vor.u32 v35, v24;
	v23 =	vor.u32 v23, v29;
	v26 =	vor.u32 v36, v32  }
0x23b: {  	s8 =	sadd.s32 $0x4, s8;
	v24 =	vor.u32 v31, v30;
	v21 =	vor.u32 v33, v28;
	v19 =	vor.u32 v27, v19  }
0x23c: {  	v25 =	vor.u32 v11, v25;
	v26 =	vor.u32 v11, v26;
	v20 =	vor.u32 v22, v20;
	s9 =	sand.u32 $0x70, s9  }
0x23d: {  	v22 =	vor.u32 v11, v23;
	v23 =	vor.u32 v11, v24;
	v21 =	vor.u32 v11, v21;
	s0 =	simm.s32 $0x0;
	s6 =	sor.u32 $0x100, s9  }
0x23e: {  	v19 =	vor.u32 v11, v19;
	v20 =	vor.u32 v11, v20;
	s8 =	sand.u32 $0x18, s0;
	v24 =	vmov s6  }
0x23f: {  	v11 =	vor.u32 s9, v8;
	v27 =	vadd.s32 s8, v0;
	s13 =	sor.u32 $0x1, s8;
	s10 =	sor.u32 $0x2, s8;
	v24 =	vshll.u32 v24, $0x5  }
0x240: {  	s11 =	sor.u32 $0x3, s8;
	s14 =	sor.u32 $0x4, s8;
	s12 =	sor.u32 $0x5, s8;
	v28 =	vand.u32 $0x18, v27;
	v29 =	vadd.s32 s13, v0;
	v30 =	vadd.s32 s10, v0  }
0x241: {  	s15 =	sor.u32 $0x6, s8;
	s8 =	sor.u32 $0x7, s8;
	v31 =	vadd.s32 s11, v0;
	v32 =	vadd.s32 s14, v0;
	v33 =	vadd.s32 s12, v0  }
0x242: {  	v35 =	vadd.s32 s15, v0;
	v36 =	vadd.s32 s8, v0;
	v24 =	vor.u32 v4, v24  }
0x243: {  	v34 =	vand.u32 $0x1F, v29;
	v37 =	vand.u32 $0x1F, v30;
	v38 =	vand.u32 $0x1F, v31  }
0x244: {  	v39 =	vand.u32 $0x1F, v32;
	v55 =	vshll.u32 v33, $0x7;
	v56 =	vshll.u32 v35, $0x9;
	[tilespmem:v25+s1+$0x0] =	vst.idx.msk $0xffff, v13  }
0x245: {  	v57 =	vshll.u32 v35, $0x7;
	v58 =	vshll.u32 v36, $0x9;
	v28 =	vor.u32 v24, v28;
	[tilespmem:v26+s1+$0x0] =	vst.idx.msk $0xffff, v14  }
0x246: {  	v13 =	vshll.u32 v27, $0x9;
	v25 =	vand.u32 $0x1F, v33;
	v27 =	vand.u32 $0x1F, v35;
	[tilespmem:v22+s1+$0x0] =	vst.idx.msk $0xffff, v15  }
0x247: {  	v14 =	vor.u32 v34, v24;
	v26 =	vand.u32 $0x1F, v36;
	v15 =	vor.u32 v37, v24;
	[tilespmem:v23+s1+$0x0] =	vst.idx.msk $0xffff, v16  }
0x248: {  	v22 =	vor.u32 v38, v24;
	v54 =	vor.u32 v39, v24;
	v16 =	vshll.u32 v29, $0x9;
	[tilespmem:v21+s1+$0x0] =	vst.idx.msk $0xffff, v17  }
0x249: {  	v17 =	vshll.u32 v29, $0x7;
	v21 =	vshll.u32 v30, $0x9;
	[tilespmem:v19+s1+$0x0] =	vst.idx.msk $0xffff, v18;
	v18 =	vshll.u32 v31, $0x9  }
0x24a: {  	v19 =	vshll.u32 v31, $0x7;
	v28 =	vor.u32 v1, v28;
	v13 =	vand.u32 $0x3000, v13  }
0x24b: {  	v36 =	vshll.u32 v36, $0x7;
	v29 =	vand.u32 $0x380, v55;
	[tilespmem:v20+s1+$0x0] =	vst.idx.msk $0xffff, v12;
	v13 =	vor.u32 s9, v13  }
0x24c: {  	v63 =	vand.u32 $0x380, v57;
	v25 =	vor.u32 v25, v24;
	v53 =	vor.u32 v7, v13;
	v13 =	vld.idx.msk [tilespmem:v14+s23+$0x0], $0xffff  }
0x24d: {  	v23 =	vor.u32 v27, v24;
	v24 =	vor.u32 v26, v24;
	v26 =	vshll.u32 v30, $0x7;
	v14 =	vld.idx.msk [tilespmem:v15+s23+$0x0], $0xffff  }
0x24e: {  	v27 =	vshll.u32 v32, $0x9;
	v12 =	vshll.u32 v32, $0x7;
	v59 =	vand.u32 $0x3000, v16;
	v16 =	vld.idx.msk [tilespmem:v22+s23+$0x0], $0xffff  }
0x24f: {  	v20 =	vshll.u32 v33, $0x9;
	v60 =	vand.u32 $0x380, v17;
	v61 =	vand.u32 $0x3000, v21;
	v28 =	vld.idx.msk [tilespmem:v28+s23+$0x0], $0xffff  }
0x250: {  	v62 =	vand.u32 $0x3000, v18;
	v30 =	vand.u32 $0x3000, v56;
	v21 =	vand.u32 $0x380, v36;
	v15 =	vld.idx.msk [tilespmem:v54+s23+$0x0], $0xffff  }
0x251: {  	v26 =	vand.u32 $0x380, v26;
	v27 =	vand.u32 $0x3000, v27;
	v40 =	vand.u32 $0x380, v12;
	v17 =	vld.idx.msk [tilespmem:v25+s23+$0x0], $0xffff  }
0x252: {  	v20 =	vand.u32 $0x3000, v20;
	v26 =	vor.u32 v26, v61;
	v22 =	vand.u32 $0x380, v19;
	v18 =	vld.idx.msk [tilespmem:v23+s23+$0x0], $0xffff  }
0x253: {  	v25 =	vor.u32 v60, v59;
	v23 =	vor.u32 v22, v62;
	v12 =	vld.idx.msk [tilespmem:v24+s23+$0x0], $0xffff;
	v24 =	vor.u32 v40, v27  }
0x254: {  	s8 =	simm.s32 $0x4;
	v19 =	vand.u32 $0x3000, v58;
	v22 =	vor.u32 v29, v20;
	v20 =	vor.u32 v63, v30;
	[tilespmem:v53+s1+$0x0] =	vst.idx.msk $0xffff, v28  }
.LBB2_23:
0x255: {  	s15 =	sand.u32 $0x70, s8;
	v25 =	vor.u32 v11, v25;
	v26 =	vor.u32 v11, v26;
	v19 =	vor.u32 v21, v19  }
0x256: {  	s0 =	sadd.s32 $0x8, s0;
	v23 =	vor.u32 v11, v23;
	v24 =	vor.u32 v11, v24;
	s6 =	sor.u32 $0x100, s15;
	v21 =	vor.u32 s15, v8  }
0x257: {  	v22 =	vor.u32 v11, v22;
	v20 =	vor.u32 v11, v20;
	s10 =	sand.u32 $0x18, s0;
	p0 =	slt.u32 s0, $0xF8;
	v27 =	vmov s6  }
0x258: {  	v19 =	vor.u32 v11, v19;
	v28 =	vadd.s32 s10, v0;
	s6 =	sor.u32 $0x1, s10;
	s11 =	sor.u32 $0x2, s10;
	s12 =	sor.u32 $0x3, s10;
	v11 =	vmovc v21;
	v27 =	vshll.u32 v27, $0x5  }
0x259: {  	s13 =	sor.u32 $0x5, s10;
	s14 =	sor.u32 $0x6, s10;
	v21 =	vand.u32 $0x18, v28;
	v29 =	vadd.s32 s6, v0;
	s6 =	sor.u32 $0x4, s10;
	v27 =	vor.u32 v4, v27  }
0x25a: {  	v30 =	vadd.s32 s11, v0;
	v31 =	vadd.s32 s12, v0;
	s10 =	sor.u32 $0x7, s10;
	v21 =	vor.u32 v27, v21;
	[tilespmem:v25+s1+$0x0] =	vst.idx.msk $0xffff, v13  }
0x25b: {  	v25 =	vadd.s32 s13, v0;
	v13 =	vor.u32 v1, v21;
	v21 =	vadd.s32 s6, v0;
	[tilespmem:v26+s1+$0x0] =	vst.idx.msk $0xffff, v14  }
0x25c: {  	v32 =	vadd.s32 s10, v0;
	v14 =	vand.u32 $0x1F, v29;
	v26 =	vadd.s32 s14, v0;
	[tilespmem:v23+s1+$0x0] =	vst.idx.msk $0xffff, v16  }
0x25d: {  	v16 =	vand.u32 $0x1F, v30;
	v23 =	vand.u32 $0x1F, v31;
	v33 =	vand.u32 $0x1F, v21;
	[tilespmem:v24+s1+$0x0] =	vst.idx.msk $0xffff, v15  }
0x25e: {  	v15 =	vshll.u32 v28, $0x9;
	v24 =	vand.u32 $0x1F, v25;
	v28 =	vand.u32 $0x1F, v26;
	[tilespmem:v22+s1+$0x0] =	vst.idx.msk $0xffff, v17  }
0x25f: {  	v14 =	vor.u32 v14, v27;
	v15 =	vand.u32 $0x3000, v15;
	v17 =	vand.u32 $0x1F, v32;
	[tilespmem:v20+s1+$0x0] =	vst.idx.msk $0xffff, v18  }
0x260: {  	v18 =	vld.idx.msk [tilespmem:v13+s23+$0x0], $0xffff;
	v13 =	vor.u32 s15, v15;
	v15 =	vor.u32 v16, v27;
	v16 =	vor.u32 v23, v27  }
0x261: {  	v22 =	vor.u32 v33, v27;
	v23 =	vor.u32 v24, v27;
	v20 =	vor.u32 v7, v13  }
0x262: {  	v28 =	vor.u32 v28, v27;
	v24 =	vshll.u32 v29, $0x9;
	v27 =	vor.u32 v17, v27;
	[tilespmem:v19+s1+$0x0] =	vst.idx.msk $0xffff, v12  }
0x263: {  	v17 =	vshll.u32 v30, $0x9;
	v12 =	vshll.u32 v29, $0x7;
	v19 =	vshll.u32 v30, $0x7  }
0x264: {  	v29 =	vshll.u32 v31, $0x9;
	v30 =	vshll.u32 v31, $0x7;
	v31 =	vshll.u32 v21, $0x9;
	v13 =	vld.idx.msk [tilespmem:v14+s23+$0x0], $0xffff  }
0x265: {  	v33 =	vshll.u32 v25, $0x9;
	v25 =	vshll.u32 v25, $0x7;
	v21 =	vshll.u32 v21, $0x7;
	v14 =	vld.idx.msk [tilespmem:v15+s23+$0x0], $0xffff  }
0x266: {  	v34 =	vshll.u32 v32, $0x9;
	[tilespmem:v20+s1+$0x0] =	vst.idx.msk $0xffff, v18;
	v16 =	vld.idx.msk [tilespmem:v16+s23+$0x0], $0xffff;
	v20 =	vshll.u32 v26, $0x9;
	v26 =	vshll.u32 v26, $0x7  }
0x267: {  	v24 =	vand.u32 $0x3000, v24;
	v35 =	vand.u32 $0x380, v12;
	v15 =	vld.idx.msk [tilespmem:v22+s23+$0x0], $0xffff;
	v22 =	vshll.u32 v32, $0x7  }
0x268: {  	v36 =	vand.u32 $0x380, v19;
	v29 =	vand.u32 $0x3000, v29;
	v32 =	vand.u32 $0x3000, v17;
	v17 =	vld.idx.msk [tilespmem:v23+s23+$0x0], $0xffff  }
.Ltmp10:
0x269: {  	v23 =	vand.u32 $0x380, v30;
	v30 =	vand.u32 $0x3000, v31;
	v31 =	vand.u32 $0x380, v21;
	v18 =	vld.idx.msk [tilespmem:v28+s23+$0x0], $0xffff;
	(pc) =	sbr.rel @p0 .LBB2_23-.Ltmp10, $4  }
0x26a: {  	v20 =	vand.u32 $0x3000, v20;
	v28 =	vand.u32 $0x3000, v33;
	v33 =	vand.u32 $0x380, v25;
	v12 =	vld.idx.msk [tilespmem:v27+s23+$0x0], $0xffff  }
0x26b: {  	v19 =	vand.u32 $0x3000, v34;
	v21 =	vand.u32 $0x380, v22;
	v27 =	vand.u32 $0x380, v26  }
0x26c: {  	v25 =	vor.u32 v35, v24;
	v23 =	vor.u32 v23, v29;
	v26 =	vor.u32 v36, v32  }
0x26d: {  	s8 =	sadd.s32 $0x4, s8;
	v24 =	vor.u32 v31, v30;
	v22 =	vor.u32 v33, v28;
	v20 =	vor.u32 v27, v20  }
0x26e: {  	v25 =	vor.u32 v11, v25  }
0x26f: {  	v26 =	vor.u32 v11, v26;
	v19 =	vor.u32 v21, v19;
	v21 =	vor.u32 v11, v23;
	s0 =	simm.s32 $0x0  }
0x270: {  	v23 =	vor.u32 v11, v24;
	v22 =	vor.u32 v11, v22;
	s6 =	sor.u32 $0x180, s9;
	v20 =	vor.u32 v11, v20;
	s8 =	sand.u32 $0x18, s0  }
0x271: {  	v19 =	vor.u32 v11, v19;
	v24 =	vmov s6;
	v27 =	vadd.s32 s8, v0  }
0x272: {  	v11 =	vor.u32 s9, v10;
	v24 =	vshll.u32 v24, $0x5;
	s13 =	sor.u32 $0x1, s8;
	s10 =	sor.u32 $0x2, s8;
	v28 =	vand.u32 $0x18, v27  }
0x273: {  	s11 =	sor.u32 $0x3, s8;
	s14 =	sor.u32 $0x4, s8;
	s12 =	sor.u32 $0x5, s8;
	v24 =	vor.u32 v4, v24;
	v29 =	vadd.s32 s13, v0;
	v30 =	vadd.s32 s10, v0  }
0x274: {  	s15 =	sor.u32 $0x6, s8;
	s8 =	sor.u32 $0x7, s8;
	v31 =	vadd.s32 s11, v0;
	v32 =	vadd.s32 s14, v0;
	v33 =	vadd.s32 s12, v0  }
0x275: {  	v35 =	vadd.s32 s15, v0;
	v36 =	vadd.s32 s8, v0;
	v28 =	vor.u32 v24, v28  }
0x276: {  	v34 =	vand.u32 $0x1F, v29;
	v37 =	vand.u32 $0x1F, v30;
	v38 =	vand.u32 $0x1F, v31  }
0x277: {  	v39 =	vand.u32 $0x1F, v32;
	v55 =	vshll.u32 v33, $0x7;
	v56 =	vshll.u32 v35, $0x9;
	[tilespmem:v25+s1+$0x0] =	vst.idx.msk $0xffff, v13  }
0x278: {  	v57 =	vshll.u32 v35, $0x7;
	v58 =	vshll.u32 v36, $0x9;
	v28 =	vor.u32 v1, v28;
	[tilespmem:v26+s1+$0x0] =	vst.idx.msk $0xffff, v14  }
0x279: {  	v13 =	vshll.u32 v27, $0x9;
	v25 =	vand.u32 $0x1F, v33;
	v27 =	vand.u32 $0x1F, v35;
	[tilespmem:v21+s1+$0x0] =	vst.idx.msk $0xffff, v16  }
0x27a: {  	v14 =	vor.u32 v34, v24;
	v26 =	vand.u32 $0x1F, v36;
	v16 =	vor.u32 v37, v24;
	[tilespmem:v23+s1+$0x0] =	vst.idx.msk $0xffff, v15  }
0x27b: {  	v21 =	vor.u32 v38, v24;
	v54 =	vor.u32 v39, v24;
	[tilespmem:v22+s1+$0x0] =	vst.idx.msk $0xffff, v17;
	v17 =	vshll.u32 v29, $0x7  }
0x27c: {  	v22 =	vshll.u32 v30, $0x9;
	v23 =	vshll.u32 v30, $0x7;
	[tilespmem:v20+s1+$0x0] =	vst.idx.msk $0xffff, v18;
	v18 =	vshll.u32 v31, $0x9  }
0x27d: {  	v20 =	vshll.u32 v31, $0x7;
	v36 =	vshll.u32 v36, $0x7;
	v30 =	vand.u32 $0x3000, v56  }
0x27e: {  	v63 =	vand.u32 $0x380, v57;
	v13 =	vand.u32 $0x3000, v13;
	v25 =	vor.u32 v25, v24  }
0x27f: {  	v15 =	vor.u32 v27, v24;
	v24 =	vor.u32 v26, v24;
	v26 =	vshll.u32 v32, $0x9;
	[tilespmem:v19+s1+$0x0] =	vst.idx.msk $0xffff, v12  }
0x280: {  	v19 =	vshll.u32 v32, $0x7;
	v27 =	vshll.u32 v33, $0x9;
	v13 =	vor.u32 s9, v13;
	v28 =	vld.idx.msk [tilespmem:v28+s23+$0x0], $0xffff  }
0x281: {  	v60 =	vand.u32 $0x380, v17;
	v53 =	vor.u32 v9, v13;
	v13 =	vshll.u32 v29, $0x9;
	v12 =	vld.idx.msk [tilespmem:v14+s23+$0x0], $0xffff  }
0x282: {  	v22 =	vand.u32 $0x3000, v22;
	v23 =	vand.u32 $0x380, v23;
	v59 =	vand.u32 $0x3000, v13;
	v13 =	vld.idx.msk [tilespmem:v16+s23+$0x0], $0xffff  }
0x283: {  	v61 =	vand.u32 $0x3000, v18;
	v62 =	vand.u32 $0x3000, v26;
	v40 =	vand.u32 $0x380, v19;
	v14 =	vld.idx.msk [tilespmem:v21+s23+$0x0], $0xffff  }
0x284: {  	v27 =	vand.u32 $0x3000, v27;
	v19 =	vand.u32 $0x3000, v58;
	v29 =	vand.u32 $0x380, v55;
	v16 =	vld.idx.msk [tilespmem:v54+s23+$0x0], $0xffff  }
0x285: {  	v26 =	vor.u32 v23, v22;
	v22 =	vor.u32 v29, v27;
	v21 =	vand.u32 $0x380, v20;
	v17 =	vld.idx.msk [tilespmem:v25+s23+$0x0], $0xffff  }
0x286: {  	v20 =	vand.u32 $0x380, v36;
	v18 =	vld.idx.msk [tilespmem:v15+s23+$0x0], $0xffff;
	v25 =	vor.u32 v60, v59;
	v23 =	vor.u32 v21, v61  }
0x287: {  	s8 =	simm.s32 $0x4;
	v15 =	vld.idx.msk [tilespmem:v24+s23+$0x0], $0xffff;
	v24 =	vor.u32 v40, v62;
	v21 =	vor.u32 v63, v30;
	[tilespmem:v53+s1+$0x0] =	vst.idx.msk $0xffff, v28  }
.LBB2_25:
0x288: {  	s9 =	sand.u32 $0x70, s8;
	v25 =	vor.u32 v11, v25;
	v26 =	vor.u32 v11, v26;
	v19 =	vor.u32 v20, v19  }
0x289: {  	s0 =	sadd.s32 $0x8, s0;
	v23 =	vor.u32 v11, v23;
	v24 =	vor.u32 v11, v24;
	s6 =	sor.u32 $0x180, s9;
	v20 =	vor.u32 s9, v10  }
0x28a: {  	v22 =	vor.u32 v11, v22;
	v21 =	vor.u32 v11, v21;
	s10 =	sand.u32 $0x18, s0;
	p0 =	slt.u32 s0, $0xF8;
	v27 =	vmov s6  }
0x28b: {  	v19 =	vor.u32 v11, v19;
	v28 =	vadd.s32 s10, v0;
	s6 =	sor.u32 $0x1, s10;
	s11 =	sor.u32 $0x2, s10;
	s12 =	sor.u32 $0x3, s10;
	v11 =	vmovc v20;
	v27 =	vshll.u32 v27, $0x5  }
0x28c: {  	s13 =	sor.u32 $0x5, s10;
	s14 =	sor.u32 $0x6, s10;
	v20 =	vand.u32 $0x18, v28;
	v29 =	vadd.s32 s6, v0;
	s6 =	sor.u32 $0x4, s10;
	v27 =	vor.u32 v4, v27  }
0x28d: {  	v30 =	vadd.s32 s11, v0;
	v31 =	vadd.s32 s12, v0;
	s10 =	sor.u32 $0x7, s10;
	v20 =	vor.u32 v27, v20;
	[tilespmem:v25+s1+$0x0] =	vst.idx.msk $0xffff, v12  }
0x28e: {  	v25 =	vadd.s32 s13, v0;
	v12 =	vor.u32 v1, v20;
	v20 =	vadd.s32 s6, v0;
	[tilespmem:v26+s1+$0x0] =	vst.idx.msk $0xffff, v13  }
0x28f: {  	v32 =	vadd.s32 s10, v0;
	v13 =	vand.u32 $0x1F, v29;
	v26 =	vadd.s32 s14, v0;
	[tilespmem:v23+s1+$0x0] =	vst.idx.msk $0xffff, v14  }
0x290: {  	v14 =	vand.u32 $0x1F, v30;
	v23 =	vand.u32 $0x1F, v31;
	v33 =	vand.u32 $0x1F, v20;
	[tilespmem:v24+s1+$0x0] =	vst.idx.msk $0xffff, v16  }
0x291: {  	v16 =	vshll.u32 v28, $0x9;
	v24 =	vand.u32 $0x1F, v25;
	v28 =	vand.u32 $0x1F, v26;
	[tilespmem:v22+s1+$0x0] =	vst.idx.msk $0xffff, v17  }
0x292: {  	v13 =	vor.u32 v13, v27;
	v16 =	vand.u32 $0x3000, v16;
	v17 =	vand.u32 $0x1F, v32;
	[tilespmem:v21+s1+$0x0] =	vst.idx.msk $0xffff, v18  }
0x293: {  	v14 =	vor.u32 v14, v27;
	v18 =	vld.idx.msk [tilespmem:v12+s23+$0x0], $0xffff;
	v12 =	vor.u32 s9, v16;
	v16 =	vor.u32 v23, v27  }
0x294: {  	v22 =	vor.u32 v33, v27;
	v23 =	vor.u32 v24, v27;
	v21 =	vor.u32 v9, v12  }
0x295: {  	v28 =	vor.u32 v28, v27;
	v24 =	vshll.u32 v29, $0x9;
	v27 =	vor.u32 v17, v27;
	[tilespmem:v19+s1+$0x0] =	vst.idx.msk $0xffff, v15  }
0x296: {  	v17 =	vshll.u32 v30, $0x9;
	v15 =	vshll.u32 v29, $0x7;
	v19 =	vshll.u32 v30, $0x7  }
0x297: {  	v29 =	vshll.u32 v31, $0x9;
	v30 =	vshll.u32 v31, $0x7;
	v31 =	vshll.u32 v20, $0x9;
	v12 =	vld.idx.msk [tilespmem:v13+s23+$0x0], $0xffff  }
0x298: {  	v33 =	vshll.u32 v25, $0x9;
	v25 =	vshll.u32 v25, $0x7;
	v20 =	vshll.u32 v20, $0x7;
	v13 =	vld.idx.msk [tilespmem:v14+s23+$0x0], $0xffff  }
0x299: {  	v34 =	vshll.u32 v32, $0x9;
	[tilespmem:v21+s1+$0x0] =	vst.idx.msk $0xffff, v18;
	v14 =	vld.idx.msk [tilespmem:v16+s23+$0x0], $0xffff;
	v21 =	vshll.u32 v26, $0x9;
	v26 =	vshll.u32 v26, $0x7  }
0x29a: {  	v24 =	vand.u32 $0x3000, v24;
	v35 =	vand.u32 $0x380, v15;
	v16 =	vld.idx.msk [tilespmem:v22+s23+$0x0], $0xffff;
	v22 =	vshll.u32 v32, $0x7  }
0x29b: {  	v36 =	vand.u32 $0x380, v19;
	v29 =	vand.u32 $0x3000, v29;
	v32 =	vand.u32 $0x3000, v17;
	v17 =	vld.idx.msk [tilespmem:v23+s23+$0x0], $0xffff  }
.Ltmp11:
0x29c: {  	v23 =	vand.u32 $0x380, v30;
	v30 =	vand.u32 $0x3000, v31;
	v31 =	vand.u32 $0x380, v20;
	v18 =	vld.idx.msk [tilespmem:v28+s23+$0x0], $0xffff;
	(pc) =	sbr.rel @p0 .LBB2_25-.Ltmp11, $4  }
0x29d: {  	v21 =	vand.u32 $0x3000, v21;
	v28 =	vand.u32 $0x3000, v33;
	v33 =	vand.u32 $0x380, v25;
	v15 =	vld.idx.msk [tilespmem:v27+s23+$0x0], $0xffff  }
0x29e: {  	v19 =	vand.u32 $0x3000, v34;
	v20 =	vand.u32 $0x380, v22;
	v27 =	vand.u32 $0x380, v26  }
0x29f: {  	v25 =	vor.u32 v35, v24;
	v23 =	vor.u32 v23, v29;
	v26 =	vor.u32 v36, v32  }
0x2a0: {  	s8 =	sadd.s32 $0x4, s8;
	v24 =	vor.u32 v31, v30;
	v22 =	vor.u32 v33, v28;
	v21 =	vor.u32 v27, v21  }
0x2a1: {  	v25 =	vor.u32 v11, v25  }
0x2a2: {  	v26 =	vor.u32 v11, v26  }
0x2a3: {  	v23 =	vor.u32 v11, v23;
	_ =	sdelay $0x2  }
0x2a4: {  	v24 =	vor.u32 v11, v24;
	[tilespmem:v25+s1+$0x0] =	vst.idx.msk $0xffff, v12  }
0x2a5: {  	v22 =	vor.u32 v11, v22;
	[tilespmem:v26+s1+$0x0] =	vst.idx.msk $0xffff, v13  }
0x2a6: {  	v19 =	vor.u32 v20, v19;
	v63 =	vor.u32 v11, v21;
	[tilespmem:v23+s1+$0x0] =	vst.idx.msk $0xffff, v14  }
0x2a7: {  	v11 =	vor.u32 v11, v19;
	s0 =	rddreg [dreg:$0x9]  }
0x2a8: {  	p0 =	seq.s32 s16, $0x7;
	s0 =	sadd.s32 s0, s17  }
.Ltmp12:
0x2a9: {  	[tilespmem:v24+s1+$0x0] =	vst.idx.msk $0xffff, v16;
	s6 =	sshll.u32 s0, $0x7;
	(pc) =	sbr.rel @p0 .LBB2_28-.Ltmp12, $4  }
0x2aa: {  	[tilespmem:v22+s1+$0x0] =	vst.idx.msk $0xffff, v17;
	s0 =	sshll.u32 s0, $0x9;
	s6 =	sand.u32 $0x3E00, s6  }
0x2ab: {  	[tilespmem:v63+s1+$0x0] =	vst.idx.msk $0xffff, v18;
	s0 =	sand.u32 $0xFFF0000, s0;
	s6 =	sadd.s32 s2, s6  }
0x2ac: {  	[tilespmem:v11+s1+$0x0] =	vst.idx.msk $0xffff, v15;
	s0 =	sadd.s32 s0, s6  }
0x2ad: {  	[hbm4b:s0+s26] =	stream.strided.scatter [tilespmem:s1], [sflag:$0x6], $0x4000, s28, s26, $0x38;
	[tilespmem:$0x18600] =	vst v63  }
0x2ae: {  	s0 =	rddreg [dreg:$0xa]  }
0x2af: {  	s0 =	sadd.s32 s5, s0  }
0x2b0: {  	s0 =	sshrl.u32 s0, $0x3  }
0x2b1: {  	s17 =	simm.s32 $0x400;
	s0 =	sadd.s32 s4, s0  }
0x2b2: {  	[tilespmem:s17], [sflag:$0x7] =	stream.linear.gather [hbm4b:s0+s3], $0x200, $0x38;
	[tilespmem:$0x18600] =	vst v63  }
.Ltmp13:
0x2b3: {  	_ = 	snop;
	(pc) =	sbr.rel .LBB2_2-.Ltmp13, $4  }
0x2b4: {  	_ =	swait.ge [sflag:s18], $0x200  }
0x2b5: {  	[sflag:s18] =	ssyncset.done $0x0  }
0x2b6: {  	s16 =	sadd.s32 $0x1, s16;
	[sflag:s18] =	ssyncadd.s32 $0xFFFFFE00  }
0x2b7: {  	[tilespmem:s23], [sflag:$0x3] =	stream.indirect.gather [hbm4b:s7+s19], $0x20, s17, s19, $0xb8;
	[tilespmem:$0x18600] =	vst v63  }
.LBB2_28:
0x2b8: {  	s0 =	simm.s32 $0x0;
	s8 =	simm.s32 $0x0  }
0x2b9: {  	s6 =	sand.u32 $0x18, s0;
	s5 =	sand.u32 $0x70, s8  }
0x2ba: {  	v13 =	vadd.s32 s6, v0;
	s9 =	sor.u32 $0x7, s6;
	v14 =	vor.u32 s5, v0  }
0x2bb: {  	s10 =	sor.u32 $0x1, s6;
	s16 =	sor.u32 $0x2, s6;
	s11 =	sor.u32 $0x3, s6;
	v11 =	vand.u32 $0x18, v13;
	v12 =	vadd.s32 s9, v0;
	v15 =	vshll.u32 v14, $0x5  }
0x2bc: {  	s17 =	sor.u32 $0x4, s6;
	s12 =	sor.u32 $0x5, s6;
	s6 =	sor.u32 $0x6, s6;
	v16 =	vadd.s32 s10, v0;
	v18 =	vadd.s32 s16, v0;
	v19 =	vadd.s32 s11, v0  }
0x2bd: {  	v20 =	vadd.s32 s17, v0;
	v21 =	vadd.s32 s12, v0;
	v22 =	vadd.s32 s6, v0  }
0x2be: {  	v13 =	vshll.u32 v13, $0x9;
	v17 =	vand.u32 $0x1F, v12;
	v23 =	vor.u32 v15, v11  }
0x2bf: {  	v24 =	vand.u32 $0x1F, v16;
	v25 =	vand.u32 $0x1F, v18;
	v26 =	vand.u32 $0x1F, v19  }
0x2c0: {  	v11 =	vshll.u32 v12, $0x9;
	v12 =	vshll.u32 v12, $0x7;
	v27 =	vand.u32 $0x1F, v20  }
0x2c1: {  	v29 =	vand.u32 $0x1F, v21;
	v62 =	vand.u32 $0x1F, v22;
	v31 =	vshll.u32 v18, $0x9  }
0x2c2: {  	v18 =	vshll.u32 v18, $0x7;
	v32 =	vshll.u32 v19, $0x9;
	v19 =	vshll.u32 v19, $0x7  }
0x2c3: {  	_ =	swait.ge [sflag:s24], $0x4000;
	v33 =	vshll.u32 v20, $0x9;
	v20 =	vshll.u32 v20, $0x7;
	v34 =	vshll.u32 v21, $0x9  }
0x2c4: {  	[sflag:s24] =	ssyncset.done $0x0;
	v21 =	vshll.u32 v21, $0x7;
	v36 =	vshll.u32 v22, $0x9;
	v17 =	vor.u32 v17, v15  }
0x2c5: {  	s15 =	simm.s32 $0x4;
	[sflag:s24] =	ssyncadd.s32 $0xFFFFC000;
	v22 =	vshll.u32 v22, $0x7;
	v28 =	vand.u32 $0x3000, v11;
	v23 =	vor.u32 v1, v23  }
0x2c6: {  	_ =	swait.ge [sflag:s15], $0x4000;
	v12 =	vand.u32 $0x380, v12;
	v11 =	vand.u32 v3, v14;
	v24 =	vor.u32 v24, v15  }
0x2c7: {  	[sflag:s15] =	ssyncset.done $0x0;
	v25 =	vor.u32 v25, v15;
	v26 =	vor.u32 v26, v15;
	v27 =	vor.u32 v27, v15  }
0x2c8: {  	v29 =	vor.u32 v29, v15;
	[sflag:s15] =	ssyncadd.s32 $0xFFFFC000;
	v63 =	vand.u32 $0x380, v18;
	v32 =	vand.u32 $0x3000, v32  }
0x2c9: {  	v19 =	vand.u32 $0x380, v19;
	v33 =	vand.u32 $0x3000, v33;
	v12 =	vor.u32 v28, v12;
	v35 =	vld.idx.msk [tilespmem:v17+s20+$0x0], $0xffff  }
0x2ca: {  	v38 =	vand.u32 $0x380, v20;
	v34 =	vand.u32 $0x3000, v34;
	v30 =	vor.u32 v11, v12;
	v12 =	vld.idx.msk [tilespmem:v23+s20+$0x0], $0xffff  }
0x2cb: {  	v39 =	vand.u32 $0x380, v21;
	v36 =	vand.u32 $0x3000, v36;
	v28 =	vor.u32 v62, v15;
	v17 =	vld.idx.msk [tilespmem:v24+s20+$0x0], $0xffff  }
0x2cc: {  	v20 =	vand.u32 $0x78, v14;
	v15 =	vshll.u32 v16, $0x9;
	v16 =	vshll.u32 v16, $0x7;
	v18 =	vld.idx.msk [tilespmem:v25+s20+$0x0], $0xffff  }
0x2cd: {  	v21 =	vand.u32 $0x3000, v13;
	v37 =	vand.u32 $0x380, v16;
	v23 =	vand.u32 $0x3000, v15;
	v15 =	vld.idx.msk [tilespmem:v26+s20+$0x0], $0xffff  }
0x2ce: {  	v24 =	vand.u32 $0x3000, v31;
	v16 =	vld.idx.msk [tilespmem:v27+s20+$0x0], $0xffff;
	v27 =	vand.u32 $0x380, v22;
	v22 =	vor.u32 v32, v19  }
0x2cf: {  	v14 =	vld.idx.msk [tilespmem:v29+s20+$0x0], $0xffff;
	v25 =	vor.u32 v23, v37;
	v26 =	vor.u32 v24, v63;
	v23 =	vor.u32 v33, v38  }
0x2d0: {  	v13 =	vld.idx.msk [tilespmem:v28+s20+$0x0], $0xffff;
	v24 =	vor.u32 v34, v39;
	v19 =	vor.u32 v36, v27;
	[tilespmem:v30+s25+$0x0] =	vst.idx.msk $0xffff, v35  }
.LBB2_29:
0x2d1: {  	s0 =	sadd.s32 $0x8, s0;
	v20 =	vor.u32 v20, v21;
	v21 =	vor.u32 v11, v25;
	v25 =	vor.u32 v11, v26  }
0x2d2: {  	v22 =	vor.u32 v11, v22;
	v23 =	vor.u32 v11, v23;
	v24 =	vor.u32 v11, v24;
	s8 =	sadd.s32 $0x4, s8;
	s6 =	sand.u32 $0x18, s0;
	p0 =	slt.u32 s0, $0xF8  }
0x2d3: {  	v19 =	vor.u32 v11, v19;
	s9 =	sand.u32 $0x70, s8;
	v20 =	vor.u32 v2, v20;
	v26 =	vadd.s32 s6, v0;
	s10 =	sor.u32 $0x1, s6;
	s11 =	sor.u32 $0x7, s6  }
0x2d4: {  	v27 =	vor.u32 s9, v0;
	s9 =	sor.u32 $0x2, s6;
	s12 =	sor.u32 $0x3, s6;
	s13 =	sor.u32 $0x4, s6;
	v11 =	vand.u32 $0x18, v26;
	v28 =	vadd.s32 s11, v0  }
0x2d5: {  	v29 =	vshll.u32 v27, $0x5;
	v30 =	vadd.s32 s10, v0;
	s10 =	sor.u32 $0x5, s6;
	s6 =	sor.u32 $0x6, s6;
	v31 =	vand.u32 $0x1F, v28  }
0x2d6: {  	v32 =	vadd.s32 s9, v0;
	v33 =	vadd.s32 s12, v0;
	v31 =	vor.u32 v31, v29;
	[tilespmem:v21+s25+$0x0] =	vst.idx.msk $0xffff, v17  }
0x2d7: {  	v34 =	vadd.s32 s6, v0;
	v17 =	vadd.s32 s13, v0;
	v21 =	vadd.s32 s10, v0;
	[tilespmem:v25+s25+$0x0] =	vst.idx.msk $0xffff, v18  }
0x2d8: {  	v35 =	vand.u32 $0x1F, v32;
	v18 =	vor.u32 v29, v11;
	v25 =	vand.u32 $0x1F, v30;
	[tilespmem:v20+s25+$0x0] =	vst.idx.msk $0xffff, v12  }
0x2d9: {  	v11 =	vshll.u32 v28, $0x9;
	v12 =	vand.u32 $0x1F, v33;
	v20 =	vshll.u32 v28, $0x7;
	[tilespmem:v22+s25+$0x0] =	vst.idx.msk $0xffff, v15  }
0x2da: {  	v15 =	vand.u32 $0x1F, v17;
	v22 =	vand.u32 $0x3000, v11;
	v20 =	vand.u32 $0x380, v20;
	[tilespmem:v23+s25+$0x0] =	vst.idx.msk $0xffff, v16  }
0x2db: {  	v11 =	vand.u32 v3, v27;
	v16 =	vand.u32 $0x1F, v21;
	v20 =	vor.u32 v22, v20;
	v23 =	vld.idx.msk [tilespmem:v31+s20+$0x0], $0xffff  }
0x2dc: {  	v18 =	vor.u32 v1, v18;
	v22 =	vand.u32 $0x1F, v34;
	v20 =	vor.u32 v11, v20;
	[tilespmem:v24+s25+$0x0] =	vst.idx.msk $0xffff, v14  }
0x2dd: {  	v14 =	vor.u32 v25, v29;
	v24 =	vor.u32 v35, v29;
	v25 =	vor.u32 v12, v29  }
0x2de: {  	v28 =	vor.u32 v15, v29;
	v31 =	vor.u32 v16, v29;
	v22 =	vor.u32 v22, v29  }
0x2df: {  	v15 =	vshll.u32 v30, $0x9;
	v16 =	vshll.u32 v30, $0x7;
	v29 =	vshll.u32 v32, $0x9;
	[tilespmem:v19+s25+$0x0] =	vst.idx.msk $0xffff, v13  }
0x2e0: {  	v30 =	vshll.u32 v33, $0x7;
	v13 =	vshll.u32 v32, $0x7;
	v19 =	vshll.u32 v33, $0x9  }
0x2e1: {  	v35 =	vshll.u32 v21, $0x9;
	v32 =	vshll.u32 v17, $0x9;
	v33 =	vshll.u32 v17, $0x7;
	v12 =	vld.idx.msk [tilespmem:v18+s20+$0x0], $0xffff;
	[tilespmem:v20+s25+$0x0] =	vst.idx.msk $0xffff, v23  }
0x2e2: {  	v20 =	vshll.u32 v21, $0x7;
	v21 =	vshll.u32 v34, $0x9;
	v23 =	vshll.u32 v34, $0x7;
	v17 =	vld.idx.msk [tilespmem:v14+s20+$0x0], $0xffff  }
0x2e3: {  	v26 =	vshll.u32 v26, $0x9;
	v36 =	vand.u32 $0x380, v16;
	v34 =	vand.u32 $0x3000, v15;
	v18 =	vld.idx.msk [tilespmem:v24+s20+$0x0], $0xffff  }
0x2e4: {  	v19 =	vand.u32 $0x3000, v19;
	v24 =	vand.u32 $0x3000, v29;
	v29 =	vand.u32 $0x380, v13;
	v15 =	vld.idx.msk [tilespmem:v25+s20+$0x0], $0xffff  }
.Ltmp14:
0x2e5: {  	v30 =	vand.u32 $0x380, v30;
	v16 =	vld.idx.msk [tilespmem:v28+s20+$0x0], $0xffff;
	v28 =	vand.u32 $0x3000, v32;
	v32 =	vand.u32 $0x380, v33;
	(pc) =	sbr.rel @p0 .LBB2_29-.Ltmp14, $4  }
0x2e6: {  	v33 =	vand.u32 $0x380, v20;
	v14 =	vld.idx.msk [tilespmem:v31+s20+$0x0], $0xffff;
	v31 =	vand.u32 $0x3000, v35;
	v35 =	vand.u32 $0x3000, v21  }
0x2e7: {  	v20 =	vand.u32 $0x78, v27;
	v27 =	vand.u32 $0x380, v23;
	v21 =	vand.u32 $0x3000, v26;
	v13 =	vld.idx.msk [tilespmem:v22+s20+$0x0], $0xffff  }
0x2e8: {  	v25 =	vor.u32 v34, v36;
	v26 =	vor.u32 v24, v29;
	v22 =	vor.u32 v19, v30  }
0x2e9: {  	v23 =	vor.u32 v28, v32;
	v24 =	vor.u32 v31, v33;
	v19 =	vor.u32 v35, v27  }
0x2ea: {  	v20 =	vor.u32 v20, v21;
	v21 =	vor.u32 v11, v25;
	v25 =	vor.u32 v11, v26;
	s0 =	simm.s32 $0x0  }
0x2eb: {  	v22 =	vor.u32 v11, v22;
	v23 =	vor.u32 v11, v23;
	v24 =	vor.u32 v11, v24;
	s6 =	sor.u32 $0x80, s5;
	s8 =	sand.u32 $0x18, s0  }
0x2ec: {  	v19 =	vor.u32 v11, v19;
	v26 =	vmov s6;
	v27 =	vadd.s32 s8, v0  }
0x2ed: {  	v20 =	vor.u32 v2, v20;
	v26 =	vshll.u32 v26, $0x5;
	s14 =	sor.u32 $0x1, s8;
	s9 =	sor.u32 $0x2, s8;
	v28 =	vand.u32 $0x18, v27  }
0x2ee: {  	s10 =	sor.u32 $0x3, s8;
	s16 =	sor.u32 $0x4, s8;
	s11 =	sor.u32 $0x5, s8;
	v26 =	vor.u32 v4, v26;
	v29 =	vadd.s32 s14, v0;
	v30 =	vadd.s32 s9, v0  }
0x2ef: {  	s17 =	sor.u32 $0x6, s8;
	s8 =	sor.u32 $0x7, s8;
	v31 =	vadd.s32 s10, v0;
	v32 =	vadd.s32 s16, v0;
	v33 =	vadd.s32 s11, v0  }
0x2f0: {  	v35 =	vadd.s32 s17, v0;
	v36 =	vadd.s32 s8, v0;
	v28 =	vor.u32 v26, v28  }
0x2f1: {  	v34 =	vand.u32 $0x1F, v29;
	v37 =	vand.u32 $0x1F, v30;
	v38 =	vand.u32 $0x1F, v31  }
0x2f2: {  	v39 =	vand.u32 $0x1F, v32;
	v54 =	vshll.u32 v33, $0x9;
	v55 =	vshll.u32 v33, $0x7  }
0x2f3: {  	v56 =	vshll.u32 v35, $0x9;
	v57 =	vshll.u32 v35, $0x7;
	v58 =	vshll.u32 v36, $0x9;
	[tilespmem:v21+s25+$0x0] =	vst.idx.msk $0xffff, v17  }
0x2f4: {  	v28 =	vor.u32 v1, v28;
	v17 =	vshll.u32 v27, $0x9;
	v21 =	vand.u32 $0x1F, v33;
	[tilespmem:v25+s25+$0x0] =	vst.idx.msk $0xffff, v18  }
0x2f5: {  	v27 =	vand.u32 $0x1F, v35;
	v18 =	vor.u32 v34, v26;
	v25 =	vand.u32 $0x1F, v36;
	[tilespmem:v22+s25+$0x0] =	vst.idx.msk $0xffff, v15  }
0x2f6: {  	v52 =	vor.u32 v39, v26;
	v15 =	vshll.u32 v29, $0x9;
	[tilespmem:v23+s25+$0x0] =	vst.idx.msk $0xffff, v16;
	v16 =	vshll.u32 v29, $0x7  }
0x2f7: {  	v22 =	vshll.u32 v30, $0x9;
	v23 =	vshll.u32 v30, $0x7;
	[tilespmem:v24+s25+$0x0] =	vst.idx.msk $0xffff, v14;
	v24 =	vshll.u32 v31, $0x9  }
0x2f8: {  	[tilespmem:v19+s25+$0x0] =	vst.idx.msk $0xffff, v13;
	v19 =	vshll.u32 v32, $0x7;
	v29 =	vand.u32 $0x3000, v54;
	v30 =	vand.u32 $0x380, v55  }
0x2f9: {  	v63 =	vand.u32 $0x380, v57;
	v17 =	vand.u32 $0x3000, v17;
	[tilespmem:v20+s25+$0x0] =	vst.idx.msk $0xffff, v12;
	v20 =	vor.u32 v38, v26  }
0x2fa: {  	v21 =	vor.u32 v21, v26;
	v27 =	vor.u32 v27, v26;
	v53 =	vor.u32 v25, v26  }
0x2fb: {  	v25 =	vshll.u32 v31, $0x7;
	v12 =	vor.u32 s5, v17;
	v17 =	vor.u32 v37, v26;
	v28 =	vld.idx.msk [tilespmem:v28+s20+$0x0], $0xffff  }
0x2fc: {  	v59 =	vand.u32 $0x3000, v15;
	v60 =	vand.u32 $0x380, v16;
	v61 =	vand.u32 $0x3000, v22;
	v13 =	vld.idx.msk [tilespmem:v18+s20+$0x0], $0xffff  }
0x2fd: {  	v23 =	vand.u32 $0x380, v23;
	v24 =	vand.u32 $0x3000, v24;
	v12 =	vor.u32 v5, v12;
	v16 =	vld.idx.msk [tilespmem:v52+s20+$0x0], $0xffff  }
0x2fe: {  	v19 =	vand.u32 $0x380, v19;
	v31 =	vand.u32 $0x3000, v56;
	v18 =	vshll.u32 v36, $0x7;
	v15 =	vld.idx.msk [tilespmem:v20+s20+$0x0], $0xffff  }
0x2ff: {  	v26 =	vshll.u32 v32, $0x9;
	v62 =	vand.u32 $0x380, v25;
	v22 =	vand.u32 $0x380, v18;
	v18 =	vld.idx.msk [tilespmem:v27+s20+$0x0], $0xffff  }
0x300: {  	v25 =	vor.u32 v60, v59;
	v40 =	vand.u32 $0x3000, v26;
	v26 =	vor.u32 v23, v61;
	v14 =	vld.idx.msk [tilespmem:v17+s20+$0x0], $0xffff  }
0x301: {  	v23 =	vor.u32 v62, v24;
	v24 =	vor.u32 v19, v40;
	v19 =	vor.u32 v63, v31;
	v17 =	vld.idx.msk [tilespmem:v21+s20+$0x0], $0xffff  }
0x302: {  	v11 =	vor.u32 s5, v6;
	s16 =	simm.s32 $0x5;
	s5 =	simm.s32 $0x4;
	v20 =	vand.u32 $0x3000, v58;
	v21 =	vor.u32 v30, v29;
	[tilespmem:v12+s25+$0x0] =	vst.idx.msk $0xffff, v28;
	v12 =	vld.idx.msk [tilespmem:v53+s20+$0x0], $0xffff  }
.LBB2_31:
0x303: {  	s8 =	sand.u32 $0x70, s5;
	v25 =	vor.u32 v11, v25;
	v26 =	vor.u32 v11, v26;
	v20 =	vor.u32 v22, v20  }
0x304: {  	s0 =	sadd.s32 $0x8, s0;
	v23 =	vor.u32 v11, v23;
	v24 =	vor.u32 v11, v24;
	s6 =	sor.u32 $0x80, s8;
	v22 =	vor.u32 s8, v6  }
0x305: {  	v21 =	vor.u32 v11, v21;
	v19 =	vor.u32 v11, v19;
	s9 =	sand.u32 $0x18, s0;
	p0 =	slt.u32 s0, $0xF8;
	v27 =	vmov s6  }
0x306: {  	v20 =	vor.u32 v11, v20;
	v28 =	vadd.s32 s9, v0;
	s6 =	sor.u32 $0x1, s9;
	s10 =	sor.u32 $0x2, s9;
	s11 =	sor.u32 $0x3, s9;
	v11 =	vmovc v22;
	v27 =	vshll.u32 v27, $0x5  }
0x307: {  	s12 =	sor.u32 $0x5, s9;
	s13 =	sor.u32 $0x6, s9;
	v22 =	vand.u32 $0x18, v28;
	v29 =	vadd.s32 s6, v0;
	s6 =	sor.u32 $0x4, s9;
	v27 =	vor.u32 v4, v27  }
0x308: {  	v30 =	vadd.s32 s10, v0;
	v31 =	vadd.s32 s11, v0;
	s9 =	sor.u32 $0x7, s9;
	v22 =	vor.u32 v27, v22;
	[tilespmem:v25+s25+$0x0] =	vst.idx.msk $0xffff, v13  }
0x309: {  	v25 =	vadd.s32 s12, v0;
	v13 =	vor.u32 v1, v22;
	v22 =	vadd.s32 s6, v0;
	[tilespmem:v26+s25+$0x0] =	vst.idx.msk $0xffff, v14  }
0x30a: {  	v32 =	vadd.s32 s9, v0;
	v14 =	vand.u32 $0x1F, v29;
	v26 =	vadd.s32 s13, v0;
	[tilespmem:v23+s25+$0x0] =	vst.idx.msk $0xffff, v15  }
0x30b: {  	v15 =	vand.u32 $0x1F, v30;
	v23 =	vand.u32 $0x1F, v31;
	v33 =	vand.u32 $0x1F, v22;
	[tilespmem:v24+s25+$0x0] =	vst.idx.msk $0xffff, v16  }
0x30c: {  	v16 =	vshll.u32 v28, $0x9;
	v24 =	vand.u32 $0x1F, v25;
	v28 =	vand.u32 $0x1F, v26;
	[tilespmem:v21+s25+$0x0] =	vst.idx.msk $0xffff, v17  }
0x30d: {  	v14 =	vor.u32 v14, v27;
	v16 =	vand.u32 $0x3000, v16;
	v17 =	vand.u32 $0x1F, v32;
	[tilespmem:v19+s25+$0x0] =	vst.idx.msk $0xffff, v18  }
0x30e: {  	v15 =	vor.u32 v15, v27;
	v18 =	vld.idx.msk [tilespmem:v13+s20+$0x0], $0xffff;
	v13 =	vor.u32 s8, v16;
	v16 =	vor.u32 v23, v27  }
0x30f: {  	v21 =	vor.u32 v33, v27;
	v23 =	vor.u32 v24, v27;
	v19 =	vor.u32 v5, v13  }
0x310: {  	v28 =	vor.u32 v28, v27;
	v24 =	vshll.u32 v29, $0x9;
	v27 =	vor.u32 v17, v27;
	[tilespmem:v20+s25+$0x0] =	vst.idx.msk $0xffff, v12  }
0x311: {  	v17 =	vshll.u32 v30, $0x9;
	v12 =	vshll.u32 v29, $0x7;
	v20 =	vshll.u32 v30, $0x7  }
0x312: {  	v29 =	vshll.u32 v31, $0x9;
	v30 =	vshll.u32 v31, $0x7;
	v31 =	vshll.u32 v22, $0x9;
	v13 =	vld.idx.msk [tilespmem:v14+s20+$0x0], $0xffff  }
0x313: {  	v33 =	vshll.u32 v25, $0x9;
	v25 =	vshll.u32 v25, $0x7;
	v22 =	vshll.u32 v22, $0x7;
	v14 =	vld.idx.msk [tilespmem:v15+s20+$0x0], $0xffff  }
0x314: {  	v34 =	vshll.u32 v32, $0x9;
	s8 =	simm.s32 $0x0;
	[tilespmem:v19+s25+$0x0] =	vst.idx.msk $0xffff, v18;
	v15 =	vld.idx.msk [tilespmem:v16+s20+$0x0], $0xffff;
	v19 =	vshll.u32 v26, $0x9;
	v26 =	vshll.u32 v26, $0x7  }
0x315: {  	v24 =	vand.u32 $0x3000, v24;
	v35 =	vand.u32 $0x380, v12;
	v16 =	vld.idx.msk [tilespmem:v21+s20+$0x0], $0xffff;
	v21 =	vshll.u32 v32, $0x7  }
0x316: {  	v36 =	vand.u32 $0x380, v20;
	v29 =	vand.u32 $0x3000, v29;
	v32 =	vand.u32 $0x3000, v17;
	v17 =	vld.idx.msk [tilespmem:v23+s20+$0x0], $0xffff  }
.Ltmp15:
0x317: {  	v23 =	vand.u32 $0x380, v30;
	v30 =	vand.u32 $0x3000, v31;
	v31 =	vand.u32 $0x380, v22;
	v18 =	vld.idx.msk [tilespmem:v28+s20+$0x0], $0xffff;
	(pc) =	sbr.rel @p0 .LBB2_31-.Ltmp15, $4  }
0x318: {  	v19 =	vand.u32 $0x3000, v19;
	v28 =	vand.u32 $0x3000, v33;
	v33 =	vand.u32 $0x380, v25;
	v12 =	vld.idx.msk [tilespmem:v27+s20+$0x0], $0xffff  }
0x319: {  	v20 =	vand.u32 $0x3000, v34;
	v22 =	vand.u32 $0x380, v21;
	v27 =	vand.u32 $0x380, v26  }
0x31a: {  	v25 =	vor.u32 v35, v24;
	v23 =	vor.u32 v23, v29;
	v26 =	vor.u32 v36, v32  }
0x31b: {  	s5 =	sadd.s32 $0x4, s5;
	v24 =	vor.u32 v31, v30;
	v21 =	vor.u32 v33, v28;
	v19 =	vor.u32 v27, v19  }
0x31c: {  	v25 =	vor.u32 v11, v25;
	v26 =	vor.u32 v11, v26;
	v20 =	vor.u32 v22, v20;
	s5 =	sand.u32 $0x70, s8  }
0x31d: {  	v22 =	vor.u32 v11, v23;
	v23 =	vor.u32 v11, v24;
	v21 =	vor.u32 v11, v21;
	s0 =	simm.s32 $0x0;
	s6 =	sor.u32 $0x100, s5  }
0x31e: {  	v19 =	vor.u32 v11, v19;
	v20 =	vor.u32 v11, v20;
	s12 =	sand.u32 $0x18, s0;
	v24 =	vmov s6  }
0x31f: {  	v11 =	vor.u32 s5, v8;
	v27 =	vadd.s32 s12, v0;
	s13 =	sor.u32 $0x1, s12;
	s9 =	sor.u32 $0x2, s12;
	v24 =	vshll.u32 v24, $0x5  }
0x320: {  	s10 =	sor.u32 $0x3, s12;
	s14 =	sor.u32 $0x4, s12;
	s11 =	sor.u32 $0x5, s12;
	v28 =	vand.u32 $0x18, v27;
	v29 =	vadd.s32 s13, v0;
	v30 =	vadd.s32 s9, v0  }
0x321: {  	s17 =	sor.u32 $0x6, s12;
	s8 =	sor.u32 $0x7, s12;
	v31 =	vadd.s32 s10, v0;
	v32 =	vadd.s32 s14, v0;
	v33 =	vadd.s32 s11, v0  }
0x322: {  	v35 =	vadd.s32 s17, v0;
	v36 =	vadd.s32 s8, v0;
	v24 =	vor.u32 v4, v24  }
0x323: {  	v34 =	vand.u32 $0x1F, v29;
	v37 =	vand.u32 $0x1F, v30;
	v38 =	vand.u32 $0x1F, v31  }
0x324: {  	v39 =	vand.u32 $0x1F, v32;
	v55 =	vshll.u32 v33, $0x7;
	v56 =	vshll.u32 v35, $0x9;
	[tilespmem:v25+s25+$0x0] =	vst.idx.msk $0xffff, v13  }
0x325: {  	v57 =	vshll.u32 v35, $0x7;
	v58 =	vshll.u32 v36, $0x9;
	v28 =	vor.u32 v24, v28;
	[tilespmem:v26+s25+$0x0] =	vst.idx.msk $0xffff, v14  }
0x326: {  	v13 =	vshll.u32 v27, $0x9;
	v25 =	vand.u32 $0x1F, v33;
	v27 =	vand.u32 $0x1F, v35;
	[tilespmem:v22+s25+$0x0] =	vst.idx.msk $0xffff, v15  }
0x327: {  	v14 =	vor.u32 v34, v24;
	v26 =	vand.u32 $0x1F, v36;
	v15 =	vor.u32 v37, v24;
	[tilespmem:v23+s25+$0x0] =	vst.idx.msk $0xffff, v16  }
0x328: {  	v22 =	vor.u32 v38, v24;
	v54 =	vor.u32 v39, v24;
	v16 =	vshll.u32 v29, $0x9;
	[tilespmem:v21+s25+$0x0] =	vst.idx.msk $0xffff, v17  }
0x329: {  	v17 =	vshll.u32 v29, $0x7;
	v21 =	vshll.u32 v30, $0x9;
	[tilespmem:v19+s25+$0x0] =	vst.idx.msk $0xffff, v18;
	v18 =	vshll.u32 v31, $0x9  }
0x32a: {  	v19 =	vshll.u32 v31, $0x7;
	v28 =	vor.u32 v1, v28;
	v13 =	vand.u32 $0x3000, v13  }
0x32b: {  	v36 =	vshll.u32 v36, $0x7;
	v29 =	vand.u32 $0x380, v55;
	[tilespmem:v20+s25+$0x0] =	vst.idx.msk $0xffff, v12;
	v13 =	vor.u32 s5, v13  }
0x32c: {  	v63 =	vand.u32 $0x380, v57;
	v25 =	vor.u32 v25, v24;
	v53 =	vor.u32 v7, v13;
	v13 =	vld.idx.msk [tilespmem:v14+s20+$0x0], $0xffff  }
0x32d: {  	v23 =	vor.u32 v27, v24;
	v24 =	vor.u32 v26, v24;
	v26 =	vshll.u32 v30, $0x7;
	v14 =	vld.idx.msk [tilespmem:v15+s20+$0x0], $0xffff  }
0x32e: {  	v27 =	vshll.u32 v32, $0x9;
	v12 =	vshll.u32 v32, $0x7;
	v59 =	vand.u32 $0x3000, v16;
	v16 =	vld.idx.msk [tilespmem:v22+s20+$0x0], $0xffff  }
0x32f: {  	v20 =	vshll.u32 v33, $0x9;
	v60 =	vand.u32 $0x380, v17;
	v61 =	vand.u32 $0x3000, v21;
	v28 =	vld.idx.msk [tilespmem:v28+s20+$0x0], $0xffff  }
0x330: {  	v62 =	vand.u32 $0x3000, v18;
	v30 =	vand.u32 $0x3000, v56;
	v21 =	vand.u32 $0x380, v36;
	v15 =	vld.idx.msk [tilespmem:v54+s20+$0x0], $0xffff  }
0x331: {  	v26 =	vand.u32 $0x380, v26;
	v27 =	vand.u32 $0x3000, v27;
	v40 =	vand.u32 $0x380, v12;
	v17 =	vld.idx.msk [tilespmem:v25+s20+$0x0], $0xffff  }
0x332: {  	v20 =	vand.u32 $0x3000, v20;
	v26 =	vor.u32 v26, v61;
	v22 =	vand.u32 $0x380, v19;
	v18 =	vld.idx.msk [tilespmem:v23+s20+$0x0], $0xffff  }
0x333: {  	v25 =	vor.u32 v60, v59;
	v23 =	vor.u32 v22, v62;
	v12 =	vld.idx.msk [tilespmem:v24+s20+$0x0], $0xffff;
	v24 =	vor.u32 v40, v27  }
0x334: {  	s8 =	simm.s32 $0x4;
	v19 =	vand.u32 $0x3000, v58;
	v22 =	vor.u32 v29, v20;
	v20 =	vor.u32 v63, v30;
	[tilespmem:v53+s25+$0x0] =	vst.idx.msk $0xffff, v28  }
.LBB2_33:
0x335: {  	s9 =	sand.u32 $0x70, s8;
	v25 =	vor.u32 v11, v25;
	v26 =	vor.u32 v11, v26;
	v19 =	vor.u32 v21, v19  }
0x336: {  	s0 =	sadd.s32 $0x8, s0;
	v23 =	vor.u32 v11, v23;
	v24 =	vor.u32 v11, v24;
	s6 =	sor.u32 $0x100, s9;
	v21 =	vor.u32 s9, v8  }
0x337: {  	v22 =	vor.u32 v11, v22;
	v20 =	vor.u32 v11, v20;
	s10 =	sand.u32 $0x18, s0;
	p0 =	slt.u32 s0, $0xF8;
	v27 =	vmov s6  }
0x338: {  	v19 =	vor.u32 v11, v19;
	v28 =	vadd.s32 s10, v0;
	s6 =	sor.u32 $0x1, s10;
	s11 =	sor.u32 $0x2, s10;
	s12 =	sor.u32 $0x3, s10;
	v11 =	vmovc v21;
	v27 =	vshll.u32 v27, $0x5  }
0x339: {  	s13 =	sor.u32 $0x5, s10;
	s14 =	sor.u32 $0x6, s10;
	v21 =	vand.u32 $0x18, v28;
	v29 =	vadd.s32 s6, v0;
	s6 =	sor.u32 $0x4, s10;
	v27 =	vor.u32 v4, v27  }
0x33a: {  	v30 =	vadd.s32 s11, v0;
	v31 =	vadd.s32 s12, v0;
	s10 =	sor.u32 $0x7, s10;
	v21 =	vor.u32 v27, v21;
	[tilespmem:v25+s25+$0x0] =	vst.idx.msk $0xffff, v13  }
0x33b: {  	v25 =	vadd.s32 s13, v0;
	v13 =	vor.u32 v1, v21;
	v21 =	vadd.s32 s6, v0;
	[tilespmem:v26+s25+$0x0] =	vst.idx.msk $0xffff, v14  }
0x33c: {  	v32 =	vadd.s32 s10, v0;
	v14 =	vand.u32 $0x1F, v29;
	v26 =	vadd.s32 s14, v0;
	[tilespmem:v23+s25+$0x0] =	vst.idx.msk $0xffff, v16  }
0x33d: {  	v16 =	vand.u32 $0x1F, v30;
	v23 =	vand.u32 $0x1F, v31;
	v33 =	vand.u32 $0x1F, v21;
	[tilespmem:v24+s25+$0x0] =	vst.idx.msk $0xffff, v15  }
0x33e: {  	v15 =	vshll.u32 v28, $0x9;
	v24 =	vand.u32 $0x1F, v25;
	v28 =	vand.u32 $0x1F, v26;
	[tilespmem:v22+s25+$0x0] =	vst.idx.msk $0xffff, v17  }
0x33f: {  	v14 =	vor.u32 v14, v27;
	v15 =	vand.u32 $0x3000, v15;
	v17 =	vand.u32 $0x1F, v32;
	[tilespmem:v20+s25+$0x0] =	vst.idx.msk $0xffff, v18  }
0x340: {  	v18 =	vld.idx.msk [tilespmem:v13+s20+$0x0], $0xffff;
	v13 =	vor.u32 s9, v15;
	v15 =	vor.u32 v16, v27;
	v16 =	vor.u32 v23, v27  }
0x341: {  	v22 =	vor.u32 v33, v27;
	v23 =	vor.u32 v24, v27;
	v20 =	vor.u32 v7, v13  }
0x342: {  	v28 =	vor.u32 v28, v27;
	v24 =	vshll.u32 v29, $0x9;
	v27 =	vor.u32 v17, v27;
	[tilespmem:v19+s25+$0x0] =	vst.idx.msk $0xffff, v12  }
0x343: {  	v17 =	vshll.u32 v30, $0x9;
	v12 =	vshll.u32 v29, $0x7;
	v19 =	vshll.u32 v30, $0x7  }
0x344: {  	v29 =	vshll.u32 v31, $0x9;
	v30 =	vshll.u32 v31, $0x7;
	v31 =	vshll.u32 v21, $0x9;
	v13 =	vld.idx.msk [tilespmem:v14+s20+$0x0], $0xffff  }
0x345: {  	v33 =	vshll.u32 v25, $0x9;
	v25 =	vshll.u32 v25, $0x7;
	v21 =	vshll.u32 v21, $0x7;
	v14 =	vld.idx.msk [tilespmem:v15+s20+$0x0], $0xffff  }
0x346: {  	v34 =	vshll.u32 v32, $0x9;
	[tilespmem:v20+s25+$0x0] =	vst.idx.msk $0xffff, v18;
	v16 =	vld.idx.msk [tilespmem:v16+s20+$0x0], $0xffff;
	v20 =	vshll.u32 v26, $0x9;
	v26 =	vshll.u32 v26, $0x7  }
0x347: {  	v24 =	vand.u32 $0x3000, v24;
	v35 =	vand.u32 $0x380, v12;
	v15 =	vld.idx.msk [tilespmem:v22+s20+$0x0], $0xffff;
	v22 =	vshll.u32 v32, $0x7  }
0x348: {  	v36 =	vand.u32 $0x380, v19;
	v29 =	vand.u32 $0x3000, v29;
	v32 =	vand.u32 $0x3000, v17;
	v17 =	vld.idx.msk [tilespmem:v23+s20+$0x0], $0xffff  }
.Ltmp16:
0x349: {  	v23 =	vand.u32 $0x380, v30;
	v30 =	vand.u32 $0x3000, v31;
	v31 =	vand.u32 $0x380, v21;
	v18 =	vld.idx.msk [tilespmem:v28+s20+$0x0], $0xffff;
	(pc) =	sbr.rel @p0 .LBB2_33-.Ltmp16, $4  }
0x34a: {  	v20 =	vand.u32 $0x3000, v20;
	v28 =	vand.u32 $0x3000, v33;
	v33 =	vand.u32 $0x380, v25;
	v12 =	vld.idx.msk [tilespmem:v27+s20+$0x0], $0xffff  }
0x34b: {  	v19 =	vand.u32 $0x3000, v34;
	v21 =	vand.u32 $0x380, v22;
	v27 =	vand.u32 $0x380, v26  }
0x34c: {  	v25 =	vor.u32 v35, v24;
	v23 =	vor.u32 v23, v29;
	v26 =	vor.u32 v36, v32  }
0x34d: {  	s8 =	sadd.s32 $0x4, s8;
	v24 =	vor.u32 v31, v30;
	v22 =	vor.u32 v33, v28;
	v20 =	vor.u32 v27, v20  }
0x34e: {  	v25 =	vor.u32 v11, v25  }
0x34f: {  	v26 =	vor.u32 v11, v26;
	v19 =	vor.u32 v21, v19;
	v21 =	vor.u32 v11, v23;
	s0 =	simm.s32 $0x0  }
0x350: {  	v23 =	vor.u32 v11, v24;
	v22 =	vor.u32 v11, v22;
	s6 =	sor.u32 $0x180, s5;
	v20 =	vor.u32 v11, v20;
	s8 =	sand.u32 $0x18, s0  }
0x351: {  	v19 =	vor.u32 v11, v19;
	v24 =	vmov s6;
	v27 =	vadd.s32 s8, v0  }
0x352: {  	v11 =	vor.u32 s5, v10;
	v24 =	vshll.u32 v24, $0x5;
	s13 =	sor.u32 $0x1, s8;
	s9 =	sor.u32 $0x2, s8;
	v28 =	vand.u32 $0x18, v27  }
0x353: {  	s10 =	sor.u32 $0x3, s8;
	s14 =	sor.u32 $0x4, s8;
	s11 =	sor.u32 $0x5, s8;
	v24 =	vor.u32 v4, v24;
	v29 =	vadd.s32 s13, v0;
	v30 =	vadd.s32 s9, v0  }
0x354: {  	s17 =	sor.u32 $0x6, s8;
	s8 =	sor.u32 $0x7, s8;
	v31 =	vadd.s32 s10, v0;
	v32 =	vadd.s32 s14, v0;
	v33 =	vadd.s32 s11, v0  }
0x355: {  	v35 =	vadd.s32 s17, v0;
	v36 =	vadd.s32 s8, v0;
	v28 =	vor.u32 v24, v28  }
0x356: {  	v34 =	vand.u32 $0x1F, v29;
	v37 =	vand.u32 $0x1F, v30;
	v38 =	vand.u32 $0x1F, v31  }
0x357: {  	v39 =	vand.u32 $0x1F, v32;
	v54 =	vshll.u32 v32, $0x9;
	v55 =	vshll.u32 v33, $0x7;
	[tilespmem:v25+s25+$0x0] =	vst.idx.msk $0xffff, v13  }
0x358: {  	v56 =	vshll.u32 v35, $0x9;
	v57 =	vshll.u32 v35, $0x7;
	v58 =	vshll.u32 v36, $0x9;
	[tilespmem:v26+s25+$0x0] =	vst.idx.msk $0xffff, v14  }
0x359: {  	v28 =	vor.u32 v1, v28;
	v13 =	vshll.u32 v27, $0x9;
	v25 =	vand.u32 $0x1F, v33;
	[tilespmem:v21+s25+$0x0] =	vst.idx.msk $0xffff, v16  }
0x35a: {  	v27 =	vand.u32 $0x1F, v35;
	v14 =	vor.u32 v34, v24;
	v26 =	vand.u32 $0x1F, v36;
	[tilespmem:v23+s25+$0x0] =	vst.idx.msk $0xffff, v15  }
0x35b: {  	v16 =	vor.u32 v37, v24;
	v21 =	vor.u32 v38, v24;
	v15 =	vshll.u32 v29, $0x9;
	[tilespmem:v22+s25+$0x0] =	vst.idx.msk $0xffff, v17  }
0x35c: {  	v17 =	vshll.u32 v29, $0x7;
	v22 =	vshll.u32 v30, $0x9;
	[tilespmem:v20+s25+$0x0] =	vst.idx.msk $0xffff, v18;
	v20 =	vshll.u32 v31, $0x9  }
0x35d: {  	v29 =	vand.u32 $0x3000, v54;
	v63 =	vand.u32 $0x380, v57;
	v13 =	vand.u32 $0x3000, v13  }
0x35e: {  	v25 =	vor.u32 v25, v24;
	v23 =	vor.u32 v27, v24;
	v27 =	vshll.u32 v31, $0x7  }
0x35f: {  	[tilespmem:v19+s25+$0x0] =	vst.idx.msk $0xffff, v12;
	v12 =	vshll.u32 v32, $0x7;
	v19 =	vshll.u32 v33, $0x9;
	v59 =	vand.u32 $0x3000, v15  }
0x360: {  	v60 =	vand.u32 $0x380, v17;
	v17 =	vshll.u32 v36, $0x7;
	v13 =	vor.u32 s5, v13;
	v28 =	vld.idx.msk [tilespmem:v28+s20+$0x0], $0xffff  }
0x361: {  	v22 =	vand.u32 $0x3000, v22;
	v53 =	vor.u32 v9, v13;
	v13 =	vor.u32 v39, v24;
	v18 =	vld.idx.msk [tilespmem:v14+s20+$0x0], $0xffff  }
0x362: {  	v20 =	vand.u32 $0x3000, v20;
	v31 =	vand.u32 $0x3000, v56;
	v24 =	vor.u32 v26, v24;
	v15 =	vld.idx.msk [tilespmem:v16+s20+$0x0], $0xffff  }
0x363: {  	v27 =	vand.u32 $0x380, v27;
	v61 =	vand.u32 $0x380, v12;
	v26 =	vshll.u32 v30, $0x7;
	v14 =	vld.idx.msk [tilespmem:v21+s20+$0x0], $0xffff  }
0x364: {  	v62 =	vand.u32 $0x3000, v19;
	v19 =	vand.u32 $0x3000, v58;
	v26 =	vand.u32 $0x380, v26;
	v16 =	vld.idx.msk [tilespmem:v25+s20+$0x0], $0xffff  }
0x365: {  	v30 =	vand.u32 $0x380, v55;
	v21 =	vand.u32 $0x380, v17;
	v26 =	vor.u32 v26, v22;
	v17 =	vld.idx.msk [tilespmem:v23+s20+$0x0], $0xffff  }
0x366: {  	v22 =	vor.u32 v30, v62;
	v25 =	vor.u32 v60, v59;
	v23 =	vor.u32 v27, v20;
	v13 =	vld.idx.msk [tilespmem:v13+s20+$0x0], $0xffff  }
0x367: {  	s5 =	simm.s32 $0x4;
	v20 =	vor.u32 v63, v31;
	v12 =	vld.idx.msk [tilespmem:v24+s20+$0x0], $0xffff;
	v24 =	vor.u32 v61, v29;
	[tilespmem:v53+s25+$0x0] =	vst.idx.msk $0xffff, v28  }
.LBB2_35:
0x368: {  	s8 =	sand.u32 $0x70, s5;
	v25 =	vor.u32 v11, v25;
	v26 =	vor.u32 v11, v26;
	v19 =	vor.u32 v21, v19  }
0x369: {  	s0 =	sadd.s32 $0x8, s0;
	v23 =	vor.u32 v11, v23;
	v24 =	vor.u32 v11, v24;
	s6 =	sor.u32 $0x180, s8;
	v21 =	vor.u32 s8, v10  }
0x36a: {  	v22 =	vor.u32 v11, v22;
	v20 =	vor.u32 v11, v20;
	s9 =	sand.u32 $0x18, s0;
	p0 =	slt.u32 s0, $0xF8;
	v27 =	vmov s6  }
0x36b: {  	v19 =	vor.u32 v11, v19;
	v28 =	vadd.s32 s9, v0;
	s6 =	sor.u32 $0x1, s9;
	s10 =	sor.u32 $0x2, s9;
	s11 =	sor.u32 $0x3, s9;
	v11 =	vmovc v21;
	v27 =	vshll.u32 v27, $0x5  }
0x36c: {  	s12 =	sor.u32 $0x5, s9;
	s13 =	sor.u32 $0x6, s9;
	v21 =	vand.u32 $0x18, v28;
	v29 =	vadd.s32 s6, v0;
	s6 =	sor.u32 $0x4, s9;
	v27 =	vor.u32 v4, v27  }
0x36d: {  	v30 =	vadd.s32 s10, v0;
	v31 =	vadd.s32 s11, v0;
	s9 =	sor.u32 $0x7, s9;
	v21 =	vor.u32 v27, v21;
	[tilespmem:v25+s25+$0x0] =	vst.idx.msk $0xffff, v18  }
0x36e: {  	v25 =	vadd.s32 s12, v0;
	v18 =	vor.u32 v1, v21;
	v21 =	vadd.s32 s6, v0;
	[tilespmem:v26+s25+$0x0] =	vst.idx.msk $0xffff, v15  }
0x36f: {  	v32 =	vadd.s32 s9, v0;
	v15 =	vand.u32 $0x1F, v29;
	v26 =	vadd.s32 s13, v0;
	[tilespmem:v23+s25+$0x0] =	vst.idx.msk $0xffff, v14  }
0x370: {  	v14 =	vand.u32 $0x1F, v30;
	v23 =	vand.u32 $0x1F, v31;
	v33 =	vand.u32 $0x1F, v21;
	[tilespmem:v24+s25+$0x0] =	vst.idx.msk $0xffff, v13  }
0x371: {  	v13 =	vshll.u32 v28, $0x9;
	v24 =	vand.u32 $0x1F, v25;
	v28 =	vand.u32 $0x1F, v26;
	[tilespmem:v22+s25+$0x0] =	vst.idx.msk $0xffff, v16  }
0x372: {  	v15 =	vor.u32 v15, v27;
	v13 =	vand.u32 $0x3000, v13;
	v16 =	vand.u32 $0x1F, v32;
	[tilespmem:v20+s25+$0x0] =	vst.idx.msk $0xffff, v17  }
0x373: {  	v14 =	vor.u32 v14, v27;
	v13 =	vor.u32 s8, v13;
	v20 =	vor.u32 v23, v27;
	v17 =	vld.idx.msk [tilespmem:v18+s20+$0x0], $0xffff  }
0x374: {  	v22 =	vor.u32 v33, v27;
	v23 =	vor.u32 v24, v27;
	v13 =	vor.u32 v9, v13  }
0x375: {  	v28 =	vor.u32 v28, v27;
	v24 =	vshll.u32 v29, $0x9;
	v27 =	vor.u32 v16, v27;
	[tilespmem:v19+s25+$0x0] =	vst.idx.msk $0xffff, v12  }
0x376: {  	v16 =	vshll.u32 v30, $0x9;
	v12 =	vshll.u32 v29, $0x7;
	v19 =	vshll.u32 v30, $0x7  }
0x377: {  	v29 =	vshll.u32 v31, $0x9;
	v30 =	vshll.u32 v31, $0x7;
	v31 =	vshll.u32 v21, $0x9;
	v18 =	vld.idx.msk [tilespmem:v15+s20+$0x0], $0xffff  }
0x378: {  	v33 =	vshll.u32 v25, $0x9;
	v25 =	vshll.u32 v25, $0x7;
	v21 =	vshll.u32 v21, $0x7;
	v15 =	vld.idx.msk [tilespmem:v14+s20+$0x0], $0xffff  }
0x379: {  	v34 =	vshll.u32 v32, $0x9;
	[tilespmem:v13+s25+$0x0] =	vst.idx.msk $0xffff, v17;
	v14 =	vld.idx.msk [tilespmem:v20+s20+$0x0], $0xffff;
	v20 =	vshll.u32 v26, $0x9;
	v26 =	vshll.u32 v26, $0x7  }
0x37a: {  	v24 =	vand.u32 $0x3000, v24;
	v35 =	vand.u32 $0x380, v12;
	v13 =	vld.idx.msk [tilespmem:v22+s20+$0x0], $0xffff;
	v22 =	vshll.u32 v32, $0x7  }
0x37b: {  	v36 =	vand.u32 $0x380, v19;
	v29 =	vand.u32 $0x3000, v29;
	v32 =	vand.u32 $0x3000, v16;
	v16 =	vld.idx.msk [tilespmem:v23+s20+$0x0], $0xffff  }
.Ltmp17:
0x37c: {  	v23 =	vand.u32 $0x380, v30;
	v30 =	vand.u32 $0x3000, v31;
	v31 =	vand.u32 $0x380, v21;
	v17 =	vld.idx.msk [tilespmem:v28+s20+$0x0], $0xffff;
	(pc) =	sbr.rel @p0 .LBB2_35-.Ltmp17, $4  }
0x37d: {  	v20 =	vand.u32 $0x3000, v20;
	v28 =	vand.u32 $0x3000, v33;
	v33 =	vand.u32 $0x380, v25;
	v12 =	vld.idx.msk [tilespmem:v27+s20+$0x0], $0xffff  }
0x37e: {  	v19 =	vand.u32 $0x3000, v34;
	v21 =	vand.u32 $0x380, v22;
	v27 =	vand.u32 $0x380, v26  }
0x37f: {  	v25 =	vor.u32 v35, v24;
	v23 =	vor.u32 v23, v29;
	v26 =	vor.u32 v36, v32  }
0x380: {  	s5 =	sadd.s32 $0x4, s5;
	v24 =	vor.u32 v31, v30;
	v22 =	vor.u32 v33, v28;
	v20 =	vor.u32 v27, v20  }
0x381: {  	v25 =	vor.u32 v11, v25  }
0x382: {  	v26 =	vor.u32 v11, v26;
	s9 =	simm.s32 $0x0  }
0x383: {  	v23 =	vor.u32 v11, v23;
	s6 =	sand.u32 $0x18, s9  }
0x384: {  	v19 =	vor.u32 v21, v19;
	v21 =	vor.u32 v11, v24;
	s0 =	simm.s32 $0x0;
	s8 =	sor.u32 $0x7, s6  }
0x385: {  	v22 =	vor.u32 v11, v22;
	s10 =	sor.u32 $0x1, s6;
	s13 =	sor.u32 $0x2, s6;
	s11 =	sor.u32 $0x3, s6  }
0x386: {  	v20 =	vor.u32 v11, v20;
	v11 =	vor.u32 v11, v19;
	v19 =	vadd.s32 s6, v0;
	s14 =	sor.u32 $0x4, s6;
	s12 =	sor.u32 $0x5, s6;
	s6 =	sor.u32 $0x6, s6;
	[tilespmem:v25+s25+$0x0] =	vst.idx.msk $0xffff, v18  }
0x387: {  	s5 =	sand.u32 $0x70, s0;
	v28 =	vadd.s32 s6, v0;
	[tilespmem:v26+s25+$0x0] =	vst.idx.msk $0xffff, v15  }
0x388: {  	v24 =	vor.u32 s5, v0;
	v35 =	vshll.u32 v28, $0x9;
	[tilespmem:v23+s25+$0x0] =	vst.idx.msk $0xffff, v14  }
0x389: {  	v18 =	vand.u32 $0x18, v19;
	v25 =	vadd.s32 s8, v0;
	v15 =	vshll.u32 v24, $0x5;
	[tilespmem:v21+s25+$0x0] =	vst.idx.msk $0xffff, v13  }
0x38a: {  	v26 =	vadd.s32 s10, v0;
	v14 =	vadd.s32 s13, v0;
	v23 =	vadd.s32 s11, v0;
	[tilespmem:v22+s25+$0x0] =	vst.idx.msk $0xffff, v16  }
0x38b: {  	v13 =	vadd.s32 s14, v0;
	v21 =	vadd.s32 s12, v0;
	[tilespmem:v20+s25+$0x0] =	vst.idx.msk $0xffff, v17;
	v19 =	vshll.u32 v19, $0x9  }
0x38c: {  	v35 =	vand.u32 $0x3000, v35;
	v27 =	vand.u32 $0x1F, v25;
	v16 =	vor.u32 v15, v18;
	[tilespmem:v11+s25+$0x0] =	vst.idx.msk $0xffff, v12  }
0x38d: {  	v18 =	vand.u32 $0x1F, v26;
	v22 =	vand.u32 $0x1F, v14;
	v17 =	vand.u32 $0x1F, v23;
	s17 =	rddreg [dreg:$0xb]  }
0x38e: {  	v20 =	vshll.u32 v25, $0x9;
	v25 =	vshll.u32 v25, $0x7;
	v12 =	vand.u32 $0x1F, v13;
	[hbm4b:s17+s26] =	stream.strided.scatter [tilespmem:s25], [sflag:$0x4], $0x4000, s28, s26, $0x38;
	[tilespmem:$0x18600] =	vst v63  }
0x38f: {  	v11 =	vand.u32 v3, v24;
	v29 =	vand.u32 $0x1F, v21;
	v33 =	vshll.u32 v13, $0x9;
	_ =	swait.ge [sflag:s29], $0x4000  }
0x390: {  	v13 =	vshll.u32 v13, $0x7;
	v34 =	vshll.u32 v21, $0x9;
	v27 =	vor.u32 v27, v15;
	[sflag:s29] =	ssyncset.done $0x0  }
0x391: {  	v21 =	vshll.u32 v21, $0x7;
	v20 =	vand.u32 $0x3000, v20;
	v16 =	vor.u32 v1, v16;
	[sflag:s29] =	ssyncadd.s32 $0xFFFFC000  }
0x392: {  	v25 =	vand.u32 $0x380, v25;
	v18 =	vor.u32 v18, v15;
	v22 =	vor.u32 v22, v15;
	_ =	swait.ge [sflag:s16], $0x4000  }
0x393: {  	v30 =	vor.u32 v17, v15;
	v31 =	vor.u32 v12, v15;
	v29 =	vor.u32 v29, v15;
	[sflag:s16] =	ssyncset.done $0x0  }
0x394: {  	v17 =	vshll.u32 v26, $0x7;
	v61 =	vand.u32 $0x380, v13;
	v62 =	vand.u32 $0x3000, v34;
	[sflag:s16] =	ssyncadd.s32 $0xFFFFC000  }
0x395: {  	v63 =	vand.u32 $0x380, v21;
	v21 =	vand.u32 $0x3000, v19;
	v20 =	vor.u32 v20, v25;
	v27 =	vld.idx.msk [tilespmem:v27+s21+$0x0], $0xffff  }
0x396: {  	v25 =	vand.u32 $0x1F, v28;
	v28 =	vshll.u32 v28, $0x7;
	v37 =	vand.u32 $0x380, v17;
	v12 =	vld.idx.msk [tilespmem:v16+s21+$0x0], $0xffff  }
0x397: {  	v20 =	vor.u32 v11, v20;
	v32 =	vor.u32 v25, v15;
	v15 =	vshll.u32 v26, $0x9;
	v17 =	vld.idx.msk [tilespmem:v18+s21+$0x0], $0xffff  }
0x398: {  	v25 =	vshll.u32 v14, $0x9;
	v14 =	vshll.u32 v14, $0x7;
	v26 =	vshll.u32 v23, $0x9;
	v18 =	vld.idx.msk [tilespmem:v22+s21+$0x0], $0xffff  }
0x399: {  	v23 =	vshll.u32 v23, $0x7;
	v19 =	vand.u32 $0x380, v28;
	v36 =	vand.u32 $0x3000, v15;
	v15 =	vld.idx.msk [tilespmem:v30+s21+$0x0], $0xffff  }
0x39a: {  	v38 =	vand.u32 $0x3000, v25;
	v39 =	vand.u32 $0x380, v14;
	v40 =	vand.u32 $0x3000, v26;
	v16 =	vld.idx.msk [tilespmem:v31+s21+$0x0], $0xffff  }
0x39b: {  	v19 =	vor.u32 v35, v19;
	v25 =	vor.u32 v36, v37;
	v22 =	vand.u32 $0x380, v23;
	v14 =	vld.idx.msk [tilespmem:v29+s21+$0x0], $0xffff  }
0x39c: {  	v26 =	vor.u32 v38, v39;
	v23 =	vand.u32 $0x3000, v33;
	v13 =	vld.idx.msk [tilespmem:v32+s21+$0x0], $0xffff;
	v22 =	vor.u32 v40, v22  }
0x39d: {  	v23 =	vor.u32 v23, v61;
	[tilespmem:v20+s30+$0x0] =	vst.idx.msk $0xffff, v27;
	v20 =	vand.u32 $0x78, v24;
	v24 =	vor.u32 v62, v63  }
.LBB2_37:
0x39e: {  	s9 =	sadd.s32 $0x8, s9;
	v20 =	vor.u32 v20, v21;
	v21 =	vor.u32 v11, v25;
	v25 =	vor.u32 v11, v26  }
0x39f: {  	v22 =	vor.u32 v11, v22;
	v23 =	vor.u32 v11, v23;
	v24 =	vor.u32 v11, v24;
	s0 =	sadd.s32 $0x4, s0;
	s6 =	sand.u32 $0x18, s9;
	p0 =	slt.u32 s9, $0xF8  }
0x3a0: {  	v19 =	vor.u32 v11, v19;
	s8 =	sand.u32 $0x70, s0;
	v20 =	vor.u32 v2, v20;
	v26 =	vadd.s32 s6, v0;
	s10 =	sor.u32 $0x1, s6;
	s11 =	sor.u32 $0x7, s6  }
0x3a1: {  	v27 =	vor.u32 s8, v0;
	s8 =	sor.u32 $0x2, s6;
	s12 =	sor.u32 $0x3, s6;
	s13 =	sor.u32 $0x4, s6;
	v11 =	vand.u32 $0x18, v26;
	v28 =	vadd.s32 s11, v0  }
0x3a2: {  	v29 =	vshll.u32 v27, $0x5;
	v30 =	vadd.s32 s10, v0;
	s10 =	sor.u32 $0x5, s6;
	s6 =	sor.u32 $0x6, s6;
	v31 =	vand.u32 $0x1F, v28  }
0x3a3: {  	v32 =	vadd.s32 s8, v0;
	v33 =	vadd.s32 s12, v0;
	v31 =	vor.u32 v31, v29;
	[tilespmem:v21+s30+$0x0] =	vst.idx.msk $0xffff, v17  }
0x3a4: {  	v34 =	vadd.s32 s6, v0;
	v17 =	vadd.s32 s13, v0;
	v21 =	vadd.s32 s10, v0;
	[tilespmem:v25+s30+$0x0] =	vst.idx.msk $0xffff, v18  }
0x3a5: {  	v35 =	vand.u32 $0x1F, v32;
	v18 =	vor.u32 v29, v11;
	v25 =	vand.u32 $0x1F, v30;
	[tilespmem:v20+s30+$0x0] =	vst.idx.msk $0xffff, v12  }
0x3a6: {  	v11 =	vshll.u32 v28, $0x9;
	v12 =	vand.u32 $0x1F, v33;
	v20 =	vshll.u32 v28, $0x7;
	[tilespmem:v22+s30+$0x0] =	vst.idx.msk $0xffff, v15  }
0x3a7: {  	v15 =	vand.u32 $0x1F, v17;
	v22 =	vand.u32 $0x3000, v11;
	v20 =	vand.u32 $0x380, v20;
	[tilespmem:v23+s30+$0x0] =	vst.idx.msk $0xffff, v16  }
0x3a8: {  	v11 =	vand.u32 v3, v27;
	v16 =	vand.u32 $0x1F, v21;
	v20 =	vor.u32 v22, v20;
	v23 =	vld.idx.msk [tilespmem:v31+s21+$0x0], $0xffff  }
0x3a9: {  	v18 =	vor.u32 v1, v18;
	v22 =	vand.u32 $0x1F, v34;
	v20 =	vor.u32 v11, v20;
	[tilespmem:v24+s30+$0x0] =	vst.idx.msk $0xffff, v14  }
0x3aa: {  	v14 =	vor.u32 v25, v29;
	v24 =	vor.u32 v35, v29;
	v25 =	vor.u32 v12, v29  }
0x3ab: {  	v28 =	vor.u32 v15, v29;
	v31 =	vor.u32 v16, v29;
	v22 =	vor.u32 v22, v29  }
0x3ac: {  	v15 =	vshll.u32 v30, $0x9;
	v16 =	vshll.u32 v30, $0x7;
	v29 =	vshll.u32 v32, $0x9;
	[tilespmem:v19+s30+$0x0] =	vst.idx.msk $0xffff, v13  }
0x3ad: {  	v30 =	vshll.u32 v33, $0x7;
	v13 =	vshll.u32 v32, $0x7;
	v19 =	vshll.u32 v33, $0x9  }
0x3ae: {  	v35 =	vshll.u32 v21, $0x9;
	v32 =	vshll.u32 v17, $0x9;
	v33 =	vshll.u32 v17, $0x7;
	v12 =	vld.idx.msk [tilespmem:v18+s21+$0x0], $0xffff;
	[tilespmem:v20+s30+$0x0] =	vst.idx.msk $0xffff, v23  }
0x3af: {  	v20 =	vshll.u32 v21, $0x7;
	v21 =	vshll.u32 v34, $0x9;
	v23 =	vshll.u32 v34, $0x7;
	v17 =	vld.idx.msk [tilespmem:v14+s21+$0x0], $0xffff  }
0x3b0: {  	v26 =	vshll.u32 v26, $0x9;
	v36 =	vand.u32 $0x380, v16;
	v34 =	vand.u32 $0x3000, v15;
	v18 =	vld.idx.msk [tilespmem:v24+s21+$0x0], $0xffff  }
0x3b1: {  	v19 =	vand.u32 $0x3000, v19;
	v24 =	vand.u32 $0x3000, v29;
	v29 =	vand.u32 $0x380, v13;
	v15 =	vld.idx.msk [tilespmem:v25+s21+$0x0], $0xffff  }
.Ltmp18:
0x3b2: {  	v30 =	vand.u32 $0x380, v30;
	v16 =	vld.idx.msk [tilespmem:v28+s21+$0x0], $0xffff;
	v28 =	vand.u32 $0x3000, v32;
	v32 =	vand.u32 $0x380, v33;
	(pc) =	sbr.rel @p0 .LBB2_37-.Ltmp18, $4  }
0x3b3: {  	v33 =	vand.u32 $0x380, v20;
	v14 =	vld.idx.msk [tilespmem:v31+s21+$0x0], $0xffff;
	v31 =	vand.u32 $0x3000, v35;
	v35 =	vand.u32 $0x3000, v21  }
0x3b4: {  	v20 =	vand.u32 $0x78, v27;
	v27 =	vand.u32 $0x380, v23;
	v21 =	vand.u32 $0x3000, v26;
	v13 =	vld.idx.msk [tilespmem:v22+s21+$0x0], $0xffff  }
0x3b5: {  	v25 =	vor.u32 v34, v36;
	v26 =	vor.u32 v24, v29;
	v22 =	vor.u32 v19, v30  }
0x3b6: {  	v23 =	vor.u32 v28, v32;
	v24 =	vor.u32 v31, v33;
	v19 =	vor.u32 v35, v27  }
0x3b7: {  	v20 =	vor.u32 v20, v21;
	v21 =	vor.u32 v11, v25;
	v25 =	vor.u32 v11, v26;
	s0 =	simm.s32 $0x0  }
0x3b8: {  	v22 =	vor.u32 v11, v22;
	v23 =	vor.u32 v11, v23;
	v24 =	vor.u32 v11, v24;
	s6 =	sor.u32 $0x80, s5;
	s8 =	sand.u32 $0x18, s0  }
0x3b9: {  	v19 =	vor.u32 v11, v19;
	v26 =	vmov s6;
	v27 =	vadd.s32 s8, v0  }
0x3ba: {  	v20 =	vor.u32 v2, v20;
	v26 =	vshll.u32 v26, $0x5;
	s13 =	sor.u32 $0x1, s8;
	s9 =	sor.u32 $0x2, s8;
	v28 =	vand.u32 $0x18, v27  }
0x3bb: {  	s10 =	sor.u32 $0x3, s8;
	s14 =	sor.u32 $0x4, s8;
	s11 =	sor.u32 $0x5, s8;
	v26 =	vor.u32 v4, v26;
	v29 =	vadd.s32 s13, v0;
	v30 =	vadd.s32 s9, v0  }
0x3bc: {  	s17 =	sor.u32 $0x6, s8;
	s8 =	sor.u32 $0x7, s8;
	v31 =	vadd.s32 s10, v0;
	v32 =	vadd.s32 s14, v0;
	v33 =	vadd.s32 s11, v0  }
0x3bd: {  	v35 =	vadd.s32 s17, v0;
	v36 =	vadd.s32 s8, v0;
	v28 =	vor.u32 v26, v28  }
0x3be: {  	v34 =	vand.u32 $0x1F, v29;
	v37 =	vand.u32 $0x1F, v30;
	v38 =	vand.u32 $0x1F, v31  }
0x3bf: {  	v39 =	vand.u32 $0x1F, v32;
	v54 =	vshll.u32 v33, $0x9;
	v55 =	vshll.u32 v33, $0x7  }
0x3c0: {  	v56 =	vshll.u32 v35, $0x9;
	v57 =	vshll.u32 v35, $0x7;
	v58 =	vshll.u32 v36, $0x9;
	[tilespmem:v21+s30+$0x0] =	vst.idx.msk $0xffff, v17  }
0x3c1: {  	v28 =	vor.u32 v1, v28;
	v17 =	vshll.u32 v27, $0x9;
	v21 =	vand.u32 $0x1F, v33;
	[tilespmem:v25+s30+$0x0] =	vst.idx.msk $0xffff, v18  }
0x3c2: {  	v27 =	vand.u32 $0x1F, v35;
	v18 =	vor.u32 v34, v26;
	v25 =	vand.u32 $0x1F, v36;
	[tilespmem:v22+s30+$0x0] =	vst.idx.msk $0xffff, v15  }
0x3c3: {  	v52 =	vor.u32 v39, v26;
	v15 =	vshll.u32 v29, $0x9;
	[tilespmem:v23+s30+$0x0] =	vst.idx.msk $0xffff, v16;
	v16 =	vshll.u32 v29, $0x7  }
0x3c4: {  	v22 =	vshll.u32 v30, $0x9;
	v23 =	vshll.u32 v30, $0x7;
	[tilespmem:v24+s30+$0x0] =	vst.idx.msk $0xffff, v14;
	v24 =	vshll.u32 v31, $0x9  }
0x3c5: {  	[tilespmem:v19+s30+$0x0] =	vst.idx.msk $0xffff, v13;
	v19 =	vshll.u32 v32, $0x7;
	v29 =	vand.u32 $0x3000, v54;
	v30 =	vand.u32 $0x380, v55  }
0x3c6: {  	v63 =	vand.u32 $0x380, v57;
	v17 =	vand.u32 $0x3000, v17;
	[tilespmem:v20+s30+$0x0] =	vst.idx.msk $0xffff, v12;
	v20 =	vor.u32 v38, v26  }
0x3c7: {  	v21 =	vor.u32 v21, v26;
	v27 =	vor.u32 v27, v26;
	v53 =	vor.u32 v25, v26  }
0x3c8: {  	v25 =	vshll.u32 v31, $0x7;
	v12 =	vor.u32 s5, v17;
	v17 =	vor.u32 v37, v26;
	v28 =	vld.idx.msk [tilespmem:v28+s21+$0x0], $0xffff  }
0x3c9: {  	v59 =	vand.u32 $0x3000, v15;
	v60 =	vand.u32 $0x380, v16;
	v61 =	vand.u32 $0x3000, v22;
	v13 =	vld.idx.msk [tilespmem:v18+s21+$0x0], $0xffff  }
0x3ca: {  	v23 =	vand.u32 $0x380, v23;
	v24 =	vand.u32 $0x3000, v24;
	v12 =	vor.u32 v5, v12;
	v16 =	vld.idx.msk [tilespmem:v52+s21+$0x0], $0xffff  }
0x3cb: {  	v19 =	vand.u32 $0x380, v19;
	v31 =	vand.u32 $0x3000, v56;
	v18 =	vshll.u32 v36, $0x7;
	v15 =	vld.idx.msk [tilespmem:v20+s21+$0x0], $0xffff  }
0x3cc: {  	v26 =	vshll.u32 v32, $0x9;
	v62 =	vand.u32 $0x380, v25;
	v22 =	vand.u32 $0x380, v18;
	v18 =	vld.idx.msk [tilespmem:v27+s21+$0x0], $0xffff  }
0x3cd: {  	v25 =	vor.u32 v60, v59;
	v40 =	vand.u32 $0x3000, v26;
	v26 =	vor.u32 v23, v61;
	v14 =	vld.idx.msk [tilespmem:v17+s21+$0x0], $0xffff  }
0x3ce: {  	v23 =	vor.u32 v62, v24;
	v24 =	vor.u32 v19, v40;
	v19 =	vor.u32 v63, v31;
	v17 =	vld.idx.msk [tilespmem:v21+s21+$0x0], $0xffff  }
0x3cf: {  	v11 =	vor.u32 s5, v6;
	s5 =	simm.s32 $0x4;
	v20 =	vand.u32 $0x3000, v58;
	v21 =	vor.u32 v30, v29;
	[tilespmem:v12+s30+$0x0] =	vst.idx.msk $0xffff, v28;
	v12 =	vld.idx.msk [tilespmem:v53+s21+$0x0], $0xffff  }
.LBB2_39:
0x3d0: {  	s8 =	sand.u32 $0x70, s5;
	v25 =	vor.u32 v11, v25;
	v26 =	vor.u32 v11, v26;
	v20 =	vor.u32 v22, v20  }
0x3d1: {  	s0 =	sadd.s32 $0x8, s0;
	v23 =	vor.u32 v11, v23;
	v24 =	vor.u32 v11, v24;
	s6 =	sor.u32 $0x80, s8;
	v22 =	vor.u32 s8, v6  }
0x3d2: {  	v21 =	vor.u32 v11, v21;
	v19 =	vor.u32 v11, v19;
	s9 =	sand.u32 $0x18, s0;
	p0 =	slt.u32 s0, $0xF8;
	v27 =	vmov s6  }
0x3d3: {  	v20 =	vor.u32 v11, v20;
	v28 =	vadd.s32 s9, v0;
	s6 =	sor.u32 $0x1, s9;
	s10 =	sor.u32 $0x2, s9;
	s11 =	sor.u32 $0x3, s9;
	v11 =	vmovc v22;
	v27 =	vshll.u32 v27, $0x5  }
0x3d4: {  	s12 =	sor.u32 $0x5, s9;
	s13 =	sor.u32 $0x6, s9;
	v22 =	vand.u32 $0x18, v28;
	v29 =	vadd.s32 s6, v0;
	s6 =	sor.u32 $0x4, s9;
	v27 =	vor.u32 v4, v27  }
0x3d5: {  	v30 =	vadd.s32 s10, v0;
	v31 =	vadd.s32 s11, v0;
	s9 =	sor.u32 $0x7, s9;
	v22 =	vor.u32 v27, v22;
	[tilespmem:v25+s30+$0x0] =	vst.idx.msk $0xffff, v13  }
0x3d6: {  	v25 =	vadd.s32 s12, v0;
	v13 =	vor.u32 v1, v22;
	v22 =	vadd.s32 s6, v0;
	[tilespmem:v26+s30+$0x0] =	vst.idx.msk $0xffff, v14  }
0x3d7: {  	v32 =	vadd.s32 s9, v0;
	v14 =	vand.u32 $0x1F, v29;
	v26 =	vadd.s32 s13, v0;
	[tilespmem:v23+s30+$0x0] =	vst.idx.msk $0xffff, v15  }
0x3d8: {  	v15 =	vand.u32 $0x1F, v30;
	v23 =	vand.u32 $0x1F, v31;
	v33 =	vand.u32 $0x1F, v22;
	[tilespmem:v24+s30+$0x0] =	vst.idx.msk $0xffff, v16  }
0x3d9: {  	v16 =	vshll.u32 v28, $0x9;
	v24 =	vand.u32 $0x1F, v25;
	v28 =	vand.u32 $0x1F, v26;
	[tilespmem:v21+s30+$0x0] =	vst.idx.msk $0xffff, v17  }
0x3da: {  	v14 =	vor.u32 v14, v27;
	v16 =	vand.u32 $0x3000, v16;
	v17 =	vand.u32 $0x1F, v32;
	[tilespmem:v19+s30+$0x0] =	vst.idx.msk $0xffff, v18  }
0x3db: {  	v15 =	vor.u32 v15, v27;
	v18 =	vld.idx.msk [tilespmem:v13+s21+$0x0], $0xffff;
	v13 =	vor.u32 s8, v16;
	v16 =	vor.u32 v23, v27  }
0x3dc: {  	v21 =	vor.u32 v33, v27;
	v23 =	vor.u32 v24, v27;
	v19 =	vor.u32 v5, v13  }
0x3dd: {  	v28 =	vor.u32 v28, v27;
	v24 =	vshll.u32 v29, $0x9;
	v27 =	vor.u32 v17, v27;
	[tilespmem:v20+s30+$0x0] =	vst.idx.msk $0xffff, v12  }
0x3de: {  	v17 =	vshll.u32 v30, $0x9;
	v12 =	vshll.u32 v29, $0x7;
	v20 =	vshll.u32 v30, $0x7  }
0x3df: {  	v29 =	vshll.u32 v31, $0x9;
	v30 =	vshll.u32 v31, $0x7;
	v31 =	vshll.u32 v22, $0x9;
	v13 =	vld.idx.msk [tilespmem:v14+s21+$0x0], $0xffff  }
0x3e0: {  	v33 =	vshll.u32 v25, $0x9;
	v25 =	vshll.u32 v25, $0x7;
	v22 =	vshll.u32 v22, $0x7;
	v14 =	vld.idx.msk [tilespmem:v15+s21+$0x0], $0xffff  }
0x3e1: {  	v34 =	vshll.u32 v32, $0x9;
	s8 =	simm.s32 $0x0;
	[tilespmem:v19+s30+$0x0] =	vst.idx.msk $0xffff, v18;
	v15 =	vld.idx.msk [tilespmem:v16+s21+$0x0], $0xffff;
	v19 =	vshll.u32 v26, $0x9;
	v26 =	vshll.u32 v26, $0x7  }
0x3e2: {  	v24 =	vand.u32 $0x3000, v24;
	v35 =	vand.u32 $0x380, v12;
	v16 =	vld.idx.msk [tilespmem:v21+s21+$0x0], $0xffff;
	v21 =	vshll.u32 v32, $0x7  }
0x3e3: {  	v36 =	vand.u32 $0x380, v20;
	v29 =	vand.u32 $0x3000, v29;
	v32 =	vand.u32 $0x3000, v17;
	v17 =	vld.idx.msk [tilespmem:v23+s21+$0x0], $0xffff  }
.Ltmp19:
0x3e4: {  	v23 =	vand.u32 $0x380, v30;
	v30 =	vand.u32 $0x3000, v31;
	v31 =	vand.u32 $0x380, v22;
	v18 =	vld.idx.msk [tilespmem:v28+s21+$0x0], $0xffff;
	(pc) =	sbr.rel @p0 .LBB2_39-.Ltmp19, $4  }
0x3e5: {  	v19 =	vand.u32 $0x3000, v19;
	v28 =	vand.u32 $0x3000, v33;
	v33 =	vand.u32 $0x380, v25;
	v12 =	vld.idx.msk [tilespmem:v27+s21+$0x0], $0xffff  }
0x3e6: {  	v20 =	vand.u32 $0x3000, v34;
	v22 =	vand.u32 $0x380, v21;
	v27 =	vand.u32 $0x380, v26  }
0x3e7: {  	v25 =	vor.u32 v35, v24;
	v23 =	vor.u32 v23, v29;
	v26 =	vor.u32 v36, v32  }
0x3e8: {  	s5 =	sadd.s32 $0x4, s5;
	v24 =	vor.u32 v31, v30;
	v21 =	vor.u32 v33, v28;
	v19 =	vor.u32 v27, v19  }
0x3e9: {  	v25 =	vor.u32 v11, v25;
	v26 =	vor.u32 v11, v26;
	v20 =	vor.u32 v22, v20;
	s5 =	sand.u32 $0x70, s8  }
0x3ea: {  	v22 =	vor.u32 v11, v23;
	v23 =	vor.u32 v11, v24;
	v21 =	vor.u32 v11, v21;
	s0 =	simm.s32 $0x0;
	s6 =	sor.u32 $0x100, s5  }
0x3eb: {  	v19 =	vor.u32 v11, v19;
	v20 =	vor.u32 v11, v20;
	s12 =	sand.u32 $0x18, s0;
	v24 =	vmov s6  }
0x3ec: {  	v11 =	vor.u32 s5, v8;
	v27 =	vadd.s32 s12, v0;
	s13 =	sor.u32 $0x1, s12;
	s9 =	sor.u32 $0x2, s12;
	v24 =	vshll.u32 v24, $0x5  }
0x3ed: {  	s10 =	sor.u32 $0x3, s12;
	s14 =	sor.u32 $0x4, s12;
	s11 =	sor.u32 $0x5, s12;
	v28 =	vand.u32 $0x18, v27;
	v29 =	vadd.s32 s13, v0;
	v30 =	vadd.s32 s9, v0  }
0x3ee: {  	s17 =	sor.u32 $0x6, s12;
	s8 =	sor.u32 $0x7, s12;
	v31 =	vadd.s32 s10, v0;
	v32 =	vadd.s32 s14, v0;
	v33 =	vadd.s32 s11, v0  }
0x3ef: {  	v35 =	vadd.s32 s17, v0;
	v36 =	vadd.s32 s8, v0;
	v24 =	vor.u32 v4, v24  }
0x3f0: {  	v34 =	vand.u32 $0x1F, v29;
	v37 =	vand.u32 $0x1F, v30;
	v38 =	vand.u32 $0x1F, v31  }
0x3f1: {  	v39 =	vand.u32 $0x1F, v32;
	v55 =	vshll.u32 v33, $0x7;
	v56 =	vshll.u32 v35, $0x9;
	[tilespmem:v25+s30+$0x0] =	vst.idx.msk $0xffff, v13  }
0x3f2: {  	v57 =	vshll.u32 v35, $0x7;
	v58 =	vshll.u32 v36, $0x9;
	v28 =	vor.u32 v24, v28;
	[tilespmem:v26+s30+$0x0] =	vst.idx.msk $0xffff, v14  }
0x3f3: {  	v13 =	vshll.u32 v27, $0x9;
	v25 =	vand.u32 $0x1F, v33;
	v27 =	vand.u32 $0x1F, v35;
	[tilespmem:v22+s30+$0x0] =	vst.idx.msk $0xffff, v15  }
0x3f4: {  	v14 =	vor.u32 v34, v24;
	v26 =	vand.u32 $0x1F, v36;
	v15 =	vor.u32 v37, v24;
	[tilespmem:v23+s30+$0x0] =	vst.idx.msk $0xffff, v16  }
0x3f5: {  	v22 =	vor.u32 v38, v24;
	v54 =	vor.u32 v39, v24;
	v16 =	vshll.u32 v29, $0x9;
	[tilespmem:v21+s30+$0x0] =	vst.idx.msk $0xffff, v17  }
0x3f6: {  	v17 =	vshll.u32 v29, $0x7;
	v21 =	vshll.u32 v30, $0x9;
	[tilespmem:v19+s30+$0x0] =	vst.idx.msk $0xffff, v18;
	v18 =	vshll.u32 v31, $0x9  }
0x3f7: {  	v19 =	vshll.u32 v31, $0x7;
	v28 =	vor.u32 v1, v28;
	v13 =	vand.u32 $0x3000, v13  }
0x3f8: {  	v36 =	vshll.u32 v36, $0x7;
	v29 =	vand.u32 $0x380, v55;
	[tilespmem:v20+s30+$0x0] =	vst.idx.msk $0xffff, v12;
	v13 =	vor.u32 s5, v13  }
0x3f9: {  	v63 =	vand.u32 $0x380, v57;
	v25 =	vor.u32 v25, v24;
	v53 =	vor.u32 v7, v13;
	v13 =	vld.idx.msk [tilespmem:v14+s21+$0x0], $0xffff  }
0x3fa: {  	v23 =	vor.u32 v27, v24;
	v24 =	vor.u32 v26, v24;
	v26 =	vshll.u32 v30, $0x7;
	v14 =	vld.idx.msk [tilespmem:v15+s21+$0x0], $0xffff  }
0x3fb: {  	v27 =	vshll.u32 v32, $0x9;
	v12 =	vshll.u32 v32, $0x7;
	v59 =	vand.u32 $0x3000, v16;
	v16 =	vld.idx.msk [tilespmem:v22+s21+$0x0], $0xffff  }
0x3fc: {  	v20 =	vshll.u32 v33, $0x9;
	v60 =	vand.u32 $0x380, v17;
	v61 =	vand.u32 $0x3000, v21;
	v28 =	vld.idx.msk [tilespmem:v28+s21+$0x0], $0xffff  }
0x3fd: {  	v62 =	vand.u32 $0x3000, v18;
	v30 =	vand.u32 $0x3000, v56;
	v21 =	vand.u32 $0x380, v36;
	v15 =	vld.idx.msk [tilespmem:v54+s21+$0x0], $0xffff  }
0x3fe: {  	v26 =	vand.u32 $0x380, v26;
	v27 =	vand.u32 $0x3000, v27;
	v40 =	vand.u32 $0x380, v12;
	v17 =	vld.idx.msk [tilespmem:v25+s21+$0x0], $0xffff  }
0x3ff: {  	v20 =	vand.u32 $0x3000, v20;
	v26 =	vor.u32 v26, v61;
	v22 =	vand.u32 $0x380, v19;
	v18 =	vld.idx.msk [tilespmem:v23+s21+$0x0], $0xffff  }
0x400: {  	v25 =	vor.u32 v60, v59;
	v23 =	vor.u32 v22, v62;
	v12 =	vld.idx.msk [tilespmem:v24+s21+$0x0], $0xffff;
	v24 =	vor.u32 v40, v27  }
0x401: {  	s8 =	simm.s32 $0x4;
	v19 =	vand.u32 $0x3000, v58;
	v22 =	vor.u32 v29, v20;
	v20 =	vor.u32 v63, v30;
	[tilespmem:v53+s30+$0x0] =	vst.idx.msk $0xffff, v28  }
.LBB2_41:
0x402: {  	s9 =	sand.u32 $0x70, s8;
	v25 =	vor.u32 v11, v25;
	v26 =	vor.u32 v11, v26;
	v19 =	vor.u32 v21, v19  }
0x403: {  	s0 =	sadd.s32 $0x8, s0;
	v23 =	vor.u32 v11, v23;
	v24 =	vor.u32 v11, v24;
	s6 =	sor.u32 $0x100, s9;
	v21 =	vor.u32 s9, v8  }
0x404: {  	v22 =	vor.u32 v11, v22;
	v20 =	vor.u32 v11, v20;
	s10 =	sand.u32 $0x18, s0;
	p0 =	slt.u32 s0, $0xF8;
	v27 =	vmov s6  }
0x405: {  	v19 =	vor.u32 v11, v19;
	v28 =	vadd.s32 s10, v0;
	s6 =	sor.u32 $0x1, s10;
	s11 =	sor.u32 $0x2, s10;
	s12 =	sor.u32 $0x3, s10;
	v11 =	vmovc v21;
	v27 =	vshll.u32 v27, $0x5  }
0x406: {  	s13 =	sor.u32 $0x5, s10;
	s14 =	sor.u32 $0x6, s10;
	v21 =	vand.u32 $0x18, v28;
	v29 =	vadd.s32 s6, v0;
	s6 =	sor.u32 $0x4, s10;
	v27 =	vor.u32 v4, v27  }
0x407: {  	v30 =	vadd.s32 s11, v0;
	v31 =	vadd.s32 s12, v0;
	s10 =	sor.u32 $0x7, s10;
	v21 =	vor.u32 v27, v21;
	[tilespmem:v25+s30+$0x0] =	vst.idx.msk $0xffff, v13  }
0x408: {  	v25 =	vadd.s32 s13, v0;
	v13 =	vor.u32 v1, v21;
	v21 =	vadd.s32 s6, v0;
	[tilespmem:v26+s30+$0x0] =	vst.idx.msk $0xffff, v14  }
0x409: {  	v32 =	vadd.s32 s10, v0;
	v14 =	vand.u32 $0x1F, v29;
	v26 =	vadd.s32 s14, v0;
	[tilespmem:v23+s30+$0x0] =	vst.idx.msk $0xffff, v16  }
0x40a: {  	v16 =	vand.u32 $0x1F, v30;
	v23 =	vand.u32 $0x1F, v31;
	v33 =	vand.u32 $0x1F, v21;
	[tilespmem:v24+s30+$0x0] =	vst.idx.msk $0xffff, v15  }
0x40b: {  	v15 =	vshll.u32 v28, $0x9;
	v24 =	vand.u32 $0x1F, v25;
	v28 =	vand.u32 $0x1F, v26;
	[tilespmem:v22+s30+$0x0] =	vst.idx.msk $0xffff, v17  }
0x40c: {  	v14 =	vor.u32 v14, v27;
	v15 =	vand.u32 $0x3000, v15;
	v17 =	vand.u32 $0x1F, v32;
	[tilespmem:v20+s30+$0x0] =	vst.idx.msk $0xffff, v18  }
0x40d: {  	v18 =	vld.idx.msk [tilespmem:v13+s21+$0x0], $0xffff;
	v13 =	vor.u32 s9, v15;
	v15 =	vor.u32 v16, v27;
	v16 =	vor.u32 v23, v27  }
0x40e: {  	v22 =	vor.u32 v33, v27;
	v23 =	vor.u32 v24, v27;
	v20 =	vor.u32 v7, v13  }
0x40f: {  	v28 =	vor.u32 v28, v27;
	v24 =	vshll.u32 v29, $0x9;
	v27 =	vor.u32 v17, v27;
	[tilespmem:v19+s30+$0x0] =	vst.idx.msk $0xffff, v12  }
0x410: {  	v17 =	vshll.u32 v30, $0x9;
	v12 =	vshll.u32 v29, $0x7;
	v19 =	vshll.u32 v30, $0x7  }
0x411: {  	v29 =	vshll.u32 v31, $0x9;
	v30 =	vshll.u32 v31, $0x7;
	v31 =	vshll.u32 v21, $0x9;
	v13 =	vld.idx.msk [tilespmem:v14+s21+$0x0], $0xffff  }
0x412: {  	v33 =	vshll.u32 v25, $0x9;
	v25 =	vshll.u32 v25, $0x7;
	v21 =	vshll.u32 v21, $0x7;
	v14 =	vld.idx.msk [tilespmem:v15+s21+$0x0], $0xffff  }
0x413: {  	v34 =	vshll.u32 v32, $0x9;
	[tilespmem:v20+s30+$0x0] =	vst.idx.msk $0xffff, v18;
	v16 =	vld.idx.msk [tilespmem:v16+s21+$0x0], $0xffff;
	v20 =	vshll.u32 v26, $0x9;
	v26 =	vshll.u32 v26, $0x7  }
0x414: {  	v24 =	vand.u32 $0x3000, v24;
	v35 =	vand.u32 $0x380, v12;
	v15 =	vld.idx.msk [tilespmem:v22+s21+$0x0], $0xffff;
	v22 =	vshll.u32 v32, $0x7  }
0x415: {  	v36 =	vand.u32 $0x380, v19;
	v29 =	vand.u32 $0x3000, v29;
	v32 =	vand.u32 $0x3000, v17;
	v17 =	vld.idx.msk [tilespmem:v23+s21+$0x0], $0xffff  }
.Ltmp20:
0x416: {  	v23 =	vand.u32 $0x380, v30;
	v30 =	vand.u32 $0x3000, v31;
	v31 =	vand.u32 $0x380, v21;
	v18 =	vld.idx.msk [tilespmem:v28+s21+$0x0], $0xffff;
	(pc) =	sbr.rel @p0 .LBB2_41-.Ltmp20, $4  }
0x417: {  	v20 =	vand.u32 $0x3000, v20;
	v28 =	vand.u32 $0x3000, v33;
	v33 =	vand.u32 $0x380, v25;
	v12 =	vld.idx.msk [tilespmem:v27+s21+$0x0], $0xffff  }
0x418: {  	v19 =	vand.u32 $0x3000, v34;
	v21 =	vand.u32 $0x380, v22;
	v27 =	vand.u32 $0x380, v26  }
0x419: {  	v25 =	vor.u32 v35, v24;
	v23 =	vor.u32 v23, v29;
	v26 =	vor.u32 v36, v32  }
0x41a: {  	s8 =	sadd.s32 $0x4, s8;
	v24 =	vor.u32 v31, v30;
	v22 =	vor.u32 v33, v28;
	v20 =	vor.u32 v27, v20  }
0x41b: {  	v25 =	vor.u32 v11, v25;
	v26 =	vor.u32 v11, v26;
	v19 =	vor.u32 v21, v19  }
0x41c: {  	v21 =	vor.u32 v11, v23;
	v23 =	vor.u32 v11, v24;
	v22 =	vor.u32 v11, v22;
	s0 =	simm.s32 $0x0;
	s6 =	sor.u32 $0x180, s5  }
0x41d: {  	v20 =	vor.u32 v11, v20;
	v19 =	vor.u32 v11, v19;
	s8 =	sand.u32 $0x18, s0;
	v24 =	vmov s6  }
0x41e: {  	v11 =	vor.u32 s5, v10;
	v24 =	vshll.u32 v24, $0x5;
	v27 =	vadd.s32 s8, v0;
	s13 =	sor.u32 $0x1, s8  }
0x41f: {  	s9 =	sor.u32 $0x2, s8;
	s10 =	sor.u32 $0x3, s8;
	s14 =	sor.u32 $0x4, s8;
	v28 =	vand.u32 $0x18, v27;
	v24 =	vor.u32 v4, v24;
	v29 =	vadd.s32 s13, v0  }
0x420: {  	s11 =	sor.u32 $0x5, s8;
	s17 =	sor.u32 $0x6, s8;
	s8 =	sor.u32 $0x7, s8;
	v30 =	vadd.s32 s9, v0;
	v31 =	vadd.s32 s10, v0;
	v32 =	vadd.s32 s14, v0  }
0x421: {  	v33 =	vadd.s32 s11, v0;
	v35 =	vadd.s32 s17, v0;
	v36 =	vadd.s32 s8, v0  }
0x422: {  	v28 =	vor.u32 v24, v28;
	v34 =	vand.u32 $0x1F, v29;
	v37 =	vand.u32 $0x1F, v30  }
0x423: {  	v38 =	vand.u32 $0x1F, v31;
	v39 =	vand.u32 $0x1F, v32;
	v55 =	vshll.u32 v33, $0x7  }
0x424: {  	v56 =	vshll.u32 v35, $0x9;
	v57 =	vshll.u32 v35, $0x7;
	v58 =	vshll.u32 v36, $0x9;
	[tilespmem:v25+s30+$0x0] =	vst.idx.msk $0xffff, v13  }
0x425: {  	v28 =	vor.u32 v1, v28;
	v13 =	vshll.u32 v27, $0x9;
	v25 =	vand.u32 $0x1F, v33;
	[tilespmem:v26+s30+$0x0] =	vst.idx.msk $0xffff, v14  }
0x426: {  	v27 =	vand.u32 $0x1F, v35;
	v14 =	vor.u32 v34, v24;
	[tilespmem:v21+s30+$0x0] =	vst.idx.msk $0xffff, v16;
	v16 =	vor.u32 v37, v24  }
0x427: {  	v26 =	vand.u32 $0x1F, v36;
	v21 =	vor.u32 v38, v24;
	v54 =	vor.u32 v39, v24;
	[tilespmem:v23+s30+$0x0] =	vst.idx.msk $0xffff, v15  }
0x428: {  	[tilespmem:v22+s30+$0x0] =	vst.idx.msk $0xffff, v17;
	v15 =	vshll.u32 v29, $0x7;
	v17 =	vshll.u32 v30, $0x9;
	v22 =	vshll.u32 v30, $0x7  }
0x429: {  	[tilespmem:v20+s30+$0x0] =	vst.idx.msk $0xffff, v18;
	v18 =	vshll.u32 v31, $0x9;
	v20 =	vshll.u32 v31, $0x7;
	v36 =	vshll.u32 v36, $0x7  }
0x42a: {  	v30 =	vand.u32 $0x3000, v56;
	v63 =	vand.u32 $0x380, v57;
	v13 =	vand.u32 $0x3000, v13;
	[tilespmem:v19+s30+$0x0] =	vst.idx.msk $0xffff, v12  }
0x42b: {  	v25 =	vor.u32 v25, v24;
	v23 =	vor.u32 v27, v24;
	v13 =	vor.u32 s5, v13;
	v28 =	vld.idx.msk [tilespmem:v28+s21+$0x0], $0xffff  }
0x42c: {  	v24 =	vor.u32 v26, v24;
	v53 =	vor.u32 v9, v13;
	v13 =	vshll.u32 v29, $0x9;
	v12 =	vld.idx.msk [tilespmem:v14+s21+$0x0], $0xffff  }
0x42d: {  	v26 =	vshll.u32 v32, $0x9;
	v19 =	vshll.u32 v32, $0x7;
	v59 =	vand.u32 $0x3000, v13;
	v13 =	vld.idx.msk [tilespmem:v16+s21+$0x0], $0xffff  }
0x42e: {  	v27 =	vshll.u32 v33, $0x9;
	v60 =	vand.u32 $0x380, v15;
	v22 =	vand.u32 $0x380, v22;
	v14 =	vld.idx.msk [tilespmem:v21+s21+$0x0], $0xffff  }
0x42f: {  	v61 =	vand.u32 $0x3000, v18;
	v62 =	vand.u32 $0x3000, v26;
	v40 =	vand.u32 $0x380, v19;
	v15 =	vld.idx.msk [tilespmem:v54+s21+$0x0], $0xffff  }
0x430: {  	v27 =	vand.u32 $0x3000, v27;
	v19 =	vand.u32 $0x3000, v58;
	v16 =	vand.u32 $0x3000, v17;
	v17 =	vld.idx.msk [tilespmem:v25+s21+$0x0], $0xffff  }
0x431: {  	v29 =	vand.u32 $0x380, v55;
	v21 =	vand.u32 $0x380, v20;
	v18 =	vld.idx.msk [tilespmem:v23+s21+$0x0], $0xffff;
	v25 =	vor.u32 v60, v59  }
0x432: {  	v26 =	vor.u32 v22, v16;
	v23 =	vor.u32 v21, v61;
	v16 =	vld.idx.msk [tilespmem:v24+s21+$0x0], $0xffff;
	v24 =	vor.u32 v40, v62  }
0x433: {  	s5 =	simm.s32 $0x4;
	v20 =	vand.u32 $0x380, v36;
	v22 =	vor.u32 v29, v27;
	v21 =	vor.u32 v63, v30;
	[tilespmem:v53+s30+$0x0] =	vst.idx.msk $0xffff, v28  }
.LBB2_43:
0x434: {  	s8 =	sand.u32 $0x70, s5;
	v25 =	vor.u32 v11, v25;
	v26 =	vor.u32 v11, v26;
	v19 =	vor.u32 v20, v19  }
0x435: {  	s0 =	sadd.s32 $0x8, s0;
	v23 =	vor.u32 v11, v23;
	v24 =	vor.u32 v11, v24;
	s6 =	sor.u32 $0x180, s8;
	v20 =	vor.u32 s8, v10  }
0x436: {  	v22 =	vor.u32 v11, v22;
	v21 =	vor.u32 v11, v21;
	s9 =	sand.u32 $0x18, s0;
	p0 =	slt.u32 s0, $0xF8;
	v27 =	vmov s6  }
0x437: {  	v19 =	vor.u32 v11, v19;
	v28 =	vadd.s32 s9, v0;
	s6 =	sor.u32 $0x1, s9;
	s10 =	sor.u32 $0x2, s9;
	s11 =	sor.u32 $0x3, s9;
	v11 =	vmovc v20;
	v27 =	vshll.u32 v27, $0x5  }
0x438: {  	s12 =	sor.u32 $0x5, s9;
	s13 =	sor.u32 $0x6, s9;
	v20 =	vand.u32 $0x18, v28;
	v29 =	vadd.s32 s6, v0;
	s6 =	sor.u32 $0x4, s9;
	v27 =	vor.u32 v4, v27  }
0x439: {  	v30 =	vadd.s32 s10, v0;
	v31 =	vadd.s32 s11, v0;
	s9 =	sor.u32 $0x7, s9;
	v20 =	vor.u32 v27, v20;
	[tilespmem:v25+s30+$0x0] =	vst.idx.msk $0xffff, v12  }
0x43a: {  	v25 =	vadd.s32 s12, v0;
	v12 =	vor.u32 v1, v20;
	v20 =	vadd.s32 s6, v0;
	[tilespmem:v26+s30+$0x0] =	vst.idx.msk $0xffff, v13  }
0x43b: {  	v32 =	vadd.s32 s9, v0;
	v13 =	vand.u32 $0x1F, v29;
	v26 =	vadd.s32 s13, v0;
	[tilespmem:v23+s30+$0x0] =	vst.idx.msk $0xffff, v14  }
0x43c: {  	v14 =	vand.u32 $0x1F, v30;
	v23 =	vand.u32 $0x1F, v31;
	v33 =	vand.u32 $0x1F, v20;
	[tilespmem:v24+s30+$0x0] =	vst.idx.msk $0xffff, v15  }
0x43d: {  	v15 =	vshll.u32 v28, $0x9;
	v24 =	vand.u32 $0x1F, v25;
	v28 =	vand.u32 $0x1F, v26;
	[tilespmem:v22+s30+$0x0] =	vst.idx.msk $0xffff, v17  }
0x43e: {  	v13 =	vor.u32 v13, v27;
	v15 =	vand.u32 $0x3000, v15;
	v17 =	vand.u32 $0x1F, v32;
	[tilespmem:v21+s30+$0x0] =	vst.idx.msk $0xffff, v18  }
0x43f: {  	v14 =	vor.u32 v14, v27;
	v18 =	vld.idx.msk [tilespmem:v12+s21+$0x0], $0xffff;
	v12 =	vor.u32 s8, v15;
	v15 =	vor.u32 v23, v27  }
0x440: {  	v22 =	vor.u32 v33, v27;
	v23 =	vor.u32 v24, v27;
	v21 =	vor.u32 v9, v12  }
0x441: {  	v28 =	vor.u32 v28, v27;
	v24 =	vshll.u32 v29, $0x9;
	v27 =	vor.u32 v17, v27;
	[tilespmem:v19+s30+$0x0] =	vst.idx.msk $0xffff, v16  }
0x442: {  	v17 =	vshll.u32 v30, $0x9;
	v16 =	vshll.u32 v29, $0x7;
	v19 =	vshll.u32 v30, $0x7  }
0x443: {  	v29 =	vshll.u32 v31, $0x9;
	v30 =	vshll.u32 v31, $0x7;
	v31 =	vshll.u32 v20, $0x9;
	v12 =	vld.idx.msk [tilespmem:v13+s21+$0x0], $0xffff  }
0x444: {  	v33 =	vshll.u32 v25, $0x9;
	v25 =	vshll.u32 v25, $0x7;
	v20 =	vshll.u32 v20, $0x7;
	v13 =	vld.idx.msk [tilespmem:v14+s21+$0x0], $0xffff  }
0x445: {  	v34 =	vshll.u32 v32, $0x9;
	[tilespmem:v21+s30+$0x0] =	vst.idx.msk $0xffff, v18;
	v14 =	vld.idx.msk [tilespmem:v15+s21+$0x0], $0xffff;
	v21 =	vshll.u32 v26, $0x9;
	v26 =	vshll.u32 v26, $0x7  }
0x446: {  	v24 =	vand.u32 $0x3000, v24;
	v35 =	vand.u32 $0x380, v16;
	v15 =	vld.idx.msk [tilespmem:v22+s21+$0x0], $0xffff;
	v22 =	vshll.u32 v32, $0x7  }
0x447: {  	v36 =	vand.u32 $0x380, v19;
	v29 =	vand.u32 $0x3000, v29;
	v32 =	vand.u32 $0x3000, v17;
	v17 =	vld.idx.msk [tilespmem:v23+s21+$0x0], $0xffff  }
.Ltmp21:
0x448: {  	v23 =	vand.u32 $0x380, v30;
	v30 =	vand.u32 $0x3000, v31;
	v31 =	vand.u32 $0x380, v20;
	v18 =	vld.idx.msk [tilespmem:v28+s21+$0x0], $0xffff;
	(pc) =	sbr.rel @p0 .LBB2_43-.Ltmp21, $4  }
0x449: {  	v21 =	vand.u32 $0x3000, v21;
	v28 =	vand.u32 $0x3000, v33;
	v33 =	vand.u32 $0x380, v25;
	v16 =	vld.idx.msk [tilespmem:v27+s21+$0x0], $0xffff  }
0x44a: {  	v19 =	vand.u32 $0x3000, v34;
	v20 =	vand.u32 $0x380, v22;
	v27 =	vand.u32 $0x380, v26  }
0x44b: {  	v25 =	vor.u32 v35, v24;
	v23 =	vor.u32 v23, v29;
	v26 =	vor.u32 v36, v32  }
0x44c: {  	s5 =	sadd.s32 $0x4, s5;
	v24 =	vor.u32 v31, v30;
	v22 =	vor.u32 v33, v28;
	v21 =	vor.u32 v27, v21  }
0x44d: {  	v25 =	vor.u32 v11, v25  }
0x44e: {  	v26 =	vor.u32 v11, v26  }
0x44f: {  	v23 =	vor.u32 v11, v23  }
0x450: {  	v24 =	vor.u32 v11, v24  }
0x451: {  	v22 =	vor.u32 v11, v22  }
0x452: {  	v19 =	vor.u32 v20, v19;
	v63 =	vor.u32 v11, v21;
	[tilespmem:v25+s30+$0x0] =	vst.idx.msk $0xffff, v12  }
0x453: {  	v11 =	vor.u32 v11, v19;
	[tilespmem:v26+s30+$0x0] =	vst.idx.msk $0xffff, v13  }
0x454: {  	[tilespmem:v23+s30+$0x0] =	vst.idx.msk $0xffff, v14  }
0x455: {  	[tilespmem:v24+s30+$0x0] =	vst.idx.msk $0xffff, v15  }
0x456: {  	[tilespmem:v22+s30+$0x0] =	vst.idx.msk $0xffff, v17  }
0x457: {  	[tilespmem:v63+s30+$0x0] =	vst.idx.msk $0xffff, v18  }
0x458: {  	[tilespmem:v11+s30+$0x0] =	vst.idx.msk $0xffff, v16  }
0x459: {  	s0 =	rddreg [dreg:$0xc]  }
0x45a: {  	[hbm4b:s0+s26] =	stream.strided.scatter [tilespmem:s30], [sflag:$0x5], $0x4000, s28, s26, $0x38;
	[tilespmem:$0x18600] =	vst v63  }
0x45b: {  	_ =	swait.ge [sflag:s15], $0x4000  }
0x45c: {  	[sflag:s15] =	ssyncset.done $0x0  }
0x45d: {  	[sflag:s15] =	ssyncadd.s32 $0xFFFFC000  }
0x45e: {  	_ =	swait.ge [sflag:s16], $0x4000  }
0x45f: {  	[sflag:s16] =	ssyncset.done $0x0  }
0x460: {  	s5 =	simm.s32 $0x6;
	[sflag:s16] =	ssyncadd.s32 $0xFFFFC000  }
0x461: {  	_ =	swait.ge [sflag:s5], $0x4000  }
0x462: {  	s6 =	rddreg [dreg:$0xe]  }
0x463: {  	s17 =	rddreg [dreg:$0xd];
	s6 =	sadd.s32 $0x1, s6  }
0x464: {  	p0 =	sne.s32 s6, s17  }
.Ltmp22:
0x465: {  	_ = 	snop;
	(pc) =	sbr.rel @p0 .LBB2_1-.Ltmp22, $3  }
0x466: {  	_ =	sdelay $0x1  }
0x467: {  	[sflag:s5] =	ssyncset.done $0x0  }
0x468: {  	[sflag:s5] =	ssyncadd.s32 $0xFFFFC000  }
0x469: {  	_ =	sfence.sel $0x180000  }
0x46a: {  	[bflag:$0x0] =	sbarrier.arrive $0xFFFF  }
0x46b: {  	_ =	strace $0x90000047  }
0x46c: {  	s0 =	stileid.u32;
	[bflag:$0x2] =	sbarrier.arrive $0xFFFF  }
0x46d: {  	p0 =	sne.s32 s0, $0x0;
	s0 =	rddreg [dreg:$0x2]  }
0x46e: {  	s0 =	sadd.s32 @!p0 $0x100000, s0  }
0x46f: {  	[sflag:s0] =	ssyncadd.tile.s32 @!p0 $0x1;
	_ =	shalt  }
.Lfunc_end2:
_tile_overlayer_lowered:
.L_overlay_start_2:
0x470: {  	(tag) =	ssettag $0x2  }
0x471: {  	s0 =	rddreg [dreg:$0x0];
	s2 =	stileid.u32  }
0x472: {  	s1 =	rddreg [dreg:$0x1];
	p0 =	sne.s32 s2, $0x0  }
0x473: {  	s3 =	rddreg [dreg:$0x2];
	[bflag:$0x3] =	sbarrier.arrive $0xFFFF;
	s2 =	simm.s32 @!p0 $0x1C07  }
0x474: {  	[timem:s3], [sflag:s2] =	dma.local @!p0 [hbm:s0], s1  }
0x475: {  	s0 =	simm.s32 @!p0 $0x7  }
0x476: {  	_ =	swait.ge @!p0 [sflag:s0], s1  }
0x477: {  	s1 =	ssub.s32 @!p0 $0x0, s1;
	[sflag:s0] =	ssyncset.done @!p0 $0x0  }
0x478: {  	[sflag:s0] =	ssyncadd.s32 @!p0 s1  }
0x479: {  	[bflag:$0x3] =	sbarrier.arrive $0xFFFF  }
0x47a: {  	_ =	shalt  }

</sc_bundles>
